<compile_context>
chip_gen: v7x
topology: tpu7x:2x2x1
jax: 0.10.2.dev20260603
libtpu: 0.0.44.dev20260713+nightly
codegen_flags: <defaults>
</compile_context>

<pallas_src>
import functools

import jax
import jax.numpy as jnp
from jax import lax
from jax.experimental import pallas as pl
from jax.experimental.pallas import tpu as pltpu
from jax.experimental.pallas import tpu_sc as plsc

N = 4096
E = 65536
IN_CH = 4096
HID = 128
OUT = 32
E_CH = 32
REWEIGHT = ((E_CH + HID) / (IN_CH + HID)) ** 0.5

ROWS = 512
EPB = 128
BLK = 16


def _mesh():
    return plsc.VectorSubcoreMesh(
        core_axis_name="c", subcore_axis_name="s", num_cores=2, num_subcores=16
    )


def _fill_rows(ref, rows, cols, val):
    vec = jnp.full((16,), val, jnp.float32)

    def body(i, carry):
        for k in range(cols // 16):
            ref[i, pl.ds(k * 16, 16)] = vec
        return carry

    lax.fori_loop(0, rows, body, 0)



@functools.partial(
    pl.kernel,
    out_type=jax.ShapeDtypeStruct((2, N, 16), jnp.float32),
    mesh=_mesh(),
    scratch_types=[
        pltpu.VMEM((BLK, EPB), jnp.int32),
        pltpu.VMEM((EPB, 16), jnp.float32),
        pltpu.VMEM((256, 16), jnp.float32),
        pltpu.VMEM_SHARED((N, 16), jnp.float32),
    ],
)
def _hist_k(dst_hbm, out_hbm, idx_v, ones_v, zbuf, acc):
    c = lax.axis_index("c")
    s = lax.axis_index("s")
    w = s * 2 + c
    _fill_rows(zbuf, 256, 16, 0.0)
    _fill_rows(ones_v, EPB, 16, 1.0)
    pltpu.sync_copy(zbuf, acc.at[pl.ds(s * 256, 256)])
    plsc.subcore_barrier()
    pltpu.sync_copy(dst_hbm.at[pl.ds(w * BLK, BLK)], idx_v)
    for j in range(BLK):
        pltpu.sync_copy(ones_v, acc.at[idx_v.at[j]], add=True)
    plsc.subcore_barrier()
    pltpu.sync_copy(acc.at[pl.ds(s * 256, 256)], out_hbm.at[c, pl.ds(s * 256, 256)])



def _make_agg(n_feats):
    out_types = [jax.ShapeDtypeStruct((2, N, 128), jnp.float32)] * n_feats

    @functools.partial(
        pl.kernel,
        out_type=out_types,
        mesh=_mesh(),
        scratch_types=[
            pltpu.VMEM((BLK, EPB), jnp.int32),
            pltpu.VMEM((BLK, EPB), jnp.int32),
            pltpu.VMEM((2, EPB, 128), jnp.float32),
            pltpu.VMEM((128, 128), jnp.float32),
            pltpu.VMEM_SHARED((N, 128), jnp.float32),
            pltpu.SemaphoreType.DMA,
            pltpu.SemaphoreType.DMA,
        ],
    )
    def agg_k(src_hbm, dst_hbm, *rest):
        feats = rest[:n_feats]
        outs = rest[n_feats:2 * n_feats]
        src_v, dst_v, gbuf, zbuf, acc, sem0, sem1 = rest[2 * n_feats:]
        c = lax.axis_index("c")
        s = lax.axis_index("s")
        w = s * 2 + c
        sems = (sem0, sem1)

        _fill_rows(zbuf, 128, 128, 0.0)
        pltpu.sync_copy(zbuf, acc.at[pl.ds(s * 256, 128)])
        pltpu.sync_copy(zbuf, acc.at[pl.ds(s * 256 + 128, 128)])
        pltpu.sync_copy(src_hbm.at[pl.ds(w * BLK, BLK)], src_v)
        pltpu.sync_copy(dst_hbm.at[pl.ds(w * BLK, BLK)], dst_v)
        plsc.subcore_barrier()

        for f in range(n_feats):
            feat = feats[f]
            descs = [None, None]
            descs[0] = pltpu.async_copy(feat.at[src_v.at[0]], gbuf.at[0], sems[0])
            for j in range(BLK):
                nxt = j + 1
                if nxt < BLK:
                    descs[nxt % 2] = pltpu.async_copy(
                        feat.at[src_v.at[nxt]], gbuf.at[nxt % 2], sems[nxt % 2]
                    )
                descs[j % 2].wait()
                pltpu.sync_copy(gbuf.at[j % 2], acc.at[dst_v.at[j]], add=True)
            plsc.subcore_barrier()
            out = outs[f]
            pltpu.sync_copy(acc.at[pl.ds(s * 256, 128)], out.at[c, pl.ds(s * 256, 128)])
            pltpu.sync_copy(
                acc.at[pl.ds(s * 256 + 128, 128)], out.at[c, pl.ds(s * 256 + 128, 128)]
            )
            if f + 1 < n_feats:
                pltpu.sync_copy(zbuf, acc.at[pl.ds(s * 256, 128)])
                pltpu.sync_copy(zbuf, acc.at[pl.ds(s * 256 + 128, 128)])
                plsc.subcore_barrier()

    return agg_k


_agg1 = _make_agg(1)



def _dinv_of(degp_ref):
    deg = degp_ref[0] + degp_ref[1]
    return lax.rsqrt(deg[:, :1] + 1.0)


def _p1a_body(x_ref, w1_ref, degp_ref, hx_ref):
    dinv = _dinv_of(degp_ref)
    h1 = jnp.dot(x_ref[...], w1_ref[...], preferred_element_type=jnp.float32)
    hx_ref[...] = h1 * dinv


def _p1a(x, W1, degp):
    return pl.pallas_call(
        _p1a_body,
        grid=(N // ROWS,),
        in_specs=[
            pl.BlockSpec((ROWS, IN_CH), lambda i: (i, 0)),
            pl.BlockSpec((IN_CH, HID), lambda i: (0, 0)),
            pl.BlockSpec((2, ROWS, 16), lambda i: (0, i, 0)),
        ],
        out_specs=pl.BlockSpec((ROWS, 128), lambda i: (i, 0)),
        out_shape=jax.ShapeDtypeStruct((N, 128), jnp.float32),
    )(x, W1, degp)


def _p1b_body(e2_ref, degp_ref, es_ref):
    dinv = _dinv_of(degp_ref)
    es_ref[...] = jnp.concatenate(
        [e2_ref[...] * dinv, jnp.zeros((ROWS, 64), jnp.float32)], axis=1
    )


def _p1b(e2, degp):
    return pl.pallas_call(
        _p1b_body,
        grid=(N // ROWS,),
        in_specs=[
            pl.BlockSpec((ROWS, 64), lambda i: (i, 0)),
            pl.BlockSpec((2, ROWS, 16), lambda i: (0, i, 0)),
        ],
        out_specs=pl.BlockSpec((ROWS, 128), lambda i: (i, 0)),
        out_shape=jax.ShapeDtypeStruct((N, 128), jnp.float32),
    )(e2, degp)


def _p4_body(rx_ref, re_ref, hxs_ref, es_ref, degp_ref,
             b1_ref, ber2_ref, web_ref, w4_ref, hm2_ref, sums_ref, snr_ref):
    dinv = _dinv_of(degp_ref)
    hx = jnp.maximum((rx_ref[0] + rx_ref[1] + hxs_ref[...]) * dinv + b1_ref[...], 0.0)
    agge = ((re_ref[0] + re_ref[1] + es_ref[...]) * dinv)[:, :64]
    hecat = (
        jnp.dot(agge, web_ref[...], preferred_element_type=jnp.float32)
        + ber2_ref[...]
    )
    he0 = hecat[:, :128]
    he1 = hecat[:, 128:]
    hcat = jnp.concatenate([hx + he0, hx + he1], axis=1)
    hm2_ref[...] = (
        jnp.dot(hcat, w4_ref[...], preferred_element_type=jnp.float32) * dinv
    )
    part = jnp.stack(
        [
            jnp.sum(hx * hx, axis=0),
            jnp.sum(he0 * he0, axis=0),
            jnp.sum(he1 * he1, axis=0),
        ]
    )

    @pl.when(pl.program_id(0) == 0)
    def _init():
        sums_ref[...] = jnp.zeros_like(sums_ref)

    sums_ref[...] += part

    @pl.when(pl.program_id(0) == pl.num_programs(0) - 1)
    def _snr():
        t = jnp.sum(sums_ref[...], axis=1)
        snr_ref[...] = jnp.broadcast_to(
            (t[0] / jnp.stack([t[1], t[2]]))[:, None], (2, 128)
        )


def _p4(rx, re, hxs, es, degp, b1r, ber2, web, w4):
    return pl.pallas_call(
        _p4_body,
        grid=(N // ROWS,),
        in_specs=[
            pl.BlockSpec((2, ROWS, 128), lambda i: (0, i, 0)),
            pl.BlockSpec((2, ROWS, 128), lambda i: (0, i, 0)),
            pl.BlockSpec((ROWS, 128), lambda i: (i, 0)),
            pl.BlockSpec((ROWS, 128), lambda i: (i, 0)),
            pl.BlockSpec((2, ROWS, 16), lambda i: (0, i, 0)),
            pl.BlockSpec((1, HID), lambda i: (0, 0)),
            pl.BlockSpec((1, 256), lambda i: (0, 0)),
            pl.BlockSpec((64, 256), lambda i: (0, 0)),
            pl.BlockSpec((256, 128), lambda i: (0, 0)),
        ],
        out_specs=[
            pl.BlockSpec((ROWS, 128), lambda i: (i, 0)),
            pl.BlockSpec((3, 128), lambda i: (0, 0)),
            pl.BlockSpec((2, 128), lambda i: (0, 0)),
        ],
        out_shape=[
            jax.ShapeDtypeStruct((N, 128), jnp.float32),
            jax.ShapeDtypeStruct((3, 128), jnp.float32),
            jax.ShapeDtypeStruct((2, 128), jnp.float32),
        ],
    )(rx, re, hxs, es, degp, b1r, ber2, web, w4)


def _p6_body(r2_ref, hm2_ref, degp_ref, bms_ref, eps_ref, rk_ref,
             mu_ref, sig_ref, z_ref, rk2_ref):
    dinv = _dinv_of(degp_ref)
    ms = (r2_ref[0] + r2_ref[1] + hm2_ref[...]) * dinv + bms_ref[...]
    mu_ref[0] = ms[:, :32]
    mu_ref[1] = ms[:, 32:64]
    sig_ref[0] = ms[:, 64:96]
    sig_ref[1] = ms[:, 96:128]
    z_ref[...] = eps_ref[...] * jnp.exp(ms[:, 96:128] * 0.5) + ms[:, 32:64]

    @pl.when(pl.program_id(0) == 0)
    def _rk():
        rk2_ref[...] = jax.nn.sigmoid(rk_ref[...])


def _p6(r2, hm2, degp, bms, eps0, rk_lgt):
    return pl.pallas_call(
        _p6_body,
        grid=(N // ROWS,),
        in_specs=[
            pl.BlockSpec((2, ROWS, 128), lambda i: (0, i, 0)),
            pl.BlockSpec((ROWS, 128), lambda i: (i, 0)),
            pl.BlockSpec((2, ROWS, 16), lambda i: (0, i, 0)),
            pl.BlockSpec((1, 128), lambda i: (0, 0)),
            pl.BlockSpec((ROWS, OUT), lambda i: (i, 0)),
            pl.BlockSpec((1, OUT), lambda i: (0, 0)),
        ],
        out_specs=[
            pl.BlockSpec((2, ROWS, OUT), lambda i: (0, i, 0)),
            pl.BlockSpec((2, ROWS, OUT), lambda i: (0, i, 0)),
            pl.BlockSpec((ROWS, OUT), lambda i: (i, 0)),
            pl.BlockSpec((1, OUT), lambda i: (0, 0)),
        ],
        out_shape=[
            jax.ShapeDtypeStruct((2, N, OUT), jnp.float32),
            jax.ShapeDtypeStruct((2, N, OUT), jnp.float32),
            jax.ShapeDtypeStruct((N, OUT), jnp.float32),
            jax.ShapeDtypeStruct((1, OUT), jnp.float32),
        ],
    )(r2, hm2, degp, bms, eps0, rk_lgt)


def _p7_body(zb_ref, zf_ref, adj_ref):
    prod = lax.dot_general(
        zb_ref[...], zf_ref[...], (((1,), (1,)), ((), ())),
        preferred_element_type=jnp.float32,
    )
    adj_ref[...] = jax.nn.sigmoid(prod)


def _p7(z):
    return pl.pallas_call(
        _p7_body,
        grid=(N // ROWS,),
        in_specs=[
            pl.BlockSpec((ROWS, OUT), lambda i: (i, 0)),
            pl.BlockSpec((N, OUT), lambda i: (0, 0)),
        ],
        out_specs=pl.BlockSpec((ROWS, N), lambda i: (i, 0)),
        out_shape=jax.ShapeDtypeStruct((N, N), jnp.float32),
    )(z, z)



def kernel(x, edge_index, W1, b1, We, be, Wmu, bmu, Wsig, bsig, rk_lgt):
    f32 = jnp.float32
    src = edge_index[0].astype(jnp.int32).reshape(E // EPB, EPB)
    dst = edge_index[1].astype(jnp.int32).reshape(E // EPB, EPB)

    e = jax.random.normal(jax.random.key(42), (2, N, E_CH), f32) * REWEIGHT
    eps = jax.random.normal(jax.random.key(7), (1, N, OUT), f32)
    e2 = jnp.concatenate([e[0], e[1]], axis=1)
    web = (
        jnp.zeros((64, 256), f32).at[:32, :128].set(We).at[32:, 128:].set(We)
    )
    w4 = (
        jnp.zeros((256, 128), f32)
        .at[:128, :32].set(Wmu)
        .at[128:, 32:64].set(Wmu)
        .at[:128, 64:96].set(Wsig)
        .at[128:, 96:].set(Wsig)
    )
    bms = jnp.concatenate([bmu, bmu, bsig, bsig]).reshape(1, 128)
    b1r = b1.reshape(1, HID)
    ber2 = jnp.concatenate([be, be]).reshape(1, 256)

    degp = _hist_k(dst)
    hxs = _p1a(x, W1, degp)
    (rx,) = _agg1(src, dst, hxs)
    es = _p1b(e2, degp)
    (re,) = _agg1(src, dst, es)
    hm2, sums, snr2 = _p4(rx, re, hxs, es, degp, b1r, ber2, web, w4)
    (r2,) = _agg1(src, dst, hm2)
    mu, sigma, z, rk2 = _p6(r2, hm2, degp, bms, eps[0], rk_lgt)
    adj = _p7(z)

    snr = snr2[:, 0]
    z3 = z[None]
    return adj[None], mu, sigma, z3, z3, eps, rk2, snr

# --- scband reference (transcript-rebuilt; emitter-appended) ---
"""Pipeline reference for scband-sigvae-6983616824269 (READ-ONLY COPY).

The authoritative reference and input builder live on the scoring server;
editing this copy changes nothing except your own understanding.
"""

import jax, jax.numpy as jnp
import numpy as np

N = 4096
E = 65536
IN_CH = 4096
HID = 128
OUT = 32
E_CH = 32
K = 1
J = 1
REWEIGHT = ((E_CH + HID) / (IN_CH + HID)) ** 0.5


def gcn(x, edge_index, W, b):
    h = x @ W
    n = h.shape[-2]
    lead = h.shape[:-2]
    h2 = h.reshape((-1, n, h.shape[-1]))
    loops = jnp.arange(n)
    src = jnp.concatenate([edge_index[0], loops])
    dst = jnp.concatenate([edge_index[1], loops])
    deg = jnp.zeros((n,), h.dtype).at[dst].add(1.0)
    dsafe = jnp.where(deg > 0.0, deg, 1.0)
    dinv = jnp.where(deg > 0.0, dsafe ** -0.5, 0.0)
    norm = dinv[src] * dinv[dst]
    msg = h2[:, src, :] * norm[None, :, None]
    out = jnp.zeros_like(h2).at[:, dst, :].add(msg)
    return out.reshape(lead + (n, h.shape[-1])) + b


def glorot(key, shape):
    lim = (6.0 / (shape[0] + shape[1])) ** 0.5
    return jax.random.uniform(key, shape, jnp.float32, -lim, lim)


def setup_inputs(seed: int = 0):
    key = jax.random.key(seed)
    ks = jax.random.split(key, 11)
    x = jax.random.normal(ks[0], (N, IN_CH), jnp.float32)
    edge_index = jax.random.randint(ks[1], (2, E), 0, N)
    W1 = glorot(ks[2], (IN_CH, HID))
    b1 = jnp.zeros((HID,), jnp.float32)
    We = glorot(ks[3], (E_CH, HID))
    be = jnp.zeros((HID,), jnp.float32)
    Wmu = glorot(ks[4], (HID, OUT))
    bmu = jnp.zeros((OUT,), jnp.float32)
    Wsig = glorot(ks[5], (HID, OUT))
    bsig = jnp.zeros((OUT,), jnp.float32)
    rk_lgt = jax.random.uniform(ks[6], (1, OUT), jnp.float32, -6.0, 0.0)
    return {"x": x, "edge_index": edge_index, "W1": W1, "b1": b1, "We": We, "be": be, "Wmu": Wmu, "bmu": bmu, "Wsig": Wsig, "bsig": bsig, "rk_lgt": rk_lgt}


def reference(x, edge_index, W1, b1, We, be, Wmu, bmu, Wsig, bsig, rk_lgt):
    hidden_x = jax.nn.relu(gcn(x, edge_index, W1, b1))
    e = jax.random.normal(jax.random.key(42), (K + J, x.shape[1], E_CH), jnp.float32) * REWEIGHT
    hidden_e = gcn(e, edge_index, We, be)
    hidden1 = hidden_x + hidden_e
    p_signal = jnp.mean(hidden_x ** 2)
    p_noise = jnp.mean(hidden_e ** 2, axis=(-2, -1))
    snr = p_signal / p_noise
    mu = gcn(hidden1, edge_index, Wmu, bmu)
    sigma = gcn(hidden1, edge_index, Wsig, bsig)
    emb_mu = mu[K:]
    emb_logvar = sigma[K:]
    std = jnp.exp(emb_logvar / 2.0)
    eps = jax.random.normal(jax.random.key(7), std.shape, jnp.float32)
    z = eps * std + emb_mu
    rk = jnp.sqrt(jax.nn.sigmoid(rk_lgt))
    adj = jax.nn.sigmoid(jnp.einsum('bnd,bmd->bnm', z, z))
    return adj, mu, sigma, z, z, eps, rk ** 2, snr

if __name__ == "__main__":
    import jax
    _d = setup_inputs()
    print(jax.jit(kernel)(*tuple(_d.values())))

</pallas_src>

<mosaic_0001>
#map = affine_map<(d0, d1) -> (0, 0)>
#map1 = affine_map<(d0, d1) -> (0, 0, 0)>
module attributes {stable_mosaic.version = 14 : i64} {
  func.func @_hist_k(%arg0: i32, %arg1: i32, %arg2: memref<512x128xi32, #tpu.memory_space<hbm>>, %arg3: memref<2x4096x16xf32, #tpu.memory_space<hbm>>, %arg4: memref<16x128xi32, #tpu.memory_space<vmem>>, %arg5: memref<128x16xf32, #tpu.memory_space<vmem>>, %arg6: memref<256x16xf32, #tpu.memory_space<vmem>>, %arg7: memref<4096x16xf32, #tpu.memory_space<vmem_shared>>) attributes {dimension_semantics = [#tpu.dimension_semantics<core_parallel>, #tpu.dimension_semantics<subcore_parallel>], iteration_bounds = array<i64: 2, 16>, scalar_prefetch = 0 : i64, scratch_operands = 4 : i64, tpu.core_type = #tpu.core_type<sc_vector_subcore>, window_params = [{transform_indices = #map}, {transform_indices = #map1}]} {
    %mul3A = arith.constant 2 : i32
    %mul3A_0 = arith.muli %arg1, %mul3A : i32
    %add3A = arith.addi %mul3A_0, %arg0 : i32
    %broadcast_in_dim3A = arith.constant 0.000000e+00 : f32
    %broadcast_in_dim3A_1 = vector.broadcast %broadcast_in_dim3A : f32 to vector<16xf32>
    %scan3A = arith.constant 0 : i32
    %scan3A_2 = arith.constant 0 : i32
    %scan3A_3 = arith.constant 256 : i32
    %scan3A_4 = arith.addi %scan3A_2, %scan3A_3 : i32
    %scan3A_5 = arith.constant 1 : i32
    scf.for %scan3A_39 = %scan3A_2 to %scan3A_4 step %scan3A_5  : i32 {
      %swap3A = arith.index_cast %scan3A_39 : i32 to index
      %swap3A_40 = arith.constant 0 : index
      %swap3A_41 = tpu.vector_load %arg6[%swap3A, %swap3A_40] {strides = array<i32>} : memref<256x16xf32, #tpu.memory_space<vmem>>, vector<1x16xf32>,
      %swap3A_42 = vector.shape_cast %swap3A_41 : vector<1x16xf32> to vector<16xf32>
      %swap3A_43 = vector.shape_cast %broadcast_in_dim3A_1 : vector<16xf32> to vector<1x16xf32>
      tpu.vector_store %arg6[%swap3A, %swap3A_40], %swap3A_43 {strides = array<i32>} : memref<256x16xf32, #tpu.memory_space<vmem>>, vector<1x16xf32>,
    }
    %scan3A_6 = arith.constant 256 : i32
    %broadcast_in_dim3A_7 = arith.constant 1.000000e+00 : f32
    %broadcast_in_dim3A_8 = vector.broadcast %broadcast_in_dim3A_7 : f32 to vector<16xf32>
    %scan3A_9 = arith.constant 0 : i32
    %scan3A_10 = arith.constant 0 : i32
    %scan3A_11 = arith.constant 128 : i32
    %scan3A_12 = arith.addi %scan3A_10, %scan3A_11 : i32
    %scan3A_13 = arith.constant 1 : i32
    scf.for %scan3A_39 = %scan3A_10 to %scan3A_12 step %scan3A_13  : i32 {
      %swap3A = arith.index_cast %scan3A_39 : i32 to index
      %swap3A_40 = arith.constant 0 : index
      %swap3A_41 = tpu.vector_load %arg5[%swap3A, %swap3A_40] {strides = array<i32>} : memref<128x16xf32, #tpu.memory_space<vmem>>, vector<1x16xf32>,
      %swap3A_42 = vector.shape_cast %swap3A_41 : vector<1x16xf32> to vector<16xf32>
      %swap3A_43 = vector.shape_cast %broadcast_in_dim3A_8 : vector<16xf32> to vector<1x16xf32>
      tpu.vector_store %arg5[%swap3A, %swap3A_40], %swap3A_43 {strides = array<i32>} : memref<128x16xf32, #tpu.memory_space<vmem>>, vector<1x16xf32>,
    }
    %scan3A_14 = arith.constant 128 : i32
    %mul3A_15 = arith.constant 256 : i32
    %mul3A_16 = arith.muli %arg1, %mul3A_15 : i32
    "tpu.region"() ({
      %run_scoped3A_39 = tpu.sem_alloc : memref<!tpu.dma_semaphore, #tpu.memory_space<semaphore_mem>>
      %dma_start3A = arith.constant 0 : i32
      %dma_start3A_40 = tpu.memref_slice %arg7[%mul3A_16, %dma_start3A] : memref<4096x16xf32, #tpu.memory_space<vmem_shared>> -> memref<256x16xf32, #tpu.memory_space<vmem_shared>>
      %dma_start3A_41 = arith.constant 0 : i32
      %dma_start3A_42 = tpu.memref_slice %arg7[%mul3A_16, %dma_start3A_41] : memref<4096x16xf32, #tpu.memory_space<vmem_shared>> -> memref<256x16xf32, #tpu.memory_space<vmem_shared>>
      tpu.enqueue_dma source(%arg6 : memref<256x16xf32, #tpu.memory_space<vmem>>) target(%dma_start3A_42 : memref<256x16xf32, #tpu.memory_space<vmem_shared>>) target_semaphore(%run_scoped3A_39 : memref<!tpu.dma_semaphore, #tpu.memory_space<semaphore_mem>>)
      %dma_wait3A = arith.constant 0 : i32
      %dma_wait3A_43 = tpu.memref_slice %arg7[%mul3A_16, %dma_wait3A] : memref<4096x16xf32, #tpu.memory_space<vmem_shared>> -> memref<256x16xf32, #tpu.memory_space<vmem_shared>>
      %dma_wait3A_44 = arith.constant 0 : i32
      %dma_wait3A_45 = tpu.memref_slice %arg7[%mul3A_16, %dma_wait3A_44] : memref<4096x16xf32, #tpu.memory_space<vmem_shared>> -> memref<256x16xf32, #tpu.memory_space<vmem_shared>>
      tpu.wait_dma2 semaphore(%run_scoped3A_39 : memref<!tpu.dma_semaphore, #tpu.memory_space<semaphore_mem>>) src(%arg6 : memref<256x16xf32, #tpu.memory_space<vmem>>) dst(%dma_wait3A_45 : memref<256x16xf32, #tpu.memory_space<vmem_shared>>)
      tpu.yield
    }) : () -> ()
    %barrier3A = arith.constant 0 : index
    tpu.barrier barrier_id(%barrier3A)
    %mul3A_17 = arith.constant 16 : i32
    %mul3A_18 = arith.muli %add3A, %mul3A_17 : i32
    "tpu.region"() ({
      %run_scoped3A_39 = tpu.sem_alloc : memref<!tpu.dma_semaphore, #tpu.memory_space<semaphore_mem>>
      %dma_start3A = arith.constant 0 : i32
      %dma_start3A_40 = tpu.memref_slice %arg2[%mul3A_18, %dma_start3A] : memref<512x128xi32, #tpu.memory_space<hbm>> -> memref<16x128xi32, #tpu.memory_space<hbm>>
      %dma_start3A_41 = arith.constant 0 : i32
      %dma_start3A_42 = tpu.memref_slice %arg2[%mul3A_18, %dma_start3A_41] : memref<512x128xi32, #tpu.memory_space<hbm>> -> memref<16x128xi32, #tpu.memory_space<hbm>>
      tpu.enqueue_dma source(%dma_start3A_42 : memref<16x128xi32, #tpu.memory_space<hbm>>) target(%arg4 : memref<16x128xi32, #tpu.memory_space<vmem>>) target_semaphore(%run_scoped3A_39 : memref<!tpu.dma_semaphore, #tpu.memory_space<semaphore_mem>>)
      %dma_wait3A = arith.constant 0 : i32
      %dma_wait3A_43 = tpu.memref_slice %arg2[%mul3A_18, %dma_wait3A] : memref<512x128xi32, #tpu.memory_space<hbm>> -> memref<16x128xi32, #tpu.memory_space<hbm>>
      %dma_wait3A_44 = arith.constant 0 : i32
      %dma_wait3A_45 = tpu.memref_slice %arg2[%mul3A_18, %dma_wait3A_44] : memref<512x128xi32, #tpu.memory_space<hbm>> -> memref<16x128xi32, #tpu.memory_space<hbm>>
      tpu.wait_dma2 semaphore(%run_scoped3A_39 : memref<!tpu.dma_semaphore, #tpu.memory_space<semaphore_mem>>) src(%dma_wait3A_45 : memref<16x128xi32, #tpu.memory_space<hbm>>) dst(%arg4 : memref<16x128xi32, #tpu.memory_space<vmem>>)
      tpu.yield
    }) : () -> ()
    %run_scoped3A = arith.constant 0 : i32
    "tpu.region"() ({
      %run_scoped3A_39 = tpu.sem_alloc : memref<!tpu.dma_semaphore, #tpu.memory_space<semaphore_mem>>
      %dma_start3A = arith.constant 0 : i32
      %dma_start3A_40 = tpu.memref_slice %arg4[%run_scoped3A, %dma_start3A] : memref<16x128xi32, #tpu.memory_space<vmem>> -> memref<1x128xi32, #tpu.memory_space<vmem>>
      %dma_start3A_41 = tpu.memref_squeeze %dma_start3A_40 : memref<1x128xi32, #tpu.memory_space<vmem>> -> memref<128xi32, #tpu.memory_space<vmem>>
      %dma_start3A_42 = arith.constant 0 : i32
      %dma_start3A_43 = arith.constant 0 : i32
      %dma_start3A_44 = tpu.memref_slice %arg7[%dma_start3A_42, %dma_start3A_43] : memref<4096x16xf32, #tpu.memory_space<vmem_shared>> -> memref<4096x16xf32, #tpu.memory_space<vmem_shared>>
      tpu.enqueue_indirect_dma source(%arg5 : memref<128x16xf32, #tpu.memory_space<vmem>>) target(%dma_start3A_44 : memref<4096x16xf32, #tpu.memory_space<vmem_shared>>) offsets(%dma_start3A_41 : memref<128xi32, #tpu.memory_space<vmem>>) semaphore(%run_scoped3A_39 : memref<!tpu.dma_semaphore, #tpu.memory_space<semaphore_mem>>) {add = true}
      %dma_wait3A = arith.constant 0 : i32
      %dma_wait3A_45 = tpu.memref_slice %arg4[%run_scoped3A, %dma_wait3A] : memref<16x128xi32, #tpu.memory_space<vmem>> -> memref<1x128xi32, #tpu.memory_space<vmem>>
      %dma_wait3A_46 = tpu.memref_squeeze %dma_wait3A_45 : memref<1x128xi32, #tpu.memory_space<vmem>> -> memref<128xi32, #tpu.memory_space<vmem>>
      %dma_wait3A_47 = arith.constant 0 : i32
      %dma_wait3A_48 = arith.constant 0 : i32
      %dma_wait3A_49 = tpu.memref_slice %arg7[%dma_wait3A_47, %dma_wait3A_48] : memref<4096x16xf32, #tpu.memory_space<vmem_shared>> -> memref<4096x16xf32, #tpu.memory_space<vmem_shared>>
      tpu.wait_indirect_dma semaphore(%run_scoped3A_39 : memref<!tpu.dma_semaphore, #tpu.memory_space<semaphore_mem>>) src(%arg5 : memref<128x16xf32, #tpu.memory_space<vmem>>) dst(%dma_wait3A_49 : memref<4096x16xf32, #tpu.memory_space<vmem_shared>>)
      tpu.yield
    }) : () -> ()
    %run_scoped3A_19 = arith.constant 1 : i32
    "tpu.region"() ({
      %run_scoped3A_39 = tpu.sem_alloc : memref<!tpu.dma_semaphore, #tpu.memory_space<semaphore_mem>>
      %dma_start3A = arith.constant 0 : i32
      %dma_start3A_40 = tpu.memref_slice %arg4[%run_scoped3A_19, %dma_start3A] : memref<16x128xi32, #tpu.memory_space<vmem>> -> memref<1x128xi32, #tpu.memory_space<vmem>>
      %dma_start3A_41 = tpu.memref_squeeze %dma_start3A_40 : memref<1x128xi32, #tpu.memory_space<vmem>> -> memref<128xi32, #tpu.memory_space<vmem>>
      %dma_start3A_42 = arith.constant 0 : i32
      %dma_start3A_43 = arith.constant 0 : i32
      %dma_start3A_44 = tpu.memref_slice %arg7[%dma_start3A_42, %dma_start3A_43] : memref<4096x16xf32, #tpu.memory_space<vmem_shared>> -> memref<4096x16xf32, #tpu.memory_space<vmem_shared>>
      tpu.enqueue_indirect_dma source(%arg5 : memref<128x16xf32, #tpu.memory_space<vmem>>) target(%dma_start3A_44 : memref<4096x16xf32, #tpu.memory_space<vmem_shared>>) offsets(%dma_start3A_41 : memref<128xi32, #tpu.memory_space<vmem>>) semaphore(%run_scoped3A_39 : memref<!tpu.dma_semaphore, #tpu.memory_space<semaphore_mem>>) {add = true}
      %dma_wait3A = arith.constant 0 : i32
      %dma_wait3A_45 = tpu.memref_slice %arg4[%run_scoped3A_19, %dma_wait3A] : memref<16x128xi32, #tpu.memory_space<vmem>> -> memref<1x128xi32, #tpu.memory_space<vmem>>
      %dma_wait3A_46 = tpu.memref_squeeze %dma_wait3A_45 : memref<1x128xi32, #tpu.memory_space<vmem>> -> memref<128xi32, #tpu.memory_space<vmem>>
      %dma_wait3A_47 = arith.constant 0 : i32
      %dma_wait3A_48 = arith.constant 0 : i32
      %dma_wait3A_49 = tpu.memref_slice %arg7[%dma_wait3A_47, %dma_wait3A_48] : memref<4096x16xf32, #tpu.memory_space<vmem_shared>> -> memref<4096x16xf32, #tpu.memory_space<vmem_shared>>
      tpu.wait_indirect_dma semaphore(%run_scoped3A_39 : memref<!tpu.dma_semaphore, #tpu.memory_space<semaphore_mem>>) src(%arg5 : memref<128x16xf32, #tpu.memory_space<vmem>>) dst(%dma_wait3A_49 : memref<4096x16xf32, #tpu.memory_space<vmem_shared>>)
      tpu.yield
    }) : () -> ()
    %run_scoped3A_20 = arith.constant 2 : i32
    "tpu.region"() ({
      %run_scoped3A_39 = tpu.sem_alloc : memref<!tpu.dma_semaphore, #tpu.memory_space<semaphore_mem>>
      %dma_start3A = arith.constant 0 : i32
      %dma_start3A_40 = tpu.memref_slice %arg4[%run_scoped3A_20, %dma_start3A] : memref<16x128xi32, #tpu.memory_space<vmem>> -> memref<1x128xi32, #tpu.memory_space<vmem>>
      %dma_start3A_41 = tpu.memref_squeeze %dma_start3A_40 : memref<1x128xi32, #tpu.memory_space<vmem>> -> memref<128xi32, #tpu.memory_space<vmem>>
      %dma_start3A_42 = arith.constant 0 : i32
      %dma_start3A_43 = arith.constant 0 : i32
      %dma_start3A_44 = tpu.memref_slice %arg7[%dma_start3A_42, %dma_start3A_43] : memref<4096x16xf32, #tpu.memory_space<vmem_shared>> -> memref<4096x16xf32, #tpu.memory_space<vmem_shared>>
      tpu.enqueue_indirect_dma source(%arg5 : memref<128x16xf32, #tpu.memory_space<vmem>>) target(%dma_start3A_44 : memref<4096x16xf32, #tpu.memory_space<vmem_shared>>) offsets(%dma_start3A_41 : memref<128xi32, #tpu.memory_space<vmem>>) semaphore(%run_scoped3A_39 : memref<!tpu.dma_semaphore, #tpu.memory_space<semaphore_mem>>) {add = true}
      %dma_wait3A = arith.constant 0 : i32
      %dma_wait3A_45 = tpu.memref_slice %arg4[%run_scoped3A_20, %dma_wait3A] : memref<16x128xi32, #tpu.memory_space<vmem>> -> memref<1x128xi32, #tpu.memory_space<vmem>>
      %dma_wait3A_46 = tpu.memref_squeeze %dma_wait3A_45 : memref<1x128xi32, #tpu.memory_space<vmem>> -> memref<128xi32, #tpu.memory_space<vmem>>
      %dma_wait3A_47 = arith.constant 0 : i32
      %dma_wait3A_48 = arith.constant 0 : i32
      %dma_wait3A_49 = tpu.memref_slice %arg7[%dma_wait3A_47, %dma_wait3A_48] : memref<4096x16xf32, #tpu.memory_space<vmem_shared>> -> memref<4096x16xf32, #tpu.memory_space<vmem_shared>>
      tpu.wait_indirect_dma semaphore(%run_scoped3A_39 : memref<!tpu.dma_semaphore, #tpu.memory_space<semaphore_mem>>) src(%arg5 : memref<128x16xf32, #tpu.memory_space<vmem>>) dst(%dma_wait3A_49 : memref<4096x16xf32, #tpu.memory_space<vmem_shared>>)
      tpu.yield
    }) : () -> ()
    %run_scoped3A_21 = arith.constant 3 : i32
    "tpu.region"() ({
      %run_scoped3A_39 = tpu.sem_alloc : memref<!tpu.dma_semaphore, #tpu.memory_space<semaphore_mem>>
      %dma_start3A = arith.constant 0 : i32
      %dma_start3A_40 = tpu.memref_slice %arg4[%run_scoped3A_21, %dma_start3A] : memref<16x128xi32, #tpu.memory_space<vmem>> -> memref<1x128xi32, #tpu.memory_space<vmem>>
      %dma_start3A_41 = tpu.memref_squeeze %dma_start3A_40 : memref<1x128xi32, #tpu.memory_space<vmem>> -> memref<128xi32, #tpu.memory_space<vmem>>
      %dma_start3A_42 = arith.constant 0 : i32
      %dma_start3A_43 = arith.constant 0 : i32
      %dma_start3A_44 = tpu.memref_slice %arg7[%dma_start3A_42, %dma_start3A_43] : memref<4096x16xf32, #tpu.memory_space<vmem_shared>> -> memref<4096x16xf32, #tpu.memory_space<vmem_shared>>
      tpu.enqueue_indirect_dma source(%arg5 : memref<128x16xf32, #tpu.memory_space<vmem>>) target(%dma_start3A_44 : memref<4096x16xf32, #tpu.memory_space<vmem_shared>>) offsets(%dma_start3A_41 : memref<128xi32, #tpu.memory_space<vmem>>) semaphore(%run_scoped3A_39 : memref<!tpu.dma_semaphore, #tpu.memory_space<semaphore_mem>>) {add = true}
      %dma_wait3A = arith.constant 0 : i32
      %dma_wait3A_45 = tpu.memref_slice %arg4[%run_scoped3A_21, %dma_wait3A] : memref<16x128xi32, #tpu.memory_space<vmem>> -> memref<1x128xi32, #tpu.memory_space<vmem>>
      %dma_wait3A_46 = tpu.memref_squeeze %dma_wait3A_45 : memref<1x128xi32, #tpu.memory_space<vmem>> -> memref<128xi32, #tpu.memory_space<vmem>>
      %dma_wait3A_47 = arith.constant 0 : i32
      %dma_wait3A_48 = arith.constant 0 : i32
      %dma_wait3A_49 = tpu.memref_slice %arg7[%dma_wait3A_47, %dma_wait3A_48] : memref<4096x16xf32, #tpu.memory_space<vmem_shared>> -> memref<4096x16xf32, #tpu.memory_space<vmem_shared>>
      tpu.wait_indirect_dma semaphore(%run_scoped3A_39 : memref<!tpu.dma_semaphore, #tpu.memory_space<semaphore_mem>>) src(%arg5 : memref<128x16xf32, #tpu.memory_space<vmem>>) dst(%dma_wait3A_49 : memref<4096x16xf32, #tpu.memory_space<vmem_shared>>)
      tpu.yield
    }) : () -> ()
    %run_scoped3A_22 = arith.constant 4 : i32
    "tpu.region"() ({
      %run_scoped3A_39 = tpu.sem_alloc : memref<!tpu.dma_semaphore, #tpu.memory_space<semaphore_mem>>
      %dma_start3A = arith.constant 0 : i32
      %dma_start3A_40 = tpu.memref_slice %arg4[%run_scoped3A_22, %dma_start3A] : memref<16x128xi32, #tpu.memory_space<vmem>> -> memref<1x128xi32, #tpu.memory_space<vmem>>
      %dma_start3A_41 = tpu.memref_squeeze %dma_start3A_40 : memref<1x128xi32, #tpu.memory_space<vmem>> -> memref<128xi32, #tpu.memory_space<vmem>>
      %dma_start3A_42 = arith.constant 0 : i32
      %dma_start3A_43 = arith.constant 0 : i32
      %dma_start3A_44 = tpu.memref_slice %arg7[%dma_start3A_42, %dma_start3A_43] : memref<4096x16xf32, #tpu.memory_space<vmem_shared>> -> memref<4096x16xf32, #tpu.memory_space<vmem_shared>>
      tpu.enqueue_indirect_dma source(%arg5 : memref<128x16xf32, #tpu.memory_space<vmem>>) target(%dma_start3A_44 : memref<4096x16xf32, #tpu.memory_space<vmem_shared>>) offsets(%dma_start3A_41 : memref<128xi32, #tpu.memory_space<vmem>>) semaphore(%run_scoped3A_39 : memref<!tpu.dma_semaphore, #tpu.memory_space<semaphore_mem>>) {add = true}
      %dma_wait3A = arith.constant 0 : i32
      %dma_wait3A_45 = tpu.memref_slice %arg4[%run_scoped3A_22, %dma_wait3A] : memref<16x128xi32, #tpu.memory_space<vmem>> -> memref<1x128xi32, #tpu.memory_space<vmem>>
      %dma_wait3A_46 = tpu.memref_squeeze %dma_wait3A_45 : memref<1x128xi32, #tpu.memory_space<vmem>> -> memref<128xi32, #tpu.memory_space<vmem>>
      %dma_wait3A_47 = arith.constant 0 : i32
      %dma_wait3A_48 = arith.constant 0 : i32
      %dma_wait3A_49 = tpu.memref_slice %arg7[%dma_wait3A_47, %dma_wait3A_48] : memref<4096x16xf32, #tpu.memory_space<vmem_shared>> -> memref<4096x16xf32, #tpu.memory_space<vmem_shared>>
      tpu.wait_indirect_dma semaphore(%run_scoped3A_39 : memref<!tpu.dma_semaphore, #tpu.memory_space<semaphore_mem>>) src(%arg5 : memref<128x16xf32, #tpu.memory_space<vmem>>) dst(%dma_wait3A_49 : memref<4096x16xf32, #tpu.memory_space<vmem_shared>>)
      tpu.yield
    }) : () -> ()
    %run_scoped3A_23 = arith.constant 5 : i32
    "tpu.region"() ({
      %run_scoped3A_39 = tpu.sem_alloc : memref<!tpu.dma_semaphore, #tpu.memory_space<semaphore_mem>>
      %dma_start3A = arith.constant 0 : i32
      %dma_start3A_40 = tpu.memref_slice %arg4[%run_scoped3A_23, %dma_start3A] : memref<16x128xi32, #tpu.memory_space<vmem>> -> memref<1x128xi32, #tpu.memory_space<vmem>>
      %dma_start3A_41 = tpu.memref_squeeze %dma_start3A_40 : memref<1x128xi32, #tpu.memory_space<vmem>> -> memref<128xi32, #tpu.memory_space<vmem>>
      %dma_start3A_42 = arith.constant 0 : i32
      %dma_start3A_43 = arith.constant 0 : i32
      %dma_start3A_44 = tpu.memref_slice %arg7[%dma_start3A_42, %dma_start3A_43] : memref<4096x16xf32, #tpu.memory_space<vmem_shared>> -> memref<4096x16xf32, #tpu.memory_space<vmem_shared>>
      tpu.enqueue_indirect_dma source(%arg5 : memref<128x16xf32, #tpu.memory_space<vmem>>) target(%dma_start3A_44 : memref<4096x16xf32, #tpu.memory_space<vmem_shared>>) offsets(%dma_start3A_41 : memref<128xi32, #tpu.memory_space<vmem>>) semaphore(%run_scoped3A_39 : memref<!tpu.dma_semaphore, #tpu.memory_space<semaphore_mem>>) {add = true}
      %dma_wait3A = arith.constant 0 : i32
      %dma_wait3A_45 = tpu.memref_slice %arg4[%run_scoped3A_23, %dma_wait3A] : memref<16x128xi32, #tpu.memory_space<vmem>> -> memref<1x128xi32, #tpu.memory_space<vmem>>
      %dma_wait3A_46 = tpu.memref_squeeze %dma_wait3A_45 : memref<1x128xi32, #tpu.memory_space<vmem>> -> memref<128xi32, #tpu.memory_space<vmem>>
      %dma_wait3A_47 = arith.constant 0 : i32
      %dma_wait3A_48 = arith.constant 0 : i32
      %dma_wait3A_49 = tpu.memref_slice %arg7[%dma_wait3A_47, %dma_wait3A_48] : memref<4096x16xf32, #tpu.memory_space<vmem_shared>> -> memref<4096x16xf32, #tpu.memory_space<vmem_shared>>
      tpu.wait_indirect_dma semaphore(%run_scoped3A_39 : memref<!tpu.dma_semaphore, #tpu.memory_space<semaphore_mem>>) src(%arg5 : memref<128x16xf32, #tpu.memory_space<vmem>>) dst(%dma_wait3A_49 : memref<4096x16xf32, #tpu.memory_space<vmem_shared>>)
      tpu.yield
    }) : () -> ()
    %run_scoped3A_24 = arith.constant 6 : i32
    "tpu.region"() ({
      %run_scoped3A_39 = tpu.sem_alloc : memref<!tpu.dma_semaphore, #tpu.memory_space<semaphore_mem>>
      %dma_start3A = arith.constant 0 : i32
      %dma_start3A_40 = tpu.memref_slice %arg4[%run_scoped3A_24, %dma_start3A] : memref<16x128xi32, #tpu.memory_space<vmem>> -> memref<1x128xi32, #tpu.memory_space<vmem>>
      %dma_start3A_41 = tpu.memref_squeeze %dma_start3A_40 : memref<1x128xi32, #tpu.memory_space<vmem>> -> memref<128xi32, #tpu.memory_space<vmem>>
      %dma_start3A_42 = arith.constant 0 : i32
      %dma_start3A_43 = arith.constant 0 : i32
      %dma_start3A_44 = tpu.memref_slice %arg7[%dma_start3A_42, %dma_start3A_43] : memref<4096x16xf32, #tpu.memory_space<vmem_shared>> -> memref<4096x16xf32, #tpu.memory_space<vmem_shared>>
      tpu.enqueue_indirect_dma source(%arg5 : memref<128x16xf32, #tpu.memory_space<vmem>>) target(%dma_start3A_44 : memref<4096x16xf32, #tpu.memory_space<vmem_shared>>) offsets(%dma_start3A_41 : memref<128xi32, #tpu.memory_space<vmem>>) semaphore(%run_scoped3A_39 : memref<!tpu.dma_semaphore, #tpu.memory_space<semaphore_mem>>) {add = true}
      %dma_wait3A = arith.constant 0 : i32
      %dma_wait3A_45 = tpu.memref_slice %arg4[%run_scoped3A_24, %dma_wait3A] : memref<16x128xi32, #tpu.memory_space<vmem>> -> memref<1x128xi32, #tpu.memory_space<vmem>>
      %dma_wait3A_46 = tpu.memref_squeeze %dma_wait3A_45 : memref<1x128xi32, #tpu.memory_space<vmem>> -> memref<128xi32, #tpu.memory_space<vmem>>
      %dma_wait3A_47 = arith.constant 0 : i32
      %dma_wait3A_48 = arith.constant 0 : i32
      %dma_wait3A_49 = tpu.memref_slice %arg7[%dma_wait3A_47, %dma_wait3A_48] : memref<4096x16xf32, #tpu.memory_space<vmem_shared>> -> memref<4096x16xf32, #tpu.memory_space<vmem_shared>>
      tpu.wait_indirect_dma semaphore(%run_scoped3A_39 : memref<!tpu.dma_semaphore, #tpu.memory_space<semaphore_mem>>) src(%arg5 : memref<128x16xf32, #tpu.memory_space<vmem>>) dst(%dma_wait3A_49 : memref<4096x16xf32, #tpu.memory_space<vmem_shared>>)
      tpu.yield
    }) : () -> ()
    %run_scoped3A_25 = arith.constant 7 : i32
    "tpu.region"() ({
      %run_scoped3A_39 = tpu.sem_alloc : memref<!tpu.dma_semaphore, #tpu.memory_space<semaphore_mem>>
      %dma_start3A = arith.constant 0 : i32
      %dma_start3A_40 = tpu.memref_slice %arg4[%run_scoped3A_25, %dma_start3A] : memref<16x128xi32, #tpu.memory_space<vmem>> -> memref<1x128xi32, #tpu.memory_space<vmem>>
      %dma_start3A_41 = tpu.memref_squeeze %dma_start3A_40 : memref<1x128xi32, #tpu.memory_space<vmem>> -> memref<128xi32, #tpu.memory_space<vmem>>
      %dma_start3A_42 = arith.constant 0 : i32
      %dma_start3A_43 = arith.constant 0 : i32
      %dma_start3A_44 = tpu.memref_slice %arg7[%dma_start3A_42, %dma_start3A_43] : memref<4096x16xf32, #tpu.memory_space<vmem_shared>> -> memref<4096x16xf32, #tpu.memory_space<vmem_shared>>
      tpu.enqueue_indirect_dma source(%arg5 : memref<128x16xf32, #tpu.memory_space<vmem>>) target(%dma_start3A_44 : memref<4096x16xf32, #tpu.memory_space<vmem_shared>>) offsets(%dma_start3A_41 : memref<128xi32, #tpu.memory_space<vmem>>) semaphore(%run_scoped3A_39 : memref<!tpu.dma_semaphore, #tpu.memory_space<semaphore_mem>>) {add = true}
      %dma_wait3A = arith.constant 0 : i32
      %dma_wait3A_45 = tpu.memref_slice %arg4[%run_scoped3A_25, %dma_wait3A] : memref<16x128xi32, #tpu.memory_space<vmem>> -> memref<1x128xi32, #tpu.memory_space<vmem>>
      %dma_wait3A_46 = tpu.memref_squeeze %dma_wait3A_45 : memref<1x128xi32, #tpu.memory_space<vmem>> -> memref<128xi32, #tpu.memory_space<vmem>>
      %dma_wait3A_47 = arith.constant 0 : i32
      %dma_wait3A_48 = arith.constant 0 : i32
      %dma_wait3A_49 = tpu.memref_slice %arg7[%dma_wait3A_47, %dma_wait3A_48] : memref<4096x16xf32, #tpu.memory_space<vmem_shared>> -> memref<4096x16xf32, #tpu.memory_space<vmem_shared>>
      tpu.wait_indirect_dma semaphore(%run_scoped3A_39 : memref<!tpu.dma_semaphore, #tpu.memory_space<semaphore_mem>>) src(%arg5 : memref<128x16xf32, #tpu.memory_space<vmem>>) dst(%dma_wait3A_49 : memref<4096x16xf32, #tpu.memory_space<vmem_shared>>)
      tpu.yield
    }) : () -> ()
    %run_scoped3A_26 = arith.constant 8 : i32
    "tpu.region"() ({
      %run_scoped3A_39 = tpu.sem_alloc : memref<!tpu.dma_semaphore, #tpu.memory_space<semaphore_mem>>
      %dma_start3A = arith.constant 0 : i32
      %dma_start3A_40 = tpu.memref_slice %arg4[%run_scoped3A_26, %dma_start3A] : memref<16x128xi32, #tpu.memory_space<vmem>> -> memref<1x128xi32, #tpu.memory_space<vmem>>
      %dma_start3A_41 = tpu.memref_squeeze %dma_start3A_40 : memref<1x128xi32, #tpu.memory_space<vmem>> -> memref<128xi32, #tpu.memory_space<vmem>>
      %dma_start3A_42 = arith.constant 0 : i32
      %dma_start3A_43 = arith.constant 0 : i32
      %dma_start3A_44 = tpu.memref_slice %arg7[%dma_start3A_42, %dma_start3A_43] : memref<4096x16xf32, #tpu.memory_space<vmem_shared>> -> memref<4096x16xf32, #tpu.memory_space<vmem_shared>>
      tpu.enqueue_indirect_dma source(%arg5 : memref<128x16xf32, #tpu.memory_space<vmem>>) target(%dma_start3A_44 : memref<4096x16xf32, #tpu.memory_space<vmem_shared>>) offsets(%dma_start3A_41 : memref<128xi32, #tpu.memory_space<vmem>>) semaphore(%run_scoped3A_39 : memref<!tpu.dma_semaphore, #tpu.memory_space<semaphore_mem>>) {add = true}
      %dma_wait3A = arith.constant 0 : i32
      %dma_wait3A_45 = tpu.memref_slice %arg4[%run_scoped3A_26, %dma_wait3A] : memref<16x128xi32, #tpu.memory_space<vmem>> -> memref<1x128xi32, #tpu.memory_space<vmem>>
      %dma_wait3A_46 = tpu.memref_squeeze %dma_wait3A_45 : memref<1x128xi32, #tpu.memory_space<vmem>> -> memref<128xi32, #tpu.memory_space<vmem>>
      %dma_wait3A_47 = arith.constant 0 : i32
      %dma_wait3A_48 = arith.constant 0 : i32
      %dma_wait3A_49 = tpu.memref_slice %arg7[%dma_wait3A_47, %dma_wait3A_48] : memref<4096x16xf32, #tpu.memory_space<vmem_shared>> -> memref<4096x16xf32, #tpu.memory_space<vmem_shared>>
      tpu.wait_indirect_dma semaphore(%run_scoped3A_39 : memref<!tpu.dma_semaphore, #tpu.memory_space<semaphore_mem>>) src(%arg5 : memref<128x16xf32, #tpu.memory_space<vmem>>) dst(%dma_wait3A_49 : memref<4096x16xf32, #tpu.memory_space<vmem_shared>>)
      tpu.yield
    }) : () -> ()
    %run_scoped3A_27 = arith.constant 9 : i32
    "tpu.region"() ({
      %run_scoped3A_39 = tpu.sem_alloc : memref<!tpu.dma_semaphore, #tpu.memory_space<semaphore_mem>>
      %dma_start3A = arith.constant 0 : i32
      %dma_start3A_40 = tpu.memref_slice %arg4[%run_scoped3A_27, %dma_start3A] : memref<16x128xi32, #tpu.memory_space<vmem>> -> memref<1x128xi32, #tpu.memory_space<vmem>>
      %dma_start3A_41 = tpu.memref_squeeze %dma_start3A_40 : memref<1x128xi32, #tpu.memory_space<vmem>> -> memref<128xi32, #tpu.memory_space<vmem>>
      %dma_start3A_42 = arith.constant 0 : i32
      %dma_start3A_43 = arith.constant 0 : i32
      %dma_start3A_44 = tpu.memref_slice %arg7[%dma_start3A_42, %dma_start3A_43] : memref<4096x16xf32, #tpu.memory_space<vmem_shared>> -> memref<4096x16xf32, #tpu.memory_space<vmem_shared>>
      tpu.enqueue_indirect_dma source(%arg5 : memref<128x16xf32, #tpu.memory_space<vmem>>) target(%dma_start3A_44 : memref<4096x16xf32, #tpu.memory_space<vmem_shared>>) offsets(%dma_start3A_41 : memref<128xi32, #tpu.memory_space<vmem>>) semaphore(%run_scoped3A_39 : memref<!tpu.dma_semaphore, #tpu.memory_space<semaphore_mem>>) {add = true}
      %dma_wait3A = arith.constant 0 : i32
      %dma_wait3A_45 = tpu.memref_slice %arg4[%run_scoped3A_27, %dma_wait3A] : memref<16x128xi32, #tpu.memory_space<vmem>> -> memref<1x128xi32, #tpu.memory_space<vmem>>
      %dma_wait3A_46 = tpu.memref_squeeze %dma_wait3A_45 : memref<1x128xi32, #tpu.memory_space<vmem>> -> memref<128xi32, #tpu.memory_space<vmem>>
      %dma_wait3A_47 = arith.constant 0 : i32
      %dma_wait3A_48 = arith.constant 0 : i32
      %dma_wait3A_49 = tpu.memref_slice %arg7[%dma_wait3A_47, %dma_wait3A_48] : memref<4096x16xf32, #tpu.memory_space<vmem_shared>> -> memref<4096x16xf32, #tpu.memory_space<vmem_shared>>
      tpu.wait_indirect_dma semaphore(%run_scoped3A_39 : memref<!tpu.dma_semaphore, #tpu.memory_space<semaphore_mem>>) src(%arg5 : memref<128x16xf32, #tpu.memory_space<vmem>>) dst(%dma_wait3A_49 : memref<4096x16xf32, #tpu.memory_space<vmem_shared>>)
      tpu.yield
    }) : () -> ()
    %run_scoped3A_28 = arith.constant 10 : i32
    "tpu.region"() ({
      %run_scoped3A_39 = tpu.sem_alloc : memref<!tpu.dma_semaphore, #tpu.memory_space<semaphore_mem>>
      %dma_start3A = arith.constant 0 : i32
      %dma_start3A_40 = tpu.memref_slice %arg4[%run_scoped3A_28, %dma_start3A] : memref<16x128xi32, #tpu.memory_space<vmem>> -> memref<1x128xi32, #tpu.memory_space<vmem>>
      %dma_start3A_41 = tpu.memref_squeeze %dma_start3A_40 : memref<1x128xi32, #tpu.memory_space<vmem>> -> memref<128xi32, #tpu.memory_space<vmem>>
      %dma_start3A_42 = arith.constant 0 : i32
      %dma_start3A_43 = arith.constant 0 : i32
      %dma_start3A_44 = tpu.memref_slice %arg7[%dma_start3A_42, %dma_start3A_43] : memref<4096x16xf32, #tpu.memory_space<vmem_shared>> -> memref<4096x16xf32, #tpu.memory_space<vmem_shared>>
      tpu.enqueue_indirect_dma source(%arg5 : memref<128x16xf32, #tpu.memory_space<vmem>>) target(%dma_start3A_44 : memref<4096x16xf32, #tpu.memory_space<vmem_shared>>) offsets(%dma_start3A_41 : memref<128xi32, #tpu.memory_space<vmem>>) semaphore(%run_scoped3A_39 : memref<!tpu.dma_semaphore, #tpu.memory_space<semaphore_mem>>) {add = true}
      %dma_wait3A = arith.constant 0 : i32
      %dma_wait3A_45 = tpu.memref_slice %arg4[%run_scoped3A_28, %dma_wait3A] : memref<16x128xi32, #tpu.memory_space<vmem>> -> memref<1x128xi32, #tpu.memory_space<vmem>>
      %dma_wait3A_46 = tpu.memref_squeeze %dma_wait3A_45 : memref<1x128xi32, #tpu.memory_space<vmem>> -> memref<128xi32, #tpu.memory_space<vmem>>
      %dma_wait3A_47 = arith.constant 0 : i32
      %dma_wait3A_48 = arith.constant 0 : i32
      %dma_wait3A_49 = tpu.memref_slice %arg7[%dma_wait3A_47, %dma_wait3A_48] : memref<4096x16xf32, #tpu.memory_space<vmem_shared>> -> memref<4096x16xf32, #tpu.memory_space<vmem_shared>>
      tpu.wait_indirect_dma semaphore(%run_scoped3A_39 : memref<!tpu.dma_semaphore, #tpu.memory_space<semaphore_mem>>) src(%arg5 : memref<128x16xf32, #tpu.memory_space<vmem>>) dst(%dma_wait3A_49 : memref<4096x16xf32, #tpu.memory_space<vmem_shared>>)
      tpu.yield
    }) : () -> ()
    %run_scoped3A_29 = arith.constant 11 : i32
    "tpu.region"() ({
      %run_scoped3A_39 = tpu.sem_alloc : memref<!tpu.dma_semaphore, #tpu.memory_space<semaphore_mem>>
      %dma_start3A = arith.constant 0 : i32
      %dma_start3A_40 = tpu.memref_slice %arg4[%run_scoped3A_29, %dma_start3A] : memref<16x128xi32, #tpu.memory_space<vmem>> -> memref<1x128xi32, #tpu.memory_space<vmem>>
      %dma_start3A_41 = tpu.memref_squeeze %dma_start3A_40 : memref<1x128xi32, #tpu.memory_space<vmem>> -> memref<128xi32, #tpu.memory_space<vmem>>
      %dma_start3A_42 = arith.constant 0 : i32
      %dma_start3A_43 = arith.constant 0 : i32
      %dma_start3A_44 = tpu.memref_slice %arg7[%dma_start3A_42, %dma_start3A_43] : memref<4096x16xf32, #tpu.memory_space<vmem_shared>> -> memref<4096x16xf32, #tpu.memory_space<vmem_shared>>
      tpu.enqueue_indirect_dma source(%arg5 : memref<128x16xf32, #tpu.memory_space<vmem>>) target(%dma_start3A_44 : memref<4096x16xf32, #tpu.memory_space<vmem_shared>>) offsets(%dma_start3A_41 : memref<128xi32, #tpu.memory_space<vmem>>) semaphore(%run_scoped3A_39 : memref<!tpu.dma_semaphore, #tpu.memory_space<semaphore_mem>>) {add = true}
      %dma_wait3A = arith.constant 0 : i32
      %dma_wait3A_45 = tpu.memref_slice %arg4[%run_scoped3A_29, %dma_wait3A] : memref<16x128xi32, #tpu.memory_space<vmem>> -> memref<1x128xi32, #tpu.memory_space<vmem>>
      %dma_wait3A_46 = tpu.memref_squeeze %dma_wait3A_45 : memref<1x128xi32, #tpu.memory_space<vmem>> -> memref<128xi32, #tpu.memory_space<vmem>>
      %dma_wait3A_47 = arith.constant 0 : i32
      %dma_wait3A_48 = arith.constant 0 : i32
      %dma_wait3A_49 = tpu.memref_slice %arg7[%dma_wait3A_47, %dma_wait3A_48] : memref<4096x16xf32, #tpu.memory_space<vmem_shared>> -> memref<4096x16xf32, #tpu.memory_space<vmem_shared>>
      tpu.wait_indirect_dma semaphore(%run_scoped3A_39 : memref<!tpu.dma_semaphore, #tpu.memory_space<semaphore_mem>>) src(%arg5 : memref<128x16xf32, #tpu.memory_space<vmem>>) dst(%dma_wait3A_49 : memref<4096x16xf32, #tpu.memory_space<vmem_shared>>)
      tpu.yield
    }) : () -> ()
    %run_scoped3A_30 = arith.constant 12 : i32
    "tpu.region"() ({
      %run_scoped3A_39 = tpu.sem_alloc : memref<!tpu.dma_semaphore, #tpu.memory_space<semaphore_mem>>
      %dma_start3A = arith.constant 0 : i32
      %dma_start3A_40 = tpu.memref_slice %arg4[%run_scoped3A_30, %dma_start3A] : memref<16x128xi32, #tpu.memory_space<vmem>> -> memref<1x128xi32, #tpu.memory_space<vmem>>
      %dma_start3A_41 = tpu.memref_squeeze %dma_start3A_40 : memref<1x128xi32, #tpu.memory_space<vmem>> -> memref<128xi32, #tpu.memory_space<vmem>>
      %dma_start3A_42 = arith.constant 0 : i32
      %dma_start3A_43 = arith.constant 0 : i32
      %dma_start3A_44 = tpu.memref_slice %arg7[%dma_start3A_42, %dma_start3A_43] : memref<4096x16xf32, #tpu.memory_space<vmem_shared>> -> memref<4096x16xf32, #tpu.memory_space<vmem_shared>>
      tpu.enqueue_indirect_dma source(%arg5 : memref<128x16xf32, #tpu.memory_space<vmem>>) target(%dma_start3A_44 : memref<4096x16xf32, #tpu.memory_space<vmem_shared>>) offsets(%dma_start3A_41 : memref<128xi32, #tpu.memory_space<vmem>>) semaphore(%run_scoped3A_39 : memref<!tpu.dma_semaphore, #tpu.memory_space<semaphore_mem>>) {add = true}
      %dma_wait3A = arith.constant 0 : i32
      %dma_wait3A_45 = tpu.memref_slice %arg4[%run_scoped3A_30, %dma_wait3A] : memref<16x128xi32, #tpu.memory_space<vmem>> -> memref<1x128xi32, #tpu.memory_space<vmem>>
      %dma_wait3A_46 = tpu.memref_squeeze %dma_wait3A_45 : memref<1x128xi32, #tpu.memory_space<vmem>> -> memref<128xi32, #tpu.memory_space<vmem>>
      %dma_wait3A_47 = arith.constant 0 : i32
      %dma_wait3A_48 = arith.constant 0 : i32
      %dma_wait3A_49 = tpu.memref_slice %arg7[%dma_wait3A_47, %dma_wait3A_48] : memref<4096x16xf32, #tpu.memory_space<vmem_shared>> -> memref<4096x16xf32, #tpu.memory_space<vmem_shared>>
      tpu.wait_indirect_dma semaphore(%run_scoped3A_39 : memref<!tpu.dma_semaphore, #tpu.memory_space<semaphore_mem>>) src(%arg5 : memref<128x16xf32, #tpu.memory_space<vmem>>) dst(%dma_wait3A_49 : memref<4096x16xf32, #tpu.memory_space<vmem_shared>>)
      tpu.yield
    }) : () -> ()
    %run_scoped3A_31 = arith.constant 13 : i32
    "tpu.region"() ({
      %run_scoped3A_39 = tpu.sem_alloc : memref<!tpu.dma_semaphore, #tpu.memory_space<semaphore_mem>>
      %dma_start3A = arith.constant 0 : i32
      %dma_start3A_40 = tpu.memref_slice %arg4[%run_scoped3A_31, %dma_start3A] : memref<16x128xi32, #tpu.memory_space<vmem>> -> memref<1x128xi32, #tpu.memory_space<vmem>>
      %dma_start3A_41 = tpu.memref_squeeze %dma_start3A_40 : memref<1x128xi32, #tpu.memory_space<vmem>> -> memref<128xi32, #tpu.memory_space<vmem>>
      %dma_start3A_42 = arith.constant 0 : i32
      %dma_start3A_43 = arith.constant 0 : i32
      %dma_start3A_44 = tpu.memref_slice %arg7[%dma_start3A_42, %dma_start3A_43] : memref<4096x16xf32, #tpu.memory_space<vmem_shared>> -> memref<4096x16xf32, #tpu.memory_space<vmem_shared>>
      tpu.enqueue_indirect_dma source(%arg5 : memref<128x16xf32, #tpu.memory_space<vmem>>) target(%dma_start3A_44 : memref<4096x16xf32, #tpu.memory_space<vmem_shared>>) offsets(%dma_start3A_41 : memref<128xi32, #tpu.memory_space<vmem>>) semaphore(%run_scoped3A_39 : memref<!tpu.dma_semaphore, #tpu.memory_space<semaphore_mem>>) {add = true}
      %dma_wait3A = arith.constant 0 : i32
      %dma_wait3A_45 = tpu.memref_slice %arg4[%run_scoped3A_31, %dma_wait3A] : memref<16x128xi32, #tpu.memory_space<vmem>> -> memref<1x128xi32, #tpu.memory_space<vmem>>
      %dma_wait3A_46 = tpu.memref_squeeze %dma_wait3A_45 : memref<1x128xi32, #tpu.memory_space<vmem>> -> memref<128xi32, #tpu.memory_space<vmem>>
      %dma_wait3A_47 = arith.constant 0 : i32
      %dma_wait3A_48 = arith.constant 0 : i32
      %dma_wait3A_49 = tpu.memref_slice %arg7[%dma_wait3A_47, %dma_wait3A_48] : memref<4096x16xf32, #tpu.memory_space<vmem_shared>> -> memref<4096x16xf32, #tpu.memory_space<vmem_shared>>
      tpu.wait_indirect_dma semaphore(%run_scoped3A_39 : memref<!tpu.dma_semaphore, #tpu.memory_space<semaphore_mem>>) src(%arg5 : memref<128x16xf32, #tpu.memory_space<vmem>>) dst(%dma_wait3A_49 : memref<4096x16xf32, #tpu.memory_space<vmem_shared>>)
      tpu.yield
    }) : () -> ()
    %run_scoped3A_32 = arith.constant 14 : i32
    "tpu.region"() ({
      %run_scoped3A_39 = tpu.sem_alloc : memref<!tpu.dma_semaphore, #tpu.memory_space<semaphore_mem>>
      %dma_start3A = arith.constant 0 : i32
      %dma_start3A_40 = tpu.memref_slice %arg4[%run_scoped3A_32, %dma_start3A] : memref<16x128xi32, #tpu.memory_space<vmem>> -> memref<1x128xi32, #tpu.memory_space<vmem>>
      %dma_start3A_41 = tpu.memref_squeeze %dma_start3A_40 : memref<1x128xi32, #tpu.memory_space<vmem>> -> memref<128xi32, #tpu.memory_space<vmem>>
      %dma_start3A_42 = arith.constant 0 : i32
      %dma_start3A_43 = arith.constant 0 : i32
      %dma_start3A_44 = tpu.memref_slice %arg7[%dma_start3A_42, %dma_start3A_43] : memref<4096x16xf32, #tpu.memory_space<vmem_shared>> -> memref<4096x16xf32, #tpu.memory_space<vmem_shared>>
      tpu.enqueue_indirect_dma source(%arg5 : memref<128x16xf32, #tpu.memory_space<vmem>>) target(%dma_start3A_44 : memref<4096x16xf32, #tpu.memory_space<vmem_shared>>) offsets(%dma_start3A_41 : memref<128xi32, #tpu.memory_space<vmem>>) semaphore(%run_scoped3A_39 : memref<!tpu.dma_semaphore, #tpu.memory_space<semaphore_mem>>) {add = true}
      %dma_wait3A = arith.constant 0 : i32
      %dma_wait3A_45 = tpu.memref_slice %arg4[%run_scoped3A_32, %dma_wait3A] : memref<16x128xi32, #tpu.memory_space<vmem>> -> memref<1x128xi32, #tpu.memory_space<vmem>>
      %dma_wait3A_46 = tpu.memref_squeeze %dma_wait3A_45 : memref<1x128xi32, #tpu.memory_space<vmem>> -> memref<128xi32, #tpu.memory_space<vmem>>
      %dma_wait3A_47 = arith.constant 0 : i32
      %dma_wait3A_48 = arith.constant 0 : i32
      %dma_wait3A_49 = tpu.memref_slice %arg7[%dma_wait3A_47, %dma_wait3A_48] : memref<4096x16xf32, #tpu.memory_space<vmem_shared>> -> memref<4096x16xf32, #tpu.memory_space<vmem_shared>>
      tpu.wait_indirect_dma semaphore(%run_scoped3A_39 : memref<!tpu.dma_semaphore, #tpu.memory_space<semaphore_mem>>) src(%arg5 : memref<128x16xf32, #tpu.memory_space<vmem>>) dst(%dma_wait3A_49 : memref<4096x16xf32, #tpu.memory_space<vmem_shared>>)
      tpu.yield
    }) : () -> ()
    %run_scoped3A_33 = arith.constant 15 : i32
    "tpu.region"() ({
      %run_scoped3A_39 = tpu.sem_alloc : memref<!tpu.dma_semaphore, #tpu.memory_space<semaphore_mem>>
      %dma_start3A = arith.constant 0 : i32
      %dma_start3A_40 = tpu.memref_slice %arg4[%run_scoped3A_33, %dma_start3A] : memref<16x128xi32, #tpu.memory_space<vmem>> -> memref<1x128xi32, #tpu.memory_space<vmem>>
      %dma_start3A_41 = tpu.memref_squeeze %dma_start3A_40 : memref<1x128xi32, #tpu.memory_space<vmem>> -> memref<128xi32, #tpu.memory_space<vmem>>
      %dma_start3A_42 = arith.constant 0 : i32
      %dma_start3A_43 = arith.constant 0 : i32
      %dma_start3A_44 = tpu.memref_slice %arg7[%dma_start3A_42, %dma_start3A_43] : memref<4096x16xf32, #tpu.memory_space<vmem_shared>> -> memref<4096x16xf32, #tpu.memory_space<vmem_shared>>
      tpu.enqueue_indirect_dma source(%arg5 : memref<128x16xf32, #tpu.memory_space<vmem>>) target(%dma_start3A_44 : memref<4096x16xf32, #tpu.memory_space<vmem_shared>>) offsets(%dma_start3A_41 : memref<128xi32, #tpu.memory_space<vmem>>) semaphore(%run_scoped3A_39 : memref<!tpu.dma_semaphore, #tpu.memory_space<semaphore_mem>>) {add = true}
      %dma_wait3A = arith.constant 0 : i32
      %dma_wait3A_45 = tpu.memref_slice %arg4[%run_scoped3A_33, %dma_wait3A] : memref<16x128xi32, #tpu.memory_space<vmem>> -> memref<1x128xi32, #tpu.memory_space<vmem>>
      %dma_wait3A_46 = tpu.memref_squeeze %dma_wait3A_45 : memref<1x128xi32, #tpu.memory_space<vmem>> -> memref<128xi32, #tpu.memory_space<vmem>>
      %dma_wait3A_47 = arith.constant 0 : i32
      %dma_wait3A_48 = arith.constant 0 : i32
      %dma_wait3A_49 = tpu.memref_slice %arg7[%dma_wait3A_47, %dma_wait3A_48] : memref<4096x16xf32, #tpu.memory_space<vmem_shared>> -> memref<4096x16xf32, #tpu.memory_space<vmem_shared>>
      tpu.wait_indirect_dma semaphore(%run_scoped3A_39 : memref<!tpu.dma_semaphore, #tpu.memory_space<semaphore_mem>>) src(%arg5 : memref<128x16xf32, #tpu.memory_space<vmem>>) dst(%dma_wait3A_49 : memref<4096x16xf32, #tpu.memory_space<vmem_shared>>)
      tpu.yield
    }) : () -> ()
    %barrier3A_34 = arith.constant 0 : index
    tpu.barrier barrier_id(%barrier3A_34)
    %mul3A_35 = arith.constant 256 : i32
    %mul3A_36 = arith.muli %arg1, %mul3A_35 : i32
    %mul3A_37 = arith.constant 256 : i32
    %mul3A_38 = arith.muli %arg1, %mul3A_37 : i32
    "tpu.region"() ({
      %run_scoped3A_39 = tpu.sem_alloc : memref<!tpu.dma_semaphore, #tpu.memory_space<semaphore_mem>>
      %dma_start3A = arith.constant 0 : i32
      %dma_start3A_40 = tpu.memref_slice %arg3[%arg0, %mul3A_38, %dma_start3A] : memref<2x4096x16xf32, #tpu.memory_space<hbm>> -> memref<1x256x16xf32, #tpu.memory_space<hbm>>
      %dma_start3A_41 = tpu.memref_squeeze %dma_start3A_40 : memref<1x256x16xf32, #tpu.memory_space<hbm>> -> memref<256x16xf32, #tpu.memory_space<hbm>>
      %dma_start3A_42 = arith.constant 0 : i32
      %dma_start3A_43 = tpu.memref_slice %arg7[%mul3A_36, %dma_start3A_42] : memref<4096x16xf32, #tpu.memory_space<vmem_shared>> -> memref<256x16xf32, #tpu.memory_space<vmem_shared>>
      tpu.enqueue_dma source(%dma_start3A_43 : memref<256x16xf32, #tpu.memory_space<vmem_shared>>) target(%dma_start3A_41 : memref<256x16xf32, #tpu.memory_space<hbm>>) target_semaphore(%run_scoped3A_39 : memref<!tpu.dma_semaphore, #tpu.memory_space<semaphore_mem>>)
      %dma_wait3A = arith.constant 0 : i32
      %dma_wait3A_44 = tpu.memref_slice %arg3[%arg0, %mul3A_38, %dma_wait3A] : memref<2x4096x16xf32, #tpu.memory_space<hbm>> -> memref<1x256x16xf32, #tpu.memory_space<hbm>>
      %dma_wait3A_45 = tpu.memref_squeeze %dma_wait3A_44 : memref<1x256x16xf32, #tpu.memory_space<hbm>> -> memref<256x16xf32, #tpu.memory_space<hbm>>
      %dma_wait3A_46 = arith.constant 0 : i32
      %dma_wait3A_47 = tpu.memref_slice %arg7[%mul3A_36, %dma_wait3A_46] : memref<4096x16xf32, #tpu.memory_space<vmem_shared>> -> memref<256x16xf32, #tpu.memory_space<vmem_shared>>
      tpu.wait_dma2 semaphore(%run_scoped3A_39 : memref<!tpu.dma_semaphore, #tpu.memory_space<semaphore_mem>>) src(%dma_wait3A_47 : memref<256x16xf32, #tpu.memory_space<vmem_shared>>) dst(%dma_wait3A_45 : memref<256x16xf32, #tpu.memory_space<hbm>>)
      tpu.yield
    }) : () -> ()
    return
  }
}

#map = affine_map<(d0, d1) -> (0, 0)>
#map1 = affine_map<(d0, d1) -> (0, 0, 0)>
module attributes {stable_mosaic.version = 14 : i64} {
  func.func @agg_k(%arg0: i32, %arg1: i32, %arg2: memref<512x128xi32, #tpu.memory_space<hbm>>, %arg3: memref<512x128xi32, #tpu.memory_space<hbm>>, %arg4: memref<4096x128xf32, #tpu.memory_space<hbm>>, %arg5: memref<2x4096x128xf32, #tpu.memory_space<hbm>>, %arg6: memref<16x128xi32, #tpu.memory_space<vmem>>, %arg7: memref<16x128xi32, #tpu.memory_space<vmem>>, %arg8: memref<2x128x128xf32, #tpu.memory_space<vmem>>, %arg9: memref<128x128xf32, #tpu.memory_space<vmem>>, %arg10: memref<4096x128xf32, #tpu.memory_space<vmem_shared>>, %arg11: memref<!tpu.dma_semaphore, #tpu.memory_space<semaphore_mem>>, %arg12: memref<!tpu.dma_semaphore, #tpu.memory_space<semaphore_mem>>) attributes {dimension_semantics = [#tpu.dimension_semantics<core_parallel>, #tpu.dimension_semantics<subcore_parallel>], iteration_bounds = array<i64: 2, 16>, scalar_prefetch = 0 : i64, scratch_operands = 7 : i64, tpu.core_type = #tpu.core_type<sc_vector_subcore>, window_params = [{transform_indices = #map}, {transform_indices = #map}, {transform_indices = #map}, {transform_indices = #map1}]} {
    %mul3A = arith.constant 2 : i32
    %mul3A_0 = arith.muli %arg1, %mul3A : i32
    %add3A = arith.addi %mul3A_0, %arg0 : i32
    %broadcast_in_dim3A = arith.constant 0.000000e+00 : f32
    %broadcast_in_dim3A_1 = vector.broadcast %broadcast_in_dim3A : f32 to vector<16xf32>
    %scan3A = arith.constant 0 : i32
    %scan3A_2 = arith.constant 0 : i32
    %scan3A_3 = arith.constant 128 : i32
    %scan3A_4 = arith.addi %scan3A_2, %scan3A_3 : i32
    %scan3A_5 = arith.constant 1 : i32
    scf.for %scan3A_443 = %scan3A_2 to %scan3A_4 step %scan3A_5  : i32 {
      %swap3A = arith.index_cast %scan3A_443 : i32 to index
      %swap3A_444 = arith.constant 0 : index
      %swap3A_445 = tpu.vector_load %arg9[%swap3A, %swap3A_444] {strides = array<i32>} : memref<128x128xf32, #tpu.memory_space<vmem>>, vector<1x16xf32>,
      %swap3A_446 = vector.shape_cast %swap3A_445 : vector<1x16xf32> to vector<16xf32>
      %swap3A_447 = vector.shape_cast %broadcast_in_dim3A_1 : vector<16xf32> to vector<1x16xf32>
      tpu.vector_store %arg9[%swap3A, %swap3A_444], %swap3A_447 {strides = array<i32>} : memref<128x128xf32, #tpu.memory_space<vmem>>, vector<1x16xf32>,
      %swap3A_448 = arith.index_cast %scan3A_443 : i32 to index
      %swap3A_449 = arith.constant 16 : index
      %swap3A_450 = tpu.vector_load %arg9[%swap3A_448, %swap3A_449] {strides = array<i32>} : memref<128x128xf32, #tpu.memory_space<vmem>>, vector<1x16xf32>,
      %swap3A_451 = vector.shape_cast %swap3A_450 : vector<1x16xf32> to vector<16xf32>
      %swap3A_452 = vector.shape_cast %broadcast_in_dim3A_1 : vector<16xf32> to vector<1x16xf32>
      tpu.vector_store %arg9[%swap3A_448, %swap3A_449], %swap3A_452 {strides = array<i32>} : memref<128x128xf32, #tpu.memory_space<vmem>>, vector<1x16xf32>,
      %swap3A_453 = arith.index_cast %scan3A_443 : i32 to index
      %swap3A_454 = arith.constant 32 : index
      %swap3A_455 = tpu.vector_load %arg9[%swap3A_453, %swap3A_454] {strides = array<i32>} : memref<128x128xf32, #tpu.memory_space<vmem>>, vector<1x16xf32>,
      %swap3A_456 = vector.shape_cast %swap3A_455 : vector<1x16xf32> to vector<16xf32>
      %swap3A_457 = vector.shape_cast %broadcast_in_dim3A_1 : vector<16xf32> to vector<1x16xf32>
      tpu.vector_store %arg9[%swap3A_453, %swap3A_454], %swap3A_457 {strides = array<i32>} : memref<128x128xf32, #tpu.memory_space<vmem>>, vector<1x16xf32>,
      %swap3A_458 = arith.index_cast %scan3A_443 : i32 to index
      %swap3A_459 = arith.constant 48 : index
      %swap3A_460 = tpu.vector_load %arg9[%swap3A_458, %swap3A_459] {strides = array<i32>} : memref<128x128xf32, #tpu.memory_space<vmem>>, vector<1x16xf32>,
      %swap3A_461 = vector.shape_cast %swap3A_460 : vector<1x16xf32> to vector<16xf32>
      %swap3A_462 = vector.shape_cast %broadcast_in_dim3A_1 : vector<16xf32> to vector<1x16xf32>
      tpu.vector_store %arg9[%swap3A_458, %swap3A_459], %swap3A_462 {strides = array<i32>} : memref<128x128xf32, #tpu.memory_space<vmem>>, vector<1x16xf32>,
      %swap3A_463 = arith.index_cast %scan3A_443 : i32 to index
      %swap3A_464 = arith.constant 64 : index
      %swap3A_465 = tpu.vector_load %arg9[%swap3A_463, %swap3A_464] {strides = array<i32>} : memref<128x128xf32, #tpu.memory_space<vmem>>, vector<1x16xf32>,
      %swap3A_466 = vector.shape_cast %swap3A_465 : vector<1x16xf32> to vector<16xf32>
      %swap3A_467 = vector.shape_cast %broadcast_in_dim3A_1 : vector<16xf32> to vector<1x16xf32>
      tpu.vector_store %arg9[%swap3A_463, %swap3A_464], %swap3A_467 {strides = array<i32>} : memref<128x128xf32, #tpu.memory_space<vmem>>, vector<1x16xf32>,
      %swap3A_468 = arith.index_cast %scan3A_443 : i32 to index
      %swap3A_469 = arith.constant 80 : index
      %swap3A_470 = tpu.vector_load %arg9[%swap3A_468, %swap3A_469] {strides = array<i32>} : memref<128x128xf32, #tpu.memory_space<vmem>>, vector<1x16xf32>,
      %swap3A_471 = vector.shape_cast %swap3A_470 : vector<1x16xf32> to vector<16xf32>
      %swap3A_472 = vector.shape_cast %broadcast_in_dim3A_1 : vector<16xf32> to vector<1x16xf32>
      tpu.vector_store %arg9[%swap3A_468, %swap3A_469], %swap3A_472 {strides = array<i32>} : memref<128x128xf32, #tpu.memory_space<vmem>>, vector<1x16xf32>,
      %swap3A_473 = arith.index_cast %scan3A_443 : i32 to index
      %swap3A_474 = arith.constant 96 : index
      %swap3A_475 = tpu.vector_load %arg9[%swap3A_473, %swap3A_474] {strides = array<i32>} : memref<128x128xf32, #tpu.memory_space<vmem>>, vector<1x16xf32>,
      %swap3A_476 = vector.shape_cast %swap3A_475 : vector<1x16xf32> to vector<16xf32>
      %swap3A_477 = vector.shape_cast %broadcast_in_dim3A_1 : vector<16xf32> to vector<1x16xf32>
      tpu.vector_store %arg9[%swap3A_473, %swap3A_474], %swap3A_477 {strides = array<i32>} : memref<128x128xf32, #tpu.memory_space<vmem>>, vector<1x16xf32>,
      %swap3A_478 = arith.index_cast %scan3A_443 : i32 to index
      %swap3A_479 = arith.constant 112 : index
      %swap3A_480 = tpu.vector_load %arg9[%swap3A_478, %swap3A_479] {strides = array<i32>} : memref<128x128xf32, #tpu.memory_space<vmem>>, vector<1x16xf32>,
      %swap3A_481 = vector.shape_cast %swap3A_480 : vector<1x16xf32> to vector<16xf32>
      %swap3A_482 = vector.shape_cast %broadcast_in_dim3A_1 : vector<16xf32> to vector<1x16xf32>
      tpu.vector_store %arg9[%swap3A_478, %swap3A_479], %swap3A_482 {strides = array<i32>} : memref<128x128xf32, #tpu.memory_space<vmem>>, vector<1x16xf32>,
    }
    %scan3A_6 = arith.constant 128 : i32
    %mul3A_7 = arith.constant 256 : i32
    %mul3A_8 = arith.muli %arg1, %mul3A_7 : i32
    "tpu.region"() ({
      %run_scoped3A_443 = tpu.sem_alloc : memref<!tpu.dma_semaphore, #tpu.memory_space<semaphore_mem>>
      %dma_start3A_444 = arith.constant 0 : i32
      %dma_start3A_445 = tpu.memref_slice %arg10[%mul3A_8, %dma_start3A_444] : memref<4096x128xf32, #tpu.memory_space<vmem_shared>> -> memref<128x128xf32, #tpu.memory_space<vmem_shared>>
      %dma_start3A_446 = arith.constant 0 : i32
      %dma_start3A_447 = tpu.memref_slice %arg10[%mul3A_8, %dma_start3A_446] : memref<4096x128xf32, #tpu.memory_space<vmem_shared>> -> memref<128x128xf32, #tpu.memory_space<vmem_shared>>
      tpu.enqueue_dma source(%arg9 : memref<128x128xf32, #tpu.memory_space<vmem>>) target(%dma_start3A_447 : memref<128x128xf32, #tpu.memory_space<vmem_shared>>) target_semaphore(%run_scoped3A_443 : memref<!tpu.dma_semaphore, #tpu.memory_space<semaphore_mem>>)
      %dma_wait3A_448 = arith.constant 0 : i32
      %dma_wait3A_449 = tpu.memref_slice %arg10[%mul3A_8, %dma_wait3A_448] : memref<4096x128xf32, #tpu.memory_space<vmem_shared>> -> memref<128x128xf32, #tpu.memory_space<vmem_shared>>
      %dma_wait3A_450 = arith.constant 0 : i32
      %dma_wait3A_451 = tpu.memref_slice %arg10[%mul3A_8, %dma_wait3A_450] : memref<4096x128xf32, #tpu.memory_space<vmem_shared>> -> memref<128x128xf32, #tpu.memory_space<vmem_shared>>
      tpu.wait_dma2 semaphore(%run_scoped3A_443 : memref<!tpu.dma_semaphore, #tpu.memory_space<semaphore_mem>>) src(%arg9 : memref<128x128xf32, #tpu.memory_space<vmem>>) dst(%dma_wait3A_451 : memref<128x128xf32, #tpu.memory_space<vmem_shared>>)
      tpu.yield
    }) : () -> ()
    %mul3A_9 = arith.constant 256 : i32
    %mul3A_10 = arith.muli %arg1, %mul3A_9 : i32
    %add3A_11 = arith.constant 128 : i32
    %add3A_12 = arith.addi %mul3A_10, %add3A_11 : i32
    "tpu.region"() ({
      %run_scoped3A_443 = tpu.sem_alloc : memref<!tpu.dma_semaphore, #tpu.memory_space<semaphore_mem>>
      %dma_start3A_444 = arith.constant 0 : i32
      %dma_start3A_445 = tpu.memref_slice %arg10[%add3A_12, %dma_start3A_444] : memref<4096x128xf32, #tpu.memory_space<vmem_shared>> -> memref<128x128xf32, #tpu.memory_space<vmem_shared>>
      %dma_start3A_446 = arith.constant 0 : i32
      %dma_start3A_447 = tpu.memref_slice %arg10[%add3A_12, %dma_start3A_446] : memref<4096x128xf32, #tpu.memory_space<vmem_shared>> -> memref<128x128xf32, #tpu.memory_space<vmem_shared>>
      tpu.enqueue_dma source(%arg9 : memref<128x128xf32, #tpu.memory_space<vmem>>) target(%dma_start3A_447 : memref<128x128xf32, #tpu.memory_space<vmem_shared>>) target_semaphore(%run_scoped3A_443 : memref<!tpu.dma_semaphore, #tpu.memory_space<semaphore_mem>>)
      %dma_wait3A_448 = arith.constant 0 : i32
      %dma_wait3A_449 = tpu.memref_slice %arg10[%add3A_12, %dma_wait3A_448] : memref<4096x128xf32, #tpu.memory_space<vmem_shared>> -> memref<128x128xf32, #tpu.memory_space<vmem_shared>>
      %dma_wait3A_450 = arith.constant 0 : i32
      %dma_wait3A_451 = tpu.memref_slice %arg10[%add3A_12, %dma_wait3A_450] : memref<4096x128xf32, #tpu.memory_space<vmem_shared>> -> memref<128x128xf32, #tpu.memory_space<vmem_shared>>
      tpu.wait_dma2 semaphore(%run_scoped3A_443 : memref<!tpu.dma_semaphore, #tpu.memory_space<semaphore_mem>>) src(%arg9 : memref<128x128xf32, #tpu.memory_space<vmem>>) dst(%dma_wait3A_451 : memref<128x128xf32, #tpu.memory_space<vmem_shared>>)
      tpu.yield
    }) : () -> ()
    %mul3A_13 = arith.constant 16 : i32
    %mul3A_14 = arith.muli %add3A, %mul3A_13 : i32
    "tpu.region"() ({
      %run_scoped3A_443 = tpu.sem_alloc : memref<!tpu.dma_semaphore, #tpu.memory_space<semaphore_mem>>
      %dma_start3A_444 = arith.constant 0 : i32
      %dma_start3A_445 = tpu.memref_slice %arg2[%mul3A_14, %dma_start3A_444] : memref<512x128xi32, #tpu.memory_space<hbm>> -> memref<16x128xi32, #tpu.memory_space<hbm>>
      %dma_start3A_446 = arith.constant 0 : i32
      %dma_start3A_447 = tpu.memref_slice %arg2[%mul3A_14, %dma_start3A_446] : memref<512x128xi32, #tpu.memory_space<hbm>> -> memref<16x128xi32, #tpu.memory_space<hbm>>
      tpu.enqueue_dma source(%dma_start3A_447 : memref<16x128xi32, #tpu.memory_space<hbm>>) target(%arg6 : memref<16x128xi32, #tpu.memory_space<vmem>>) target_semaphore(%run_scoped3A_443 : memref<!tpu.dma_semaphore, #tpu.memory_space<semaphore_mem>>)
      %dma_wait3A_448 = arith.constant 0 : i32
      %dma_wait3A_449 = tpu.memref_slice %arg2[%mul3A_14, %dma_wait3A_448] : memref<512x128xi32, #tpu.memory_space<hbm>> -> memref<16x128xi32, #tpu.memory_space<hbm>>
      %dma_wait3A_450 = arith.constant 0 : i32
      %dma_wait3A_451 = tpu.memref_slice %arg2[%mul3A_14, %dma_wait3A_450] : memref<512x128xi32, #tpu.memory_space<hbm>> -> memref<16x128xi32, #tpu.memory_space<hbm>>
      tpu.wait_dma2 semaphore(%run_scoped3A_443 : memref<!tpu.dma_semaphore, #tpu.memory_space<semaphore_mem>>) src(%dma_wait3A_451 : memref<16x128xi32, #tpu.memory_space<hbm>>) dst(%arg6 : memref<16x128xi32, #tpu.memory_space<vmem>>)
      tpu.yield
    }) : () -> ()
    %mul3A_15 = arith.constant 16 : i32
    %mul3A_16 = arith.muli %add3A, %mul3A_15 : i32
    "tpu.region"() ({
      %run_scoped3A_443 = tpu.sem_alloc : memref<!tpu.dma_semaphore, #tpu.memory_space<semaphore_mem>>
      %dma_start3A_444 = arith.constant 0 : i32
      %dma_start3A_445 = tpu.memref_slice %arg3[%mul3A_16, %dma_start3A_444] : memref<512x128xi32, #tpu.memory_space<hbm>> -> memref<16x128xi32, #tpu.memory_space<hbm>>
      %dma_start3A_446 = arith.constant 0 : i32
      %dma_start3A_447 = tpu.memref_slice %arg3[%mul3A_16, %dma_start3A_446] : memref<512x128xi32, #tpu.memory_space<hbm>> -> memref<16x128xi32, #tpu.memory_space<hbm>>
      tpu.enqueue_dma source(%dma_start3A_447 : memref<16x128xi32, #tpu.memory_space<hbm>>) target(%arg7 : memref<16x128xi32, #tpu.memory_space<vmem>>) target_semaphore(%run_scoped3A_443 : memref<!tpu.dma_semaphore, #tpu.memory_space<semaphore_mem>>)
      %dma_wait3A_448 = arith.constant 0 : i32
      %dma_wait3A_449 = tpu.memref_slice %arg3[%mul3A_16, %dma_wait3A_448] : memref<512x128xi32, #tpu.memory_space<hbm>> -> memref<16x128xi32, #tpu.memory_space<hbm>>
      %dma_wait3A_450 = arith.constant 0 : i32
      %dma_wait3A_451 = tpu.memref_slice %arg3[%mul3A_16, %dma_wait3A_450] : memref<512x128xi32, #tpu.memory_space<hbm>> -> memref<16x128xi32, #tpu.memory_space<hbm>>
      tpu.wait_dma2 semaphore(%run_scoped3A_443 : memref<!tpu.dma_semaphore, #tpu.memory_space<semaphore_mem>>) src(%dma_wait3A_451 : memref<16x128xi32, #tpu.memory_space<hbm>>) dst(%arg7 : memref<16x128xi32, #tpu.memory_space<vmem>>)
      tpu.yield
    }) : () -> ()
    %barrier3A = arith.constant 0 : index
    tpu.barrier barrier_id(%barrier3A)
    %dma_start3A = arith.constant 0 : i32
    %dma_start3A_17 = arith.constant 0 : i32
    %dma_start3A_18 = arith.constant 0 : i32
    %dma_start3A_19 = arith.constant 0 : i32
    %dma_start3A_20 = tpu.memref_slice %arg8[%dma_start3A_17, %dma_start3A_18, %dma_start3A_19] : memref<2x128x128xf32, #tpu.memory_space<vmem>> -> memref<1x128x128xf32, #tpu.memory_space<vmem>>
    %dma_start3A_21 = tpu.memref_squeeze %dma_start3A_20 : memref<1x128x128xf32, #tpu.memory_space<vmem>> -> memref<128x128xf32, #tpu.memory_space<vmem>>
    %dma_start3A_22 = arith.constant 0 : i32
    %dma_start3A_23 = tpu.memref_slice %arg6[%dma_start3A, %dma_start3A_22] : memref<16x128xi32, #tpu.memory_space<vmem>> -> memref<1x128xi32, #tpu.memory_space<vmem>>
    %dma_start3A_24 = tpu.memref_squeeze %dma_start3A_23 : memref<1x128xi32, #tpu.memory_space<vmem>> -> memref<128xi32, #tpu.memory_space<vmem>>
    %dma_start3A_25 = arith.constant 0 : i32
    %dma_start3A_26 = arith.constant 0 : i32
    %dma_start3A_27 = tpu.memref_slice %arg4[%dma_start3A_25, %dma_start3A_26] : memref<4096x128xf32, #tpu.memory_space<hbm>> -> memref<4096x128xf32, #tpu.memory_space<hbm>>
    tpu.enqueue_indirect_dma source(%dma_start3A_27 : memref<4096x128xf32, #tpu.memory_space<hbm>>) target(%dma_start3A_21 : memref<128x128xf32, #tpu.memory_space<vmem>>) offsets(%dma_start3A_24 : memref<128xi32, #tpu.memory_space<vmem>>) semaphore(%arg11 : memref<!tpu.dma_semaphore, #tpu.memory_space<semaphore_mem>>)
    %dma_start3A_28 = arith.constant 1 : i32
    %dma_start3A_29 = arith.constant 1 : i32
    %dma_start3A_30 = arith.constant 0 : i32
    %dma_start3A_31 = arith.constant 0 : i32
    %dma_start3A_32 = tpu.memref_slice %arg8[%dma_start3A_29, %dma_start3A_30, %dma_start3A_31] : memref<2x128x128xf32, #tpu.memory_space<vmem>> -> memref<1x128x128xf32, #tpu.memory_space<vmem>>
    %dma_start3A_33 = tpu.memref_squeeze %dma_start3A_32 : memref<1x128x128xf32, #tpu.memory_space<vmem>> -> memref<128x128xf32, #tpu.memory_space<vmem>>
    %dma_start3A_34 = arith.constant 0 : i32
    %dma_start3A_35 = tpu.memref_slice %arg6[%dma_start3A_28, %dma_start3A_34] : memref<16x128xi32, #tpu.memory_space<vmem>> -> memref<1x128xi32, #tpu.memory_space<vmem>>
    %dma_start3A_36 = tpu.memref_squeeze %dma_start3A_35 : memref<1x128xi32, #tpu.memory_space<vmem>> -> memref<128xi32, #tpu.memory_space<vmem>>
    %dma_start3A_37 = arith.constant 0 : i32
    %dma_start3A_38 = arith.constant 0 : i32
    %dma_start3A_39 = tpu.memref_slice %arg4[%dma_start3A_37, %dma_start3A_38] : memref<4096x128xf32, #tpu.memory_space<hbm>> -> memref<4096x128xf32, #tpu.memory_space<hbm>>
    tpu.enqueue_indirect_dma source(%dma_start3A_39 : memref<4096x128xf32, #tpu.memory_space<hbm>>) target(%dma_start3A_33 : memref<128x128xf32, #tpu.memory_space<vmem>>) offsets(%dma_start3A_36 : memref<128xi32, #tpu.memory_space<vmem>>) semaphore(%arg12 : memref<!tpu.dma_semaphore, #tpu.memory_space<semaphore_mem>>)
    %dma_wait3A = arith.constant 0 : i32
    %dma_wait3A_40 = arith.constant 0 : i32
    %dma_wait3A_41 = arith.constant 0 : i32
    %dma_wait3A_42 = arith.constant 0 : i32
    %dma_wait3A_43 = tpu.memref_slice %arg8[%dma_wait3A_40, %dma_wait3A_41, %dma_wait3A_42] : memref<2x128x128xf32, #tpu.memory_space<vmem>> -> memref<1x128x128xf32, #tpu.memory_space<vmem>>
    %dma_wait3A_44 = tpu.memref_squeeze %dma_wait3A_43 : memref<1x128x128xf32, #tpu.memory_space<vmem>> -> memref<128x128xf32, #tpu.memory_space<vmem>>
    %dma_wait3A_45 = arith.constant 0 : i32
    %dma_wait3A_46 = tpu.memref_slice %arg6[%dma_wait3A, %dma_wait3A_45] : memref<16x128xi32, #tpu.memory_space<vmem>> -> memref<1x128xi32, #tpu.memory_space<vmem>>
    %dma_wait3A_47 = tpu.memref_squeeze %dma_wait3A_46 : memref<1x128xi32, #tpu.memory_space<vmem>> -> memref<128xi32, #tpu.memory_space<vmem>>
    %dma_wait3A_48 = arith.constant 0 : i32
    %dma_wait3A_49 = arith.constant 0 : i32
    %dma_wait3A_50 = tpu.memref_slice %arg4[%dma_wait3A_48, %dma_wait3A_49] : memref<4096x128xf32, #tpu.memory_space<hbm>> -> memref<4096x128xf32, #tpu.memory_space<hbm>>
    tpu.wait_indirect_dma semaphore(%arg11 : memref<!tpu.dma_semaphore, #tpu.memory_space<semaphore_mem>>) src(%dma_wait3A_50 : memref<4096x128xf32, #tpu.memory_space<hbm>>) dst(%dma_wait3A_44 : memref<128x128xf32, #tpu.memory_space<vmem>>)
    %run_scoped3A = arith.constant 0 : i32
    %run_scoped3A_51 = arith.constant 0 : i32
    "tpu.region"() ({
      %run_scoped3A_443 = tpu.sem_alloc : memref<!tpu.dma_semaphore, #tpu.memory_space<semaphore_mem>>
      %dma_start3A_444 = arith.constant 0 : i32
      %dma_start3A_445 = arith.constant 0 : i32
      %dma_start3A_446 = tpu.memref_slice %arg8[%run_scoped3A, %dma_start3A_444, %dma_start3A_445] : memref<2x128x128xf32, #tpu.memory_space<vmem>> -> memref<1x128x128xf32, #tpu.memory_space<vmem>>
      %dma_start3A_447 = tpu.memref_squeeze %dma_start3A_446 : memref<1x128x128xf32, #tpu.memory_space<vmem>> -> memref<128x128xf32, #tpu.memory_space<vmem>>
      %dma_start3A_448 = arith.constant 0 : i32
      %dma_start3A_449 = tpu.memref_slice %arg7[%run_scoped3A_51, %dma_start3A_448] : memref<16x128xi32, #tpu.memory_space<vmem>> -> memref<1x128xi32, #tpu.memory_space<vmem>>
      %dma_start3A_450 = tpu.memref_squeeze %dma_start3A_449 : memref<1x128xi32, #tpu.memory_space<vmem>> -> memref<128xi32, #tpu.memory_space<vmem>>
      %dma_start3A_451 = arith.constant 0 : i32
      %dma_start3A_452 = arith.constant 0 : i32
      %dma_start3A_453 = tpu.memref_slice %arg10[%dma_start3A_451, %dma_start3A_452] : memref<4096x128xf32, #tpu.memory_space<vmem_shared>> -> memref<4096x128xf32, #tpu.memory_space<vmem_shared>>
      tpu.enqueue_indirect_dma source(%dma_start3A_447 : memref<128x128xf32, #tpu.memory_space<vmem>>) target(%dma_start3A_453 : memref<4096x128xf32, #tpu.memory_space<vmem_shared>>) offsets(%dma_start3A_450 : memref<128xi32, #tpu.memory_space<vmem>>) semaphore(%run_scoped3A_443 : memref<!tpu.dma_semaphore, #tpu.memory_space<semaphore_mem>>) {add = true}
      %dma_wait3A_454 = arith.constant 0 : i32
      %dma_wait3A_455 = arith.constant 0 : i32
      %dma_wait3A_456 = tpu.memref_slice %arg8[%run_scoped3A, %dma_wait3A_454, %dma_wait3A_455] : memref<2x128x128xf32, #tpu.memory_space<vmem>> -> memref<1x128x128xf32, #tpu.memory_space<vmem>>
      %dma_wait3A_457 = tpu.memref_squeeze %dma_wait3A_456 : memref<1x128x128xf32, #tpu.memory_space<vmem>> -> memref<128x128xf32, #tpu.memory_space<vmem>>
      %dma_wait3A_458 = arith.constant 0 : i32
      %dma_wait3A_459 = tpu.memref_slice %arg7[%run_scoped3A_51, %dma_wait3A_458] : memref<16x128xi32, #tpu.memory_space<vmem>> -> memref<1x128xi32, #tpu.memory_space<vmem>>
      %dma_wait3A_460 = tpu.memref_squeeze %dma_wait3A_459 : memref<1x128xi32, #tpu.memory_space<vmem>> -> memref<128xi32, #tpu.memory_space<vmem>>
      %dma_wait3A_461 = arith.constant 0 : i32
      %dma_wait3A_462 = arith.constant 0 : i32
      %dma_wait3A_463 = tpu.memref_slice %arg10[%dma_wait3A_461, %dma_wait3A_462] : memref<4096x128xf32, #tpu.memory_space<vmem_shared>> -> memref<4096x128xf32, #tpu.memory_space<vmem_shared>>
      tpu.wait_indirect_dma semaphore(%run_scoped3A_443 : memref<!tpu.dma_semaphore, #tpu.memory_space<semaphore_mem>>) src(%dma_wait3A_457 : memref<128x128xf32, #tpu.memory_space<vmem>>) dst(%dma_wait3A_463 : memref<4096x128xf32, #tpu.memory_space<vmem_shared>>)
      tpu.yield
    }) : () -> ()
    %dma_start3A_52 = arith.constant 2 : i32
    %dma_start3A_53 = arith.constant 0 : i32
    %dma_start3A_54 = arith.constant 0 : i32
    %dma_start3A_55 = arith.constant 0 : i32
    %dma_start3A_56 = tpu.memref_slice %arg8[%dma_start3A_53, %dma_start3A_54, %dma_start3A_55] : memref<2x128x128xf32, #tpu.memory_space<vmem>> -> memref<1x128x128xf32, #tpu.memory_space<vmem>>
    %dma_start3A_57 = tpu.memref_squeeze %dma_start3A_56 : memref<1x128x128xf32, #tpu.memory_space<vmem>> -> memref<128x128xf32, #tpu.memory_space<vmem>>
    %dma_start3A_58 = arith.constant 0 : i32
    %dma_start3A_59 = tpu.memref_slice %arg6[%dma_start3A_52, %dma_start3A_58] : memref<16x128xi32, #tpu.memory_space<vmem>> -> memref<1x128xi32, #tpu.memory_space<vmem>>
    %dma_start3A_60 = tpu.memref_squeeze %dma_start3A_59 : memref<1x128xi32, #tpu.memory_space<vmem>> -> memref<128xi32, #tpu.memory_space<vmem>>
    %dma_start3A_61 = arith.constant 0 : i32
    %dma_start3A_62 = arith.constant 0 : i32
    %dma_start3A_63 = tpu.memref_slice %arg4[%dma_start3A_61, %dma_start3A_62] : memref<4096x128xf32, #tpu.memory_space<hbm>> -> memref<4096x128xf32, #tpu.memory_space<hbm>>
    tpu.enqueue_indirect_dma source(%dma_start3A_63 : memref<4096x128xf32, #tpu.memory_space<hbm>>) target(%dma_start3A_57 : memref<128x128xf32, #tpu.memory_space<vmem>>) offsets(%dma_start3A_60 : memref<128xi32, #tpu.memory_space<vmem>>) semaphore(%arg11 : memref<!tpu.dma_semaphore, #tpu.memory_space<semaphore_mem>>)
    %dma_wait3A_64 = arith.constant 1 : i32
    %dma_wait3A_65 = arith.constant 1 : i32
    %dma_wait3A_66 = arith.constant 0 : i32
    %dma_wait3A_67 = arith.constant 0 : i32
    %dma_wait3A_68 = tpu.memref_slice %arg8[%dma_wait3A_65, %dma_wait3A_66, %dma_wait3A_67] : memref<2x128x128xf32, #tpu.memory_space<vmem>> -> memref<1x128x128xf32, #tpu.memory_space<vmem>>
    %dma_wait3A_69 = tpu.memref_squeeze %dma_wait3A_68 : memref<1x128x128xf32, #tpu.memory_space<vmem>> -> memref<128x128xf32, #tpu.memory_space<vmem>>
    %dma_wait3A_70 = arith.constant 0 : i32
    %dma_wait3A_71 = tpu.memref_slice %arg6[%dma_wait3A_64, %dma_wait3A_70] : memref<16x128xi32, #tpu.memory_space<vmem>> -> memref<1x128xi32, #tpu.memory_space<vmem>>
    %dma_wait3A_72 = tpu.memref_squeeze %dma_wait3A_71 : memref<1x128xi32, #tpu.memory_space<vmem>> -> memref<128xi32, #tpu.memory_space<vmem>>
    %dma_wait3A_73 = arith.constant 0 : i32
    %dma_wait3A_74 = arith.constant 0 : i32
    %dma_wait3A_75 = tpu.memref_slice %arg4[%dma_wait3A_73, %dma_wait3A_74] : memref<4096x128xf32, #tpu.memory_space<hbm>> -> memref<4096x128xf32, #tpu.memory_space<hbm>>
    tpu.wait_indirect_dma semaphore(%arg12 : memref<!tpu.dma_semaphore, #tpu.memory_space<semaphore_mem>>) src(%dma_wait3A_75 : memref<4096x128xf32, #tpu.memory_space<hbm>>) dst(%dma_wait3A_69 : memref<128x128xf32, #tpu.memory_space<vmem>>)
    %run_scoped3A_76 = arith.constant 1 : i32
    %run_scoped3A_77 = arith.constant 1 : i32
    "tpu.region"() ({
      %run_scoped3A_443 = tpu.sem_alloc : memref<!tpu.dma_semaphore, #tpu.memory_space<semaphore_mem>>
      %dma_start3A_444 = arith.constant 0 : i32
      %dma_start3A_445 = arith.constant 0 : i32
      %dma_start3A_446 = tpu.memref_slice %arg8[%run_scoped3A_76, %dma_start3A_444, %dma_start3A_445] : memref<2x128x128xf32, #tpu.memory_space<vmem>> -> memref<1x128x128xf32, #tpu.memory_space<vmem>>
      %dma_start3A_447 = tpu.memref_squeeze %dma_start3A_446 : memref<1x128x128xf32, #tpu.memory_space<vmem>> -> memref<128x128xf32, #tpu.memory_space<vmem>>
      %dma_start3A_448 = arith.constant 0 : i32
      %dma_start3A_449 = tpu.memref_slice %arg7[%run_scoped3A_77, %dma_start3A_448] : memref<16x128xi32, #tpu.memory_space<vmem>> -> memref<1x128xi32, #tpu.memory_space<vmem>>
      %dma_start3A_450 = tpu.memref_squeeze %dma_start3A_449 : memref<1x128xi32, #tpu.memory_space<vmem>> -> memref<128xi32, #tpu.memory_space<vmem>>
      %dma_start3A_451 = arith.constant 0 : i32
      %dma_start3A_452 = arith.constant 0 : i32
      %dma_start3A_453 = tpu.memref_slice %arg10[%dma_start3A_451, %dma_start3A_452] : memref<4096x128xf32, #tpu.memory_space<vmem_shared>> -> memref<4096x128xf32, #tpu.memory_space<vmem_shared>>
      tpu.enqueue_indirect_dma source(%dma_start3A_447 : memref<128x128xf32, #tpu.memory_space<vmem>>) target(%dma_start3A_453 : memref<4096x128xf32, #tpu.memory_space<vmem_shared>>) offsets(%dma_start3A_450 : memref<128xi32, #tpu.memory_space<vmem>>) semaphore(%run_scoped3A_443 : memref<!tpu.dma_semaphore, #tpu.memory_space<semaphore_mem>>) {add = true}
      %dma_wait3A_454 = arith.constant 0 : i32
      %dma_wait3A_455 = arith.constant 0 : i32
      %dma_wait3A_456 = tpu.memref_slice %arg8[%run_scoped3A_76, %dma_wait3A_454, %dma_wait3A_455] : memref<2x128x128xf32, #tpu.memory_space<vmem>> -> memref<1x128x128xf32, #tpu.memory_space<vmem>>
      %dma_wait3A_457 = tpu.memref_squeeze %dma_wait3A_456 : memref<1x128x128xf32, #tpu.memory_space<vmem>> -> memref<128x128xf32, #tpu.memory_space<vmem>>
      %dma_wait3A_458 = arith.constant 0 : i32
      %dma_wait3A_459 = tpu.memref_slice %arg7[%run_scoped3A_77, %dma_wait3A_458] : memref<16x128xi32, #tpu.memory_space<vmem>> -> memref<1x128xi32, #tpu.memory_space<vmem>>
      %dma_wait3A_460 = tpu.memref_squeeze %dma_wait3A_459 : memref<1x128xi32, #tpu.memory_space<vmem>> -> memref<128xi32, #tpu.memory_space<vmem>>
      %dma_wait3A_461 = arith.constant 0 : i32
      %dma_wait3A_462 = arith.constant 0 : i32
      %dma_wait3A_463 = tpu.memref_slice %arg10[%dma_wait3A_461, %dma_wait3A_462] : memref<4096x128xf32, #tpu.memory_space<vmem_shared>> -> memref<4096x128xf32, #tpu.memory_space<vmem_shared>>
      tpu.wait_indirect_dma semaphore(%run_scoped3A_443 : memref<!tpu.dma_semaphore, #tpu.memory_space<semaphore_mem>>) src(%dma_wait3A_457 : memref<128x128xf32, #tpu.memory_space<vmem>>) dst(%dma_wait3A_463 : memref<4096x128xf32, #tpu.memory_space<vmem_shared>>)
      tpu.yield
    }) : () -> ()
    %dma_start3A_78 = arith.constant 3 : i32
    %dma_start3A_79 = arith.constant 1 : i32
    %dma_start3A_80 = arith.constant 0 : i32
    %dma_start3A_81 = arith.constant 0 : i32
    %dma_start3A_82 = tpu.memref_slice %arg8[%dma_start3A_79, %dma_start3A_80, %dma_start3A_81] : memref<2x128x128xf32, #tpu.memory_space<vmem>> -> memref<1x128x128xf32, #tpu.memory_space<vmem>>
    %dma_start3A_83 = tpu.memref_squeeze %dma_start3A_82 : memref<1x128x128xf32, #tpu.memory_space<vmem>> -> memref<128x128xf32, #tpu.memory_space<vmem>>
    %dma_start3A_84 = arith.constant 0 : i32
    %dma_start3A_85 = tpu.memref_slice %arg6[%dma_start3A_78, %dma_start3A_84] : memref<16x128xi32, #tpu.memory_space<vmem>> -> memref<1x128xi32, #tpu.memory_space<vmem>>
    %dma_start3A_86 = tpu.memref_squeeze %dma_start3A_85 : memref<1x128xi32, #tpu.memory_space<vmem>> -> memref<128xi32, #tpu.memory_space<vmem>>
    %dma_start3A_87 = arith.constant 0 : i32
    %dma_start3A_88 = arith.constant 0 : i32
    %dma_start3A_89 = tpu.memref_slice %arg4[%dma_start3A_87, %dma_start3A_88] : memref<4096x128xf32, #tpu.memory_space<hbm>> -> memref<4096x128xf32, #tpu.memory_space<hbm>>
    tpu.enqueue_indirect_dma source(%dma_start3A_89 : memref<4096x128xf32, #tpu.memory_space<hbm>>) target(%dma_start3A_83 : memref<128x128xf32, #tpu.memory_space<vmem>>) offsets(%dma_start3A_86 : memref<128xi32, #tpu.memory_space<vmem>>) semaphore(%arg12 : memref<!tpu.dma_semaphore, #tpu.memory_space<semaphore_mem>>)
    %dma_wait3A_90 = arith.constant 2 : i32
    %dma_wait3A_91 = arith.constant 0 : i32
    %dma_wait3A_92 = arith.constant 0 : i32
    %dma_wait3A_93 = arith.constant 0 : i32
    %dma_wait3A_94 = tpu.memref_slice %arg8[%dma_wait3A_91, %dma_wait3A_92, %dma_wait3A_93] : memref<2x128x128xf32, #tpu.memory_space<vmem>> -> memref<1x128x128xf32, #tpu.memory_space<vmem>>
    %dma_wait3A_95 = tpu.memref_squeeze %dma_wait3A_94 : memref<1x128x128xf32, #tpu.memory_space<vmem>> -> memref<128x128xf32, #tpu.memory_space<vmem>>
    %dma_wait3A_96 = arith.constant 0 : i32
    %dma_wait3A_97 = tpu.memref_slice %arg6[%dma_wait3A_90, %dma_wait3A_96] : memref<16x128xi32, #tpu.memory_space<vmem>> -> memref<1x128xi32, #tpu.memory_space<vmem>>
    %dma_wait3A_98 = tpu.memref_squeeze %dma_wait3A_97 : memref<1x128xi32, #tpu.memory_space<vmem>> -> memref<128xi32, #tpu.memory_space<vmem>>
    %dma_wait3A_99 = arith.constant 0 : i32
    %dma_wait3A_100 = arith.constant 0 : i32
    %dma_wait3A_101 = tpu.memref_slice %arg4[%dma_wait3A_99, %dma_wait3A_100] : memref<4096x128xf32, #tpu.memory_space<hbm>> -> memref<4096x128xf32, #tpu.memory_space<hbm>>
    tpu.wait_indirect_dma semaphore(%arg11 : memref<!tpu.dma_semaphore, #tpu.memory_space<semaphore_mem>>) src(%dma_wait3A_101 : memref<4096x128xf32, #tpu.memory_space<hbm>>) dst(%dma_wait3A_95 : memref<128x128xf32, #tpu.memory_space<vmem>>)
    %run_scoped3A_102 = arith.constant 0 : i32
    %run_scoped3A_103 = arith.constant 2 : i32
    "tpu.region"() ({
      %run_scoped3A_443 = tpu.sem_alloc : memref<!tpu.dma_semaphore, #tpu.memory_space<semaphore_mem>>
      %dma_start3A_444 = arith.constant 0 : i32
      %dma_start3A_445 = arith.constant 0 : i32
      %dma_start3A_446 = tpu.memref_slice %arg8[%run_scoped3A_102, %dma_start3A_444, %dma_start3A_445] : memref<2x128x128xf32, #tpu.memory_space<vmem>> -> memref<1x128x128xf32, #tpu.memory_space<vmem>>
      %dma_start3A_447 = tpu.memref_squeeze %dma_start3A_446 : memref<1x128x128xf32, #tpu.memory_space<vmem>> -> memref<128x128xf32, #tpu.memory_space<vmem>>
      %dma_start3A_448 = arith.constant 0 : i32
      %dma_start3A_449 = tpu.memref_slice %arg7[%run_scoped3A_103, %dma_start3A_448] : memref<16x128xi32, #tpu.memory_space<vmem>> -> memref<1x128xi32, #tpu.memory_space<vmem>>
      %dma_start3A_450 = tpu.memref_squeeze %dma_start3A_449 : memref<1x128xi32, #tpu.memory_space<vmem>> -> memref<128xi32, #tpu.memory_space<vmem>>
      %dma_start3A_451 = arith.constant 0 : i32
      %dma_start3A_452 = arith.constant 0 : i32
      %dma_start3A_453 = tpu.memref_slice %arg10[%dma_start3A_451, %dma_start3A_452] : memref<4096x128xf32, #tpu.memory_space<vmem_shared>> -> memref<4096x128xf32, #tpu.memory_space<vmem_shared>>
      tpu.enqueue_indirect_dma source(%dma_start3A_447 : memref<128x128xf32, #tpu.memory_space<vmem>>) target(%dma_start3A_453 : memref<4096x128xf32, #tpu.memory_space<vmem_shared>>) offsets(%dma_start3A_450 : memref<128xi32, #tpu.memory_space<vmem>>) semaphore(%run_scoped3A_443 : memref<!tpu.dma_semaphore, #tpu.memory_space<semaphore_mem>>) {add = true}
      %dma_wait3A_454 = arith.constant 0 : i32
      %dma_wait3A_455 = arith.constant 0 : i32
      %dma_wait3A_456 = tpu.memref_slice %arg8[%run_scoped3A_102, %dma_wait3A_454, %dma_wait3A_455] : memref<2x128x128xf32, #tpu.memory_space<vmem>> -> memref<1x128x128xf32, #tpu.memory_space<vmem>>
      %dma_wait3A_457 = tpu.memref_squeeze %dma_wait3A_456 : memref<1x128x128xf32, #tpu.memory_space<vmem>> -> memref<128x128xf32, #tpu.memory_space<vmem>>
      %dma_wait3A_458 = arith.constant 0 : i32
      %dma_wait3A_459 = tpu.memref_slice %arg7[%run_scoped3A_103, %dma_wait3A_458] : memref<16x128xi32, #tpu.memory_space<vmem>> -> memref<1x128xi32, #tpu.memory_space<vmem>>
      %dma_wait3A_460 = tpu.memref_squeeze %dma_wait3A_459 : memref<1x128xi32, #tpu.memory_space<vmem>> -> memref<128xi32, #tpu.memory_space<vmem>>
      %dma_wait3A_461 = arith.constant 0 : i32
      %dma_wait3A_462 = arith.constant 0 : i32
      %dma_wait3A_463 = tpu.memref_slice %arg10[%dma_wait3A_461, %dma_wait3A_462] : memref<4096x128xf32, #tpu.memory_space<vmem_shared>> -> memref<4096x128xf32, #tpu.memory_space<vmem_shared>>
      tpu.wait_indirect_dma semaphore(%run_scoped3A_443 : memref<!tpu.dma_semaphore, #tpu.memory_space<semaphore_mem>>) src(%dma_wait3A_457 : memref<128x128xf32, #tpu.memory_space<vmem>>) dst(%dma_wait3A_463 : memref<4096x128xf32, #tpu.memory_space<vmem_shared>>)
      tpu.yield
    }) : () -> ()
    %dma_start3A_104 = arith.constant 4 : i32
    %dma_start3A_105 = arith.constant 0 : i32
    %dma_start3A_106 = arith.constant 0 : i32
    %dma_start3A_107 = arith.constant 0 : i32
    %dma_start3A_108 = tpu.memref_slice %arg8[%dma_start3A_105, %dma_start3A_106, %dma_start3A_107] : memref<2x128x128xf32, #tpu.memory_space<vmem>> -> memref<1x128x128xf32, #tpu.memory_space<vmem>>
    %dma_start3A_109 = tpu.memref_squeeze %dma_start3A_108 : memref<1x128x128xf32, #tpu.memory_space<vmem>> -> memref<128x128xf32, #tpu.memory_space<vmem>>
    %dma_start3A_110 = arith.constant 0 : i32
    %dma_start3A_111 = tpu.memref_slice %arg6[%dma_start3A_104, %dma_start3A_110] : memref<16x128xi32, #tpu.memory_space<vmem>> -> memref<1x128xi32, #tpu.memory_space<vmem>>
    %dma_start3A_112 = tpu.memref_squeeze %dma_start3A_111 : memref<1x128xi32, #tpu.memory_space<vmem>> -> memref<128xi32, #tpu.memory_space<vmem>>
    %dma_start3A_113 = arith.constant 0 : i32
    %dma_start3A_114 = arith.constant 0 : i32
    %dma_start3A_115 = tpu.memref_slice %arg4[%dma_start3A_113, %dma_start3A_114] : memref<4096x128xf32, #tpu.memory_space<hbm>> -> memref<4096x128xf32, #tpu.memory_space<hbm>>
    tpu.enqueue_indirect_dma source(%dma_start3A_115 : memref<4096x128xf32, #tpu.memory_space<hbm>>) target(%dma_start3A_109 : memref<128x128xf32, #tpu.memory_space<vmem>>) offsets(%dma_start3A_112 : memref<128xi32, #tpu.memory_space<vmem>>) semaphore(%arg11 : memref<!tpu.dma_semaphore, #tpu.memory_space<semaphore_mem>>)
    %dma_wait3A_116 = arith.constant 3 : i32
    %dma_wait3A_117 = arith.constant 1 : i32
    %dma_wait3A_118 = arith.constant 0 : i32
    %dma_wait3A_119 = arith.constant 0 : i32
    %dma_wait3A_120 = tpu.memref_slice %arg8[%dma_wait3A_117, %dma_wait3A_118, %dma_wait3A_119] : memref<2x128x128xf32, #tpu.memory_space<vmem>> -> memref<1x128x128xf32, #tpu.memory_space<vmem>>
    %dma_wait3A_121 = tpu.memref_squeeze %dma_wait3A_120 : memref<1x128x128xf32, #tpu.memory_space<vmem>> -> memref<128x128xf32, #tpu.memory_space<vmem>>
    %dma_wait3A_122 = arith.constant 0 : i32
    %dma_wait3A_123 = tpu.memref_slice %arg6[%dma_wait3A_116, %dma_wait3A_122] : memref<16x128xi32, #tpu.memory_space<vmem>> -> memref<1x128xi32, #tpu.memory_space<vmem>>
    %dma_wait3A_124 = tpu.memref_squeeze %dma_wait3A_123 : memref<1x128xi32, #tpu.memory_space<vmem>> -> memref<128xi32, #tpu.memory_space<vmem>>
    %dma_wait3A_125 = arith.constant 0 : i32
    %dma_wait3A_126 = arith.constant 0 : i32
    %dma_wait3A_127 = tpu.memref_slice %arg4[%dma_wait3A_125, %dma_wait3A_126] : memref<4096x128xf32, #tpu.memory_space<hbm>> -> memref<4096x128xf32, #tpu.memory_space<hbm>>
    tpu.wait_indirect_dma semaphore(%arg12 : memref<!tpu.dma_semaphore, #tpu.memory_space<semaphore_mem>>) src(%dma_wait3A_127 : memref<4096x128xf32, #tpu.memory_space<hbm>>) dst(%dma_wait3A_121 : memref<128x128xf32, #tpu.memory_space<vmem>>)
    %run_scoped3A_128 = arith.constant 1 : i32
    %run_scoped3A_129 = arith.constant 3 : i32
    "tpu.region"() ({
      %run_scoped3A_443 = tpu.sem_alloc : memref<!tpu.dma_semaphore, #tpu.memory_space<semaphore_mem>>
      %dma_start3A_444 = arith.constant 0 : i32
      %dma_start3A_445 = arith.constant 0 : i32
      %dma_start3A_446 = tpu.memref_slice %arg8[%run_scoped3A_128, %dma_start3A_444, %dma_start3A_445] : memref<2x128x128xf32, #tpu.memory_space<vmem>> -> memref<1x128x128xf32, #tpu.memory_space<vmem>>
      %dma_start3A_447 = tpu.memref_squeeze %dma_start3A_446 : memref<1x128x128xf32, #tpu.memory_space<vmem>> -> memref<128x128xf32, #tpu.memory_space<vmem>>
      %dma_start3A_448 = arith.constant 0 : i32
      %dma_start3A_449 = tpu.memref_slice %arg7[%run_scoped3A_129, %dma_start3A_448] : memref<16x128xi32, #tpu.memory_space<vmem>> -> memref<1x128xi32, #tpu.memory_space<vmem>>
      %dma_start3A_450 = tpu.memref_squeeze %dma_start3A_449 : memref<1x128xi32, #tpu.memory_space<vmem>> -> memref<128xi32, #tpu.memory_space<vmem>>
      %dma_start3A_451 = arith.constant 0 : i32
      %dma_start3A_452 = arith.constant 0 : i32
      %dma_start3A_453 = tpu.memref_slice %arg10[%dma_start3A_451, %dma_start3A_452] : memref<4096x128xf32, #tpu.memory_space<vmem_shared>> -> memref<4096x128xf32, #tpu.memory_space<vmem_shared>>
      tpu.enqueue_indirect_dma source(%dma_start3A_447 : memref<128x128xf32, #tpu.memory_space<vmem>>) target(%dma_start3A_453 : memref<4096x128xf32, #tpu.memory_space<vmem_shared>>) offsets(%dma_start3A_450 : memref<128xi32, #tpu.memory_space<vmem>>) semaphore(%run_scoped3A_443 : memref<!tpu.dma_semaphore, #tpu.memory_space<semaphore_mem>>) {add = true}
      %dma_wait3A_454 = arith.constant 0 : i32
      %dma_wait3A_455 = arith.constant 0 : i32
      %dma_wait3A_456 = tpu.memref_slice %arg8[%run_scoped3A_128, %dma_wait3A_454, %dma_wait3A_455] : memref<2x128x128xf32, #tpu.memory_space<vmem>> -> memref<1x128x128xf32, #tpu.memory_space<vmem>>
      %dma_wait3A_457 = tpu.memref_squeeze %dma_wait3A_456 : memref<1x128x128xf32, #tpu.memory_space<vmem>> -> memref<128x128xf32, #tpu.memory_space<vmem>>
      %dma_wait3A_458 = arith.constant 0 : i32
      %dma_wait3A_459 = tpu.memref_slice %arg7[%run_scoped3A_129, %dma_wait3A_458] : memref<16x128xi32, #tpu.memory_space<vmem>> -> memref<1x128xi32, #tpu.memory_space<vmem>>
      %dma_wait3A_460 = tpu.memref_squeeze %dma_wait3A_459 : memref<1x128xi32, #tpu.memory_space<vmem>> -> memref<128xi32, #tpu.memory_space<vmem>>
      %dma_wait3A_461 = arith.constant 0 : i32
      %dma_wait3A_462 = arith.constant 0 : i32
      %dma_wait3A_463 = tpu.memref_slice %arg10[%dma_wait3A_461, %dma_wait3A_462] : memref<4096x128xf32, #tpu.memory_space<vmem_shared>> -> memref<4096x128xf32, #tpu.memory_space<vmem_shared>>
      tpu.wait_indirect_dma semaphore(%run_scoped3A_443 : memref<!tpu.dma_semaphore, #tpu.memory_space<semaphore_mem>>) src(%dma_wait3A_457 : memref<128x128xf32, #tpu.memory_space<vmem>>) dst(%dma_wait3A_463 : memref<4096x128xf32, #tpu.memory_space<vmem_shared>>)
      tpu.yield
    }) : () -> ()
    %dma_start3A_130 = arith.constant 5 : i32
    %dma_start3A_131 = arith.constant 1 : i32
    %dma_start3A_132 = arith.constant 0 : i32
    %dma_start3A_133 = arith.constant 0 : i32
    %dma_start3A_134 = tpu.memref_slice %arg8[%dma_start3A_131, %dma_start3A_132, %dma_start3A_133] : memref<2x128x128xf32, #tpu.memory_space<vmem>> -> memref<1x128x128xf32, #tpu.memory_space<vmem>>
    %dma_start3A_135 = tpu.memref_squeeze %dma_start3A_134 : memref<1x128x128xf32, #tpu.memory_space<vmem>> -> memref<128x128xf32, #tpu.memory_space<vmem>>
    %dma_start3A_136 = arith.constant 0 : i32
    %dma_start3A_137 = tpu.memref_slice %arg6[%dma_start3A_130, %dma_start3A_136] : memref<16x128xi32, #tpu.memory_space<vmem>> -> memref<1x128xi32, #tpu.memory_space<vmem>>
    %dma_start3A_138 = tpu.memref_squeeze %dma_start3A_137 : memref<1x128xi32, #tpu.memory_space<vmem>> -> memref<128xi32, #tpu.memory_space<vmem>>
    %dma_start3A_139 = arith.constant 0 : i32
    %dma_start3A_140 = arith.constant 0 : i32
    %dma_start3A_141 = tpu.memref_slice %arg4[%dma_start3A_139, %dma_start3A_140] : memref<4096x128xf32, #tpu.memory_space<hbm>> -> memref<4096x128xf32, #tpu.memory_space<hbm>>
    tpu.enqueue_indirect_dma source(%dma_start3A_141 : memref<4096x128xf32, #tpu.memory_space<hbm>>) target(%dma_start3A_135 : memref<128x128xf32, #tpu.memory_space<vmem>>) offsets(%dma_start3A_138 : memref<128xi32, #tpu.memory_space<vmem>>) semaphore(%arg12 : memref<!tpu.dma_semaphore, #tpu.memory_space<semaphore_mem>>)
    %dma_wait3A_142 = arith.constant 4 : i32
    %dma_wait3A_143 = arith.constant 0 : i32
    %dma_wait3A_144 = arith.constant 0 : i32
    %dma_wait3A_145 = arith.constant 0 : i32
    %dma_wait3A_146 = tpu.memref_slice %arg8[%dma_wait3A_143, %dma_wait3A_144, %dma_wait3A_145] : memref<2x128x128xf32, #tpu.memory_space<vmem>> -> memref<1x128x128xf32, #tpu.memory_space<vmem>>
    %dma_wait3A_147 = tpu.memref_squeeze %dma_wait3A_146 : memref<1x128x128xf32, #tpu.memory_space<vmem>> -> memref<128x128xf32, #tpu.memory_space<vmem>>
    %dma_wait3A_148 = arith.constant 0 : i32
    %dma_wait3A_149 = tpu.memref_slice %arg6[%dma_wait3A_142, %dma_wait3A_148] : memref<16x128xi32, #tpu.memory_space<vmem>> -> memref<1x128xi32, #tpu.memory_space<vmem>>
    %dma_wait3A_150 = tpu.memref_squeeze %dma_wait3A_149 : memref<1x128xi32, #tpu.memory_space<vmem>> -> memref<128xi32, #tpu.memory_space<vmem>>
    %dma_wait3A_151 = arith.constant 0 : i32
    %dma_wait3A_152 = arith.constant 0 : i32
    %dma_wait3A_153 = tpu.memref_slice %arg4[%dma_wait3A_151, %dma_wait3A_152] : memref<4096x128xf32, #tpu.memory_space<hbm>> -> memref<4096x128xf32, #tpu.memory_space<hbm>>
    tpu.wait_indirect_dma semaphore(%arg11 : memref<!tpu.dma_semaphore, #tpu.memory_space<semaphore_mem>>) src(%dma_wait3A_153 : memref<4096x128xf32, #tpu.memory_space<hbm>>) dst(%dma_wait3A_147 : memref<128x128xf32, #tpu.memory_space<vmem>>)
    %run_scoped3A_154 = arith.constant 0 : i32
    %run_scoped3A_155 = arith.constant 4 : i32
    "tpu.region"() ({
      %run_scoped3A_443 = tpu.sem_alloc : memref<!tpu.dma_semaphore, #tpu.memory_space<semaphore_mem>>
      %dma_start3A_444 = arith.constant 0 : i32
      %dma_start3A_445 = arith.constant 0 : i32
      %dma_start3A_446 = tpu.memref_slice %arg8[%run_scoped3A_154, %dma_start3A_444, %dma_start3A_445] : memref<2x128x128xf32, #tpu.memory_space<vmem>> -> memref<1x128x128xf32, #tpu.memory_space<vmem>>
      %dma_start3A_447 = tpu.memref_squeeze %dma_start3A_446 : memref<1x128x128xf32, #tpu.memory_space<vmem>> -> memref<128x128xf32, #tpu.memory_space<vmem>>
      %dma_start3A_448 = arith.constant 0 : i32
      %dma_start3A_449 = tpu.memref_slice %arg7[%run_scoped3A_155, %dma_start3A_448] : memref<16x128xi32, #tpu.memory_space<vmem>> -> memref<1x128xi32, #tpu.memory_space<vmem>>
      %dma_start3A_450 = tpu.memref_squeeze %dma_start3A_449 : memref<1x128xi32, #tpu.memory_space<vmem>> -> memref<128xi32, #tpu.memory_space<vmem>>
      %dma_start3A_451 = arith.constant 0 : i32
      %dma_start3A_452 = arith.constant 0 : i32
      %dma_start3A_453 = tpu.memref_slice %arg10[%dma_start3A_451, %dma_start3A_452] : memref<4096x128xf32, #tpu.memory_space<vmem_shared>> -> memref<4096x128xf32, #tpu.memory_space<vmem_shared>>
      tpu.enqueue_indirect_dma source(%dma_start3A_447 : memref<128x128xf32, #tpu.memory_space<vmem>>) target(%dma_start3A_453 : memref<4096x128xf32, #tpu.memory_space<vmem_shared>>) offsets(%dma_start3A_450 : memref<128xi32, #tpu.memory_space<vmem>>) semaphore(%run_scoped3A_443 : memref<!tpu.dma_semaphore, #tpu.memory_space<semaphore_mem>>) {add = true}
      %dma_wait3A_454 = arith.constant 0 : i32
      %dma_wait3A_455 = arith.constant 0 : i32
      %dma_wait3A_456 = tpu.memref_slice %arg8[%run_scoped3A_154, %dma_wait3A_454, %dma_wait3A_455] : memref<2x128x128xf32, #tpu.memory_space<vmem>> -> memref<1x128x128xf32, #tpu.memory_space<vmem>>
      %dma_wait3A_457 = tpu.memref_squeeze %dma_wait3A_456 : memref<1x128x128xf32, #tpu.memory_space<vmem>> -> memref<128x128xf32, #tpu.memory_space<vmem>>
      %dma_wait3A_458 = arith.constant 0 : i32
      %dma_wait3A_459 = tpu.memref_slice %arg7[%run_scoped3A_155, %dma_wait3A_458] : memref<16x128xi32, #tpu.memory_space<vmem>> -> memref<1x128xi32, #tpu.memory_space<vmem>>
      %dma_wait3A_460 = tpu.memref_squeeze %dma_wait3A_459 : memref<1x128xi32, #tpu.memory_space<vmem>> -> memref<128xi32, #tpu.memory_space<vmem>>
      %dma_wait3A_461 = arith.constant 0 : i32
      %dma_wait3A_462 = arith.constant 0 : i32
      %dma_wait3A_463 = tpu.memref_slice %arg10[%dma_wait3A_461, %dma_wait3A_462] : memref<4096x128xf32, #tpu.memory_space<vmem_shared>> -> memref<4096x128xf32, #tpu.memory_space<vmem_shared>>
      tpu.wait_indirect_dma semaphore(%run_scoped3A_443 : memref<!tpu.dma_semaphore, #tpu.memory_space<semaphore_mem>>) src(%dma_wait3A_457 : memref<128x128xf32, #tpu.memory_space<vmem>>) dst(%dma_wait3A_463 : memref<4096x128xf32, #tpu.memory_space<vmem_shared>>)
      tpu.yield
    }) : () -> ()
    %dma_start3A_156 = arith.constant 6 : i32
    %dma_start3A_157 = arith.constant 0 : i32
    %dma_start3A_158 = arith.constant 0 : i32
    %dma_start3A_159 = arith.constant 0 : i32
    %dma_start3A_160 = tpu.memref_slice %arg8[%dma_start3A_157, %dma_start3A_158, %dma_start3A_159] : memref<2x128x128xf32, #tpu.memory_space<vmem>> -> memref<1x128x128xf32, #tpu.memory_space<vmem>>
    %dma_start3A_161 = tpu.memref_squeeze %dma_start3A_160 : memref<1x128x128xf32, #tpu.memory_space<vmem>> -> memref<128x128xf32, #tpu.memory_space<vmem>>
    %dma_start3A_162 = arith.constant 0 : i32
    %dma_start3A_163 = tpu.memref_slice %arg6[%dma_start3A_156, %dma_start3A_162] : memref<16x128xi32, #tpu.memory_space<vmem>> -> memref<1x128xi32, #tpu.memory_space<vmem>>
    %dma_start3A_164 = tpu.memref_squeeze %dma_start3A_163 : memref<1x128xi32, #tpu.memory_space<vmem>> -> memref<128xi32, #tpu.memory_space<vmem>>
    %dma_start3A_165 = arith.constant 0 : i32
    %dma_start3A_166 = arith.constant 0 : i32
    %dma_start3A_167 = tpu.memref_slice %arg4[%dma_start3A_165, %dma_start3A_166] : memref<4096x128xf32, #tpu.memory_space<hbm>> -> memref<4096x128xf32, #tpu.memory_space<hbm>>
    tpu.enqueue_indirect_dma source(%dma_start3A_167 : memref<4096x128xf32, #tpu.memory_space<hbm>>) target(%dma_start3A_161 : memref<128x128xf32, #tpu.memory_space<vmem>>) offsets(%dma_start3A_164 : memref<128xi32, #tpu.memory_space<vmem>>) semaphore(%arg11 : memref<!tpu.dma_semaphore, #tpu.memory_space<semaphore_mem>>)
    %dma_wait3A_168 = arith.constant 5 : i32
    %dma_wait3A_169 = arith.constant 1 : i32
    %dma_wait3A_170 = arith.constant 0 : i32
    %dma_wait3A_171 = arith.constant 0 : i32
    %dma_wait3A_172 = tpu.memref_slice %arg8[%dma_wait3A_169, %dma_wait3A_170, %dma_wait3A_171] : memref<2x128x128xf32, #tpu.memory_space<vmem>> -> memref<1x128x128xf32, #tpu.memory_space<vmem>>
    %dma_wait3A_173 = tpu.memref_squeeze %dma_wait3A_172 : memref<1x128x128xf32, #tpu.memory_space<vmem>> -> memref<128x128xf32, #tpu.memory_space<vmem>>
    %dma_wait3A_174 = arith.constant 0 : i32
    %dma_wait3A_175 = tpu.memref_slice %arg6[%dma_wait3A_168, %dma_wait3A_174] : memref<16x128xi32, #tpu.memory_space<vmem>> -> memref<1x128xi32, #tpu.memory_space<vmem>>
    %dma_wait3A_176 = tpu.memref_squeeze %dma_wait3A_175 : memref<1x128xi32, #tpu.memory_space<vmem>> -> memref<128xi32, #tpu.memory_space<vmem>>
    %dma_wait3A_177 = arith.constant 0 : i32
    %dma_wait3A_178 = arith.constant 0 : i32
    %dma_wait3A_179 = tpu.memref_slice %arg4[%dma_wait3A_177, %dma_wait3A_178] : memref<4096x128xf32, #tpu.memory_space<hbm>> -> memref<4096x128xf32, #tpu.memory_space<hbm>>
    tpu.wait_indirect_dma semaphore(%arg12 : memref<!tpu.dma_semaphore, #tpu.memory_space<semaphore_mem>>) src(%dma_wait3A_179 : memref<4096x128xf32, #tpu.memory_space<hbm>>) dst(%dma_wait3A_173 : memref<128x128xf32, #tpu.memory_space<vmem>>)
    %run_scoped3A_180 = arith.constant 1 : i32
    %run_scoped3A_181 = arith.constant 5 : i32
    "tpu.region"() ({
      %run_scoped3A_443 = tpu.sem_alloc : memref<!tpu.dma_semaphore, #tpu.memory_space<semaphore_mem>>
      %dma_start3A_444 = arith.constant 0 : i32
      %dma_start3A_445 = arith.constant 0 : i32
      %dma_start3A_446 = tpu.memref_slice %arg8[%run_scoped3A_180, %dma_start3A_444, %dma_start3A_445] : memref<2x128x128xf32, #tpu.memory_space<vmem>> -> memref<1x128x128xf32, #tpu.memory_space<vmem>>
      %dma_start3A_447 = tpu.memref_squeeze %dma_start3A_446 : memref<1x128x128xf32, #tpu.memory_space<vmem>> -> memref<128x128xf32, #tpu.memory_space<vmem>>
      %dma_start3A_448 = arith.constant 0 : i32
      %dma_start3A_449 = tpu.memref_slice %arg7[%run_scoped3A_181, %dma_start3A_448] : memref<16x128xi32, #tpu.memory_space<vmem>> -> memref<1x128xi32, #tpu.memory_space<vmem>>
      %dma_start3A_450 = tpu.memref_squeeze %dma_start3A_449 : memref<1x128xi32, #tpu.memory_space<vmem>> -> memref<128xi32, #tpu.memory_space<vmem>>
      %dma_start3A_451 = arith.constant 0 : i32
      %dma_start3A_452 = arith.constant 0 : i32
      %dma_start3A_453 = tpu.memref_slice %arg10[%dma_start3A_451, %dma_start3A_452] : memref<4096x128xf32, #tpu.memory_space<vmem_shared>> -> memref<4096x128xf32, #tpu.memory_space<vmem_shared>>
      tpu.enqueue_indirect_dma source(%dma_start3A_447 : memref<128x128xf32, #tpu.memory_space<vmem>>) target(%dma_start3A_453 : memref<4096x128xf32, #tpu.memory_space<vmem_shared>>) offsets(%dma_start3A_450 : memref<128xi32, #tpu.memory_space<vmem>>) semaphore(%run_scoped3A_443 : memref<!tpu.dma_semaphore, #tpu.memory_space<semaphore_mem>>) {add = true}
      %dma_wait3A_454 = arith.constant 0 : i32
      %dma_wait3A_455 = arith.constant 0 : i32
      %dma_wait3A_456 = tpu.memref_slice %arg8[%run_scoped3A_180, %dma_wait3A_454, %dma_wait3A_455] : memref<2x128x128xf32, #tpu.memory_space<vmem>> -> memref<1x128x128xf32, #tpu.memory_space<vmem>>
      %dma_wait3A_457 = tpu.memref_squeeze %dma_wait3A_456 : memref<1x128x128xf32, #tpu.memory_space<vmem>> -> memref<128x128xf32, #tpu.memory_space<vmem>>
      %dma_wait3A_458 = arith.constant 0 : i32
      %dma_wait3A_459 = tpu.memref_slice %arg7[%run_scoped3A_181, %dma_wait3A_458] : memref<16x128xi32, #tpu.memory_space<vmem>> -> memref<1x128xi32, #tpu.memory_space<vmem>>
      %dma_wait3A_460 = tpu.memref_squeeze %dma_wait3A_459 : memref<1x128xi32, #tpu.memory_space<vmem>> -> memref<128xi32, #tpu.memory_space<vmem>>
      %dma_wait3A_461 = arith.constant 0 : i32
      %dma_wait3A_462 = arith.constant 0 : i32
      %dma_wait3A_463 = tpu.memref_slice %arg10[%dma_wait3A_461, %dma_wait3A_462] : memref<4096x128xf32, #tpu.memory_space<vmem_shared>> -> memref<4096x128xf32, #tpu.memory_space<vmem_shared>>
      tpu.wait_indirect_dma semaphore(%run_scoped3A_443 : memref<!tpu.dma_semaphore, #tpu.memory_space<semaphore_mem>>) src(%dma_wait3A_457 : memref<128x128xf32, #tpu.memory_space<vmem>>) dst(%dma_wait3A_463 : memref<4096x128xf32, #tpu.memory_space<vmem_shared>>)
      tpu.yield
    }) : () -> ()
    %dma_start3A_182 = arith.constant 7 : i32
    %dma_start3A_183 = arith.constant 1 : i32
    %dma_start3A_184 = arith.constant 0 : i32
    %dma_start3A_185 = arith.constant 0 : i32
    %dma_start3A_186 = tpu.memref_slice %arg8[%dma_start3A_183, %dma_start3A_184, %dma_start3A_185] : memref<2x128x128xf32, #tpu.memory_space<vmem>> -> memref<1x128x128xf32, #tpu.memory_space<vmem>>
    %dma_start3A_187 = tpu.memref_squeeze %dma_start3A_186 : memref<1x128x128xf32, #tpu.memory_space<vmem>> -> memref<128x128xf32, #tpu.memory_space<vmem>>
    %dma_start3A_188 = arith.constant 0 : i32
    %dma_start3A_189 = tpu.memref_slice %arg6[%dma_start3A_182, %dma_start3A_188] : memref<16x128xi32, #tpu.memory_space<vmem>> -> memref<1x128xi32, #tpu.memory_space<vmem>>
    %dma_start3A_190 = tpu.memref_squeeze %dma_start3A_189 : memref<1x128xi32, #tpu.memory_space<vmem>> -> memref<128xi32, #tpu.memory_space<vmem>>
    %dma_start3A_191 = arith.constant 0 : i32
    %dma_start3A_192 = arith.constant 0 : i32
    %dma_start3A_193 = tpu.memref_slice %arg4[%dma_start3A_191, %dma_start3A_192] : memref<4096x128xf32, #tpu.memory_space<hbm>> -> memref<4096x128xf32, #tpu.memory_space<hbm>>
    tpu.enqueue_indirect_dma source(%dma_start3A_193 : memref<4096x128xf32, #tpu.memory_space<hbm>>) target(%dma_start3A_187 : memref<128x128xf32, #tpu.memory_space<vmem>>) offsets(%dma_start3A_190 : memref<128xi32, #tpu.memory_space<vmem>>) semaphore(%arg12 : memref<!tpu.dma_semaphore, #tpu.memory_space<semaphore_mem>>)
    %dma_wait3A_194 = arith.constant 6 : i32
    %dma_wait3A_195 = arith.constant 0 : i32
    %dma_wait3A_196 = arith.constant 0 : i32
    %dma_wait3A_197 = arith.constant 0 : i32
    %dma_wait3A_198 = tpu.memref_slice %arg8[%dma_wait3A_195, %dma_wait3A_196, %dma_wait3A_197] : memref<2x128x128xf32, #tpu.memory_space<vmem>> -> memref<1x128x128xf32, #tpu.memory_space<vmem>>
    %dma_wait3A_199 = tpu.memref_squeeze %dma_wait3A_198 : memref<1x128x128xf32, #tpu.memory_space<vmem>> -> memref<128x128xf32, #tpu.memory_space<vmem>>
    %dma_wait3A_200 = arith.constant 0 : i32
    %dma_wait3A_201 = tpu.memref_slice %arg6[%dma_wait3A_194, %dma_wait3A_200] : memref<16x128xi32, #tpu.memory_space<vmem>> -> memref<1x128xi32, #tpu.memory_space<vmem>>
    %dma_wait3A_202 = tpu.memref_squeeze %dma_wait3A_201 : memref<1x128xi32, #tpu.memory_space<vmem>> -> memref<128xi32, #tpu.memory_space<vmem>>
    %dma_wait3A_203 = arith.constant 0 : i32
    %dma_wait3A_204 = arith.constant 0 : i32
    %dma_wait3A_205 = tpu.memref_slice %arg4[%dma_wait3A_203, %dma_wait3A_204] : memref<4096x128xf32, #tpu.memory_space<hbm>> -> memref<4096x128xf32, #tpu.memory_space<hbm>>
    tpu.wait_indirect_dma semaphore(%arg11 : memref<!tpu.dma_semaphore, #tpu.memory_space<semaphore_mem>>) src(%dma_wait3A_205 : memref<4096x128xf32, #tpu.memory_space<hbm>>) dst(%dma_wait3A_199 : memref<128x128xf32, #tpu.memory_space<vmem>>)
    %run_scoped3A_206 = arith.constant 0 : i32
    %run_scoped3A_207 = arith.constant 6 : i32
    "tpu.region"() ({
      %run_scoped3A_443 = tpu.sem_alloc : memref<!tpu.dma_semaphore, #tpu.memory_space<semaphore_mem>>
      %dma_start3A_444 = arith.constant 0 : i32
      %dma_start3A_445 = arith.constant 0 : i32
      %dma_start3A_446 = tpu.memref_slice %arg8[%run_scoped3A_206, %dma_start3A_444, %dma_start3A_445] : memref<2x128x128xf32, #tpu.memory_space<vmem>> -> memref<1x128x128xf32, #tpu.memory_space<vmem>>
      %dma_start3A_447 = tpu.memref_squeeze %dma_start3A_446 : memref<1x128x128xf32, #tpu.memory_space<vmem>> -> memref<128x128xf32, #tpu.memory_space<vmem>>
      %dma_start3A_448 = arith.constant 0 : i32
      %dma_start3A_449 = tpu.memref_slice %arg7[%run_scoped3A_207, %dma_start3A_448] : memref<16x128xi32, #tpu.memory_space<vmem>> -> memref<1x128xi32, #tpu.memory_space<vmem>>
      %dma_start3A_450 = tpu.memref_squeeze %dma_start3A_449 : memref<1x128xi32, #tpu.memory_space<vmem>> -> memref<128xi32, #tpu.memory_space<vmem>>
      %dma_start3A_451 = arith.constant 0 : i32
      %dma_start3A_452 = arith.constant 0 : i32
      %dma_start3A_453 = tpu.memref_slice %arg10[%dma_start3A_451, %dma_start3A_452] : memref<4096x128xf32, #tpu.memory_space<vmem_shared>> -> memref<4096x128xf32, #tpu.memory_space<vmem_shared>>
      tpu.enqueue_indirect_dma source(%dma_start3A_447 : memref<128x128xf32, #tpu.memory_space<vmem>>) target(%dma_start3A_453 : memref<4096x128xf32, #tpu.memory_space<vmem_shared>>) offsets(%dma_start3A_450 : memref<128xi32, #tpu.memory_space<vmem>>) semaphore(%run_scoped3A_443 : memref<!tpu.dma_semaphore, #tpu.memory_space<semaphore_mem>>) {add = true}
      %dma_wait3A_454 = arith.constant 0 : i32
      %dma_wait3A_455 = arith.constant 0 : i32
      %dma_wait3A_456 = tpu.memref_slice %arg8[%run_scoped3A_206, %dma_wait3A_454, %dma_wait3A_455] : memref<2x128x128xf32, #tpu.memory_space<vmem>> -> memref<1x128x128xf32, #tpu.memory_space<vmem>>
      %dma_wait3A_457 = tpu.memref_squeeze %dma_wait3A_456 : memref<1x128x128xf32, #tpu.memory_space<vmem>> -> memref<128x128xf32, #tpu.memory_space<vmem>>
      %dma_wait3A_458 = arith.constant 0 : i32
      %dma_wait3A_459 = tpu.memref_slice %arg7[%run_scoped3A_207, %dma_wait3A_458] : memref<16x128xi32, #tpu.memory_space<vmem>> -> memref<1x128xi32, #tpu.memory_space<vmem>>
      %dma_wait3A_460 = tpu.memref_squeeze %dma_wait3A_459 : memref<1x128xi32, #tpu.memory_space<vmem>> -> memref<128xi32, #tpu.memory_space<vmem>>
      %dma_wait3A_461 = arith.constant 0 : i32
      %dma_wait3A_462 = arith.constant 0 : i32
      %dma_wait3A_463 = tpu.memref_slice %arg10[%dma_wait3A_461, %dma_wait3A_462] : memref<4096x128xf32, #tpu.memory_space<vmem_shared>> -> memref<4096x128xf32, #tpu.memory_space<vmem_shared>>
      tpu.wait_indirect_dma semaphore(%run_scoped3A_443 : memref<!tpu.dma_semaphore, #tpu.memory_space<semaphore_mem>>) src(%dma_wait3A_457 : memref<128x128xf32, #tpu.memory_space<vmem>>) dst(%dma_wait3A_463 : memref<4096x128xf32, #tpu.memory_space<vmem_shared>>)
      tpu.yield
    }) : () -> ()
    %dma_start3A_208 = arith.constant 8 : i32
    %dma_start3A_209 = arith.constant 0 : i32
    %dma_start3A_210 = arith.constant 0 : i32
    %dma_start3A_211 = arith.constant 0 : i32
    %dma_start3A_212 = tpu.memref_slice %arg8[%dma_start3A_209, %dma_start3A_210, %dma_start3A_211] : memref<2x128x128xf32, #tpu.memory_space<vmem>> -> memref<1x128x128xf32, #tpu.memory_space<vmem>>
    %dma_start3A_213 = tpu.memref_squeeze %dma_start3A_212 : memref<1x128x128xf32, #tpu.memory_space<vmem>> -> memref<128x128xf32, #tpu.memory_space<vmem>>
    %dma_start3A_214 = arith.constant 0 : i32
    %dma_start3A_215 = tpu.memref_slice %arg6[%dma_start3A_208, %dma_start3A_214] : memref<16x128xi32, #tpu.memory_space<vmem>> -> memref<1x128xi32, #tpu.memory_space<vmem>>
    %dma_start3A_216 = tpu.memref_squeeze %dma_start3A_215 : memref<1x128xi32, #tpu.memory_space<vmem>> -> memref<128xi32, #tpu.memory_space<vmem>>
    %dma_start3A_217 = arith.constant 0 : i32
    %dma_start3A_218 = arith.constant 0 : i32
    %dma_start3A_219 = tpu.memref_slice %arg4[%dma_start3A_217, %dma_start3A_218] : memref<4096x128xf32, #tpu.memory_space<hbm>> -> memref<4096x128xf32, #tpu.memory_space<hbm>>
    tpu.enqueue_indirect_dma source(%dma_start3A_219 : memref<4096x128xf32, #tpu.memory_space<hbm>>) target(%dma_start3A_213 : memref<128x128xf32, #tpu.memory_space<vmem>>) offsets(%dma_start3A_216 : memref<128xi32, #tpu.memory_space<vmem>>) semaphore(%arg11 : memref<!tpu.dma_semaphore, #tpu.memory_space<semaphore_mem>>)
    %dma_wait3A_220 = arith.constant 7 : i32
    %dma_wait3A_221 = arith.constant 1 : i32
    %dma_wait3A_222 = arith.constant 0 : i32
    %dma_wait3A_223 = arith.constant 0 : i32
    %dma_wait3A_224 = tpu.memref_slice %arg8[%dma_wait3A_221, %dma_wait3A_222, %dma_wait3A_223] : memref<2x128x128xf32, #tpu.memory_space<vmem>> -> memref<1x128x128xf32, #tpu.memory_space<vmem>>
    %dma_wait3A_225 = tpu.memref_squeeze %dma_wait3A_224 : memref<1x128x128xf32, #tpu.memory_space<vmem>> -> memref<128x128xf32, #tpu.memory_space<vmem>>
    %dma_wait3A_226 = arith.constant 0 : i32
    %dma_wait3A_227 = tpu.memref_slice %arg6[%dma_wait3A_220, %dma_wait3A_226] : memref<16x128xi32, #tpu.memory_space<vmem>> -> memref<1x128xi32, #tpu.memory_space<vmem>>
    %dma_wait3A_228 = tpu.memref_squeeze %dma_wait3A_227 : memref<1x128xi32, #tpu.memory_space<vmem>> -> memref<128xi32, #tpu.memory_space<vmem>>
    %dma_wait3A_229 = arith.constant 0 : i32
    %dma_wait3A_230 = arith.constant 0 : i32
    %dma_wait3A_231 = tpu.memref_slice %arg4[%dma_wait3A_229, %dma_wait3A_230] : memref<4096x128xf32, #tpu.memory_space<hbm>> -> memref<4096x128xf32, #tpu.memory_space<hbm>>
    tpu.wait_indirect_dma semaphore(%arg12 : memref<!tpu.dma_semaphore, #tpu.memory_space<semaphore_mem>>) src(%dma_wait3A_231 : memref<4096x128xf32, #tpu.memory_space<hbm>>) dst(%dma_wait3A_225 : memref<128x128xf32, #tpu.memory_space<vmem>>)
    %run_scoped3A_232 = arith.constant 1 : i32
    %run_scoped3A_233 = arith.constant 7 : i32
    "tpu.region"() ({
      %run_scoped3A_443 = tpu.sem_alloc : memref<!tpu.dma_semaphore, #tpu.memory_space<semaphore_mem>>
      %dma_start3A_444 = arith.constant 0 : i32
      %dma_start3A_445 = arith.constant 0 : i32
      %dma_start3A_446 = tpu.memref_slice %arg8[%run_scoped3A_232, %dma_start3A_444, %dma_start3A_445] : memref<2x128x128xf32, #tpu.memory_space<vmem>> -> memref<1x128x128xf32, #tpu.memory_space<vmem>>
      %dma_start3A_447 = tpu.memref_squeeze %dma_start3A_446 : memref<1x128x128xf32, #tpu.memory_space<vmem>> -> memref<128x128xf32, #tpu.memory_space<vmem>>
      %dma_start3A_448 = arith.constant 0 : i32
      %dma_start3A_449 = tpu.memref_slice %arg7[%run_scoped3A_233, %dma_start3A_448] : memref<16x128xi32, #tpu.memory_space<vmem>> -> memref<1x128xi32, #tpu.memory_space<vmem>>
      %dma_start3A_450 = tpu.memref_squeeze %dma_start3A_449 : memref<1x128xi32, #tpu.memory_space<vmem>> -> memref<128xi32, #tpu.memory_space<vmem>>
      %dma_start3A_451 = arith.constant 0 : i32
      %dma_start3A_452 = arith.constant 0 : i32
      %dma_start3A_453 = tpu.memref_slice %arg10[%dma_start3A_451, %dma_start3A_452] : memref<4096x128xf32, #tpu.memory_space<vmem_shared>> -> memref<4096x128xf32, #tpu.memory_space<vmem_shared>>
      tpu.enqueue_indirect_dma source(%dma_start3A_447 : memref<128x128xf32, #tpu.memory_space<vmem>>) target(%dma_start3A_453 : memref<4096x128xf32, #tpu.memory_space<vmem_shared>>) offsets(%dma_start3A_450 : memref<128xi32, #tpu.memory_space<vmem>>) semaphore(%run_scoped3A_443 : memref<!tpu.dma_semaphore, #tpu.memory_space<semaphore_mem>>) {add = true}
      %dma_wait3A_454 = arith.constant 0 : i32
      %dma_wait3A_455 = arith.constant 0 : i32
      %dma_wait3A_456 = tpu.memref_slice %arg8[%run_scoped3A_232, %dma_wait3A_454, %dma_wait3A_455] : memref<2x128x128xf32, #tpu.memory_space<vmem>> -> memref<1x128x128xf32, #tpu.memory_space<vmem>>
      %dma_wait3A_457 = tpu.memref_squeeze %dma_wait3A_456 : memref<1x128x128xf32, #tpu.memory_space<vmem>> -> memref<128x128xf32, #tpu.memory_space<vmem>>
      %dma_wait3A_458 = arith.constant 0 : i32
      %dma_wait3A_459 = tpu.memref_slice %arg7[%run_scoped3A_233, %dma_wait3A_458] : memref<16x128xi32, #tpu.memory_space<vmem>> -> memref<1x128xi32, #tpu.memory_space<vmem>>
      %dma_wait3A_460 = tpu.memref_squeeze %dma_wait3A_459 : memref<1x128xi32, #tpu.memory_space<vmem>> -> memref<128xi32, #tpu.memory_space<vmem>>
      %dma_wait3A_461 = arith.constant 0 : i32
      %dma_wait3A_462 = arith.constant 0 : i32
      %dma_wait3A_463 = tpu.memref_slice %arg10[%dma_wait3A_461, %dma_wait3A_462] : memref<4096x128xf32, #tpu.memory_space<vmem_shared>> -> memref<4096x128xf32, #tpu.memory_space<vmem_shared>>
      tpu.wait_indirect_dma semaphore(%run_scoped3A_443 : memref<!tpu.dma_semaphore, #tpu.memory_space<semaphore_mem>>) src(%dma_wait3A_457 : memref<128x128xf32, #tpu.memory_space<vmem>>) dst(%dma_wait3A_463 : memref<4096x128xf32, #tpu.memory_space<vmem_shared>>)
      tpu.yield
    }) : () -> ()
    %dma_start3A_234 = arith.constant 9 : i32
    %dma_start3A_235 = arith.constant 1 : i32
    %dma_start3A_236 = arith.constant 0 : i32
    %dma_start3A_237 = arith.constant 0 : i32
    %dma_start3A_238 = tpu.memref_slice %arg8[%dma_start3A_235, %dma_start3A_236, %dma_start3A_237] : memref<2x128x128xf32, #tpu.memory_space<vmem>> -> memref<1x128x128xf32, #tpu.memory_space<vmem>>
    %dma_start3A_239 = tpu.memref_squeeze %dma_start3A_238 : memref<1x128x128xf32, #tpu.memory_space<vmem>> -> memref<128x128xf32, #tpu.memory_space<vmem>>
    %dma_start3A_240 = arith.constant 0 : i32
    %dma_start3A_241 = tpu.memref_slice %arg6[%dma_start3A_234, %dma_start3A_240] : memref<16x128xi32, #tpu.memory_space<vmem>> -> memref<1x128xi32, #tpu.memory_space<vmem>>
    %dma_start3A_242 = tpu.memref_squeeze %dma_start3A_241 : memref<1x128xi32, #tpu.memory_space<vmem>> -> memref<128xi32, #tpu.memory_space<vmem>>
    %dma_start3A_243 = arith.constant 0 : i32
    %dma_start3A_244 = arith.constant 0 : i32
    %dma_start3A_245 = tpu.memref_slice %arg4[%dma_start3A_243, %dma_start3A_244] : memref<4096x128xf32, #tpu.memory_space<hbm>> -> memref<4096x128xf32, #tpu.memory_space<hbm>>
    tpu.enqueue_indirect_dma source(%dma_start3A_245 : memref<4096x128xf32, #tpu.memory_space<hbm>>) target(%dma_start3A_239 : memref<128x128xf32, #tpu.memory_space<vmem>>) offsets(%dma_start3A_242 : memref<128xi32, #tpu.memory_space<vmem>>) semaphore(%arg12 : memref<!tpu.dma_semaphore, #tpu.memory_space<semaphore_mem>>)
    %dma_wait3A_246 = arith.constant 8 : i32
    %dma_wait3A_247 = arith.constant 0 : i32
    %dma_wait3A_248 = arith.constant 0 : i32
    %dma_wait3A_249 = arith.constant 0 : i32
    %dma_wait3A_250 = tpu.memref_slice %arg8[%dma_wait3A_247, %dma_wait3A_248, %dma_wait3A_249] : memref<2x128x128xf32, #tpu.memory_space<vmem>> -> memref<1x128x128xf32, #tpu.memory_space<vmem>>
    %dma_wait3A_251 = tpu.memref_squeeze %dma_wait3A_250 : memref<1x128x128xf32, #tpu.memory_space<vmem>> -> memref<128x128xf32, #tpu.memory_space<vmem>>
    %dma_wait3A_252 = arith.constant 0 : i32
    %dma_wait3A_253 = tpu.memref_slice %arg6[%dma_wait3A_246, %dma_wait3A_252] : memref<16x128xi32, #tpu.memory_space<vmem>> -> memref<1x128xi32, #tpu.memory_space<vmem>>
    %dma_wait3A_254 = tpu.memref_squeeze %dma_wait3A_253 : memref<1x128xi32, #tpu.memory_space<vmem>> -> memref<128xi32, #tpu.memory_space<vmem>>
    %dma_wait3A_255 = arith.constant 0 : i32
    %dma_wait3A_256 = arith.constant 0 : i32
    %dma_wait3A_257 = tpu.memref_slice %arg4[%dma_wait3A_255, %dma_wait3A_256] : memref<4096x128xf32, #tpu.memory_space<hbm>> -> memref<4096x128xf32, #tpu.memory_space<hbm>>
    tpu.wait_indirect_dma semaphore(%arg11 : memref<!tpu.dma_semaphore, #tpu.memory_space<semaphore_mem>>) src(%dma_wait3A_257 : memref<4096x128xf32, #tpu.memory_space<hbm>>) dst(%dma_wait3A_251 : memref<128x128xf32, #tpu.memory_space<vmem>>)
    %run_scoped3A_258 = arith.constant 0 : i32
    %run_scoped3A_259 = arith.constant 8 : i32
    "tpu.region"() ({
      %run_scoped3A_443 = tpu.sem_alloc : memref<!tpu.dma_semaphore, #tpu.memory_space<semaphore_mem>>
      %dma_start3A_444 = arith.constant 0 : i32
      %dma_start3A_445 = arith.constant 0 : i32
      %dma_start3A_446 = tpu.memref_slice %arg8[%run_scoped3A_258, %dma_start3A_444, %dma_start3A_445] : memref<2x128x128xf32, #tpu.memory_space<vmem>> -> memref<1x128x128xf32, #tpu.memory_space<vmem>>
      %dma_start3A_447 = tpu.memref_squeeze %dma_start3A_446 : memref<1x128x128xf32, #tpu.memory_space<vmem>> -> memref<128x128xf32, #tpu.memory_space<vmem>>
      %dma_start3A_448 = arith.constant 0 : i32
      %dma_start3A_449 = tpu.memref_slice %arg7[%run_scoped3A_259, %dma_start3A_448] : memref<16x128xi32, #tpu.memory_space<vmem>> -> memref<1x128xi32, #tpu.memory_space<vmem>>
      %dma_start3A_450 = tpu.memref_squeeze %dma_start3A_449 : memref<1x128xi32, #tpu.memory_space<vmem>> -> memref<128xi32, #tpu.memory_space<vmem>>
      %dma_start3A_451 = arith.constant 0 : i32
      %dma_start3A_452 = arith.constant 0 : i32
      %dma_start3A_453 = tpu.memref_slice %arg10[%dma_start3A_451, %dma_start3A_452] : memref<4096x128xf32, #tpu.memory_space<vmem_shared>> -> memref<4096x128xf32, #tpu.memory_space<vmem_shared>>
      tpu.enqueue_indirect_dma source(%dma_start3A_447 : memref<128x128xf32, #tpu.memory_space<vmem>>) target(%dma_start3A_453 : memref<4096x128xf32, #tpu.memory_space<vmem_shared>>) offsets(%dma_start3A_450 : memref<128xi32, #tpu.memory_space<vmem>>) semaphore(%run_scoped3A_443 : memref<!tpu.dma_semaphore, #tpu.memory_space<semaphore_mem>>) {add = true}
      %dma_wait3A_454 = arith.constant 0 : i32
      %dma_wait3A_455 = arith.constant 0 : i32
      %dma_wait3A_456 = tpu.memref_slice %arg8[%run_scoped3A_258, %dma_wait3A_454, %dma_wait3A_455] : memref<2x128x128xf32, #tpu.memory_space<vmem>> -> memref<1x128x128xf32, #tpu.memory_space<vmem>>
      %dma_wait3A_457 = tpu.memref_squeeze %dma_wait3A_456 : memref<1x128x128xf32, #tpu.memory_space<vmem>> -> memref<128x128xf32, #tpu.memory_space<vmem>>
      %dma_wait3A_458 = arith.constant 0 : i32
      %dma_wait3A_459 = tpu.memref_slice %arg7[%run_scoped3A_259, %dma_wait3A_458] : memref<16x128xi32, #tpu.memory_space<vmem>> -> memref<1x128xi32, #tpu.memory_space<vmem>>
      %dma_wait3A_460 = tpu.memref_squeeze %dma_wait3A_459 : memref<1x128xi32, #tpu.memory_space<vmem>> -> memref<128xi32, #tpu.memory_space<vmem>>
      %dma_wait3A_461 = arith.constant 0 : i32
      %dma_wait3A_462 = arith.constant 0 : i32
      %dma_wait3A_463 = tpu.memref_slice %arg10[%dma_wait3A_461, %dma_wait3A_462] : memref<4096x128xf32, #tpu.memory_space<vmem_shared>> -> memref<4096x128xf32, #tpu.memory_space<vmem_shared>>
      tpu.wait_indirect_dma semaphore(%run_scoped3A_443 : memref<!tpu.dma_semaphore, #tpu.memory_space<semaphore_mem>>) src(%dma_wait3A_457 : memref<128x128xf32, #tpu.memory_space<vmem>>) dst(%dma_wait3A_463 : memref<4096x128xf32, #tpu.memory_space<vmem_shared>>)
      tpu.yield
    }) : () -> ()
    %dma_start3A_260 = arith.constant 10 : i32
    %dma_start3A_261 = arith.constant 0 : i32
    %dma_start3A_262 = arith.constant 0 : i32
    %dma_start3A_263 = arith.constant 0 : i32
    %dma_start3A_264 = tpu.memref_slice %arg8[%dma_start3A_261, %dma_start3A_262, %dma_start3A_263] : memref<2x128x128xf32, #tpu.memory_space<vmem>> -> memref<1x128x128xf32, #tpu.memory_space<vmem>>
    %dma_start3A_265 = tpu.memref_squeeze %dma_start3A_264 : memref<1x128x128xf32, #tpu.memory_space<vmem>> -> memref<128x128xf32, #tpu.memory_space<vmem>>
    %dma_start3A_266 = arith.constant 0 : i32
    %dma_start3A_267 = tpu.memref_slice %arg6[%dma_start3A_260, %dma_start3A_266] : memref<16x128xi32, #tpu.memory_space<vmem>> -> memref<1x128xi32, #tpu.memory_space<vmem>>
    %dma_start3A_268 = tpu.memref_squeeze %dma_start3A_267 : memref<1x128xi32, #tpu.memory_space<vmem>> -> memref<128xi32, #tpu.memory_space<vmem>>
    %dma_start3A_269 = arith.constant 0 : i32
    %dma_start3A_270 = arith.constant 0 : i32
    %dma_start3A_271 = tpu.memref_slice %arg4[%dma_start3A_269, %dma_start3A_270] : memref<4096x128xf32, #tpu.memory_space<hbm>> -> memref<4096x128xf32, #tpu.memory_space<hbm>>
    tpu.enqueue_indirect_dma source(%dma_start3A_271 : memref<4096x128xf32, #tpu.memory_space<hbm>>) target(%dma_start3A_265 : memref<128x128xf32, #tpu.memory_space<vmem>>) offsets(%dma_start3A_268 : memref<128xi32, #tpu.memory_space<vmem>>) semaphore(%arg11 : memref<!tpu.dma_semaphore, #tpu.memory_space<semaphore_mem>>)
    %dma_wait3A_272 = arith.constant 9 : i32
    %dma_wait3A_273 = arith.constant 1 : i32
    %dma_wait3A_274 = arith.constant 0 : i32
    %dma_wait3A_275 = arith.constant 0 : i32
    %dma_wait3A_276 = tpu.memref_slice %arg8[%dma_wait3A_273, %dma_wait3A_274, %dma_wait3A_275] : memref<2x128x128xf32, #tpu.memory_space<vmem>> -> memref<1x128x128xf32, #tpu.memory_space<vmem>>
    %dma_wait3A_277 = tpu.memref_squeeze %dma_wait3A_276 : memref<1x128x128xf32, #tpu.memory_space<vmem>> -> memref<128x128xf32, #tpu.memory_space<vmem>>
    %dma_wait3A_278 = arith.constant 0 : i32
    %dma_wait3A_279 = tpu.memref_slice %arg6[%dma_wait3A_272, %dma_wait3A_278] : memref<16x128xi32, #tpu.memory_space<vmem>> -> memref<1x128xi32, #tpu.memory_space<vmem>>
    %dma_wait3A_280 = tpu.memref_squeeze %dma_wait3A_279 : memref<1x128xi32, #tpu.memory_space<vmem>> -> memref<128xi32, #tpu.memory_space<vmem>>
    %dma_wait3A_281 = arith.constant 0 : i32
    %dma_wait3A_282 = arith.constant 0 : i32
    %dma_wait3A_283 = tpu.memref_slice %arg4[%dma_wait3A_281, %dma_wait3A_282] : memref<4096x128xf32, #tpu.memory_space<hbm>> -> memref<4096x128xf32, #tpu.memory_space<hbm>>
    tpu.wait_indirect_dma semaphore(%arg12 : memref<!tpu.dma_semaphore, #tpu.memory_space<semaphore_mem>>) src(%dma_wait3A_283 : memref<4096x128xf32, #tpu.memory_space<hbm>>) dst(%dma_wait3A_277 : memref<128x128xf32, #tpu.memory_space<vmem>>)
    %run_scoped3A_284 = arith.constant 1 : i32
    %run_scoped3A_285 = arith.constant 9 : i32
    "tpu.region"() ({
      %run_scoped3A_443 = tpu.sem_alloc : memref<!tpu.dma_semaphore, #tpu.memory_space<semaphore_mem>>
      %dma_start3A_444 = arith.constant 0 : i32
      %dma_start3A_445 = arith.constant 0 : i32
      %dma_start3A_446 = tpu.memref_slice %arg8[%run_scoped3A_284, %dma_start3A_444, %dma_start3A_445] : memref<2x128x128xf32, #tpu.memory_space<vmem>> -> memref<1x128x128xf32, #tpu.memory_space<vmem>>
      %dma_start3A_447 = tpu.memref_squeeze %dma_start3A_446 : memref<1x128x128xf32, #tpu.memory_space<vmem>> -> memref<128x128xf32, #tpu.memory_space<vmem>>
      %dma_start3A_448 = arith.constant 0 : i32
      %dma_start3A_449 = tpu.memref_slice %arg7[%run_scoped3A_285, %dma_start3A_448] : memref<16x128xi32, #tpu.memory_space<vmem>> -> memref<1x128xi32, #tpu.memory_space<vmem>>
      %dma_start3A_450 = tpu.memref_squeeze %dma_start3A_449 : memref<1x128xi32, #tpu.memory_space<vmem>> -> memref<128xi32, #tpu.memory_space<vmem>>
      %dma_start3A_451 = arith.constant 0 : i32
      %dma_start3A_452 = arith.constant 0 : i32
      %dma_start3A_453 = tpu.memref_slice %arg10[%dma_start3A_451, %dma_start3A_452] : memref<4096x128xf32, #tpu.memory_space<vmem_shared>> -> memref<4096x128xf32, #tpu.memory_space<vmem_shared>>
      tpu.enqueue_indirect_dma source(%dma_start3A_447 : memref<128x128xf32, #tpu.memory_space<vmem>>) target(%dma_start3A_453 : memref<4096x128xf32, #tpu.memory_space<vmem_shared>>) offsets(%dma_start3A_450 : memref<128xi32, #tpu.memory_space<vmem>>) semaphore(%run_scoped3A_443 : memref<!tpu.dma_semaphore, #tpu.memory_space<semaphore_mem>>) {add = true}
      %dma_wait3A_454 = arith.constant 0 : i32
      %dma_wait3A_455 = arith.constant 0 : i32
      %dma_wait3A_456 = tpu.memref_slice %arg8[%run_scoped3A_284, %dma_wait3A_454, %dma_wait3A_455] : memref<2x128x128xf32, #tpu.memory_space<vmem>> -> memref<1x128x128xf32, #tpu.memory_space<vmem>>
      %dma_wait3A_457 = tpu.memref_squeeze %dma_wait3A_456 : memref<1x128x128xf32, #tpu.memory_space<vmem>> -> memref<128x128xf32, #tpu.memory_space<vmem>>
      %dma_wait3A_458 = arith.constant 0 : i32
      %dma_wait3A_459 = tpu.memref_slice %arg7[%run_scoped3A_285, %dma_wait3A_458] : memref<16x128xi32, #tpu.memory_space<vmem>> -> memref<1x128xi32, #tpu.memory_space<vmem>>
      %dma_wait3A_460 = tpu.memref_squeeze %dma_wait3A_459 : memref<1x128xi32, #tpu.memory_space<vmem>> -> memref<128xi32, #tpu.memory_space<vmem>>
      %dma_wait3A_461 = arith.constant 0 : i32
      %dma_wait3A_462 = arith.constant 0 : i32
      %dma_wait3A_463 = tpu.memref_slice %arg10[%dma_wait3A_461, %dma_wait3A_462] : memref<4096x128xf32, #tpu.memory_space<vmem_shared>> -> memref<4096x128xf32, #tpu.memory_space<vmem_shared>>
      tpu.wait_indirect_dma semaphore(%run_scoped3A_443 : memref<!tpu.dma_semaphore, #tpu.memory_space<semaphore_mem>>) src(%dma_wait3A_457 : memref<128x128xf32, #tpu.memory_space<vmem>>) dst(%dma_wait3A_463 : memref<4096x128xf32, #tpu.memory_space<vmem_shared>>)
      tpu.yield
    }) : () -> ()
    %dma_start3A_286 = arith.constant 11 : i32
    %dma_start3A_287 = arith.constant 1 : i32
    %dma_start3A_288 = arith.constant 0 : i32
    %dma_start3A_289 = arith.constant 0 : i32
    %dma_start3A_290 = tpu.memref_slice %arg8[%dma_start3A_287, %dma_start3A_288, %dma_start3A_289] : memref<2x128x128xf32, #tpu.memory_space<vmem>> -> memref<1x128x128xf32, #tpu.memory_space<vmem>>
    %dma_start3A_291 = tpu.memref_squeeze %dma_start3A_290 : memref<1x128x128xf32, #tpu.memory_space<vmem>> -> memref<128x128xf32, #tpu.memory_space<vmem>>
    %dma_start3A_292 = arith.constant 0 : i32
    %dma_start3A_293 = tpu.memref_slice %arg6[%dma_start3A_286, %dma_start3A_292] : memref<16x128xi32, #tpu.memory_space<vmem>> -> memref<1x128xi32, #tpu.memory_space<vmem>>
    %dma_start3A_294 = tpu.memref_squeeze %dma_start3A_293 : memref<1x128xi32, #tpu.memory_space<vmem>> -> memref<128xi32, #tpu.memory_space<vmem>>
    %dma_start3A_295 = arith.constant 0 : i32
    %dma_start3A_296 = arith.constant 0 : i32
    %dma_start3A_297 = tpu.memref_slice %arg4[%dma_start3A_295, %dma_start3A_296] : memref<4096x128xf32, #tpu.memory_space<hbm>> -> memref<4096x128xf32, #tpu.memory_space<hbm>>
    tpu.enqueue_indirect_dma source(%dma_start3A_297 : memref<4096x128xf32, #tpu.memory_space<hbm>>) target(%dma_start3A_291 : memref<128x128xf32, #tpu.memory_space<vmem>>) offsets(%dma_start3A_294 : memref<128xi32, #tpu.memory_space<vmem>>) semaphore(%arg12 : memref<!tpu.dma_semaphore, #tpu.memory_space<semaphore_mem>>)
    %dma_wait3A_298 = arith.constant 10 : i32
    %dma_wait3A_299 = arith.constant 0 : i32
    %dma_wait3A_300 = arith.constant 0 : i32
    %dma_wait3A_301 = arith.constant 0 : i32
    %dma_wait3A_302 = tpu.memref_slice %arg8[%dma_wait3A_299, %dma_wait3A_300, %dma_wait3A_301] : memref<2x128x128xf32, #tpu.memory_space<vmem>> -> memref<1x128x128xf32, #tpu.memory_space<vmem>>
    %dma_wait3A_303 = tpu.memref_squeeze %dma_wait3A_302 : memref<1x128x128xf32, #tpu.memory_space<vmem>> -> memref<128x128xf32, #tpu.memory_space<vmem>>
    %dma_wait3A_304 = arith.constant 0 : i32
    %dma_wait3A_305 = tpu.memref_slice %arg6[%dma_wait3A_298, %dma_wait3A_304] : memref<16x128xi32, #tpu.memory_space<vmem>> -> memref<1x128xi32, #tpu.memory_space<vmem>>
    %dma_wait3A_306 = tpu.memref_squeeze %dma_wait3A_305 : memref<1x128xi32, #tpu.memory_space<vmem>> -> memref<128xi32, #tpu.memory_space<vmem>>
    %dma_wait3A_307 = arith.constant 0 : i32
    %dma_wait3A_308 = arith.constant 0 : i32
    %dma_wait3A_309 = tpu.memref_slice %arg4[%dma_wait3A_307, %dma_wait3A_308] : memref<4096x128xf32, #tpu.memory_space<hbm>> -> memref<4096x128xf32, #tpu.memory_space<hbm>>
    tpu.wait_indirect_dma semaphore(%arg11 : memref<!tpu.dma_semaphore, #tpu.memory_space<semaphore_mem>>) src(%dma_wait3A_309 : memref<4096x128xf32, #tpu.memory_space<hbm>>) dst(%dma_wait3A_303 : memref<128x128xf32, #tpu.memory_space<vmem>>)
    %run_scoped3A_310 = arith.constant 0 : i32
    %run_scoped3A_311 = arith.constant 10 : i32
    "tpu.region"() ({
      %run_scoped3A_443 = tpu.sem_alloc : memref<!tpu.dma_semaphore, #tpu.memory_space<semaphore_mem>>
      %dma_start3A_444 = arith.constant 0 : i32
      %dma_start3A_445 = arith.constant 0 : i32
      %dma_start3A_446 = tpu.memref_slice %arg8[%run_scoped3A_310, %dma_start3A_444, %dma_start3A_445] : memref<2x128x128xf32, #tpu.memory_space<vmem>> -> memref<1x128x128xf32, #tpu.memory_space<vmem>>
      %dma_start3A_447 = tpu.memref_squeeze %dma_start3A_446 : memref<1x128x128xf32, #tpu.memory_space<vmem>> -> memref<128x128xf32, #tpu.memory_space<vmem>>
      %dma_start3A_448 = arith.constant 0 : i32
      %dma_start3A_449 = tpu.memref_slice %arg7[%run_scoped3A_311, %dma_start3A_448] : memref<16x128xi32, #tpu.memory_space<vmem>> -> memref<1x128xi32, #tpu.memory_space<vmem>>
      %dma_start3A_450 = tpu.memref_squeeze %dma_start3A_449 : memref<1x128xi32, #tpu.memory_space<vmem>> -> memref<128xi32, #tpu.memory_space<vmem>>
      %dma_start3A_451 = arith.constant 0 : i32
      %dma_start3A_452 = arith.constant 0 : i32
      %dma_start3A_453 = tpu.memref_slice %arg10[%dma_start3A_451, %dma_start3A_452] : memref<4096x128xf32, #tpu.memory_space<vmem_shared>> -> memref<4096x128xf32, #tpu.memory_space<vmem_shared>>
      tpu.enqueue_indirect_dma source(%dma_start3A_447 : memref<128x128xf32, #tpu.memory_space<vmem>>) target(%dma_start3A_453 : memref<4096x128xf32, #tpu.memory_space<vmem_shared>>) offsets(%dma_start3A_450 : memref<128xi32, #tpu.memory_space<vmem>>) semaphore(%run_scoped3A_443 : memref<!tpu.dma_semaphore, #tpu.memory_space<semaphore_mem>>) {add = true}
      %dma_wait3A_454 = arith.constant 0 : i32
      %dma_wait3A_455 = arith.constant 0 : i32
      %dma_wait3A_456 = tpu.memref_slice %arg8[%run_scoped3A_310, %dma_wait3A_454, %dma_wait3A_455] : memref<2x128x128xf32, #tpu.memory_space<vmem>> -> memref<1x128x128xf32, #tpu.memory_space<vmem>>
      %dma_wait3A_457 = tpu.memref_squeeze %dma_wait3A_456 : memref<1x128x128xf32, #tpu.memory_space<vmem>> -> memref<128x128xf32, #tpu.memory_space<vmem>>
      %dma_wait3A_458 = arith.constant 0 : i32
      %dma_wait3A_459 = tpu.memref_slice %arg7[%run_scoped3A_311, %dma_wait3A_458] : memref<16x128xi32, #tpu.memory_space<vmem>> -> memref<1x128xi32, #tpu.memory_space<vmem>>
      %dma_wait3A_460 = tpu.memref_squeeze %dma_wait3A_459 : memref<1x128xi32, #tpu.memory_space<vmem>> -> memref<128xi32, #tpu.memory_space<vmem>>
      %dma_wait3A_461 = arith.constant 0 : i32
      %dma_wait3A_462 = arith.constant 0 : i32
      %dma_wait3A_463 = tpu.memref_slice %arg10[%dma_wait3A_461, %dma_wait3A_462] : memref<4096x128xf32, #tpu.memory_space<vmem_shared>> -> memref<4096x128xf32, #tpu.memory_space<vmem_shared>>
      tpu.wait_indirect_dma semaphore(%run_scoped3A_443 : memref<!tpu.dma_semaphore, #tpu.memory_space<semaphore_mem>>) src(%dma_wait3A_457 : memref<128x128xf32, #tpu.memory_space<vmem>>) dst(%dma_wait3A_463 : memref<4096x128xf32, #tpu.memory_space<vmem_shared>>)
      tpu.yield
    }) : () -> ()
    %dma_start3A_312 = arith.constant 12 : i32
    %dma_start3A_313 = arith.constant 0 : i32
    %dma_start3A_314 = arith.constant 0 : i32
    %dma_start3A_315 = arith.constant 0 : i32
    %dma_start3A_316 = tpu.memref_slice %arg8[%dma_start3A_313, %dma_start3A_314, %dma_start3A_315] : memref<2x128x128xf32, #tpu.memory_space<vmem>> -> memref<1x128x128xf32, #tpu.memory_space<vmem>>
    %dma_start3A_317 = tpu.memref_squeeze %dma_start3A_316 : memref<1x128x128xf32, #tpu.memory_space<vmem>> -> memref<128x128xf32, #tpu.memory_space<vmem>>
    %dma_start3A_318 = arith.constant 0 : i32
    %dma_start3A_319 = tpu.memref_slice %arg6[%dma_start3A_312, %dma_start3A_318] : memref<16x128xi32, #tpu.memory_space<vmem>> -> memref<1x128xi32, #tpu.memory_space<vmem>>
    %dma_start3A_320 = tpu.memref_squeeze %dma_start3A_319 : memref<1x128xi32, #tpu.memory_space<vmem>> -> memref<128xi32, #tpu.memory_space<vmem>>
    %dma_start3A_321 = arith.constant 0 : i32
    %dma_start3A_322 = arith.constant 0 : i32
    %dma_start3A_323 = tpu.memref_slice %arg4[%dma_start3A_321, %dma_start3A_322] : memref<4096x128xf32, #tpu.memory_space<hbm>> -> memref<4096x128xf32, #tpu.memory_space<hbm>>
    tpu.enqueue_indirect_dma source(%dma_start3A_323 : memref<4096x128xf32, #tpu.memory_space<hbm>>) target(%dma_start3A_317 : memref<128x128xf32, #tpu.memory_space<vmem>>) offsets(%dma_start3A_320 : memref<128xi32, #tpu.memory_space<vmem>>) semaphore(%arg11 : memref<!tpu.dma_semaphore, #tpu.memory_space<semaphore_mem>>)
    %dma_wait3A_324 = arith.constant 11 : i32
    %dma_wait3A_325 = arith.constant 1 : i32
    %dma_wait3A_326 = arith.constant 0 : i32
    %dma_wait3A_327 = arith.constant 0 : i32
    %dma_wait3A_328 = tpu.memref_slice %arg8[%dma_wait3A_325, %dma_wait3A_326, %dma_wait3A_327] : memref<2x128x128xf32, #tpu.memory_space<vmem>> -> memref<1x128x128xf32, #tpu.memory_space<vmem>>
    %dma_wait3A_329 = tpu.memref_squeeze %dma_wait3A_328 : memref<1x128x128xf32, #tpu.memory_space<vmem>> -> memref<128x128xf32, #tpu.memory_space<vmem>>
    %dma_wait3A_330 = arith.constant 0 : i32
    %dma_wait3A_331 = tpu.memref_slice %arg6[%dma_wait3A_324, %dma_wait3A_330] : memref<16x128xi32, #tpu.memory_space<vmem>> -> memref<1x128xi32, #tpu.memory_space<vmem>>
    %dma_wait3A_332 = tpu.memref_squeeze %dma_wait3A_331 : memref<1x128xi32, #tpu.memory_space<vmem>> -> memref<128xi32, #tpu.memory_space<vmem>>
    %dma_wait3A_333 = arith.constant 0 : i32
    %dma_wait3A_334 = arith.constant 0 : i32
    %dma_wait3A_335 = tpu.memref_slice %arg4[%dma_wait3A_333, %dma_wait3A_334] : memref<4096x128xf32, #tpu.memory_space<hbm>> -> memref<4096x128xf32, #tpu.memory_space<hbm>>
    tpu.wait_indirect_dma semaphore(%arg12 : memref<!tpu.dma_semaphore, #tpu.memory_space<semaphore_mem>>) src(%dma_wait3A_335 : memref<4096x128xf32, #tpu.memory_space<hbm>>) dst(%dma_wait3A_329 : memref<128x128xf32, #tpu.memory_space<vmem>>)
    %run_scoped3A_336 = arith.constant 1 : i32
    %run_scoped3A_337 = arith.constant 11 : i32
    "tpu.region"() ({
      %run_scoped3A_443 = tpu.sem_alloc : memref<!tpu.dma_semaphore, #tpu.memory_space<semaphore_mem>>
      %dma_start3A_444 = arith.constant 0 : i32
      %dma_start3A_445 = arith.constant 0 : i32
      %dma_start3A_446 = tpu.memref_slice %arg8[%run_scoped3A_336, %dma_start3A_444, %dma_start3A_445] : memref<2x128x128xf32, #tpu.memory_space<vmem>> -> memref<1x128x128xf32, #tpu.memory_space<vmem>>
      %dma_start3A_447 = tpu.memref_squeeze %dma_start3A_446 : memref<1x128x128xf32, #tpu.memory_space<vmem>> -> memref<128x128xf32, #tpu.memory_space<vmem>>
      %dma_start3A_448 = arith.constant 0 : i32
      %dma_start3A_449 = tpu.memref_slice %arg7[%run_scoped3A_337, %dma_start3A_448] : memref<16x128xi32, #tpu.memory_space<vmem>> -> memref<1x128xi32, #tpu.memory_space<vmem>>
      %dma_start3A_450 = tpu.memref_squeeze %dma_start3A_449 : memref<1x128xi32, #tpu.memory_space<vmem>> -> memref<128xi32, #tpu.memory_space<vmem>>
      %dma_start3A_451 = arith.constant 0 : i32
      %dma_start3A_452 = arith.constant 0 : i32
      %dma_start3A_453 = tpu.memref_slice %arg10[%dma_start3A_451, %dma_start3A_452] : memref<4096x128xf32, #tpu.memory_space<vmem_shared>> -> memref<4096x128xf32, #tpu.memory_space<vmem_shared>>
      tpu.enqueue_indirect_dma source(%dma_start3A_447 : memref<128x128xf32, #tpu.memory_space<vmem>>) target(%dma_start3A_453 : memref<4096x128xf32, #tpu.memory_space<vmem_shared>>) offsets(%dma_start3A_450 : memref<128xi32, #tpu.memory_space<vmem>>) semaphore(%run_scoped3A_443 : memref<!tpu.dma_semaphore, #tpu.memory_space<semaphore_mem>>) {add = true}
      %dma_wait3A_454 = arith.constant 0 : i32
      %dma_wait3A_455 = arith.constant 0 : i32
      %dma_wait3A_456 = tpu.memref_slice %arg8[%run_scoped3A_336, %dma_wait3A_454, %dma_wait3A_455] : memref<2x128x128xf32, #tpu.memory_space<vmem>> -> memref<1x128x128xf32, #tpu.memory_space<vmem>>
      %dma_wait3A_457 = tpu.memref_squeeze %dma_wait3A_456 : memref<1x128x128xf32, #tpu.memory_space<vmem>> -> memref<128x128xf32, #tpu.memory_space<vmem>>
      %dma_wait3A_458 = arith.constant 0 : i32
      %dma_wait3A_459 = tpu.memref_slice %arg7[%run_scoped3A_337, %dma_wait3A_458] : memref<16x128xi32, #tpu.memory_space<vmem>> -> memref<1x128xi32, #tpu.memory_space<vmem>>
      %dma_wait3A_460 = tpu.memref_squeeze %dma_wait3A_459 : memref<1x128xi32, #tpu.memory_space<vmem>> -> memref<128xi32, #tpu.memory_space<vmem>>
      %dma_wait3A_461 = arith.constant 0 : i32
      %dma_wait3A_462 = arith.constant 0 : i32
      %dma_wait3A_463 = tpu.memref_slice %arg10[%dma_wait3A_461, %dma_wait3A_462] : memref<4096x128xf32, #tpu.memory_space<vmem_shared>> -> memref<4096x128xf32, #tpu.memory_space<vmem_shared>>
      tpu.wait_indirect_dma semaphore(%run_scoped3A_443 : memref<!tpu.dma_semaphore, #tpu.memory_space<semaphore_mem>>) src(%dma_wait3A_457 : memref<128x128xf32, #tpu.memory_space<vmem>>) dst(%dma_wait3A_463 : memref<4096x128xf32, #tpu.memory_space<vmem_shared>>)
      tpu.yield
    }) : () -> ()
    %dma_start3A_338 = arith.constant 13 : i32
    %dma_start3A_339 = arith.constant 1 : i32
    %dma_start3A_340 = arith.constant 0 : i32
    %dma_start3A_341 = arith.constant 0 : i32
    %dma_start3A_342 = tpu.memref_slice %arg8[%dma_start3A_339, %dma_start3A_340, %dma_start3A_341] : memref<2x128x128xf32, #tpu.memory_space<vmem>> -> memref<1x128x128xf32, #tpu.memory_space<vmem>>
    %dma_start3A_343 = tpu.memref_squeeze %dma_start3A_342 : memref<1x128x128xf32, #tpu.memory_space<vmem>> -> memref<128x128xf32, #tpu.memory_space<vmem>>
    %dma_start3A_344 = arith.constant 0 : i32
    %dma_start3A_345 = tpu.memref_slice %arg6[%dma_start3A_338, %dma_start3A_344] : memref<16x128xi32, #tpu.memory_space<vmem>> -> memref<1x128xi32, #tpu.memory_space<vmem>>
    %dma_start3A_346 = tpu.memref_squeeze %dma_start3A_345 : memref<1x128xi32, #tpu.memory_space<vmem>> -> memref<128xi32, #tpu.memory_space<vmem>>
    %dma_start3A_347 = arith.constant 0 : i32
    %dma_start3A_348 = arith.constant 0 : i32
    %dma_start3A_349 = tpu.memref_slice %arg4[%dma_start3A_347, %dma_start3A_348] : memref<4096x128xf32, #tpu.memory_space<hbm>> -> memref<4096x128xf32, #tpu.memory_space<hbm>>
    tpu.enqueue_indirect_dma source(%dma_start3A_349 : memref<4096x128xf32, #tpu.memory_space<hbm>>) target(%dma_start3A_343 : memref<128x128xf32, #tpu.memory_space<vmem>>) offsets(%dma_start3A_346 : memref<128xi32, #tpu.memory_space<vmem>>) semaphore(%arg12 : memref<!tpu.dma_semaphore, #tpu.memory_space<semaphore_mem>>)
    %dma_wait3A_350 = arith.constant 12 : i32
    %dma_wait3A_351 = arith.constant 0 : i32
    %dma_wait3A_352 = arith.constant 0 : i32
    %dma_wait3A_353 = arith.constant 0 : i32
    %dma_wait3A_354 = tpu.memref_slice %arg8[%dma_wait3A_351, %dma_wait3A_352, %dma_wait3A_353] : memref<2x128x128xf32, #tpu.memory_space<vmem>> -> memref<1x128x128xf32, #tpu.memory_space<vmem>>
    %dma_wait3A_355 = tpu.memref_squeeze %dma_wait3A_354 : memref<1x128x128xf32, #tpu.memory_space<vmem>> -> memref<128x128xf32, #tpu.memory_space<vmem>>
    %dma_wait3A_356 = arith.constant 0 : i32
    %dma_wait3A_357 = tpu.memref_slice %arg6[%dma_wait3A_350, %dma_wait3A_356] : memref<16x128xi32, #tpu.memory_space<vmem>> -> memref<1x128xi32, #tpu.memory_space<vmem>>
    %dma_wait3A_358 = tpu.memref_squeeze %dma_wait3A_357 : memref<1x128xi32, #tpu.memory_space<vmem>> -> memref<128xi32, #tpu.memory_space<vmem>>
    %dma_wait3A_359 = arith.constant 0 : i32
    %dma_wait3A_360 = arith.constant 0 : i32
    %dma_wait3A_361 = tpu.memref_slice %arg4[%dma_wait3A_359, %dma_wait3A_360] : memref<4096x128xf32, #tpu.memory_space<hbm>> -> memref<4096x128xf32, #tpu.memory_space<hbm>>
    tpu.wait_indirect_dma semaphore(%arg11 : memref<!tpu.dma_semaphore, #tpu.memory_space<semaphore_mem>>) src(%dma_wait3A_361 : memref<4096x128xf32, #tpu.memory_space<hbm>>) dst(%dma_wait3A_355 : memref<128x128xf32, #tpu.memory_space<vmem>>)
    %run_scoped3A_362 = arith.constant 0 : i32
    %run_scoped3A_363 = arith.constant 12 : i32
    "tpu.region"() ({
      %run_scoped3A_443 = tpu.sem_alloc : memref<!tpu.dma_semaphore, #tpu.memory_space<semaphore_mem>>
      %dma_start3A_444 = arith.constant 0 : i32
      %dma_start3A_445 = arith.constant 0 : i32
      %dma_start3A_446 = tpu.memref_slice %arg8[%run_scoped3A_362, %dma_start3A_444, %dma_start3A_445] : memref<2x128x128xf32, #tpu.memory_space<vmem>> -> memref<1x128x128xf32, #tpu.memory_space<vmem>>
      %dma_start3A_447 = tpu.memref_squeeze %dma_start3A_446 : memref<1x128x128xf32, #tpu.memory_space<vmem>> -> memref<128x128xf32, #tpu.memory_space<vmem>>
      %dma_start3A_448 = arith.constant 0 : i32
      %dma_start3A_449 = tpu.memref_slice %arg7[%run_scoped3A_363, %dma_start3A_448] : memref<16x128xi32, #tpu.memory_space<vmem>> -> memref<1x128xi32, #tpu.memory_space<vmem>>
      %dma_start3A_450 = tpu.memref_squeeze %dma_start3A_449 : memref<1x128xi32, #tpu.memory_space<vmem>> -> memref<128xi32, #tpu.memory_space<vmem>>
      %dma_start3A_451 = arith.constant 0 : i32
      %dma_start3A_452 = arith.constant 0 : i32
      %dma_start3A_453 = tpu.memref_slice %arg10[%dma_start3A_451, %dma_start3A_452] : memref<4096x128xf32, #tpu.memory_space<vmem_shared>> -> memref<4096x128xf32, #tpu.memory_space<vmem_shared>>
      tpu.enqueue_indirect_dma source(%dma_start3A_447 : memref<128x128xf32, #tpu.memory_space<vmem>>) target(%dma_start3A_453 : memref<4096x128xf32, #tpu.memory_space<vmem_shared>>) offsets(%dma_start3A_450 : memref<128xi32, #tpu.memory_space<vmem>>) semaphore(%run_scoped3A_443 : memref<!tpu.dma_semaphore, #tpu.memory_space<semaphore_mem>>) {add = true}
      %dma_wait3A_454 = arith.constant 0 : i32
      %dma_wait3A_455 = arith.constant 0 : i32
      %dma_wait3A_456 = tpu.memref_slice %arg8[%run_scoped3A_362, %dma_wait3A_454, %dma_wait3A_455] : memref<2x128x128xf32, #tpu.memory_space<vmem>> -> memref<1x128x128xf32, #tpu.memory_space<vmem>>
      %dma_wait3A_457 = tpu.memref_squeeze %dma_wait3A_456 : memref<1x128x128xf32, #tpu.memory_space<vmem>> -> memref<128x128xf32, #tpu.memory_space<vmem>>
      %dma_wait3A_458 = arith.constant 0 : i32
      %dma_wait3A_459 = tpu.memref_slice %arg7[%run_scoped3A_363, %dma_wait3A_458] : memref<16x128xi32, #tpu.memory_space<vmem>> -> memref<1x128xi32, #tpu.memory_space<vmem>>
      %dma_wait3A_460 = tpu.memref_squeeze %dma_wait3A_459 : memref<1x128xi32, #tpu.memory_space<vmem>> -> memref<128xi32, #tpu.memory_space<vmem>>
      %dma_wait3A_461 = arith.constant 0 : i32
      %dma_wait3A_462 = arith.constant 0 : i32
      %dma_wait3A_463 = tpu.memref_slice %arg10[%dma_wait3A_461, %dma_wait3A_462] : memref<4096x128xf32, #tpu.memory_space<vmem_shared>> -> memref<4096x128xf32, #tpu.memory_space<vmem_shared>>
      tpu.wait_indirect_dma semaphore(%run_scoped3A_443 : memref<!tpu.dma_semaphore, #tpu.memory_space<semaphore_mem>>) src(%dma_wait3A_457 : memref<128x128xf32, #tpu.memory_space<vmem>>) dst(%dma_wait3A_463 : memref<4096x128xf32, #tpu.memory_space<vmem_shared>>)
      tpu.yield
    }) : () -> ()
    %dma_start3A_364 = arith.constant 14 : i32
    %dma_start3A_365 = arith.constant 0 : i32
    %dma_start3A_366 = arith.constant 0 : i32
    %dma_start3A_367 = arith.constant 0 : i32
    %dma_start3A_368 = tpu.memref_slice %arg8[%dma_start3A_365, %dma_start3A_366, %dma_start3A_367] : memref<2x128x128xf32, #tpu.memory_space<vmem>> -> memref<1x128x128xf32, #tpu.memory_space<vmem>>
    %dma_start3A_369 = tpu.memref_squeeze %dma_start3A_368 : memref<1x128x128xf32, #tpu.memory_space<vmem>> -> memref<128x128xf32, #tpu.memory_space<vmem>>
    %dma_start3A_370 = arith.constant 0 : i32
    %dma_start3A_371 = tpu.memref_slice %arg6[%dma_start3A_364, %dma_start3A_370] : memref<16x128xi32, #tpu.memory_space<vmem>> -> memref<1x128xi32, #tpu.memory_space<vmem>>
    %dma_start3A_372 = tpu.memref_squeeze %dma_start3A_371 : memref<1x128xi32, #tpu.memory_space<vmem>> -> memref<128xi32, #tpu.memory_space<vmem>>
    %dma_start3A_373 = arith.constant 0 : i32
    %dma_start3A_374 = arith.constant 0 : i32
    %dma_start3A_375 = tpu.memref_slice %arg4[%dma_start3A_373, %dma_start3A_374] : memref<4096x128xf32, #tpu.memory_space<hbm>> -> memref<4096x128xf32, #tpu.memory_space<hbm>>
    tpu.enqueue_indirect_dma source(%dma_start3A_375 : memref<4096x128xf32, #tpu.memory_space<hbm>>) target(%dma_start3A_369 : memref<128x128xf32, #tpu.memory_space<vmem>>) offsets(%dma_start3A_372 : memref<128xi32, #tpu.memory_space<vmem>>) semaphore(%arg11 : memref<!tpu.dma_semaphore, #tpu.memory_space<semaphore_mem>>)
    %dma_wait3A_376 = arith.constant 13 : i32
    %dma_wait3A_377 = arith.constant 1 : i32
    %dma_wait3A_378 = arith.constant 0 : i32
    %dma_wait3A_379 = arith.constant 0 : i32
    %dma_wait3A_380 = tpu.memref_slice %arg8[%dma_wait3A_377, %dma_wait3A_378, %dma_wait3A_379] : memref<2x128x128xf32, #tpu.memory_space<vmem>> -> memref<1x128x128xf32, #tpu.memory_space<vmem>>
    %dma_wait3A_381 = tpu.memref_squeeze %dma_wait3A_380 : memref<1x128x128xf32, #tpu.memory_space<vmem>> -> memref<128x128xf32, #tpu.memory_space<vmem>>
    %dma_wait3A_382 = arith.constant 0 : i32
    %dma_wait3A_383 = tpu.memref_slice %arg6[%dma_wait3A_376, %dma_wait3A_382] : memref<16x128xi32, #tpu.memory_space<vmem>> -> memref<1x128xi32, #tpu.memory_space<vmem>>
    %dma_wait3A_384 = tpu.memref_squeeze %dma_wait3A_383 : memref<1x128xi32, #tpu.memory_space<vmem>> -> memref<128xi32, #tpu.memory_space<vmem>>
    %dma_wait3A_385 = arith.constant 0 : i32
    %dma_wait3A_386 = arith.constant 0 : i32
    %dma_wait3A_387 = tpu.memref_slice %arg4[%dma_wait3A_385, %dma_wait3A_386] : memref<4096x128xf32, #tpu.memory_space<hbm>> -> memref<4096x128xf32, #tpu.memory_space<hbm>>
    tpu.wait_indirect_dma semaphore(%arg12 : memref<!tpu.dma_semaphore, #tpu.memory_space<semaphore_mem>>) src(%dma_wait3A_387 : memref<4096x128xf32, #tpu.memory_space<hbm>>) dst(%dma_wait3A_381 : memref<128x128xf32, #tpu.memory_space<vmem>>)
    %run_scoped3A_388 = arith.constant 1 : i32
    %run_scoped3A_389 = arith.constant 13 : i32
    "tpu.region"() ({
      %run_scoped3A_443 = tpu.sem_alloc : memref<!tpu.dma_semaphore, #tpu.memory_space<semaphore_mem>>
      %dma_start3A_444 = arith.constant 0 : i32
      %dma_start3A_445 = arith.constant 0 : i32
      %dma_start3A_446 = tpu.memref_slice %arg8[%run_scoped3A_388, %dma_start3A_444, %dma_start3A_445] : memref<2x128x128xf32, #tpu.memory_space<vmem>> -> memref<1x128x128xf32, #tpu.memory_space<vmem>>
      %dma_start3A_447 = tpu.memref_squeeze %dma_start3A_446 : memref<1x128x128xf32, #tpu.memory_space<vmem>> -> memref<128x128xf32, #tpu.memory_space<vmem>>
      %dma_start3A_448 = arith.constant 0 : i32
      %dma_start3A_449 = tpu.memref_slice %arg7[%run_scoped3A_389, %dma_start3A_448] : memref<16x128xi32, #tpu.memory_space<vmem>> -> memref<1x128xi32, #tpu.memory_space<vmem>>
      %dma_start3A_450 = tpu.memref_squeeze %dma_start3A_449 : memref<1x128xi32, #tpu.memory_space<vmem>> -> memref<128xi32, #tpu.memory_space<vmem>>
      %dma_start3A_451 = arith.constant 0 : i32
      %dma_start3A_452 = arith.constant 0 : i32
      %dma_start3A_453 = tpu.memref_slice %arg10[%dma_start3A_451, %dma_start3A_452] : memref<4096x128xf32, #tpu.memory_space<vmem_shared>> -> memref<4096x128xf32, #tpu.memory_space<vmem_shared>>
      tpu.enqueue_indirect_dma source(%dma_start3A_447 : memref<128x128xf32, #tpu.memory_space<vmem>>) target(%dma_start3A_453 : memref<4096x128xf32, #tpu.memory_space<vmem_shared>>) offsets(%dma_start3A_450 : memref<128xi32, #tpu.memory_space<vmem>>) semaphore(%run_scoped3A_443 : memref<!tpu.dma_semaphore, #tpu.memory_space<semaphore_mem>>) {add = true}
      %dma_wait3A_454 = arith.constant 0 : i32
      %dma_wait3A_455 = arith.constant 0 : i32
      %dma_wait3A_456 = tpu.memref_slice %arg8[%run_scoped3A_388, %dma_wait3A_454, %dma_wait3A_455] : memref<2x128x128xf32, #tpu.memory_space<vmem>> -> memref<1x128x128xf32, #tpu.memory_space<vmem>>
      %dma_wait3A_457 = tpu.memref_squeeze %dma_wait3A_456 : memref<1x128x128xf32, #tpu.memory_space<vmem>> -> memref<128x128xf32, #tpu.memory_space<vmem>>
      %dma_wait3A_458 = arith.constant 0 : i32
      %dma_wait3A_459 = tpu.memref_slice %arg7[%run_scoped3A_389, %dma_wait3A_458] : memref<16x128xi32, #tpu.memory_space<vmem>> -> memref<1x128xi32, #tpu.memory_space<vmem>>
      %dma_wait3A_460 = tpu.memref_squeeze %dma_wait3A_459 : memref<1x128xi32, #tpu.memory_space<vmem>> -> memref<128xi32, #tpu.memory_space<vmem>>
      %dma_wait3A_461 = arith.constant 0 : i32
      %dma_wait3A_462 = arith.constant 0 : i32
      %dma_wait3A_463 = tpu.memref_slice %arg10[%dma_wait3A_461, %dma_wait3A_462] : memref<4096x128xf32, #tpu.memory_space<vmem_shared>> -> memref<4096x128xf32, #tpu.memory_space<vmem_shared>>
      tpu.wait_indirect_dma semaphore(%run_scoped3A_443 : memref<!tpu.dma_semaphore, #tpu.memory_space<semaphore_mem>>) src(%dma_wait3A_457 : memref<128x128xf32, #tpu.memory_space<vmem>>) dst(%dma_wait3A_463 : memref<4096x128xf32, #tpu.memory_space<vmem_shared>>)
      tpu.yield
    }) : () -> ()
    %dma_start3A_390 = arith.constant 15 : i32
    %dma_start3A_391 = arith.constant 1 : i32
    %dma_start3A_392 = arith.constant 0 : i32
    %dma_start3A_393 = arith.constant 0 : i32
    %dma_start3A_394 = tpu.memref_slice %arg8[%dma_start3A_391, %dma_start3A_392, %dma_start3A_393] : memref<2x128x128xf32, #tpu.memory_space<vmem>> -> memref<1x128x128xf32, #tpu.memory_space<vmem>>
    %dma_start3A_395 = tpu.memref_squeeze %dma_start3A_394 : memref<1x128x128xf32, #tpu.memory_space<vmem>> -> memref<128x128xf32, #tpu.memory_space<vmem>>
    %dma_start3A_396 = arith.constant 0 : i32
    %dma_start3A_397 = tpu.memref_slice %arg6[%dma_start3A_390, %dma_start3A_396] : memref<16x128xi32, #tpu.memory_space<vmem>> -> memref<1x128xi32, #tpu.memory_space<vmem>>
    %dma_start3A_398 = tpu.memref_squeeze %dma_start3A_397 : memref<1x128xi32, #tpu.memory_space<vmem>> -> memref<128xi32, #tpu.memory_space<vmem>>
    %dma_start3A_399 = arith.constant 0 : i32
    %dma_start3A_400 = arith.constant 0 : i32
    %dma_start3A_401 = tpu.memref_slice %arg4[%dma_start3A_399, %dma_start3A_400] : memref<4096x128xf32, #tpu.memory_space<hbm>> -> memref<4096x128xf32, #tpu.memory_space<hbm>>
    tpu.enqueue_indirect_dma source(%dma_start3A_401 : memref<4096x128xf32, #tpu.memory_space<hbm>>) target(%dma_start3A_395 : memref<128x128xf32, #tpu.memory_space<vmem>>) offsets(%dma_start3A_398 : memref<128xi32, #tpu.memory_space<vmem>>) semaphore(%arg12 : memref<!tpu.dma_semaphore, #tpu.memory_space<semaphore_mem>>)
    %dma_wait3A_402 = arith.constant 14 : i32
    %dma_wait3A_403 = arith.constant 0 : i32
    %dma_wait3A_404 = arith.constant 0 : i32
    %dma_wait3A_405 = arith.constant 0 : i32
    %dma_wait3A_406 = tpu.memref_slice %arg8[%dma_wait3A_403, %dma_wait3A_404, %dma_wait3A_405] : memref<2x128x128xf32, #tpu.memory_space<vmem>> -> memref<1x128x128xf32, #tpu.memory_space<vmem>>
    %dma_wait3A_407 = tpu.memref_squeeze %dma_wait3A_406 : memref<1x128x128xf32, #tpu.memory_space<vmem>> -> memref<128x128xf32, #tpu.memory_space<vmem>>
    %dma_wait3A_408 = arith.constant 0 : i32
    %dma_wait3A_409 = tpu.memref_slice %arg6[%dma_wait3A_402, %dma_wait3A_408] : memref<16x128xi32, #tpu.memory_space<vmem>> -> memref<1x128xi32, #tpu.memory_space<vmem>>
    %dma_wait3A_410 = tpu.memref_squeeze %dma_wait3A_409 : memref<1x128xi32, #tpu.memory_space<vmem>> -> memref<128xi32, #tpu.memory_space<vmem>>
    %dma_wait3A_411 = arith.constant 0 : i32
    %dma_wait3A_412 = arith.constant 0 : i32
    %dma_wait3A_413 = tpu.memref_slice %arg4[%dma_wait3A_411, %dma_wait3A_412] : memref<4096x128xf32, #tpu.memory_space<hbm>> -> memref<4096x128xf32, #tpu.memory_space<hbm>>
    tpu.wait_indirect_dma semaphore(%arg11 : memref<!tpu.dma_semaphore, #tpu.memory_space<semaphore_mem>>) src(%dma_wait3A_413 : memref<4096x128xf32, #tpu.memory_space<hbm>>) dst(%dma_wait3A_407 : memref<128x128xf32, #tpu.memory_space<vmem>>)
    %run_scoped3A_414 = arith.constant 0 : i32
    %run_scoped3A_415 = arith.constant 14 : i32
    "tpu.region"() ({
      %run_scoped3A_443 = tpu.sem_alloc : memref<!tpu.dma_semaphore, #tpu.memory_space<semaphore_mem>>
      %dma_start3A_444 = arith.constant 0 : i32
      %dma_start3A_445 = arith.constant 0 : i32
      %dma_start3A_446 = tpu.memref_slice %arg8[%run_scoped3A_414, %dma_start3A_444, %dma_start3A_445] : memref<2x128x128xf32, #tpu.memory_space<vmem>> -> memref<1x128x128xf32, #tpu.memory_space<vmem>>
      %dma_start3A_447 = tpu.memref_squeeze %dma_start3A_446 : memref<1x128x128xf32, #tpu.memory_space<vmem>> -> memref<128x128xf32, #tpu.memory_space<vmem>>
      %dma_start3A_448 = arith.constant 0 : i32
      %dma_start3A_449 = tpu.memref_slice %arg7[%run_scoped3A_415, %dma_start3A_448] : memref<16x128xi32, #tpu.memory_space<vmem>> -> memref<1x128xi32, #tpu.memory_space<vmem>>
      %dma_start3A_450 = tpu.memref_squeeze %dma_start3A_449 : memref<1x128xi32, #tpu.memory_space<vmem>> -> memref<128xi32, #tpu.memory_space<vmem>>
      %dma_start3A_451 = arith.constant 0 : i32
      %dma_start3A_452 = arith.constant 0 : i32
      %dma_start3A_453 = tpu.memref_slice %arg10[%dma_start3A_451, %dma_start3A_452] : memref<4096x128xf32, #tpu.memory_space<vmem_shared>> -> memref<4096x128xf32, #tpu.memory_space<vmem_shared>>
      tpu.enqueue_indirect_dma source(%dma_start3A_447 : memref<128x128xf32, #tpu.memory_space<vmem>>) target(%dma_start3A_453 : memref<4096x128xf32, #tpu.memory_space<vmem_shared>>) offsets(%dma_start3A_450 : memref<128xi32, #tpu.memory_space<vmem>>) semaphore(%run_scoped3A_443 : memref<!tpu.dma_semaphore, #tpu.memory_space<semaphore_mem>>) {add = true}
      %dma_wait3A_454 = arith.constant 0 : i32
      %dma_wait3A_455 = arith.constant 0 : i32
      %dma_wait3A_456 = tpu.memref_slice %arg8[%run_scoped3A_414, %dma_wait3A_454, %dma_wait3A_455] : memref<2x128x128xf32, #tpu.memory_space<vmem>> -> memref<1x128x128xf32, #tpu.memory_space<vmem>>
      %dma_wait3A_457 = tpu.memref_squeeze %dma_wait3A_456 : memref<1x128x128xf32, #tpu.memory_space<vmem>> -> memref<128x128xf32, #tpu.memory_space<vmem>>
      %dma_wait3A_458 = arith.constant 0 : i32
      %dma_wait3A_459 = tpu.memref_slice %arg7[%run_scoped3A_415, %dma_wait3A_458] : memref<16x128xi32, #tpu.memory_space<vmem>> -> memref<1x128xi32, #tpu.memory_space<vmem>>
      %dma_wait3A_460 = tpu.memref_squeeze %dma_wait3A_459 : memref<1x128xi32, #tpu.memory_space<vmem>> -> memref<128xi32, #tpu.memory_space<vmem>>
      %dma_wait3A_461 = arith.constant 0 : i32
      %dma_wait3A_462 = arith.constant 0 : i32
      %dma_wait3A_463 = tpu.memref_slice %arg10[%dma_wait3A_461, %dma_wait3A_462] : memref<4096x128xf32, #tpu.memory_space<vmem_shared>> -> memref<4096x128xf32, #tpu.memory_space<vmem_shared>>
      tpu.wait_indirect_dma semaphore(%run_scoped3A_443 : memref<!tpu.dma_semaphore, #tpu.memory_space<semaphore_mem>>) src(%dma_wait3A_457 : memref<128x128xf32, #tpu.memory_space<vmem>>) dst(%dma_wait3A_463 : memref<4096x128xf32, #tpu.memory_space<vmem_shared>>)
      tpu.yield
    }) : () -> ()
    %dma_wait3A_416 = arith.constant 15 : i32
    %dma_wait3A_417 = arith.constant 1 : i32
    %dma_wait3A_418 = arith.constant 0 : i32
    %dma_wait3A_419 = arith.constant 0 : i32
    %dma_wait3A_420 = tpu.memref_slice %arg8[%dma_wait3A_417, %dma_wait3A_418, %dma_wait3A_419] : memref<2x128x128xf32, #tpu.memory_space<vmem>> -> memref<1x128x128xf32, #tpu.memory_space<vmem>>
    %dma_wait3A_421 = tpu.memref_squeeze %dma_wait3A_420 : memref<1x128x128xf32, #tpu.memory_space<vmem>> -> memref<128x128xf32, #tpu.memory_space<vmem>>
    %dma_wait3A_422 = arith.constant 0 : i32
    %dma_wait3A_423 = tpu.memref_slice %arg6[%dma_wait3A_416, %dma_wait3A_422] : memref<16x128xi32, #tpu.memory_space<vmem>> -> memref<1x128xi32, #tpu.memory_space<vmem>>
    %dma_wait3A_424 = tpu.memref_squeeze %dma_wait3A_423 : memref<1x128xi32, #tpu.memory_space<vmem>> -> memref<128xi32, #tpu.memory_space<vmem>>
    %dma_wait3A_425 = arith.constant 0 : i32
    %dma_wait3A_426 = arith.constant 0 : i32
    %dma_wait3A_427 = tpu.memref_slice %arg4[%dma_wait3A_425, %dma_wait3A_426] : memref<4096x128xf32, #tpu.memory_space<hbm>> -> memref<4096x128xf32, #tpu.memory_space<hbm>>
    tpu.wait_indirect_dma semaphore(%arg12 : memref<!tpu.dma_semaphore, #tpu.memory_space<semaphore_mem>>) src(%dma_wait3A_427 : memref<4096x128xf32, #tpu.memory_space<hbm>>) dst(%dma_wait3A_421 : memref<128x128xf32, #tpu.memory_space<vmem>>)
    %run_scoped3A_428 = arith.constant 1 : i32
    %run_scoped3A_429 = arith.constant 15 : i32
    "tpu.region"() ({
      %run_scoped3A_443 = tpu.sem_alloc : memref<!tpu.dma_semaphore, #tpu.memory_space<semaphore_mem>>
      %dma_start3A_444 = arith.constant 0 : i32
      %dma_start3A_445 = arith.constant 0 : i32
      %dma_start3A_446 = tpu.memref_slice %arg8[%run_scoped3A_428, %dma_start3A_444, %dma_start3A_445] : memref<2x128x128xf32, #tpu.memory_space<vmem>> -> memref<1x128x128xf32, #tpu.memory_space<vmem>>
      %dma_start3A_447 = tpu.memref_squeeze %dma_start3A_446 : memref<1x128x128xf32, #tpu.memory_space<vmem>> -> memref<128x128xf32, #tpu.memory_space<vmem>>
      %dma_start3A_448 = arith.constant 0 : i32
      %dma_start3A_449 = tpu.memref_slice %arg7[%run_scoped3A_429, %dma_start3A_448] : memref<16x128xi32, #tpu.memory_space<vmem>> -> memref<1x128xi32, #tpu.memory_space<vmem>>
      %dma_start3A_450 = tpu.memref_squeeze %dma_start3A_449 : memref<1x128xi32, #tpu.memory_space<vmem>> -> memref<128xi32, #tpu.memory_space<vmem>>
      %dma_start3A_451 = arith.constant 0 : i32
      %dma_start3A_452 = arith.constant 0 : i32
      %dma_start3A_453 = tpu.memref_slice %arg10[%dma_start3A_451, %dma_start3A_452] : memref<4096x128xf32, #tpu.memory_space<vmem_shared>> -> memref<4096x128xf32, #tpu.memory_space<vmem_shared>>
      tpu.enqueue_indirect_dma source(%dma_start3A_447 : memref<128x128xf32, #tpu.memory_space<vmem>>) target(%dma_start3A_453 : memref<4096x128xf32, #tpu.memory_space<vmem_shared>>) offsets(%dma_start3A_450 : memref<128xi32, #tpu.memory_space<vmem>>) semaphore(%run_scoped3A_443 : memref<!tpu.dma_semaphore, #tpu.memory_space<semaphore_mem>>) {add = true}
      %dma_wait3A_454 = arith.constant 0 : i32
      %dma_wait3A_455 = arith.constant 0 : i32
      %dma_wait3A_456 = tpu.memref_slice %arg8[%run_scoped3A_428, %dma_wait3A_454, %dma_wait3A_455] : memref<2x128x128xf32, #tpu.memory_space<vmem>> -> memref<1x128x128xf32, #tpu.memory_space<vmem>>
      %dma_wait3A_457 = tpu.memref_squeeze %dma_wait3A_456 : memref<1x128x128xf32, #tpu.memory_space<vmem>> -> memref<128x128xf32, #tpu.memory_space<vmem>>
      %dma_wait3A_458 = arith.constant 0 : i32
      %dma_wait3A_459 = tpu.memref_slice %arg7[%run_scoped3A_429, %dma_wait3A_458] : memref<16x128xi32, #tpu.memory_space<vmem>> -> memref<1x128xi32, #tpu.memory_space<vmem>>
      %dma_wait3A_460 = tpu.memref_squeeze %dma_wait3A_459 : memref<1x128xi32, #tpu.memory_space<vmem>> -> memref<128xi32, #tpu.memory_space<vmem>>
      %dma_wait3A_461 = arith.constant 0 : i32
      %dma_wait3A_462 = arith.constant 0 : i32
      %dma_wait3A_463 = tpu.memref_slice %arg10[%dma_wait3A_461, %dma_wait3A_462] : memref<4096x128xf32, #tpu.memory_space<vmem_shared>> -> memref<4096x128xf32, #tpu.memory_space<vmem_shared>>
      tpu.wait_indirect_dma semaphore(%run_scoped3A_443 : memref<!tpu.dma_semaphore, #tpu.memory_space<semaphore_mem>>) src(%dma_wait3A_457 : memref<128x128xf32, #tpu.memory_space<vmem>>) dst(%dma_wait3A_463 : memref<4096x128xf32, #tpu.memory_space<vmem_shared>>)
      tpu.yield
    }) : () -> ()
    %barrier3A_430 = arith.constant 0 : index
    tpu.barrier barrier_id(%barrier3A_430)
    %mul3A_431 = arith.constant 256 : i32
    %mul3A_432 = arith.muli %arg1, %mul3A_431 : i32
    %mul3A_433 = arith.constant 256 : i32
    %mul3A_434 = arith.muli %arg1, %mul3A_433 : i32
    "tpu.region"() ({
      %run_scoped3A_443 = tpu.sem_alloc : memref<!tpu.dma_semaphore, #tpu.memory_space<semaphore_mem>>
      %dma_start3A_444 = arith.constant 0 : i32
      %dma_start3A_445 = tpu.memref_slice %arg5[%arg0, %mul3A_434, %dma_start3A_444] : memref<2x4096x128xf32, #tpu.memory_space<hbm>> -> memref<1x128x128xf32, #tpu.memory_space<hbm>>
      %dma_start3A_446 = tpu.memref_squeeze %dma_start3A_445 : memref<1x128x128xf32, #tpu.memory_space<hbm>> -> memref<128x128xf32, #tpu.memory_space<hbm>>
      %dma_start3A_447 = arith.constant 0 : i32
      %dma_start3A_448 = tpu.memref_slice %arg10[%mul3A_432, %dma_start3A_447] : memref<4096x128xf32, #tpu.memory_space<vmem_shared>> -> memref<128x128xf32, #tpu.memory_space<vmem_shared>>
      tpu.enqueue_dma source(%dma_start3A_448 : memref<128x128xf32, #tpu.memory_space<vmem_shared>>) target(%dma_start3A_446 : memref<128x128xf32, #tpu.memory_space<hbm>>) target_semaphore(%run_scoped3A_443 : memref<!tpu.dma_semaphore, #tpu.memory_space<semaphore_mem>>)
      %dma_wait3A_449 = arith.constant 0 : i32
      %dma_wait3A_450 = tpu.memref_slice %arg5[%arg0, %mul3A_434, %dma_wait3A_449] : memref<2x4096x128xf32, #tpu.memory_space<hbm>> -> memref<1x128x128xf32, #tpu.memory_space<hbm>>
      %dma_wait3A_451 = tpu.memref_squeeze %dma_wait3A_450 : memref<1x128x128xf32, #tpu.memory_space<hbm>> -> memref<128x128xf32, #tpu.memory_space<hbm>>
      %dma_wait3A_452 = arith.constant 0 : i32
      %dma_wait3A_453 = tpu.memref_slice %arg10[%mul3A_432, %dma_wait3A_452] : memref<4096x128xf32, #tpu.memory_space<vmem_shared>> -> memref<128x128xf32, #tpu.memory_space<vmem_shared>>
      tpu.wait_dma2 semaphore(%run_scoped3A_443 : memref<!tpu.dma_semaphore, #tpu.memory_space<semaphore_mem>>) src(%dma_wait3A_453 : memref<128x128xf32, #tpu.memory_space<vmem_shared>>) dst(%dma_wait3A_451 : memref<128x128xf32, #tpu.memory_space<hbm>>)
      tpu.yield
    }) : () -> ()
    %mul3A_435 = arith.constant 256 : i32
    %mul3A_436 = arith.muli %arg1, %mul3A_435 : i32
    %add3A_437 = arith.constant 128 : i32
    %add3A_438 = arith.addi %mul3A_436, %add3A_437 : i32
    %mul3A_439 = arith.constant 256 : i32
    %mul3A_440 = arith.muli %arg1, %mul3A_439 : i32
    %add3A_441 = arith.constant 128 : i32
    %add3A_442 = arith.addi %mul3A_440, %add3A_441 : i32
    "tpu.region"() ({
      %run_scoped3A_443 = tpu.sem_alloc : memref<!tpu.dma_semaphore, #tpu.memory_space<semaphore_mem>>
      %dma_start3A_444 = arith.constant 0 : i32
      %dma_start3A_445 = tpu.memref_slice %arg5[%arg0, %add3A_442, %dma_start3A_444] : memref<2x4096x128xf32, #tpu.memory_space<hbm>> -> memref<1x128x128xf32, #tpu.memory_space<hbm>>
      %dma_start3A_446 = tpu.memref_squeeze %dma_start3A_445 : memref<1x128x128xf32, #tpu.memory_space<hbm>> -> memref<128x128xf32, #tpu.memory_space<hbm>>
      %dma_start3A_447 = arith.constant 0 : i32
      %dma_start3A_448 = tpu.memref_slice %arg10[%add3A_438, %dma_start3A_447] : memref<4096x128xf32, #tpu.memory_space<vmem_shared>> -> memref<128x128xf32, #tpu.memory_space<vmem_shared>>
      tpu.enqueue_dma source(%dma_start3A_448 : memref<128x128xf32, #tpu.memory_space<vmem_shared>>) target(%dma_start3A_446 : memref<128x128xf32, #tpu.memory_space<hbm>>) target_semaphore(%run_scoped3A_443 : memref<!tpu.dma_semaphore, #tpu.memory_space<semaphore_mem>>)
      %dma_wait3A_449 = arith.constant 0 : i32
      %dma_wait3A_450 = tpu.memref_slice %arg5[%arg0, %add3A_442, %dma_wait3A_449] : memref<2x4096x128xf32, #tpu.memory_space<hbm>> -> memref<1x128x128xf32, #tpu.memory_space<hbm>>
      %dma_wait3A_451 = tpu.memref_squeeze %dma_wait3A_450 : memref<1x128x128xf32, #tpu.memory_space<hbm>> -> memref<128x128xf32, #tpu.memory_space<hbm>>
      %dma_wait3A_452 = arith.constant 0 : i32
      %dma_wait3A_453 = tpu.memref_slice %arg10[%add3A_438, %dma_wait3A_452] : memref<4096x128xf32, #tpu.memory_space<vmem_shared>> -> memref<128x128xf32, #tpu.memory_space<vmem_shared>>
      tpu.wait_dma2 semaphore(%run_scoped3A_443 : memref<!tpu.dma_semaphore, #tpu.memory_space<semaphore_mem>>) src(%dma_wait3A_453 : memref<128x128xf32, #tpu.memory_space<vmem_shared>>) dst(%dma_wait3A_451 : memref<128x128xf32, #tpu.memory_space<hbm>>)
      tpu.yield
    }) : () -> ()
    return
  }
}

#map = affine_map<(d0, d1) -> (0, 0)>
#map1 = affine_map<(d0, d1) -> (0, 0, 0)>
module attributes {stable_mosaic.version = 14 : i64} {
  func.func @agg_k(%arg0: i32, %arg1: i32, %arg2: memref<512x128xi32, #tpu.memory_space<hbm>>, %arg3: memref<512x128xi32, #tpu.memory_space<hbm>>, %arg4: memref<4096x128xf32, #tpu.memory_space<hbm>>, %arg5: memref<2x4096x128xf32, #tpu.memory_space<hbm>>, %arg6: memref<16x128xi32, #tpu.memory_space<vmem>>, %arg7: memref<16x128xi32, #tpu.memory_space<vmem>>, %arg8: memref<2x128x128xf32, #tpu.memory_space<vmem>>, %arg9: memref<128x128xf32, #tpu.memory_space<vmem>>, %arg10: memref<4096x128xf32, #tpu.memory_space<vmem_shared>>, %arg11: memref<!tpu.dma_semaphore, #tpu.memory_space<semaphore_mem>>, %arg12: memref<!tpu.dma_semaphore, #tpu.memory_space<semaphore_mem>>) attributes {dimension_semantics = [#tpu.dimension_semantics<core_parallel>, #tpu.dimension_semantics<subcore_parallel>], iteration_bounds = array<i64: 2, 16>, scalar_prefetch = 0 : i64, scratch_operands = 7 : i64, tpu.core_type = #tpu.core_type<sc_vector_subcore>, window_params = [{transform_indices = #map}, {transform_indices = #map}, {transform_indices = #map}, {transform_indices = #map1}]} {
    %mul3A = arith.constant 2 : i32
    %mul3A_0 = arith.muli %arg1, %mul3A : i32
    %add3A = arith.addi %mul3A_0, %arg0 : i32
    %broadcast_in_dim3A = arith.constant 0.000000e+00 : f32
    %broadcast_in_dim3A_1 = vector.broadcast %broadcast_in_dim3A : f32 to vector<16xf32>
    %scan3A = arith.constant 0 : i32
    %scan3A_2 = arith.constant 0 : i32
    %scan3A_3 = arith.constant 128 : i32
    %scan3A_4 = arith.addi %scan3A_2, %scan3A_3 : i32
    %scan3A_5 = arith.constant 1 : i32
    scf.for %scan3A_443 = %scan3A_2 to %scan3A_4 step %scan3A_5  : i32 {
      %swap3A = arith.index_cast %scan3A_443 : i32 to index
      %swap3A_444 = arith.constant 0 : index
      %swap3A_445 = tpu.vector_load %arg9[%swap3A, %swap3A_444] {strides = array<i32>} : memref<128x128xf32, #tpu.memory_space<vmem>>, vector<1x16xf32>,
      %swap3A_446 = vector.shape_cast %swap3A_445 : vector<1x16xf32> to vector<16xf32>
      %swap3A_447 = vector.shape_cast %broadcast_in_dim3A_1 : vector<16xf32> to vector<1x16xf32>
      tpu.vector_store %arg9[%swap3A, %swap3A_444], %swap3A_447 {strides = array<i32>} : memref<128x128xf32, #tpu.memory_space<vmem>>, vector<1x16xf32>,
      %swap3A_448 = arith.index_cast %scan3A_443 : i32 to index
      %swap3A_449 = arith.constant 16 : index
      %swap3A_450 = tpu.vector_load %arg9[%swap3A_448, %swap3A_449] {strides = array<i32>} : memref<128x128xf32, #tpu.memory_space<vmem>>, vector<1x16xf32>,
      %swap3A_451 = vector.shape_cast %swap3A_450 : vector<1x16xf32> to vector<16xf32>
      %swap3A_452 = vector.shape_cast %broadcast_in_dim3A_1 : vector<16xf32> to vector<1x16xf32>
      tpu.vector_store %arg9[%swap3A_448, %swap3A_449], %swap3A_452 {strides = array<i32>} : memref<128x128xf32, #tpu.memory_space<vmem>>, vector<1x16xf32>,
      %swap3A_453 = arith.index_cast %scan3A_443 : i32 to index
      %swap3A_454 = arith.constant 32 : index
      %swap3A_455 = tpu.vector_load %arg9[%swap3A_453, %swap3A_454] {strides = array<i32>} : memref<128x128xf32, #tpu.memory_space<vmem>>, vector<1x16xf32>,
      %swap3A_456 = vector.shape_cast %swap3A_455 : vector<1x16xf32> to vector<16xf32>
      %swap3A_457 = vector.shape_cast %broadcast_in_dim3A_1 : vector<16xf32> to vector<1x16xf32>
      tpu.vector_store %arg9[%swap3A_453, %swap3A_454], %swap3A_457 {strides = array<i32>} : memref<128x128xf32, #tpu.memory_space<vmem>>, vector<1x16xf32>,
      %swap3A_458 = arith.index_cast %scan3A_443 : i32 to index
      %swap3A_459 = arith.constant 48 : index
      %swap3A_460 = tpu.vector_load %arg9[%swap3A_458, %swap3A_459] {strides = array<i32>} : memref<128x128xf32, #tpu.memory_space<vmem>>, vector<1x16xf32>,
      %swap3A_461 = vector.shape_cast %swap3A_460 : vector<1x16xf32> to vector<16xf32>
      %swap3A_462 = vector.shape_cast %broadcast_in_dim3A_1 : vector<16xf32> to vector<1x16xf32>
      tpu.vector_store %arg9[%swap3A_458, %swap3A_459], %swap3A_462 {strides = array<i32>} : memref<128x128xf32, #tpu.memory_space<vmem>>, vector<1x16xf32>,
      %swap3A_463 = arith.index_cast %scan3A_443 : i32 to index
      %swap3A_464 = arith.constant 64 : index
      %swap3A_465 = tpu.vector_load %arg9[%swap3A_463, %swap3A_464] {strides = array<i32>} : memref<128x128xf32, #tpu.memory_space<vmem>>, vector<1x16xf32>,
      %swap3A_466 = vector.shape_cast %swap3A_465 : vector<1x16xf32> to vector<16xf32>
      %swap3A_467 = vector.shape_cast %broadcast_in_dim3A_1 : vector<16xf32> to vector<1x16xf32>
      tpu.vector_store %arg9[%swap3A_463, %swap3A_464], %swap3A_467 {strides = array<i32>} : memref<128x128xf32, #tpu.memory_space<vmem>>, vector<1x16xf32>,
      %swap3A_468 = arith.index_cast %scan3A_443 : i32 to index
      %swap3A_469 = arith.constant 80 : index
      %swap3A_470 = tpu.vector_load %arg9[%swap3A_468, %swap3A_469] {strides = array<i32>} : memref<128x128xf32, #tpu.memory_space<vmem>>, vector<1x16xf32>,
      %swap3A_471 = vector.shape_cast %swap3A_470 : vector<1x16xf32> to vector<16xf32>
      %swap3A_472 = vector.shape_cast %broadcast_in_dim3A_1 : vector<16xf32> to vector<1x16xf32>
      tpu.vector_store %arg9[%swap3A_468, %swap3A_469], %swap3A_472 {strides = array<i32>} : memref<128x128xf32, #tpu.memory_space<vmem>>, vector<1x16xf32>,
      %swap3A_473 = arith.index_cast %scan3A_443 : i32 to index
      %swap3A_474 = arith.constant 96 : index
      %swap3A_475 = tpu.vector_load %arg9[%swap3A_473, %swap3A_474] {strides = array<i32>} : memref<128x128xf32, #tpu.memory_space<vmem>>, vector<1x16xf32>,
      %swap3A_476 = vector.shape_cast %swap3A_475 : vector<1x16xf32> to vector<16xf32>
      %swap3A_477 = vector.shape_cast %broadcast_in_dim3A_1 : vector<16xf32> to vector<1x16xf32>
      tpu.vector_store %arg9[%swap3A_473, %swap3A_474], %swap3A_477 {strides = array<i32>} : memref<128x128xf32, #tpu.memory_space<vmem>>, vector<1x16xf32>,
      %swap3A_478 = arith.index_cast %scan3A_443 : i32 to index
      %swap3A_479 = arith.constant 112 : index
      %swap3A_480 = tpu.vector_load %arg9[%swap3A_478, %swap3A_479] {strides = array<i32>} : memref<128x128xf32, #tpu.memory_space<vmem>>, vector<1x16xf32>,
      %swap3A_481 = vector.shape_cast %swap3A_480 : vector<1x16xf32> to vector<16xf32>
      %swap3A_482 = vector.shape_cast %broadcast_in_dim3A_1 : vector<16xf32> to vector<1x16xf32>
      tpu.vector_store %arg9[%swap3A_478, %swap3A_479], %swap3A_482 {strides = array<i32>} : memref<128x128xf32, #tpu.memory_space<vmem>>, vector<1x16xf32>,
    }
    %scan3A_6 = arith.constant 128 : i32
    %mul3A_7 = arith.constant 256 : i32
    %mul3A_8 = arith.muli %arg1, %mul3A_7 : i32
    "tpu.region"() ({
      %run_scoped3A_443 = tpu.sem_alloc : memref<!tpu.dma_semaphore, #tpu.memory_space<semaphore_mem>>
      %dma_start3A_444 = arith.constant 0 : i32
      %dma_start3A_445 = tpu.memref_slice %arg10[%mul3A_8, %dma_start3A_444] : memref<4096x128xf32, #tpu.memory_space<vmem_shared>> -> memref<128x128xf32, #tpu.memory_space<vmem_shared>>
      %dma_start3A_446 = arith.constant 0 : i32
      %dma_start3A_447 = tpu.memref_slice %arg10[%mul3A_8, %dma_start3A_446] : memref<4096x128xf32, #tpu.memory_space<vmem_shared>> -> memref<128x128xf32, #tpu.memory_space<vmem_shared>>
      tpu.enqueue_dma source(%arg9 : memref<128x128xf32, #tpu.memory_space<vmem>>) target(%dma_start3A_447 : memref<128x128xf32, #tpu.memory_space<vmem_shared>>) target_semaphore(%run_scoped3A_443 : memref<!tpu.dma_semaphore, #tpu.memory_space<semaphore_mem>>)
      %dma_wait3A_448 = arith.constant 0 : i32
      %dma_wait3A_449 = tpu.memref_slice %arg10[%mul3A_8, %dma_wait3A_448] : memref<4096x128xf32, #tpu.memory_space<vmem_shared>> -> memref<128x128xf32, #tpu.memory_space<vmem_shared>>
      %dma_wait3A_450 = arith.constant 0 : i32
      %dma_wait3A_451 = tpu.memref_slice %arg10[%mul3A_8, %dma_wait3A_450] : memref<4096x128xf32, #tpu.memory_space<vmem_shared>> -> memref<128x128xf32, #tpu.memory_space<vmem_shared>>
      tpu.wait_dma2 semaphore(%run_scoped3A_443 : memref<!tpu.dma_semaphore, #tpu.memory_space<semaphore_mem>>) src(%arg9 : memref<128x128xf32, #tpu.memory_space<vmem>>) dst(%dma_wait3A_451 : memref<128x128xf32, #tpu.memory_space<vmem_shared>>)
      tpu.yield
    }) : () -> ()
    %mul3A_9 = arith.constant 256 : i32
    %mul3A_10 = arith.muli %arg1, %mul3A_9 : i32
    %add3A_11 = arith.constant 128 : i32
    %add3A_12 = arith.addi %mul3A_10, %add3A_11 : i32
    "tpu.region"() ({
      %run_scoped3A_443 = tpu.sem_alloc : memref<!tpu.dma_semaphore, #tpu.memory_space<semaphore_mem>>
      %dma_start3A_444 = arith.constant 0 : i32
      %dma_start3A_445 = tpu.memref_slice %arg10[%add3A_12, %dma_start3A_444] : memref<4096x128xf32, #tpu.memory_space<vmem_shared>> -> memref<128x128xf32, #tpu.memory_space<vmem_shared>>
      %dma_start3A_446 = arith.constant 0 : i32
      %dma_start3A_447 = tpu.memref_slice %arg10[%add3A_12, %dma_start3A_446] : memref<4096x128xf32, #tpu.memory_space<vmem_shared>> -> memref<128x128xf32, #tpu.memory_space<vmem_shared>>
      tpu.enqueue_dma source(%arg9 : memref<128x128xf32, #tpu.memory_space<vmem>>) target(%dma_start3A_447 : memref<128x128xf32, #tpu.memory_space<vmem_shared>>) target_semaphore(%run_scoped3A_443 : memref<!tpu.dma_semaphore, #tpu.memory_space<semaphore_mem>>)
      %dma_wait3A_448 = arith.constant 0 : i32
      %dma_wait3A_449 = tpu.memref_slice %arg10[%add3A_12, %dma_wait3A_448] : memref<4096x128xf32, #tpu.memory_space<vmem_shared>> -> memref<128x128xf32, #tpu.memory_space<vmem_shared>>
      %dma_wait3A_450 = arith.constant 0 : i32
      %dma_wait3A_451 = tpu.memref_slice %arg10[%add3A_12, %dma_wait3A_450] : memref<4096x128xf32, #tpu.memory_space<vmem_shared>> -> memref<128x128xf32, #tpu.memory_space<vmem_shared>>
      tpu.wait_dma2 semaphore(%run_scoped3A_443 : memref<!tpu.dma_semaphore, #tpu.memory_space<semaphore_mem>>) src(%arg9 : memref<128x128xf32, #tpu.memory_space<vmem>>) dst(%dma_wait3A_451 : memref<128x128xf32, #tpu.memory_space<vmem_shared>>)
      tpu.yield
    }) : () -> ()
    %mul3A_13 = arith.constant 16 : i32
    %mul3A_14 = arith.muli %add3A, %mul3A_13 : i32
    "tpu.region"() ({
      %run_scoped3A_443 = tpu.sem_alloc : memref<!tpu.dma_semaphore, #tpu.memory_space<semaphore_mem>>
      %dma_start3A_444 = arith.constant 0 : i32
      %dma_start3A_445 = tpu.memref_slice %arg2[%mul3A_14, %dma_start3A_444] : memref<512x128xi32, #tpu.memory_space<hbm>> -> memref<16x128xi32, #tpu.memory_space<hbm>>
      %dma_start3A_446 = arith.constant 0 : i32
      %dma_start3A_447 = tpu.memref_slice %arg2[%mul3A_14, %dma_start3A_446] : memref<512x128xi32, #tpu.memory_space<hbm>> -> memref<16x128xi32, #tpu.memory_space<hbm>>
      tpu.enqueue_dma source(%dma_start3A_447 : memref<16x128xi32, #tpu.memory_space<hbm>>) target(%arg6 : memref<16x128xi32, #tpu.memory_space<vmem>>) target_semaphore(%run_scoped3A_443 : memref<!tpu.dma_semaphore, #tpu.memory_space<semaphore_mem>>)
      %dma_wait3A_448 = arith.constant 0 : i32
      %dma_wait3A_449 = tpu.memref_slice %arg2[%mul3A_14, %dma_wait3A_448] : memref<512x128xi32, #tpu.memory_space<hbm>> -> memref<16x128xi32, #tpu.memory_space<hbm>>
      %dma_wait3A_450 = arith.constant 0 : i32
      %dma_wait3A_451 = tpu.memref_slice %arg2[%mul3A_14, %dma_wait3A_450] : memref<512x128xi32, #tpu.memory_space<hbm>> -> memref<16x128xi32, #tpu.memory_space<hbm>>
      tpu.wait_dma2 semaphore(%run_scoped3A_443 : memref<!tpu.dma_semaphore, #tpu.memory_space<semaphore_mem>>) src(%dma_wait3A_451 : memref<16x128xi32, #tpu.memory_space<hbm>>) dst(%arg6 : memref<16x128xi32, #tpu.memory_space<vmem>>)
      tpu.yield
    }) : () -> ()
    %mul3A_15 = arith.constant 16 : i32
    %mul3A_16 = arith.muli %add3A, %mul3A_15 : i32
    "tpu.region"() ({
      %run_scoped3A_443 = tpu.sem_alloc : memref<!tpu.dma_semaphore, #tpu.memory_space<semaphore_mem>>
      %dma_start3A_444 = arith.constant 0 : i32
      %dma_start3A_445 = tpu.memref_slice %arg3[%mul3A_16, %dma_start3A_444] : memref<512x128xi32, #tpu.memory_space<hbm>> -> memref<16x128xi32, #tpu.memory_space<hbm>>
      %dma_start3A_446 = arith.constant 0 : i32
      %dma_start3A_447 = tpu.memref_slice %arg3[%mul3A_16, %dma_start3A_446] : memref<512x128xi32, #tpu.memory_space<hbm>> -> memref<16x128xi32, #tpu.memory_space<hbm>>
      tpu.enqueue_dma source(%dma_start3A_447 : memref<16x128xi32, #tpu.memory_space<hbm>>) target(%arg7 : memref<16x128xi32, #tpu.memory_space<vmem>>) target_semaphore(%run_scoped3A_443 : memref<!tpu.dma_semaphore, #tpu.memory_space<semaphore_mem>>)
      %dma_wait3A_448 = arith.constant 0 : i32
      %dma_wait3A_449 = tpu.memref_slice %arg3[%mul3A_16, %dma_wait3A_448] : memref<512x128xi32, #tpu.memory_space<hbm>> -> memref<16x128xi32, #tpu.memory_space<hbm>>
      %dma_wait3A_450 = arith.constant 0 : i32
      %dma_wait3A_451 = tpu.memref_slice %arg3[%mul3A_16, %dma_wait3A_450] : memref<512x128xi32, #tpu.memory_space<hbm>> -> memref<16x128xi32, #tpu.memory_space<hbm>>
      tpu.wait_dma2 semaphore(%run_scoped3A_443 : memref<!tpu.dma_semaphore, #tpu.memory_space<semaphore_mem>>) src(%dma_wait3A_451 : memref<16x128xi32, #tpu.memory_space<hbm>>) dst(%arg7 : memref<16x128xi32, #tpu.memory_space<vmem>>)
      tpu.yield
    }) : () -> ()
    %barrier3A = arith.constant 0 : index
    tpu.barrier barrier_id(%barrier3A)
    %dma_start3A = arith.constant 0 : i32
    %dma_start3A_17 = arith.constant 0 : i32
    %dma_start3A_18 = arith.constant 0 : i32
    %dma_start3A_19 = arith.constant 0 : i32
    %dma_start3A_20 = tpu.memref_slice %arg8[%dma_start3A_17, %dma_start3A_18, %dma_start3A_19] : memref<2x128x128xf32, #tpu.memory_space<vmem>> -> memref<1x128x128xf32, #tpu.memory_space<vmem>>
    %dma_start3A_21 = tpu.memref_squeeze %dma_start3A_20 : memref<1x128x128xf32, #tpu.memory_space<vmem>> -> memref<128x128xf32, #tpu.memory_space<vmem>>
    %dma_start3A_22 = arith.constant 0 : i32
    %dma_start3A_23 = tpu.memref_slice %arg6[%dma_start3A, %dma_start3A_22] : memref<16x128xi32, #tpu.memory_space<vmem>> -> memref<1x128xi32, #tpu.memory_space<vmem>>
    %dma_start3A_24 = tpu.memref_squeeze %dma_start3A_23 : memref<1x128xi32, #tpu.memory_space<vmem>> -> memref<128xi32, #tpu.memory_space<vmem>>
    %dma_start3A_25 = arith.constant 0 : i32
    %dma_start3A_26 = arith.constant 0 : i32
    %dma_start3A_27 = tpu.memref_slice %arg4[%dma_start3A_25, %dma_start3A_26] : memref<4096x128xf32, #tpu.memory_space<hbm>> -> memref<4096x128xf32, #tpu.memory_space<hbm>>
    tpu.enqueue_indirect_dma source(%dma_start3A_27 : memref<4096x128xf32, #tpu.memory_space<hbm>>) target(%dma_start3A_21 : memref<128x128xf32, #tpu.memory_space<vmem>>) offsets(%dma_start3A_24 : memref<128xi32, #tpu.memory_space<vmem>>) semaphore(%arg11 : memref<!tpu.dma_semaphore, #tpu.memory_space<semaphore_mem>>)
    %dma_start3A_28 = arith.constant 1 : i32
    %dma_start3A_29 = arith.constant 1 : i32
    %dma_start3A_30 = arith.constant 0 : i32
    %dma_start3A_31 = arith.constant 0 : i32
    %dma_start3A_32 = tpu.memref_slice %arg8[%dma_start3A_29, %dma_start3A_30, %dma_start3A_31] : memref<2x128x128xf32, #tpu.memory_space<vmem>> -> memref<1x128x128xf32, #tpu.memory_space<vmem>>
    %dma_start3A_33 = tpu.memref_squeeze %dma_start3A_32 : memref<1x128x128xf32, #tpu.memory_space<vmem>> -> memref<128x128xf32, #tpu.memory_space<vmem>>
    %dma_start3A_34 = arith.constant 0 : i32
    %dma_start3A_35 = tpu.memref_slice %arg6[%dma_start3A_28, %dma_start3A_34] : memref<16x128xi32, #tpu.memory_space<vmem>> -> memref<1x128xi32, #tpu.memory_space<vmem>>
    %dma_start3A_36 = tpu.memref_squeeze %dma_start3A_35 : memref<1x128xi32, #tpu.memory_space<vmem>> -> memref<128xi32, #tpu.memory_space<vmem>>
    %dma_start3A_37 = arith.constant 0 : i32
    %dma_start3A_38 = arith.constant 0 : i32
    %dma_start3A_39 = tpu.memref_slice %arg4[%dma_start3A_37, %dma_start3A_38] : memref<4096x128xf32, #tpu.memory_space<hbm>> -> memref<4096x128xf32, #tpu.memory_space<hbm>>
    tpu.enqueue_indirect_dma source(%dma_start3A_39 : memref<4096x128xf32, #tpu.memory_space<hbm>>) target(%dma_start3A_33 : memref<128x128xf32, #tpu.memory_space<vmem>>) offsets(%dma_start3A_36 : memref<128xi32, #tpu.memory_space<vmem>>) semaphore(%arg12 : memref<!tpu.dma_semaphore, #tpu.memory_space<semaphore_mem>>)
    %dma_wait3A = arith.constant 0 : i32
    %dma_wait3A_40 = arith.constant 0 : i32
    %dma_wait3A_41 = arith.constant 0 : i32
    %dma_wait3A_42 = arith.constant 0 : i32
    %dma_wait3A_43 = tpu.memref_slice %arg8[%dma_wait3A_40, %dma_wait3A_41, %dma_wait3A_42] : memref<2x128x128xf32, #tpu.memory_space<vmem>> -> memref<1x128x128xf32, #tpu.memory_space<vmem>>
    %dma_wait3A_44 = tpu.memref_squeeze %dma_wait3A_43 : memref<1x128x128xf32, #tpu.memory_space<vmem>> -> memref<128x128xf32, #tpu.memory_space<vmem>>
    %dma_wait3A_45 = arith.constant 0 : i32
    %dma_wait3A_46 = tpu.memref_slice %arg6[%dma_wait3A, %dma_wait3A_45] : memref<16x128xi32, #tpu.memory_space<vmem>> -> memref<1x128xi32, #tpu.memory_space<vmem>>
    %dma_wait3A_47 = tpu.memref_squeeze %dma_wait3A_46 : memref<1x128xi32, #tpu.memory_space<vmem>> -> memref<128xi32, #tpu.memory_space<vmem>>
    %dma_wait3A_48 = arith.constant 0 : i32
    %dma_wait3A_49 = arith.constant 0 : i32
    %dma_wait3A_50 = tpu.memref_slice %arg4[%dma_wait3A_48, %dma_wait3A_49] : memref<4096x128xf32, #tpu.memory_space<hbm>> -> memref<4096x128xf32, #tpu.memory_space<hbm>>
    tpu.wait_indirect_dma semaphore(%arg11 : memref<!tpu.dma_semaphore, #tpu.memory_space<semaphore_mem>>) src(%dma_wait3A_50 : memref<4096x128xf32, #tpu.memory_space<hbm>>) dst(%dma_wait3A_44 : memref<128x128xf32, #tpu.memory_space<vmem>>)
    %run_scoped3A = arith.constant 0 : i32
    %run_scoped3A_51 = arith.constant 0 : i32
    "tpu.region"() ({
      %run_scoped3A_443 = tpu.sem_alloc : memref<!tpu.dma_semaphore, #tpu.memory_space<semaphore_mem>>
      %dma_start3A_444 = arith.constant 0 : i32
      %dma_start3A_445 = arith.constant 0 : i32
      %dma_start3A_446 = tpu.memref_slice %arg8[%run_scoped3A, %dma_start3A_444, %dma_start3A_445] : memref<2x128x128xf32, #tpu.memory_space<vmem>> -> memref<1x128x128xf32, #tpu.memory_space<vmem>>
      %dma_start3A_447 = tpu.memref_squeeze %dma_start3A_446 : memref<1x128x128xf32, #tpu.memory_space<vmem>> -> memref<128x128xf32, #tpu.memory_space<vmem>>
      %dma_start3A_448 = arith.constant 0 : i32
      %dma_start3A_449 = tpu.memref_slice %arg7[%run_scoped3A_51, %dma_start3A_448] : memref<16x128xi32, #tpu.memory_space<vmem>> -> memref<1x128xi32, #tpu.memory_space<vmem>>
      %dma_start3A_450 = tpu.memref_squeeze %dma_start3A_449 : memref<1x128xi32, #tpu.memory_space<vmem>> -> memref<128xi32, #tpu.memory_space<vmem>>
      %dma_start3A_451 = arith.constant 0 : i32
      %dma_start3A_452 = arith.constant 0 : i32
      %dma_start3A_453 = tpu.memref_slice %arg10[%dma_start3A_451, %dma_start3A_452] : memref<4096x128xf32, #tpu.memory_space<vmem_shared>> -> memref<4096x128xf32, #tpu.memory_space<vmem_shared>>
      tpu.enqueue_indirect_dma source(%dma_start3A_447 : memref<128x128xf32, #tpu.memory_space<vmem>>) target(%dma_start3A_453 : memref<4096x128xf32, #tpu.memory_space<vmem_shared>>) offsets(%dma_start3A_450 : memref<128xi32, #tpu.memory_space<vmem>>) semaphore(%run_scoped3A_443 : memref<!tpu.dma_semaphore, #tpu.memory_space<semaphore_mem>>) {add = true}
      %dma_wait3A_454 = arith.constant 0 : i32
      %dma_wait3A_455 = arith.constant 0 : i32
      %dma_wait3A_456 = tpu.memref_slice %arg8[%run_scoped3A, %dma_wait3A_454, %dma_wait3A_455] : memref<2x128x128xf32, #tpu.memory_space<vmem>> -> memref<1x128x128xf32, #tpu.memory_space<vmem>>
      %dma_wait3A_457 = tpu.memref_squeeze %dma_wait3A_456 : memref<1x128x128xf32, #tpu.memory_space<vmem>> -> memref<128x128xf32, #tpu.memory_space<vmem>>
      %dma_wait3A_458 = arith.constant 0 : i32
      %dma_wait3A_459 = tpu.memref_slice %arg7[%run_scoped3A_51, %dma_wait3A_458] : memref<16x128xi32, #tpu.memory_space<vmem>> -> memref<1x128xi32, #tpu.memory_space<vmem>>
      %dma_wait3A_460 = tpu.memref_squeeze %dma_wait3A_459 : memref<1x128xi32, #tpu.memory_space<vmem>> -> memref<128xi32, #tpu.memory_space<vmem>>
      %dma_wait3A_461 = arith.constant 0 : i32
      %dma_wait3A_462 = arith.constant 0 : i32
      %dma_wait3A_463 = tpu.memref_slice %arg10[%dma_wait3A_461, %dma_wait3A_462] : memref<4096x128xf32, #tpu.memory_space<vmem_shared>> -> memref<4096x128xf32, #tpu.memory_space<vmem_shared>>
      tpu.wait_indirect_dma semaphore(%run_scoped3A_443 : memref<!tpu.dma_semaphore, #tpu.memory_space<semaphore_mem>>) src(%dma_wait3A_457 : memref<128x128xf32, #tpu.memory_space<vmem>>) dst(%dma_wait3A_463 : memref<4096x128xf32, #tpu.memory_space<vmem_shared>>)
      tpu.yield
    }) : () -> ()
    %dma_start3A_52 = arith.constant 2 : i32
    %dma_start3A_53 = arith.constant 0 : i32
    %dma_start3A_54 = arith.constant 0 : i32
    %dma_start3A_55 = arith.constant 0 : i32
    %dma_start3A_56 = tpu.memref_slice %arg8[%dma_start3A_53, %dma_start3A_54, %dma_start3A_55] : memref<2x128x128xf32, #tpu.memory_space<vmem>> -> memref<1x128x128xf32, #tpu.memory_space<vmem>>
    %dma_start3A_57 = tpu.memref_squeeze %dma_start3A_56 : memref<1x128x128xf32, #tpu.memory_space<vmem>> -> memref<128x128xf32, #tpu.memory_space<vmem>>
    %dma_start3A_58 = arith.constant 0 : i32
    %dma_start3A_59 = tpu.memref_slice %arg6[%dma_start3A_52, %dma_start3A_58] : memref<16x128xi32, #tpu.memory_space<vmem>> -> memref<1x128xi32, #tpu.memory_space<vmem>>
    %dma_start3A_60 = tpu.memref_squeeze %dma_start3A_59 : memref<1x128xi32, #tpu.memory_space<vmem>> -> memref<128xi32, #tpu.memory_space<vmem>>
    %dma_start3A_61 = arith.constant 0 : i32
    %dma_start3A_62 = arith.constant 0 : i32
    %dma_start3A_63 = tpu.memref_slice %arg4[%dma_start3A_61, %dma_start3A_62] : memref<4096x128xf32, #tpu.memory_space<hbm>> -> memref<4096x128xf32, #tpu.memory_space<hbm>>
    tpu.enqueue_indirect_dma source(%dma_start3A_63 : memref<4096x128xf32, #tpu.memory_space<hbm>>) target(%dma_start3A_57 : memref<128x128xf32, #tpu.memory_space<vmem>>) offsets(%dma_start3A_60 : memref<128xi32, #tpu.memory_space<vmem>>) semaphore(%arg11 : memref<!tpu.dma_semaphore, #tpu.memory_space<semaphore_mem>>)
    %dma_wait3A_64 = arith.constant 1 : i32
    %dma_wait3A_65 = arith.constant 1 : i32
    %dma_wait3A_66 = arith.constant 0 : i32
    %dma_wait3A_67 = arith.constant 0 : i32
    %dma_wait3A_68 = tpu.memref_slice %arg8[%dma_wait3A_65, %dma_wait3A_66, %dma_wait3A_67] : memref<2x128x128xf32, #tpu.memory_space<vmem>> -> memref<1x128x128xf32, #tpu.memory_space<vmem>>
    %dma_wait3A_69 = tpu.memref_squeeze %dma_wait3A_68 : memref<1x128x128xf32, #tpu.memory_space<vmem>> -> memref<128x128xf32, #tpu.memory_space<vmem>>
    %dma_wait3A_70 = arith.constant 0 : i32
    %dma_wait3A_71 = tpu.memref_slice %arg6[%dma_wait3A_64, %dma_wait3A_70] : memref<16x128xi32, #tpu.memory_space<vmem>> -> memref<1x128xi32, #tpu.memory_space<vmem>>
    %dma_wait3A_72 = tpu.memref_squeeze %dma_wait3A_71 : memref<1x128xi32, #tpu.memory_space<vmem>> -> memref<128xi32, #tpu.memory_space<vmem>>
    %dma_wait3A_73 = arith.constant 0 : i32
    %dma_wait3A_74 = arith.constant 0 : i32
    %dma_wait3A_75 = tpu.memref_slice %arg4[%dma_wait3A_73, %dma_wait3A_74] : memref<4096x128xf32, #tpu.memory_space<hbm>> -> memref<4096x128xf32, #tpu.memory_space<hbm>>
    tpu.wait_indirect_dma semaphore(%arg12 : memref<!tpu.dma_semaphore, #tpu.memory_space<semaphore_mem>>) src(%dma_wait3A_75 : memref<4096x128xf32, #tpu.memory_space<hbm>>) dst(%dma_wait3A_69 : memref<128x128xf32, #tpu.memory_space<vmem>>)
    %run_scoped3A_76 = arith.constant 1 : i32
    %run_scoped3A_77 = arith.constant 1 : i32
    "tpu.region"() ({
      %run_scoped3A_443 = tpu.sem_alloc : memref<!tpu.dma_semaphore, #tpu.memory_space<semaphore_mem>>
      %dma_start3A_444 = arith.constant 0 : i32
      %dma_start3A_445 = arith.constant 0 : i32
      %dma_start3A_446 = tpu.memref_slice %arg8[%run_scoped3A_76, %dma_start3A_444, %dma_start3A_445] : memref<2x128x128xf32, #tpu.memory_space<vmem>> -> memref<1x128x128xf32, #tpu.memory_space<vmem>>
      %dma_start3A_447 = tpu.memref_squeeze %dma_start3A_446 : memref<1x128x128xf32, #tpu.memory_space<vmem>> -> memref<128x128xf32, #tpu.memory_space<vmem>>
      %dma_start3A_448 = arith.constant 0 : i32
      %dma_start3A_449 = tpu.memref_slice %arg7[%run_scoped3A_77, %dma_start3A_448] : memref<16x128xi32, #tpu.memory_space<vmem>> -> memref<1x128xi32, #tpu.memory_space<vmem>>
      %dma_start3A_450 = tpu.memref_squeeze %dma_start3A_449 : memref<1x128xi32, #tpu.memory_space<vmem>> -> memref<128xi32, #tpu.memory_space<vmem>>
      %dma_start3A_451 = arith.constant 0 : i32
      %dma_start3A_452 = arith.constant 0 : i32
      %dma_start3A_453 = tpu.memref_slice %arg10[%dma_start3A_451, %dma_start3A_452] : memref<4096x128xf32, #tpu.memory_space<vmem_shared>> -> memref<4096x128xf32, #tpu.memory_space<vmem_shared>>
      tpu.enqueue_indirect_dma source(%dma_start3A_447 : memref<128x128xf32, #tpu.memory_space<vmem>>) target(%dma_start3A_453 : memref<4096x128xf32, #tpu.memory_space<vmem_shared>>) offsets(%dma_start3A_450 : memref<128xi32, #tpu.memory_space<vmem>>) semaphore(%run_scoped3A_443 : memref<!tpu.dma_semaphore, #tpu.memory_space<semaphore_mem>>) {add = true}
      %dma_wait3A_454 = arith.constant 0 : i32
      %dma_wait3A_455 = arith.constant 0 : i32
      %dma_wait3A_456 = tpu.memref_slice %arg8[%run_scoped3A_76, %dma_wait3A_454, %dma_wait3A_455] : memref<2x128x128xf32, #tpu.memory_space<vmem>> -> memref<1x128x128xf32, #tpu.memory_space<vmem>>
      %dma_wait3A_457 = tpu.memref_squeeze %dma_wait3A_456 : memref<1x128x128xf32, #tpu.memory_space<vmem>> -> memref<128x128xf32, #tpu.memory_space<vmem>>
      %dma_wait3A_458 = arith.constant 0 : i32
      %dma_wait3A_459 = tpu.memref_slice %arg7[%run_scoped3A_77, %dma_wait3A_458] : memref<16x128xi32, #tpu.memory_space<vmem>> -> memref<1x128xi32, #tpu.memory_space<vmem>>
      %dma_wait3A_460 = tpu.memref_squeeze %dma_wait3A_459 : memref<1x128xi32, #tpu.memory_space<vmem>> -> memref<128xi32, #tpu.memory_space<vmem>>
      %dma_wait3A_461 = arith.constant 0 : i32
      %dma_wait3A_462 = arith.constant 0 : i32
      %dma_wait3A_463 = tpu.memref_slice %arg10[%dma_wait3A_461, %dma_wait3A_462] : memref<4096x128xf32, #tpu.memory_space<vmem_shared>> -> memref<4096x128xf32, #tpu.memory_space<vmem_shared>>
      tpu.wait_indirect_dma semaphore(%run_scoped3A_443 : memref<!tpu.dma_semaphore, #tpu.memory_space<semaphore_mem>>) src(%dma_wait3A_457 : memref<128x128xf32, #tpu.memory_space<vmem>>) dst(%dma_wait3A_463 : memref<4096x128xf32, #tpu.memory_space<vmem_shared>>)
      tpu.yield
    }) : () -> ()
    %dma_start3A_78 = arith.constant 3 : i32
    %dma_start3A_79 = arith.constant 1 : i32
    %dma_start3A_80 = arith.constant 0 : i32
    %dma_start3A_81 = arith.constant 0 : i32
    %dma_start3A_82 = tpu.memref_slice %arg8[%dma_start3A_79, %dma_start3A_80, %dma_start3A_81] : memref<2x128x128xf32, #tpu.memory_space<vmem>> -> memref<1x128x128xf32, #tpu.memory_space<vmem>>
    %dma_start3A_83 = tpu.memref_squeeze %dma_start3A_82 : memref<1x128x128xf32, #tpu.memory_space<vmem>> -> memref<128x128xf32, #tpu.memory_space<vmem>>
    %dma_start3A_84 = arith.constant 0 : i32
    %dma_start3A_85 = tpu.memref_slice %arg6[%dma_start3A_78, %dma_start3A_84] : memref<16x128xi32, #tpu.memory_space<vmem>> -> memref<1x128xi32, #tpu.memory_space<vmem>>
    %dma_start3A_86 = tpu.memref_squeeze %dma_start3A_85 : memref<1x128xi32, #tpu.memory_space<vmem>> -> memref<128xi32, #tpu.memory_space<vmem>>
    %dma_start3A_87 = arith.constant 0 : i32
    %dma_start3A_88 = arith.constant 0 : i32
    %dma_start3A_89 = tpu.memref_slice %arg4[%dma_start3A_87, %dma_start3A_88] : memref<4096x128xf32, #tpu.memory_space<hbm>> -> memref<4096x128xf32, #tpu.memory_space<hbm>>
    tpu.enqueue_indirect_dma source(%dma_start3A_89 : memref<4096x128xf32, #tpu.memory_space<hbm>>) target(%dma_start3A_83 : memref<128x128xf32, #tpu.memory_space<vmem>>) offsets(%dma_start3A_86 : memref<128xi32, #tpu.memory_space<vmem>>) semaphore(%arg12 : memref<!tpu.dma_semaphore, #tpu.memory_space<semaphore_mem>>)
    %dma_wait3A_90 = arith.constant 2 : i32
    %dma_wait3A_91 = arith.constant 0 : i32
    %dma_wait3A_92 = arith.constant 0 : i32
    %dma_wait3A_93 = arith.constant 0 : i32
    %dma_wait3A_94 = tpu.memref_slice %arg8[%dma_wait3A_91, %dma_wait3A_92, %dma_wait3A_93] : memref<2x128x128xf32, #tpu.memory_space<vmem>> -> memref<1x128x128xf32, #tpu.memory_space<vmem>>
    %dma_wait3A_95 = tpu.memref_squeeze %dma_wait3A_94 : memref<1x128x128xf32, #tpu.memory_space<vmem>> -> memref<128x128xf32, #tpu.memory_space<vmem>>
    %dma_wait3A_96 = arith.constant 0 : i32
    %dma_wait3A_97 = tpu.memref_slice %arg6[%dma_wait3A_90, %dma_wait3A_96] : memref<16x128xi32, #tpu.memory_space<vmem>> -> memref<1x128xi32, #tpu.memory_space<vmem>>
    %dma_wait3A_98 = tpu.memref_squeeze %dma_wait3A_97 : memref<1x128xi32, #tpu.memory_space<vmem>> -> memref<128xi32, #tpu.memory_space<vmem>>
    %dma_wait3A_99 = arith.constant 0 : i32
    %dma_wait3A_100 = arith.constant 0 : i32
    %dma_wait3A_101 = tpu.memref_slice %arg4[%dma_wait3A_99, %dma_wait3A_100] : memref<4096x128xf32, #tpu.memory_space<hbm>> -> memref<4096x128xf32, #tpu.memory_space<hbm>>
    tpu.wait_indirect_dma semaphore(%arg11 : memref<!tpu.dma_semaphore, #tpu.memory_space<semaphore_mem>>) src(%dma_wait3A_101 : memref<4096x128xf32, #tpu.memory_space<hbm>>) dst(%dma_wait3A_95 : memref<128x128xf32, #tpu.memory_space<vmem>>)
    %run_scoped3A_102 = arith.constant 0 : i32
    %run_scoped3A_103 = arith.constant 2 : i32
    "tpu.region"() ({
      %run_scoped3A_443 = tpu.sem_alloc : memref<!tpu.dma_semaphore, #tpu.memory_space<semaphore_mem>>
      %dma_start3A_444 = arith.constant 0 : i32
      %dma_start3A_445 = arith.constant 0 : i32
      %dma_start3A_446 = tpu.memref_slice %arg8[%run_scoped3A_102, %dma_start3A_444, %dma_start3A_445] : memref<2x128x128xf32, #tpu.memory_space<vmem>> -> memref<1x128x128xf32, #tpu.memory_space<vmem>>
      %dma_start3A_447 = tpu.memref_squeeze %dma_start3A_446 : memref<1x128x128xf32, #tpu.memory_space<vmem>> -> memref<128x128xf32, #tpu.memory_space<vmem>>
      %dma_start3A_448 = arith.constant 0 : i32
      %dma_start3A_449 = tpu.memref_slice %arg7[%run_scoped3A_103, %dma_start3A_448] : memref<16x128xi32, #tpu.memory_space<vmem>> -> memref<1x128xi32, #tpu.memory_space<vmem>>
      %dma_start3A_450 = tpu.memref_squeeze %dma_start3A_449 : memref<1x128xi32, #tpu.memory_space<vmem>> -> memref<128xi32, #tpu.memory_space<vmem>>
      %dma_start3A_451 = arith.constant 0 : i32
      %dma_start3A_452 = arith.constant 0 : i32
      %dma_start3A_453 = tpu.memref_slice %arg10[%dma_start3A_451, %dma_start3A_452] : memref<4096x128xf32, #tpu.memory_space<vmem_shared>> -> memref<4096x128xf32, #tpu.memory_space<vmem_shared>>
      tpu.enqueue_indirect_dma source(%dma_start3A_447 : memref<128x128xf32, #tpu.memory_space<vmem>>) target(%dma_start3A_453 : memref<4096x128xf32, #tpu.memory_space<vmem_shared>>) offsets(%dma_start3A_450 : memref<128xi32, #tpu.memory_space<vmem>>) semaphore(%run_scoped3A_443 : memref<!tpu.dma_semaphore, #tpu.memory_space<semaphore_mem>>) {add = true}
      %dma_wait3A_454 = arith.constant 0 : i32
      %dma_wait3A_455 = arith.constant 0 : i32
      %dma_wait3A_456 = tpu.memref_slice %arg8[%run_scoped3A_102, %dma_wait3A_454, %dma_wait3A_455] : memref<2x128x128xf32, #tpu.memory_space<vmem>> -> memref<1x128x128xf32, #tpu.memory_space<vmem>>
      %dma_wait3A_457 = tpu.memref_squeeze %dma_wait3A_456 : memref<1x128x128xf32, #tpu.memory_space<vmem>> -> memref<128x128xf32, #tpu.memory_space<vmem>>
      %dma_wait3A_458 = arith.constant 0 : i32
      %dma_wait3A_459 = tpu.memref_slice %arg7[%run_scoped3A_103, %dma_wait3A_458] : memref<16x128xi32, #tpu.memory_space<vmem>> -> memref<1x128xi32, #tpu.memory_space<vmem>>
      %dma_wait3A_460 = tpu.memref_squeeze %dma_wait3A_459 : memref<1x128xi32, #tpu.memory_space<vmem>> -> memref<128xi32, #tpu.memory_space<vmem>>
      %dma_wait3A_461 = arith.constant 0 : i32
      %dma_wait3A_462 = arith.constant 0 : i32
      %dma_wait3A_463 = tpu.memref_slice %arg10[%dma_wait3A_461, %dma_wait3A_462] : memref<4096x128xf32, #tpu.memory_space<vmem_shared>> -> memref<4096x128xf32, #tpu.memory_space<vmem_shared>>
      tpu.wait_indirect_dma semaphore(%run_scoped3A_443 : memref<!tpu.dma_semaphore, #tpu.memory_space<semaphore_mem>>) src(%dma_wait3A_457 : memref<128x128xf32, #tpu.memory_space<vmem>>) dst(%dma_wait3A_463 : memref<4096x128xf32, #tpu.memory_space<vmem_shared>>)
      tpu.yield
    }) : () -> ()
    %dma_start3A_104 = arith.constant 4 : i32
    %dma_start3A_105 = arith.constant 0 : i32
    %dma_start3A_106 = arith.constant 0 : i32
    %dma_start3A_107 = arith.constant 0 : i32
    %dma_start3A_108 = tpu.memref_slice %arg8[%dma_start3A_105, %dma_start3A_106, %dma_start3A_107] : memref<2x128x128xf32, #tpu.memory_space<vmem>> -> memref<1x128x128xf32, #tpu.memory_space<vmem>>
    %dma_start3A_109 = tpu.memref_squeeze %dma_start3A_108 : memref<1x128x128xf32, #tpu.memory_space<vmem>> -> memref<128x128xf32, #tpu.memory_space<vmem>>
    %dma_start3A_110 = arith.constant 0 : i32
    %dma_start3A_111 = tpu.memref_slice %arg6[%dma_start3A_104, %dma_start3A_110] : memref<16x128xi32, #tpu.memory_space<vmem>> -> memref<1x128xi32, #tpu.memory_space<vmem>>
    %dma_start3A_112 = tpu.memref_squeeze %dma_start3A_111 : memref<1x128xi32, #tpu.memory_space<vmem>> -> memref<128xi32, #tpu.memory_space<vmem>>
    %dma_start3A_113 = arith.constant 0 : i32
    %dma_start3A_114 = arith.constant 0 : i32
    %dma_start3A_115 = tpu.memref_slice %arg4[%dma_start3A_113, %dma_start3A_114] : memref<4096x128xf32, #tpu.memory_space<hbm>> -> memref<4096x128xf32, #tpu.memory_space<hbm>>
    tpu.enqueue_indirect_dma source(%dma_start3A_115 : memref<4096x128xf32, #tpu.memory_space<hbm>>) target(%dma_start3A_109 : memref<128x128xf32, #tpu.memory_space<vmem>>) offsets(%dma_start3A_112 : memref<128xi32, #tpu.memory_space<vmem>>) semaphore(%arg11 : memref<!tpu.dma_semaphore, #tpu.memory_space<semaphore_mem>>)
    %dma_wait3A_116 = arith.constant 3 : i32
    %dma_wait3A_117 = arith.constant 1 : i32
    %dma_wait3A_118 = arith.constant 0 : i32
    %dma_wait3A_119 = arith.constant 0 : i32
    %dma_wait3A_120 = tpu.memref_slice %arg8[%dma_wait3A_117, %dma_wait3A_118, %dma_wait3A_119] : memref<2x128x128xf32, #tpu.memory_space<vmem>> -> memref<1x128x128xf32, #tpu.memory_space<vmem>>
    %dma_wait3A_121 = tpu.memref_squeeze %dma_wait3A_120 : memref<1x128x128xf32, #tpu.memory_space<vmem>> -> memref<128x128xf32, #tpu.memory_space<vmem>>
    %dma_wait3A_122 = arith.constant 0 : i32
    %dma_wait3A_123 = tpu.memref_slice %arg6[%dma_wait3A_116, %dma_wait3A_122] : memref<16x128xi32, #tpu.memory_space<vmem>> -> memref<1x128xi32, #tpu.memory_space<vmem>>
    %dma_wait3A_124 = tpu.memref_squeeze %dma_wait3A_123 : memref<1x128xi32, #tpu.memory_space<vmem>> -> memref<128xi32, #tpu.memory_space<vmem>>
    %dma_wait3A_125 = arith.constant 0 : i32
    %dma_wait3A_126 = arith.constant 0 : i32
    %dma_wait3A_127 = tpu.memref_slice %arg4[%dma_wait3A_125, %dma_wait3A_126] : memref<4096x128xf32, #tpu.memory_space<hbm>> -> memref<4096x128xf32, #tpu.memory_space<hbm>>
    tpu.wait_indirect_dma semaphore(%arg12 : memref<!tpu.dma_semaphore, #tpu.memory_space<semaphore_mem>>) src(%dma_wait3A_127 : memref<4096x128xf32, #tpu.memory_space<hbm>>) dst(%dma_wait3A_121 : memref<128x128xf32, #tpu.memory_space<vmem>>)
    %run_scoped3A_128 = arith.constant 1 : i32
    %run_scoped3A_129 = arith.constant 3 : i32
    "tpu.region"() ({
      %run_scoped3A_443 = tpu.sem_alloc : memref<!tpu.dma_semaphore, #tpu.memory_space<semaphore_mem>>
      %dma_start3A_444 = arith.constant 0 : i32
      %dma_start3A_445 = arith.constant 0 : i32
      %dma_start3A_446 = tpu.memref_slice %arg8[%run_scoped3A_128, %dma_start3A_444, %dma_start3A_445] : memref<2x128x128xf32, #tpu.memory_space<vmem>> -> memref<1x128x128xf32, #tpu.memory_space<vmem>>
      %dma_start3A_447 = tpu.memref_squeeze %dma_start3A_446 : memref<1x128x128xf32, #tpu.memory_space<vmem>> -> memref<128x128xf32, #tpu.memory_space<vmem>>
      %dma_start3A_448 = arith.constant 0 : i32
      %dma_start3A_449 = tpu.memref_slice %arg7[%run_scoped3A_129, %dma_start3A_448] : memref<16x128xi32, #tpu.memory_space<vmem>> -> memref<1x128xi32, #tpu.memory_space<vmem>>
      %dma_start3A_450 = tpu.memref_squeeze %dma_start3A_449 : memref<1x128xi32, #tpu.memory_space<vmem>> -> memref<128xi32, #tpu.memory_space<vmem>>
      %dma_start3A_451 = arith.constant 0 : i32
      %dma_start3A_452 = arith.constant 0 : i32
      %dma_start3A_453 = tpu.memref_slice %arg10[%dma_start3A_451, %dma_start3A_452] : memref<4096x128xf32, #tpu.memory_space<vmem_shared>> -> memref<4096x128xf32, #tpu.memory_space<vmem_shared>>
      tpu.enqueue_indirect_dma source(%dma_start3A_447 : memref<128x128xf32, #tpu.memory_space<vmem>>) target(%dma_start3A_453 : memref<4096x128xf32, #tpu.memory_space<vmem_shared>>) offsets(%dma_start3A_450 : memref<128xi32, #tpu.memory_space<vmem>>) semaphore(%run_scoped3A_443 : memref<!tpu.dma_semaphore, #tpu.memory_space<semaphore_mem>>) {add = true}
      %dma_wait3A_454 = arith.constant 0 : i32
      %dma_wait3A_455 = arith.constant 0 : i32
      %dma_wait3A_456 = tpu.memref_slice %arg8[%run_scoped3A_128, %dma_wait3A_454, %dma_wait3A_455] : memref<2x128x128xf32, #tpu.memory_space<vmem>> -> memref<1x128x128xf32, #tpu.memory_space<vmem>>
      %dma_wait3A_457 = tpu.memref_squeeze %dma_wait3A_456 : memref<1x128x128xf32, #tpu.memory_space<vmem>> -> memref<128x128xf32, #tpu.memory_space<vmem>>
      %dma_wait3A_458 = arith.constant 0 : i32
      %dma_wait3A_459 = tpu.memref_slice %arg7[%run_scoped3A_129, %dma_wait3A_458] : memref<16x128xi32, #tpu.memory_space<vmem>> -> memref<1x128xi32, #tpu.memory_space<vmem>>
      %dma_wait3A_460 = tpu.memref_squeeze %dma_wait3A_459 : memref<1x128xi32, #tpu.memory_space<vmem>> -> memref<128xi32, #tpu.memory_space<vmem>>
      %dma_wait3A_461 = arith.constant 0 : i32
      %dma_wait3A_462 = arith.constant 0 : i32
      %dma_wait3A_463 = tpu.memref_slice %arg10[%dma_wait3A_461, %dma_wait3A_462] : memref<4096x128xf32, #tpu.memory_space<vmem_shared>> -> memref<4096x128xf32, #tpu.memory_space<vmem_shared>>
      tpu.wait_indirect_dma semaphore(%run_scoped3A_443 : memref<!tpu.dma_semaphore, #tpu.memory_space<semaphore_mem>>) src(%dma_wait3A_457 : memref<128x128xf32, #tpu.memory_space<vmem>>) dst(%dma_wait3A_463 : memref<4096x128xf32, #tpu.memory_space<vmem_shared>>)
      tpu.yield
    }) : () -> ()
    %dma_start3A_130 = arith.constant 5 : i32
    %dma_start3A_131 = arith.constant 1 : i32
    %dma_start3A_132 = arith.constant 0 : i32
    %dma_start3A_133 = arith.constant 0 : i32
    %dma_start3A_134 = tpu.memref_slice %arg8[%dma_start3A_131, %dma_start3A_132, %dma_start3A_133] : memref<2x128x128xf32, #tpu.memory_space<vmem>> -> memref<1x128x128xf32, #tpu.memory_space<vmem>>
    %dma_start3A_135 = tpu.memref_squeeze %dma_start3A_134 : memref<1x128x128xf32, #tpu.memory_space<vmem>> -> memref<128x128xf32, #tpu.memory_space<vmem>>
    %dma_start3A_136 = arith.constant 0 : i32
    %dma_start3A_137 = tpu.memref_slice %arg6[%dma_start3A_130, %dma_start3A_136] : memref<16x128xi32, #tpu.memory_space<vmem>> -> memref<1x128xi32, #tpu.memory_space<vmem>>
    %dma_start3A_138 = tpu.memref_squeeze %dma_start3A_137 : memref<1x128xi32, #tpu.memory_space<vmem>> -> memref<128xi32, #tpu.memory_space<vmem>>
    %dma_start3A_139 = arith.constant 0 : i32
    %dma_start3A_140 = arith.constant 0 : i32
    %dma_start3A_141 = tpu.memref_slice %arg4[%dma_start3A_139, %dma_start3A_140] : memref<4096x128xf32, #tpu.memory_space<hbm>> -> memref<4096x128xf32, #tpu.memory_space<hbm>>
    tpu.enqueue_indirect_dma source(%dma_start3A_141 : memref<4096x128xf32, #tpu.memory_space<hbm>>) target(%dma_start3A_135 : memref<128x128xf32, #tpu.memory_space<vmem>>) offsets(%dma_start3A_138 : memref<128xi32, #tpu.memory_space<vmem>>) semaphore(%arg12 : memref<!tpu.dma_semaphore, #tpu.memory_space<semaphore_mem>>)
    %dma_wait3A_142 = arith.constant 4 : i32
    %dma_wait3A_143 = arith.constant 0 : i32
    %dma_wait3A_144 = arith.constant 0 : i32
    %dma_wait3A_145 = arith.constant 0 : i32
    %dma_wait3A_146 = tpu.memref_slice %arg8[%dma_wait3A_143, %dma_wait3A_144, %dma_wait3A_145] : memref<2x128x128xf32, #tpu.memory_space<vmem>> -> memref<1x128x128xf32, #tpu.memory_space<vmem>>
    %dma_wait3A_147 = tpu.memref_squeeze %dma_wait3A_146 : memref<1x128x128xf32, #tpu.memory_space<vmem>> -> memref<128x128xf32, #tpu.memory_space<vmem>>
    %dma_wait3A_148 = arith.constant 0 : i32
    %dma_wait3A_149 = tpu.memref_slice %arg6[%dma_wait3A_142, %dma_wait3A_148] : memref<16x128xi32, #tpu.memory_space<vmem>> -> memref<1x128xi32, #tpu.memory_space<vmem>>
    %dma_wait3A_150 = tpu.memref_squeeze %dma_wait3A_149 : memref<1x128xi32, #tpu.memory_space<vmem>> -> memref<128xi32, #tpu.memory_space<vmem>>
    %dma_wait3A_151 = arith.constant 0 : i32
    %dma_wait3A_152 = arith.constant 0 : i32
    %dma_wait3A_153 = tpu.memref_slice %arg4[%dma_wait3A_151, %dma_wait3A_152] : memref<4096x128xf32, #tpu.memory_space<hbm>> -> memref<4096x128xf32, #tpu.memory_space<hbm>>
    tpu.wait_indirect_dma semaphore(%arg11 : memref<!tpu.dma_semaphore, #tpu.memory_space<semaphore_mem>>) src(%dma_wait3A_153 : memref<4096x128xf32, #tpu.memory_space<hbm>>) dst(%dma_wait3A_147 : memref<128x128xf32, #tpu.memory_space<vmem>>)
    %run_scoped3A_154 = arith.constant 0 : i32
    %run_scoped3A_155 = arith.constant 4 : i32
    "tpu.region"() ({
      %run_scoped3A_443 = tpu.sem_alloc : memref<!tpu.dma_semaphore, #tpu.memory_space<semaphore_mem>>
      %dma_start3A_444 = arith.constant 0 : i32
      %dma_start3A_445 = arith.constant 0 : i32
      %dma_start3A_446 = tpu.memref_slice %arg8[%run_scoped3A_154, %dma_start3A_444, %dma_start3A_445] : memref<2x128x128xf32, #tpu.memory_space<vmem>> -> memref<1x128x128xf32, #tpu.memory_space<vmem>>
      %dma_start3A_447 = tpu.memref_squeeze %dma_start3A_446 : memref<1x128x128xf32, #tpu.memory_space<vmem>> -> memref<128x128xf32, #tpu.memory_space<vmem>>
      %dma_start3A_448 = arith.constant 0 : i32
      %dma_start3A_449 = tpu.memref_slice %arg7[%run_scoped3A_155, %dma_start3A_448] : memref<16x128xi32, #tpu.memory_space<vmem>> -> memref<1x128xi32, #tpu.memory_space<vmem>>
      %dma_start3A_450 = tpu.memref_squeeze %dma_start3A_449 : memref<1x128xi32, #tpu.memory_space<vmem>> -> memref<128xi32, #tpu.memory_space<vmem>>
      %dma_start3A_451 = arith.constant 0 : i32
      %dma_start3A_452 = arith.constant 0 : i32
      %dma_start3A_453 = tpu.memref_slice %arg10[%dma_start3A_451, %dma_start3A_452] : memref<4096x128xf32, #tpu.memory_space<vmem_shared>> -> memref<4096x128xf32, #tpu.memory_space<vmem_shared>>
      tpu.enqueue_indirect_dma source(%dma_start3A_447 : memref<128x128xf32, #tpu.memory_space<vmem>>) target(%dma_start3A_453 : memref<4096x128xf32, #tpu.memory_space<vmem_shared>>) offsets(%dma_start3A_450 : memref<128xi32, #tpu.memory_space<vmem>>) semaphore(%run_scoped3A_443 : memref<!tpu.dma_semaphore, #tpu.memory_space<semaphore_mem>>) {add = true}
      %dma_wait3A_454 = arith.constant 0 : i32
      %dma_wait3A_455 = arith.constant 0 : i32
      %dma_wait3A_456 = tpu.memref_slice %arg8[%run_scoped3A_154, %dma_wait3A_454, %dma_wait3A_455] : memref<2x128x128xf32, #tpu.memory_space<vmem>> -> memref<1x128x128xf32, #tpu.memory_space<vmem>>
      %dma_wait3A_457 = tpu.memref_squeeze %dma_wait3A_456 : memref<1x128x128xf32, #tpu.memory_space<vmem>> -> memref<128x128xf32, #tpu.memory_space<vmem>>
      %dma_wait3A_458 = arith.constant 0 : i32
      %dma_wait3A_459 = tpu.memref_slice %arg7[%run_scoped3A_155, %dma_wait3A_458] : memref<16x128xi32, #tpu.memory_space<vmem>> -> memref<1x128xi32, #tpu.memory_space<vmem>>
      %dma_wait3A_460 = tpu.memref_squeeze %dma_wait3A_459 : memref<1x128xi32, #tpu.memory_space<vmem>> -> memref<128xi32, #tpu.memory_space<vmem>>
      %dma_wait3A_461 = arith.constant 0 : i32
      %dma_wait3A_462 = arith.constant 0 : i32
      %dma_wait3A_463 = tpu.memref_slice %arg10[%dma_wait3A_461, %dma_wait3A_462] : memref<4096x128xf32, #tpu.memory_space<vmem_shared>> -> memref<4096x128xf32, #tpu.memory_space<vmem_shared>>
      tpu.wait_indirect_dma semaphore(%run_scoped3A_443 : memref<!tpu.dma_semaphore, #tpu.memory_space<semaphore_mem>>) src(%dma_wait3A_457 : memref<128x128xf32, #tpu.memory_space<vmem>>) dst(%dma_wait3A_463 : memref<4096x128xf32, #tpu.memory_space<vmem_shared>>)
      tpu.yield
    }) : () -> ()
    %dma_start3A_156 = arith.constant 6 : i32
    %dma_start3A_157 = arith.constant 0 : i32
    %dma_start3A_158 = arith.constant 0 : i32
    %dma_start3A_159 = arith.constant 0 : i32
    %dma_start3A_160 = tpu.memref_slice %arg8[%dma_start3A_157, %dma_start3A_158, %dma_start3A_159] : memref<2x128x128xf32, #tpu.memory_space<vmem>> -> memref<1x128x128xf32, #tpu.memory_space<vmem>>
    %dma_start3A_161 = tpu.memref_squeeze %dma_start3A_160 : memref<1x128x128xf32, #tpu.memory_space<vmem>> -> memref<128x128xf32, #tpu.memory_space<vmem>>
    %dma_start3A_162 = arith.constant 0 : i32
    %dma_start3A_163 = tpu.memref_slice %arg6[%dma_start3A_156, %dma_start3A_162] : memref<16x128xi32, #tpu.memory_space<vmem>> -> memref<1x128xi32, #tpu.memory_space<vmem>>
    %dma_start3A_164 = tpu.memref_squeeze %dma_start3A_163 : memref<1x128xi32, #tpu.memory_space<vmem>> -> memref<128xi32, #tpu.memory_space<vmem>>
    %dma_start3A_165 = arith.constant 0 : i32
    %dma_start3A_166 = arith.constant 0 : i32
    %dma_start3A_167 = tpu.memref_slice %arg4[%dma_start3A_165, %dma_start3A_166] : memref<4096x128xf32, #tpu.memory_space<hbm>> -> memref<4096x128xf32, #tpu.memory_space<hbm>>
    tpu.enqueue_indirect_dma source(%dma_start3A_167 : memref<4096x128xf32, #tpu.memory_space<hbm>>) target(%dma_start3A_161 : memref<128x128xf32, #tpu.memory_space<vmem>>) offsets(%dma_start3A_164 : memref<128xi32, #tpu.memory_space<vmem>>) semaphore(%arg11 : memref<!tpu.dma_semaphore, #tpu.memory_space<semaphore_mem>>)
    %dma_wait3A_168 = arith.constant 5 : i32
    %dma_wait3A_169 = arith.constant 1 : i32
    %dma_wait3A_170 = arith.constant 0 : i32
    %dma_wait3A_171 = arith.constant 0 : i32
    %dma_wait3A_172 = tpu.memref_slice %arg8[%dma_wait3A_169, %dma_wait3A_170, %dma_wait3A_171] : memref<2x128x128xf32, #tpu.memory_space<vmem>> -> memref<1x128x128xf32, #tpu.memory_space<vmem>>
    %dma_wait3A_173 = tpu.memref_squeeze %dma_wait3A_172 : memref<1x128x128xf32, #tpu.memory_space<vmem>> -> memref<128x128xf32, #tpu.memory_space<vmem>>
    %dma_wait3A_174 = arith.constant 0 : i32
    %dma_wait3A_175 = tpu.memref_slice %arg6[%dma_wait3A_168, %dma_wait3A_174] : memref<16x128xi32, #tpu.memory_space<vmem>> -> memref<1x128xi32, #tpu.memory_space<vmem>>
    %dma_wait3A_176 = tpu.memref_squeeze %dma_wait3A_175 : memref<1x128xi32, #tpu.memory_space<vmem>> -> memref<128xi32, #tpu.memory_space<vmem>>
    %dma_wait3A_177 = arith.constant 0 : i32
    %dma_wait3A_178 = arith.constant 0 : i32
    %dma_wait3A_179 = tpu.memref_slice %arg4[%dma_wait3A_177, %dma_wait3A_178] : memref<4096x128xf32, #tpu.memory_space<hbm>> -> memref<4096x128xf32, #tpu.memory_space<hbm>>
    tpu.wait_indirect_dma semaphore(%arg12 : memref<!tpu.dma_semaphore, #tpu.memory_space<semaphore_mem>>) src(%dma_wait3A_179 : memref<4096x128xf32, #tpu.memory_space<hbm>>) dst(%dma_wait3A_173 : memref<128x128xf32, #tpu.memory_space<vmem>>)
    %run_scoped3A_180 = arith.constant 1 : i32
    %run_scoped3A_181 = arith.constant 5 : i32
    "tpu.region"() ({
      %run_scoped3A_443 = tpu.sem_alloc : memref<!tpu.dma_semaphore, #tpu.memory_space<semaphore_mem>>
      %dma_start3A_444 = arith.constant 0 : i32
      %dma_start3A_445 = arith.constant 0 : i32
      %dma_start3A_446 = tpu.memref_slice %arg8[%run_scoped3A_180, %dma_start3A_444, %dma_start3A_445] : memref<2x128x128xf32, #tpu.memory_space<vmem>> -> memref<1x128x128xf32, #tpu.memory_space<vmem>>
      %dma_start3A_447 = tpu.memref_squeeze %dma_start3A_446 : memref<1x128x128xf32, #tpu.memory_space<vmem>> -> memref<128x128xf32, #tpu.memory_space<vmem>>
      %dma_start3A_448 = arith.constant 0 : i32
      %dma_start3A_449 = tpu.memref_slice %arg7[%run_scoped3A_181, %dma_start3A_448] : memref<16x128xi32, #tpu.memory_space<vmem>> -> memref<1x128xi32, #tpu.memory_space<vmem>>
      %dma_start3A_450 = tpu.memref_squeeze %dma_start3A_449 : memref<1x128xi32, #tpu.memory_space<vmem>> -> memref<128xi32, #tpu.memory_space<vmem>>
      %dma_start3A_451 = arith.constant 0 : i32
      %dma_start3A_452 = arith.constant 0 : i32
      %dma_start3A_453 = tpu.memref_slice %arg10[%dma_start3A_451, %dma_start3A_452] : memref<4096x128xf32, #tpu.memory_space<vmem_shared>> -> memref<4096x128xf32, #tpu.memory_space<vmem_shared>>
      tpu.enqueue_indirect_dma source(%dma_start3A_447 : memref<128x128xf32, #tpu.memory_space<vmem>>) target(%dma_start3A_453 : memref<4096x128xf32, #tpu.memory_space<vmem_shared>>) offsets(%dma_start3A_450 : memref<128xi32, #tpu.memory_space<vmem>>) semaphore(%run_scoped3A_443 : memref<!tpu.dma_semaphore, #tpu.memory_space<semaphore_mem>>) {add = true}
      %dma_wait3A_454 = arith.constant 0 : i32
      %dma_wait3A_455 = arith.constant 0 : i32
      %dma_wait3A_456 = tpu.memref_slice %arg8[%run_scoped3A_180, %dma_wait3A_454, %dma_wait3A_455] : memref<2x128x128xf32, #tpu.memory_space<vmem>> -> memref<1x128x128xf32, #tpu.memory_space<vmem>>
      %dma_wait3A_457 = tpu.memref_squeeze %dma_wait3A_456 : memref<1x128x128xf32, #tpu.memory_space<vmem>> -> memref<128x128xf32, #tpu.memory_space<vmem>>
      %dma_wait3A_458 = arith.constant 0 : i32
      %dma_wait3A_459 = tpu.memref_slice %arg7[%run_scoped3A_181, %dma_wait3A_458] : memref<16x128xi32, #tpu.memory_space<vmem>> -> memref<1x128xi32, #tpu.memory_space<vmem>>
      %dma_wait3A_460 = tpu.memref_squeeze %dma_wait3A_459 : memref<1x128xi32, #tpu.memory_space<vmem>> -> memref<128xi32, #tpu.memory_space<vmem>>
      %dma_wait3A_461 = arith.constant 0 : i32
      %dma_wait3A_462 = arith.constant 0 : i32
      %dma_wait3A_463 = tpu.memref_slice %arg10[%dma_wait3A_461, %dma_wait3A_462] : memref<4096x128xf32, #tpu.memory_space<vmem_shared>> -> memref<4096x128xf32, #tpu.memory_space<vmem_shared>>
      tpu.wait_indirect_dma semaphore(%run_scoped3A_443 : memref<!tpu.dma_semaphore, #tpu.memory_space<semaphore_mem>>) src(%dma_wait3A_457 : memref<128x128xf32, #tpu.memory_space<vmem>>) dst(%dma_wait3A_463 : memref<4096x128xf32, #tpu.memory_space<vmem_shared>>)
      tpu.yield
    }) : () -> ()
    %dma_start3A_182 = arith.constant 7 : i32
    %dma_start3A_183 = arith.constant 1 : i32
    %dma_start3A_184 = arith.constant 0 : i32
    %dma_start3A_185 = arith.constant 0 : i32
    %dma_start3A_186 = tpu.memref_slice %arg8[%dma_start3A_183, %dma_start3A_184, %dma_start3A_185] : memref<2x128x128xf32, #tpu.memory_space<vmem>> -> memref<1x128x128xf32, #tpu.memory_space<vmem>>
    %dma_start3A_187 = tpu.memref_squeeze %dma_start3A_186 : memref<1x128x128xf32, #tpu.memory_space<vmem>> -> memref<128x128xf32, #tpu.memory_space<vmem>>
    %dma_start3A_188 = arith.constant 0 : i32
    %dma_start3A_189 = tpu.memref_slice %arg6[%dma_start3A_182, %dma_start3A_188] : memref<16x128xi32, #tpu.memory_space<vmem>> -> memref<1x128xi32, #tpu.memory_space<vmem>>
    %dma_start3A_190 = tpu.memref_squeeze %dma_start3A_189 : memref<1x128xi32, #tpu.memory_space<vmem>> -> memref<128xi32, #tpu.memory_space<vmem>>
    %dma_start3A_191 = arith.constant 0 : i32
    %dma_start3A_192 = arith.constant 0 : i32
    %dma_start3A_193 = tpu.memref_slice %arg4[%dma_start3A_191, %dma_start3A_192] : memref<4096x128xf32, #tpu.memory_space<hbm>> -> memref<4096x128xf32, #tpu.memory_space<hbm>>
    tpu.enqueue_indirect_dma source(%dma_start3A_193 : memref<4096x128xf32, #tpu.memory_space<hbm>>) target(%dma_start3A_187 : memref<128x128xf32, #tpu.memory_space<vmem>>) offsets(%dma_start3A_190 : memref<128xi32, #tpu.memory_space<vmem>>) semaphore(%arg12 : memref<!tpu.dma_semaphore, #tpu.memory_space<semaphore_mem>>)
    %dma_wait3A_194 = arith.constant 6 : i32
    %dma_wait3A_195 = arith.constant 0 : i32
    %dma_wait3A_196 = arith.constant 0 : i32
    %dma_wait3A_197 = arith.constant 0 : i32
    %dma_wait3A_198 = tpu.memref_slice %arg8[%dma_wait3A_195, %dma_wait3A_196, %dma_wait3A_197] : memref<2x128x128xf32, #tpu.memory_space<vmem>> -> memref<1x128x128xf32, #tpu.memory_space<vmem>>
    %dma_wait3A_199 = tpu.memref_squeeze %dma_wait3A_198 : memref<1x128x128xf32, #tpu.memory_space<vmem>> -> memref<128x128xf32, #tpu.memory_space<vmem>>
    %dma_wait3A_200 = arith.constant 0 : i32
    %dma_wait3A_201 = tpu.memref_slice %arg6[%dma_wait3A_194, %dma_wait3A_200] : memref<16x128xi32, #tpu.memory_space<vmem>> -> memref<1x128xi32, #tpu.memory_space<vmem>>
    %dma_wait3A_202 = tpu.memref_squeeze %dma_wait3A_201 : memref<1x128xi32, #tpu.memory_space<vmem>> -> memref<128xi32, #tpu.memory_space<vmem>>
    %dma_wait3A_203 = arith.constant 0 : i32
    %dma_wait3A_204 = arith.constant 0 : i32
    %dma_wait3A_205 = tpu.memref_slice %arg4[%dma_wait3A_203, %dma_wait3A_204] : memref<4096x128xf32, #tpu.memory_space<hbm>> -> memref<4096x128xf32, #tpu.memory_space<hbm>>
    tpu.wait_indirect_dma semaphore(%arg11 : memref<!tpu.dma_semaphore, #tpu.memory_space<semaphore_mem>>) src(%dma_wait3A_205 : memref<4096x128xf32, #tpu.memory_space<hbm>>) dst(%dma_wait3A_199 : memref<128x128xf32, #tpu.memory_space<vmem>>)
    %run_scoped3A_206 = arith.constant 0 : i32
    %run_scoped3A_207 = arith.constant 6 : i32
    "tpu.region"() ({
      %run_scoped3A_443 = tpu.sem_alloc : memref<!tpu.dma_semaphore, #tpu.memory_space<semaphore_mem>>
      %dma_start3A_444 = arith.constant 0 : i32
      %dma_start3A_445 = arith.constant 0 : i32
      %dma_start3A_446 = tpu.memref_slice %arg8[%run_scoped3A_206, %dma_start3A_444, %dma_start3A_445] : memref<2x128x128xf32, #tpu.memory_space<vmem>> -> memref<1x128x128xf32, #tpu.memory_space<vmem>>
      %dma_start3A_447 = tpu.memref_squeeze %dma_start3A_446 : memref<1x128x128xf32, #tpu.memory_space<vmem>> -> memref<128x128xf32, #tpu.memory_space<vmem>>
      %dma_start3A_448 = arith.constant 0 : i32
      %dma_start3A_449 = tpu.memref_slice %arg7[%run_scoped3A_207, %dma_start3A_448] : memref<16x128xi32, #tpu.memory_space<vmem>> -> memref<1x128xi32, #tpu.memory_space<vmem>>
      %dma_start3A_450 = tpu.memref_squeeze %dma_start3A_449 : memref<1x128xi32, #tpu.memory_space<vmem>> -> memref<128xi32, #tpu.memory_space<vmem>>
      %dma_start3A_451 = arith.constant 0 : i32
      %dma_start3A_452 = arith.constant 0 : i32
      %dma_start3A_453 = tpu.memref_slice %arg10[%dma_start3A_451, %dma_start3A_452] : memref<4096x128xf32, #tpu.memory_space<vmem_shared>> -> memref<4096x128xf32, #tpu.memory_space<vmem_shared>>
      tpu.enqueue_indirect_dma source(%dma_start3A_447 : memref<128x128xf32, #tpu.memory_space<vmem>>) target(%dma_start3A_453 : memref<4096x128xf32, #tpu.memory_space<vmem_shared>>) offsets(%dma_start3A_450 : memref<128xi32, #tpu.memory_space<vmem>>) semaphore(%run_scoped3A_443 : memref<!tpu.dma_semaphore, #tpu.memory_space<semaphore_mem>>) {add = true}
      %dma_wait3A_454 = arith.constant 0 : i32
      %dma_wait3A_455 = arith.constant 0 : i32
      %dma_wait3A_456 = tpu.memref_slice %arg8[%run_scoped3A_206, %dma_wait3A_454, %dma_wait3A_455] : memref<2x128x128xf32, #tpu.memory_space<vmem>> -> memref<1x128x128xf32, #tpu.memory_space<vmem>>
      %dma_wait3A_457 = tpu.memref_squeeze %dma_wait3A_456 : memref<1x128x128xf32, #tpu.memory_space<vmem>> -> memref<128x128xf32, #tpu.memory_space<vmem>>
      %dma_wait3A_458 = arith.constant 0 : i32
      %dma_wait3A_459 = tpu.memref_slice %arg7[%run_scoped3A_207, %dma_wait3A_458] : memref<16x128xi32, #tpu.memory_space<vmem>> -> memref<1x128xi32, #tpu.memory_space<vmem>>
      %dma_wait3A_460 = tpu.memref_squeeze %dma_wait3A_459 : memref<1x128xi32, #tpu.memory_space<vmem>> -> memref<128xi32, #tpu.memory_space<vmem>>
      %dma_wait3A_461 = arith.constant 0 : i32
      %dma_wait3A_462 = arith.constant 0 : i32
      %dma_wait3A_463 = tpu.memref_slice %arg10[%dma_wait3A_461, %dma_wait3A_462] : memref<4096x128xf32, #tpu.memory_space<vmem_shared>> -> memref<4096x128xf32, #tpu.memory_space<vmem_shared>>
      tpu.wait_indirect_dma semaphore(%run_scoped3A_443 : memref<!tpu.dma_semaphore, #tpu.memory_space<semaphore_mem>>) src(%dma_wait3A_457 : memref<128x128xf32, #tpu.memory_space<vmem>>) dst(%dma_wait3A_463 : memref<4096x128xf32, #tpu.memory_space<vmem_shared>>)
      tpu.yield
    }) : () -> ()
    %dma_start3A_208 = arith.constant 8 : i32
    %dma_start3A_209 = arith.constant 0 : i32
    %dma_start3A_210 = arith.constant 0 : i32
    %dma_start3A_211 = arith.constant 0 : i32
    %dma_start3A_212 = tpu.memref_slice %arg8[%dma_start3A_209, %dma_start3A_210, %dma_start3A_211] : memref<2x128x128xf32, #tpu.memory_space<vmem>> -> memref<1x128x128xf32, #tpu.memory_space<vmem>>
    %dma_start3A_213 = tpu.memref_squeeze %dma_start3A_212 : memref<1x128x128xf32, #tpu.memory_space<vmem>> -> memref<128x128xf32, #tpu.memory_space<vmem>>
    %dma_start3A_214 = arith.constant 0 : i32
    %dma_start3A_215 = tpu.memref_slice %arg6[%dma_start3A_208, %dma_start3A_214] : memref<16x128xi32, #tpu.memory_space<vmem>> -> memref<1x128xi32, #tpu.memory_space<vmem>>
    %dma_start3A_216 = tpu.memref_squeeze %dma_start3A_215 : memref<1x128xi32, #tpu.memory_space<vmem>> -> memref<128xi32, #tpu.memory_space<vmem>>
    %dma_start3A_217 = arith.constant 0 : i32
    %dma_start3A_218 = arith.constant 0 : i32
    %dma_start3A_219 = tpu.memref_slice %arg4[%dma_start3A_217, %dma_start3A_218] : memref<4096x128xf32, #tpu.memory_space<hbm>> -> memref<4096x128xf32, #tpu.memory_space<hbm>>
    tpu.enqueue_indirect_dma source(%dma_start3A_219 : memref<4096x128xf32, #tpu.memory_space<hbm>>) target(%dma_start3A_213 : memref<128x128xf32, #tpu.memory_space<vmem>>) offsets(%dma_start3A_216 : memref<128xi32, #tpu.memory_space<vmem>>) semaphore(%arg11 : memref<!tpu.dma_semaphore, #tpu.memory_space<semaphore_mem>>)
    %dma_wait3A_220 = arith.constant 7 : i32
    %dma_wait3A_221 = arith.constant 1 : i32
    %dma_wait3A_222 = arith.constant 0 : i32
    %dma_wait3A_223 = arith.constant 0 : i32
    %dma_wait3A_224 = tpu.memref_slice %arg8[%dma_wait3A_221, %dma_wait3A_222, %dma_wait3A_223] : memref<2x128x128xf32, #tpu.memory_space<vmem>> -> memref<1x128x128xf32, #tpu.memory_space<vmem>>
    %dma_wait3A_225 = tpu.memref_squeeze %dma_wait3A_224 : memref<1x128x128xf32, #tpu.memory_space<vmem>> -> memref<128x128xf32, #tpu.memory_space<vmem>>
    %dma_wait3A_226 = arith.constant 0 : i32
    %dma_wait3A_227 = tpu.memref_slice %arg6[%dma_wait3A_220, %dma_wait3A_226] : memref<16x128xi32, #tpu.memory_space<vmem>> -> memref<1x128xi32, #tpu.memory_space<vmem>>
    %dma_wait3A_228 = tpu.memref_squeeze %dma_wait3A_227 : memref<1x128xi32, #tpu.memory_space<vmem>> -> memref<128xi32, #tpu.memory_space<vmem>>
    %dma_wait3A_229 = arith.constant 0 : i32
    %dma_wait3A_230 = arith.constant 0 : i32
    %dma_wait3A_231 = tpu.memref_slice %arg4[%dma_wait3A_229, %dma_wait3A_230] : memref<4096x128xf32, #tpu.memory_space<hbm>> -> memref<4096x128xf32, #tpu.memory_space<hbm>>
    tpu.wait_indirect_dma semaphore(%arg12 : memref<!tpu.dma_semaphore, #tpu.memory_space<semaphore_mem>>) src(%dma_wait3A_231 : memref<4096x128xf32, #tpu.memory_space<hbm>>) dst(%dma_wait3A_225 : memref<128x128xf32, #tpu.memory_space<vmem>>)
    %run_scoped3A_232 = arith.constant 1 : i32
    %run_scoped3A_233 = arith.constant 7 : i32
    "tpu.region"() ({
      %run_scoped3A_443 = tpu.sem_alloc : memref<!tpu.dma_semaphore, #tpu.memory_space<semaphore_mem>>
      %dma_start3A_444 = arith.constant 0 : i32
      %dma_start3A_445 = arith.constant 0 : i32
      %dma_start3A_446 = tpu.memref_slice %arg8[%run_scoped3A_232, %dma_start3A_444, %dma_start3A_445] : memref<2x128x128xf32, #tpu.memory_space<vmem>> -> memref<1x128x128xf32, #tpu.memory_space<vmem>>
      %dma_start3A_447 = tpu.memref_squeeze %dma_start3A_446 : memref<1x128x128xf32, #tpu.memory_space<vmem>> -> memref<128x128xf32, #tpu.memory_space<vmem>>
      %dma_start3A_448 = arith.constant 0 : i32
      %dma_start3A_449 = tpu.memref_slice %arg7[%run_scoped3A_233, %dma_start3A_448] : memref<16x128xi32, #tpu.memory_space<vmem>> -> memref<1x128xi32, #tpu.memory_space<vmem>>
      %dma_start3A_450 = tpu.memref_squeeze %dma_start3A_449 : memref<1x128xi32, #tpu.memory_space<vmem>> -> memref<128xi32, #tpu.memory_space<vmem>>
      %dma_start3A_451 = arith.constant 0 : i32
      %dma_start3A_452 = arith.constant 0 : i32
      %dma_start3A_453 = tpu.memref_slice %arg10[%dma_start3A_451, %dma_start3A_452] : memref<4096x128xf32, #tpu.memory_space<vmem_shared>> -> memref<4096x128xf32, #tpu.memory_space<vmem_shared>>
      tpu.enqueue_indirect_dma source(%dma_start3A_447 : memref<128x128xf32, #tpu.memory_space<vmem>>) target(%dma_start3A_453 : memref<4096x128xf32, #tpu.memory_space<vmem_shared>>) offsets(%dma_start3A_450 : memref<128xi32, #tpu.memory_space<vmem>>) semaphore(%run_scoped3A_443 : memref<!tpu.dma_semaphore, #tpu.memory_space<semaphore_mem>>) {add = true}
      %dma_wait3A_454 = arith.constant 0 : i32
      %dma_wait3A_455 = arith.constant 0 : i32
      %dma_wait3A_456 = tpu.memref_slice %arg8[%run_scoped3A_232, %dma_wait3A_454, %dma_wait3A_455] : memref<2x128x128xf32, #tpu.memory_space<vmem>> -> memref<1x128x128xf32, #tpu.memory_space<vmem>>
      %dma_wait3A_457 = tpu.memref_squeeze %dma_wait3A_456 : memref<1x128x128xf32, #tpu.memory_space<vmem>> -> memref<128x128xf32, #tpu.memory_space<vmem>>
      %dma_wait3A_458 = arith.constant 0 : i32
      %dma_wait3A_459 = tpu.memref_slice %arg7[%run_scoped3A_233, %dma_wait3A_458] : memref<16x128xi32, #tpu.memory_space<vmem>> -> memref<1x128xi32, #tpu.memory_space<vmem>>
      %dma_wait3A_460 = tpu.memref_squeeze %dma_wait3A_459 : memref<1x128xi32, #tpu.memory_space<vmem>> -> memref<128xi32, #tpu.memory_space<vmem>>
      %dma_wait3A_461 = arith.constant 0 : i32
      %dma_wait3A_462 = arith.constant 0 : i32
      %dma_wait3A_463 = tpu.memref_slice %arg10[%dma_wait3A_461, %dma_wait3A_462] : memref<4096x128xf32, #tpu.memory_space<vmem_shared>> -> memref<4096x128xf32, #tpu.memory_space<vmem_shared>>
      tpu.wait_indirect_dma semaphore(%run_scoped3A_443 : memref<!tpu.dma_semaphore, #tpu.memory_space<semaphore_mem>>) src(%dma_wait3A_457 : memref<128x128xf32, #tpu.memory_space<vmem>>) dst(%dma_wait3A_463 : memref<4096x128xf32, #tpu.memory_space<vmem_shared>>)
      tpu.yield
    }) : () -> ()
    %dma_start3A_234 = arith.constant 9 : i32
    %dma_start3A_235 = arith.constant 1 : i32
    %dma_start3A_236 = arith.constant 0 : i32
    %dma_start3A_237 = arith.constant 0 : i32
    %dma_start3A_238 = tpu.memref_slice %arg8[%dma_start3A_235, %dma_start3A_236, %dma_start3A_237] : memref<2x128x128xf32, #tpu.memory_space<vmem>> -> memref<1x128x128xf32, #tpu.memory_space<vmem>>
    %dma_start3A_239 = tpu.memref_squeeze %dma_start3A_238 : memref<1x128x128xf32, #tpu.memory_space<vmem>> -> memref<128x128xf32, #tpu.memory_space<vmem>>
    %dma_start3A_240 = arith.constant 0 : i32
    %dma_start3A_241 = tpu.memref_slice %arg6[%dma_start3A_234, %dma_start3A_240] : memref<16x128xi32, #tpu.memory_space<vmem>> -> memref<1x128xi32, #tpu.memory_space<vmem>>
    %dma_start3A_242 = tpu.memref_squeeze %dma_start3A_241 : memref<1x128xi32, #tpu.memory_space<vmem>> -> memref<128xi32, #tpu.memory_space<vmem>>
    %dma_start3A_243 = arith.constant 0 : i32
    %dma_start3A_244 = arith.constant 0 : i32
    %dma_start3A_245 = tpu.memref_slice %arg4[%dma_start3A_243, %dma_start3A_244] : memref<4096x128xf32, #tpu.memory_space<hbm>> -> memref<4096x128xf32, #tpu.memory_space<hbm>>
    tpu.enqueue_indirect_dma source(%dma_start3A_245 : memref<4096x128xf32, #tpu.memory_space<hbm>>) target(%dma_start3A_239 : memref<128x128xf32, #tpu.memory_space<vmem>>) offsets(%dma_start3A_242 : memref<128xi32, #tpu.memory_space<vmem>>) semaphore(%arg12 : memref<!tpu.dma_semaphore, #tpu.memory_space<semaphore_mem>>)
    %dma_wait3A_246 = arith.constant 8 : i32
    %dma_wait3A_247 = arith.constant 0 : i32
    %dma_wait3A_248 = arith.constant 0 : i32
    %dma_wait3A_249 = arith.constant 0 : i32
    %dma_wait3A_250 = tpu.memref_slice %arg8[%dma_wait3A_247, %dma_wait3A_248, %dma_wait3A_249] : memref<2x128x128xf32, #tpu.memory_space<vmem>> -> memref<1x128x128xf32, #tpu.memory_space<vmem>>
    %dma_wait3A_251 = tpu.memref_squeeze %dma_wait3A_250 : memref<1x128x128xf32, #tpu.memory_space<vmem>> -> memref<128x128xf32, #tpu.memory_space<vmem>>
    %dma_wait3A_252 = arith.constant 0 : i32
    %dma_wait3A_253 = tpu.memref_slice %arg6[%dma_wait3A_246, %dma_wait3A_252] : memref<16x128xi32, #tpu.memory_space<vmem>> -> memref<1x128xi32, #tpu.memory_space<vmem>>
    %dma_wait3A_254 = tpu.memref_squeeze %dma_wait3A_253 : memref<1x128xi32, #tpu.memory_space<vmem>> -> memref<128xi32, #tpu.memory_space<vmem>>
    %dma_wait3A_255 = arith.constant 0 : i32
    %dma_wait3A_256 = arith.constant 0 : i32
    %dma_wait3A_257 = tpu.memref_slice %arg4[%dma_wait3A_255, %dma_wait3A_256] : memref<4096x128xf32, #tpu.memory_space<hbm>> -> memref<4096x128xf32, #tpu.memory_space<hbm>>
    tpu.wait_indirect_dma semaphore(%arg11 : memref<!tpu.dma_semaphore, #tpu.memory_space<semaphore_mem>>) src(%dma_wait3A_257 : memref<4096x128xf32, #tpu.memory_space<hbm>>) dst(%dma_wait3A_251 : memref<128x128xf32, #tpu.memory_space<vmem>>)
    %run_scoped3A_258 = arith.constant 0 : i32
    %run_scoped3A_259 = arith.constant 8 : i32
    "tpu.region"() ({
      %run_scoped3A_443 = tpu.sem_alloc : memref<!tpu.dma_semaphore, #tpu.memory_space<semaphore_mem>>
      %dma_start3A_444 = arith.constant 0 : i32
      %dma_start3A_445 = arith.constant 0 : i32
      %dma_start3A_446 = tpu.memref_slice %arg8[%run_scoped3A_258, %dma_start3A_444, %dma_start3A_445] : memref<2x128x128xf32, #tpu.memory_space<vmem>> -> memref<1x128x128xf32, #tpu.memory_space<vmem>>
      %dma_start3A_447 = tpu.memref_squeeze %dma_start3A_446 : memref<1x128x128xf32, #tpu.memory_space<vmem>> -> memref<128x128xf32, #tpu.memory_space<vmem>>
      %dma_start3A_448 = arith.constant 0 : i32
      %dma_start3A_449 = tpu.memref_slice %arg7[%run_scoped3A_259, %dma_start3A_448] : memref<16x128xi32, #tpu.memory_space<vmem>> -> memref<1x128xi32, #tpu.memory_space<vmem>>
      %dma_start3A_450 = tpu.memref_squeeze %dma_start3A_449 : memref<1x128xi32, #tpu.memory_space<vmem>> -> memref<128xi32, #tpu.memory_space<vmem>>
      %dma_start3A_451 = arith.constant 0 : i32
      %dma_start3A_452 = arith.constant 0 : i32
      %dma_start3A_453 = tpu.memref_slice %arg10[%dma_start3A_451, %dma_start3A_452] : memref<4096x128xf32, #tpu.memory_space<vmem_shared>> -> memref<4096x128xf32, #tpu.memory_space<vmem_shared>>
      tpu.enqueue_indirect_dma source(%dma_start3A_447 : memref<128x128xf32, #tpu.memory_space<vmem>>) target(%dma_start3A_453 : memref<4096x128xf32, #tpu.memory_space<vmem_shared>>) offsets(%dma_start3A_450 : memref<128xi32, #tpu.memory_space<vmem>>) semaphore(%run_scoped3A_443 : memref<!tpu.dma_semaphore, #tpu.memory_space<semaphore_mem>>) {add = true}
      %dma_wait3A_454 = arith.constant 0 : i32
      %dma_wait3A_455 = arith.constant 0 : i32
      %dma_wait3A_456 = tpu.memref_slice %arg8[%run_scoped3A_258, %dma_wait3A_454, %dma_wait3A_455] : memref<2x128x128xf32, #tpu.memory_space<vmem>> -> memref<1x128x128xf32, #tpu.memory_space<vmem>>
      %dma_wait3A_457 = tpu.memref_squeeze %dma_wait3A_456 : memref<1x128x128xf32, #tpu.memory_space<vmem>> -> memref<128x128xf32, #tpu.memory_space<vmem>>
      %dma_wait3A_458 = arith.constant 0 : i32
      %dma_wait3A_459 = tpu.memref_slice %arg7[%run_scoped3A_259, %dma_wait3A_458] : memref<16x128xi32, #tpu.memory_space<vmem>> -> memref<1x128xi32, #tpu.memory_space<vmem>>
      %dma_wait3A_460 = tpu.memref_squeeze %dma_wait3A_459 : memref<1x128xi32, #tpu.memory_space<vmem>> -> memref<128xi32, #tpu.memory_space<vmem>>
      %dma_wait3A_461 = arith.constant 0 : i32
      %dma_wait3A_462 = arith.constant 0 : i32
      %dma_wait3A_463 = tpu.memref_slice %arg10[%dma_wait3A_461, %dma_wait3A_462] : memref<4096x128xf32, #tpu.memory_space<vmem_shared>> -> memref<4096x128xf32, #tpu.memory_space<vmem_shared>>
      tpu.wait_indirect_dma semaphore(%run_scoped3A_443 : memref<!tpu.dma_semaphore, #tpu.memory_space<semaphore_mem>>) src(%dma_wait3A_457 : memref<128x128xf32, #tpu.memory_space<vmem>>) dst(%dma_wait3A_463 : memref<4096x128xf32, #tpu.memory_space<vmem_shared>>)
      tpu.yield
    }) : () -> ()
    %dma_start3A_260 = arith.constant 10 : i32
    %dma_start3A_261 = arith.constant 0 : i32
    %dma_start3A_262 = arith.constant 0 : i32
    %dma_start3A_263 = arith.constant 0 : i32
    %dma_start3A_264 = tpu.memref_slice %arg8[%dma_start3A_261, %dma_start3A_262, %dma_start3A_263] : memref<2x128x128xf32, #tpu.memory_space<vmem>> -> memref<1x128x128xf32, #tpu.memory_space<vmem>>
    %dma_start3A_265 = tpu.memref_squeeze %dma_start3A_264 : memref<1x128x128xf32, #tpu.memory_space<vmem>> -> memref<128x128xf32, #tpu.memory_space<vmem>>
    %dma_start3A_266 = arith.constant 0 : i32
    %dma_start3A_267 = tpu.memref_slice %arg6[%dma_start3A_260, %dma_start3A_266] : memref<16x128xi32, #tpu.memory_space<vmem>> -> memref<1x128xi32, #tpu.memory_space<vmem>>
    %dma_start3A_268 = tpu.memref_squeeze %dma_start3A_267 : memref<1x128xi32, #tpu.memory_space<vmem>> -> memref<128xi32, #tpu.memory_space<vmem>>
    %dma_start3A_269 = arith.constant 0 : i32
    %dma_start3A_270 = arith.constant 0 : i32
    %dma_start3A_271 = tpu.memref_slice %arg4[%dma_start3A_269, %dma_start3A_270] : memref<4096x128xf32, #tpu.memory_space<hbm>> -> memref<4096x128xf32, #tpu.memory_space<hbm>>
    tpu.enqueue_indirect_dma source(%dma_start3A_271 : memref<4096x128xf32, #tpu.memory_space<hbm>>) target(%dma_start3A_265 : memref<128x128xf32, #tpu.memory_space<vmem>>) offsets(%dma_start3A_268 : memref<128xi32, #tpu.memory_space<vmem>>) semaphore(%arg11 : memref<!tpu.dma_semaphore, #tpu.memory_space<semaphore_mem>>)
    %dma_wait3A_272 = arith.constant 9 : i32
    %dma_wait3A_273 = arith.constant 1 : i32
    %dma_wait3A_274 = arith.constant 0 : i32
    %dma_wait3A_275 = arith.constant 0 : i32
    %dma_wait3A_276 = tpu.memref_slice %arg8[%dma_wait3A_273, %dma_wait3A_274, %dma_wait3A_275] : memref<2x128x128xf32, #tpu.memory_space<vmem>> -> memref<1x128x128xf32, #tpu.memory_space<vmem>>
    %dma_wait3A_277 = tpu.memref_squeeze %dma_wait3A_276 : memref<1x128x128xf32, #tpu.memory_space<vmem>> -> memref<128x128xf32, #tpu.memory_space<vmem>>
    %dma_wait3A_278 = arith.constant 0 : i32
    %dma_wait3A_279 = tpu.memref_slice %arg6[%dma_wait3A_272, %dma_wait3A_278] : memref<16x128xi32, #tpu.memory_space<vmem>> -> memref<1x128xi32, #tpu.memory_space<vmem>>
    %dma_wait3A_280 = tpu.memref_squeeze %dma_wait3A_279 : memref<1x128xi32, #tpu.memory_space<vmem>> -> memref<128xi32, #tpu.memory_space<vmem>>
    %dma_wait3A_281 = arith.constant 0 : i32
    %dma_wait3A_282 = arith.constant 0 : i32
    %dma_wait3A_283 = tpu.memref_slice %arg4[%dma_wait3A_281, %dma_wait3A_282] : memref<4096x128xf32, #tpu.memory_space<hbm>> -> memref<4096x128xf32, #tpu.memory_space<hbm>>
    tpu.wait_indirect_dma semaphore(%arg12 : memref<!tpu.dma_semaphore, #tpu.memory_space<semaphore_mem>>) src(%dma_wait3A_283 : memref<4096x128xf32, #tpu.memory_space<hbm>>) dst(%dma_wait3A_277 : memref<128x128xf32, #tpu.memory_space<vmem>>)
    %run_scoped3A_284 = arith.constant 1 : i32
    %run_scoped3A_285 = arith.constant 9 : i32
    "tpu.region"() ({
      %run_scoped3A_443 = tpu.sem_alloc : memref<!tpu.dma_semaphore, #tpu.memory_space<semaphore_mem>>
      %dma_start3A_444 = arith.constant 0 : i32
      %dma_start3A_445 = arith.constant 0 : i32
      %dma_start3A_446 = tpu.memref_slice %arg8[%run_scoped3A_284, %dma_start3A_444, %dma_start3A_445] : memref<2x128x128xf32, #tpu.memory_space<vmem>> -> memref<1x128x128xf32, #tpu.memory_space<vmem>>
      %dma_start3A_447 = tpu.memref_squeeze %dma_start3A_446 : memref<1x128x128xf32, #tpu.memory_space<vmem>> -> memref<128x128xf32, #tpu.memory_space<vmem>>
      %dma_start3A_448 = arith.constant 0 : i32
      %dma_start3A_449 = tpu.memref_slice %arg7[%run_scoped3A_285, %dma_start3A_448] : memref<16x128xi32, #tpu.memory_space<vmem>> -> memref<1x128xi32, #tpu.memory_space<vmem>>
      %dma_start3A_450 = tpu.memref_squeeze %dma_start3A_449 : memref<1x128xi32, #tpu.memory_space<vmem>> -> memref<128xi32, #tpu.memory_space<vmem>>
      %dma_start3A_451 = arith.constant 0 : i32
      %dma_start3A_452 = arith.constant 0 : i32
      %dma_start3A_453 = tpu.memref_slice %arg10[%dma_start3A_451, %dma_start3A_452] : memref<4096x128xf32, #tpu.memory_space<vmem_shared>> -> memref<4096x128xf32, #tpu.memory_space<vmem_shared>>
      tpu.enqueue_indirect_dma source(%dma_start3A_447 : memref<128x128xf32, #tpu.memory_space<vmem>>) target(%dma_start3A_453 : memref<4096x128xf32, #tpu.memory_space<vmem_shared>>) offsets(%dma_start3A_450 : memref<128xi32, #tpu.memory_space<vmem>>) semaphore(%run_scoped3A_443 : memref<!tpu.dma_semaphore, #tpu.memory_space<semaphore_mem>>) {add = true}
      %dma_wait3A_454 = arith.constant 0 : i32
      %dma_wait3A_455 = arith.constant 0 : i32
      %dma_wait3A_456 = tpu.memref_slice %arg8[%run_scoped3A_284, %dma_wait3A_454, %dma_wait3A_455] : memref<2x128x128xf32, #tpu.memory_space<vmem>> -> memref<1x128x128xf32, #tpu.memory_space<vmem>>
      %dma_wait3A_457 = tpu.memref_squeeze %dma_wait3A_456 : memref<1x128x128xf32, #tpu.memory_space<vmem>> -> memref<128x128xf32, #tpu.memory_space<vmem>>
      %dma_wait3A_458 = arith.constant 0 : i32
      %dma_wait3A_459 = tpu.memref_slice %arg7[%run_scoped3A_285, %dma_wait3A_458] : memref<16x128xi32, #tpu.memory_space<vmem>> -> memref<1x128xi32, #tpu.memory_space<vmem>>
      %dma_wait3A_460 = tpu.memref_squeeze %dma_wait3A_459 : memref<1x128xi32, #tpu.memory_space<vmem>> -> memref<128xi32, #tpu.memory_space<vmem>>
      %dma_wait3A_461 = arith.constant 0 : i32
      %dma_wait3A_462 = arith.constant 0 : i32
      %dma_wait3A_463 = tpu.memref_slice %arg10[%dma_wait3A_461, %dma_wait3A_462] : memref<4096x128xf32, #tpu.memory_space<vmem_shared>> -> memref<4096x128xf32, #tpu.memory_space<vmem_shared>>
      tpu.wait_indirect_dma semaphore(%run_scoped3A_443 : memref<!tpu.dma_semaphore, #tpu.memory_space<semaphore_mem>>) src(%dma_wait3A_457 : memref<128x128xf32, #tpu.memory_space<vmem>>) dst(%dma_wait3A_463 : memref<4096x128xf32, #tpu.memory_space<vmem_shared>>)
      tpu.yield
    }) : () -> ()
    %dma_start3A_286 = arith.constant 11 : i32
    %dma_start3A_287 = arith.constant 1 : i32
    %dma_start3A_288 = arith.constant 0 : i32
    %dma_start3A_289 = arith.constant 0 : i32
    %dma_start3A_290 = tpu.memref_slice %arg8[%dma_start3A_287, %dma_start3A_288, %dma_start3A_289] : memref<2x128x128xf32, #tpu.memory_space<vmem>> -> memref<1x128x128xf32, #tpu.memory_space<vmem>>
    %dma_start3A_291 = tpu.memref_squeeze %dma_start3A_290 : memref<1x128x128xf32, #tpu.memory_space<vmem>> -> memref<128x128xf32, #tpu.memory_space<vmem>>
    %dma_start3A_292 = arith.constant 0 : i32
    %dma_start3A_293 = tpu.memref_slice %arg6[%dma_start3A_286, %dma_start3A_292] : memref<16x128xi32, #tpu.memory_space<vmem>> -> memref<1x128xi32, #tpu.memory_space<vmem>>
    %dma_start3A_294 = tpu.memref_squeeze %dma_start3A_293 : memref<1x128xi32, #tpu.memory_space<vmem>> -> memref<128xi32, #tpu.memory_space<vmem>>
    %dma_start3A_295 = arith.constant 0 : i32
    %dma_start3A_296 = arith.constant 0 : i32
    %dma_start3A_297 = tpu.memref_slice %arg4[%dma_start3A_295, %dma_start3A_296] : memref<4096x128xf32, #tpu.memory_space<hbm>> -> memref<4096x128xf32, #tpu.memory_space<hbm>>
    tpu.enqueue_indirect_dma source(%dma_start3A_297 : memref<4096x128xf32, #tpu.memory_space<hbm>>) target(%dma_start3A_291 : memref<128x128xf32, #tpu.memory_space<vmem>>) offsets(%dma_start3A_294 : memref<128xi32, #tpu.memory_space<vmem>>) semaphore(%arg12 : memref<!tpu.dma_semaphore, #tpu.memory_space<semaphore_mem>>)
    %dma_wait3A_298 = arith.constant 10 : i32
    %dma_wait3A_299 = arith.constant 0 : i32
    %dma_wait3A_300 = arith.constant 0 : i32
    %dma_wait3A_301 = arith.constant 0 : i32
    %dma_wait3A_302 = tpu.memref_slice %arg8[%dma_wait3A_299, %dma_wait3A_300, %dma_wait3A_301] : memref<2x128x128xf32, #tpu.memory_space<vmem>> -> memref<1x128x128xf32, #tpu.memory_space<vmem>>
    %dma_wait3A_303 = tpu.memref_squeeze %dma_wait3A_302 : memref<1x128x128xf32, #tpu.memory_space<vmem>> -> memref<128x128xf32, #tpu.memory_space<vmem>>
    %dma_wait3A_304 = arith.constant 0 : i32
    %dma_wait3A_305 = tpu.memref_slice %arg6[%dma_wait3A_298, %dma_wait3A_304] : memref<16x128xi32, #tpu.memory_space<vmem>> -> memref<1x128xi32, #tpu.memory_space<vmem>>
    %dma_wait3A_306 = tpu.memref_squeeze %dma_wait3A_305 : memref<1x128xi32, #tpu.memory_space<vmem>> -> memref<128xi32, #tpu.memory_space<vmem>>
    %dma_wait3A_307 = arith.constant 0 : i32
    %dma_wait3A_308 = arith.constant 0 : i32
    %dma_wait3A_309 = tpu.memref_slice %arg4[%dma_wait3A_307, %dma_wait3A_308] : memref<4096x128xf32, #tpu.memory_space<hbm>> -> memref<4096x128xf32, #tpu.memory_space<hbm>>
    tpu.wait_indirect_dma semaphore(%arg11 : memref<!tpu.dma_semaphore, #tpu.memory_space<semaphore_mem>>) src(%dma_wait3A_309 : memref<4096x128xf32, #tpu.memory_space<hbm>>) dst(%dma_wait3A_303 : memref<128x128xf32, #tpu.memory_space<vmem>>)
    %run_scoped3A_310 = arith.constant 0 : i32
    %run_scoped3A_311 = arith.constant 10 : i32
    "tpu.region"() ({
      %run_scoped3A_443 = tpu.sem_alloc : memref<!tpu.dma_semaphore, #tpu.memory_space<semaphore_mem>>
      %dma_start3A_444 = arith.constant 0 : i32
      %dma_start3A_445 = arith.constant 0 : i32
      %dma_start3A_446 = tpu.memref_slice %arg8[%run_scoped3A_310, %dma_start3A_444, %dma_start3A_445] : memref<2x128x128xf32, #tpu.memory_space<vmem>> -> memref<1x128x128xf32, #tpu.memory_space<vmem>>
      %dma_start3A_447 = tpu.memref_squeeze %dma_start3A_446 : memref<1x128x128xf32, #tpu.memory_space<vmem>> -> memref<128x128xf32, #tpu.memory_space<vmem>>
      %dma_start3A_448 = arith.constant 0 : i32
      %dma_start3A_449 = tpu.memref_slice %arg7[%run_scoped3A_311, %dma_start3A_448] : memref<16x128xi32, #tpu.memory_space<vmem>> -> memref<1x128xi32, #tpu.memory_space<vmem>>
      %dma_start3A_450 = tpu.memref_squeeze %dma_start3A_449 : memref<1x128xi32, #tpu.memory_space<vmem>> -> memref<128xi32, #tpu.memory_space<vmem>>
      %dma_start3A_451 = arith.constant 0 : i32
      %dma_start3A_452 = arith.constant 0 : i32
      %dma_start3A_453 = tpu.memref_slice %arg10[%dma_start3A_451, %dma_start3A_452] : memref<4096x128xf32, #tpu.memory_space<vmem_shared>> -> memref<4096x128xf32, #tpu.memory_space<vmem_shared>>
      tpu.enqueue_indirect_dma source(%dma_start3A_447 : memref<128x128xf32, #tpu.memory_space<vmem>>) target(%dma_start3A_453 : memref<4096x128xf32, #tpu.memory_space<vmem_shared>>) offsets(%dma_start3A_450 : memref<128xi32, #tpu.memory_space<vmem>>) semaphore(%run_scoped3A_443 : memref<!tpu.dma_semaphore, #tpu.memory_space<semaphore_mem>>) {add = true}
      %dma_wait3A_454 = arith.constant 0 : i32
      %dma_wait3A_455 = arith.constant 0 : i32
      %dma_wait3A_456 = tpu.memref_slice %arg8[%run_scoped3A_310, %dma_wait3A_454, %dma_wait3A_455] : memref<2x128x128xf32, #tpu.memory_space<vmem>> -> memref<1x128x128xf32, #tpu.memory_space<vmem>>
      %dma_wait3A_457 = tpu.memref_squeeze %dma_wait3A_456 : memref<1x128x128xf32, #tpu.memory_space<vmem>> -> memref<128x128xf32, #tpu.memory_space<vmem>>
      %dma_wait3A_458 = arith.constant 0 : i32
      %dma_wait3A_459 = tpu.memref_slice %arg7[%run_scoped3A_311, %dma_wait3A_458] : memref<16x128xi32, #tpu.memory_space<vmem>> -> memref<1x128xi32, #tpu.memory_space<vmem>>
      %dma_wait3A_460 = tpu.memref_squeeze %dma_wait3A_459 : memref<1x128xi32, #tpu.memory_space<vmem>> -> memref<128xi32, #tpu.memory_space<vmem>>
      %dma_wait3A_461 = arith.constant 0 : i32
      %dma_wait3A_462 = arith.constant 0 : i32
      %dma_wait3A_463 = tpu.memref_slice %arg10[%dma_wait3A_461, %dma_wait3A_462] : memref<4096x128xf32, #tpu.memory_space<vmem_shared>> -> memref<4096x128xf32, #tpu.memory_space<vmem_shared>>
      tpu.wait_indirect_dma semaphore(%run_scoped3A_443 : memref<!tpu.dma_semaphore, #tpu.memory_space<semaphore_mem>>) src(%dma_wait3A_457 : memref<128x128xf32, #tpu.memory_space<vmem>>) dst(%dma_wait3A_463 : memref<4096x128xf32, #tpu.memory_space<vmem_shared>>)
      tpu.yield
    }) : () -> ()
    %dma_start3A_312 = arith.constant 12 : i32
    %dma_start3A_313 = arith.constant 0 : i32
    %dma_start3A_314 = arith.constant 0 : i32
    %dma_start3A_315 = arith.constant 0 : i32
    %dma_start3A_316 = tpu.memref_slice %arg8[%dma_start3A_313, %dma_start3A_314, %dma_start3A_315] : memref<2x128x128xf32, #tpu.memory_space<vmem>> -> memref<1x128x128xf32, #tpu.memory_space<vmem>>
    %dma_start3A_317 = tpu.memref_squeeze %dma_start3A_316 : memref<1x128x128xf32, #tpu.memory_space<vmem>> -> memref<128x128xf32, #tpu.memory_space<vmem>>
    %dma_start3A_318 = arith.constant 0 : i32
    %dma_start3A_319 = tpu.memref_slice %arg6[%dma_start3A_312, %dma_start3A_318] : memref<16x128xi32, #tpu.memory_space<vmem>> -> memref<1x128xi32, #tpu.memory_space<vmem>>
    %dma_start3A_320 = tpu.memref_squeeze %dma_start3A_319 : memref<1x128xi32, #tpu.memory_space<vmem>> -> memref<128xi32, #tpu.memory_space<vmem>>
    %dma_start3A_321 = arith.constant 0 : i32
    %dma_start3A_322 = arith.constant 0 : i32
    %dma_start3A_323 = tpu.memref_slice %arg4[%dma_start3A_321, %dma_start3A_322] : memref<4096x128xf32, #tpu.memory_space<hbm>> -> memref<4096x128xf32, #tpu.memory_space<hbm>>
    tpu.enqueue_indirect_dma source(%dma_start3A_323 : memref<4096x128xf32, #tpu.memory_space<hbm>>) target(%dma_start3A_317 : memref<128x128xf32, #tpu.memory_space<vmem>>) offsets(%dma_start3A_320 : memref<128xi32, #tpu.memory_space<vmem>>) semaphore(%arg11 : memref<!tpu.dma_semaphore, #tpu.memory_space<semaphore_mem>>)
    %dma_wait3A_324 = arith.constant 11 : i32
    %dma_wait3A_325 = arith.constant 1 : i32
    %dma_wait3A_326 = arith.constant 0 : i32
    %dma_wait3A_327 = arith.constant 0 : i32
    %dma_wait3A_328 = tpu.memref_slice %arg8[%dma_wait3A_325, %dma_wait3A_326, %dma_wait3A_327] : memref<2x128x128xf32, #tpu.memory_space<vmem>> -> memref<1x128x128xf32, #tpu.memory_space<vmem>>
    %dma_wait3A_329 = tpu.memref_squeeze %dma_wait3A_328 : memref<1x128x128xf32, #tpu.memory_space<vmem>> -> memref<128x128xf32, #tpu.memory_space<vmem>>
    %dma_wait3A_330 = arith.constant 0 : i32
    %dma_wait3A_331 = tpu.memref_slice %arg6[%dma_wait3A_324, %dma_wait3A_330] : memref<16x128xi32, #tpu.memory_space<vmem>> -> memref<1x128xi32, #tpu.memory_space<vmem>>
    %dma_wait3A_332 = tpu.memref_squeeze %dma_wait3A_331 : memref<1x128xi32, #tpu.memory_space<vmem>> -> memref<128xi32, #tpu.memory_space<vmem>>
    %dma_wait3A_333 = arith.constant 0 : i32
    %dma_wait3A_334 = arith.constant 0 : i32
    %dma_wait3A_335 = tpu.memref_slice %arg4[%dma_wait3A_333, %dma_wait3A_334] : memref<4096x128xf32, #tpu.memory_space<hbm>> -> memref<4096x128xf32, #tpu.memory_space<hbm>>
    tpu.wait_indirect_dma semaphore(%arg12 : memref<!tpu.dma_semaphore, #tpu.memory_space<semaphore_mem>>) src(%dma_wait3A_335 : memref<4096x128xf32, #tpu.memory_space<hbm>>) dst(%dma_wait3A_329 : memref<128x128xf32, #tpu.memory_space<vmem>>)
    %run_scoped3A_336 = arith.constant 1 : i32
    %run_scoped3A_337 = arith.constant 11 : i32
    "tpu.region"() ({
      %run_scoped3A_443 = tpu.sem_alloc : memref<!tpu.dma_semaphore, #tpu.memory_space<semaphore_mem>>
      %dma_start3A_444 = arith.constant 0 : i32
      %dma_start3A_445 = arith.constant 0 : i32
      %dma_start3A_446 = tpu.memref_slice %arg8[%run_scoped3A_336, %dma_start3A_444, %dma_start3A_445] : memref<2x128x128xf32, #tpu.memory_space<vmem>> -> memref<1x128x128xf32, #tpu.memory_space<vmem>>
      %dma_start3A_447 = tpu.memref_squeeze %dma_start3A_446 : memref<1x128x128xf32, #tpu.memory_space<vmem>> -> memref<128x128xf32, #tpu.memory_space<vmem>>
      %dma_start3A_448 = arith.constant 0 : i32
      %dma_start3A_449 = tpu.memref_slice %arg7[%run_scoped3A_337, %dma_start3A_448] : memref<16x128xi32, #tpu.memory_space<vmem>> -> memref<1x128xi32, #tpu.memory_space<vmem>>
      %dma_start3A_450 = tpu.memref_squeeze %dma_start3A_449 : memref<1x128xi32, #tpu.memory_space<vmem>> -> memref<128xi32, #tpu.memory_space<vmem>>
      %dma_start3A_451 = arith.constant 0 : i32
      %dma_start3A_452 = arith.constant 0 : i32
      %dma_start3A_453 = tpu.memref_slice %arg10[%dma_start3A_451, %dma_start3A_452] : memref<4096x128xf32, #tpu.memory_space<vmem_shared>> -> memref<4096x128xf32, #tpu.memory_space<vmem_shared>>
      tpu.enqueue_indirect_dma source(%dma_start3A_447 : memref<128x128xf32, #tpu.memory_space<vmem>>) target(%dma_start3A_453 : memref<4096x128xf32, #tpu.memory_space<vmem_shared>>) offsets(%dma_start3A_450 : memref<128xi32, #tpu.memory_space<vmem>>) semaphore(%run_scoped3A_443 : memref<!tpu.dma_semaphore, #tpu.memory_space<semaphore_mem>>) {add = true}
      %dma_wait3A_454 = arith.constant 0 : i32
      %dma_wait3A_455 = arith.constant 0 : i32
      %dma_wait3A_456 = tpu.memref_slice %arg8[%run_scoped3A_336, %dma_wait3A_454, %dma_wait3A_455] : memref<2x128x128xf32, #tpu.memory_space<vmem>> -> memref<1x128x128xf32, #tpu.memory_space<vmem>>
      %dma_wait3A_457 = tpu.memref_squeeze %dma_wait3A_456 : memref<1x128x128xf32, #tpu.memory_space<vmem>> -> memref<128x128xf32, #tpu.memory_space<vmem>>
      %dma_wait3A_458 = arith.constant 0 : i32
      %dma_wait3A_459 = tpu.memref_slice %arg7[%run_scoped3A_337, %dma_wait3A_458] : memref<16x128xi32, #tpu.memory_space<vmem>> -> memref<1x128xi32, #tpu.memory_space<vmem>>
      %dma_wait3A_460 = tpu.memref_squeeze %dma_wait3A_459 : memref<1x128xi32, #tpu.memory_space<vmem>> -> memref<128xi32, #tpu.memory_space<vmem>>
      %dma_wait3A_461 = arith.constant 0 : i32
      %dma_wait3A_462 = arith.constant 0 : i32
      %dma_wait3A_463 = tpu.memref_slice %arg10[%dma_wait3A_461, %dma_wait3A_462] : memref<4096x128xf32, #tpu.memory_space<vmem_shared>> -> memref<4096x128xf32, #tpu.memory_space<vmem_shared>>
      tpu.wait_indirect_dma semaphore(%run_scoped3A_443 : memref<!tpu.dma_semaphore, #tpu.memory_space<semaphore_mem>>) src(%dma_wait3A_457 : memref<128x128xf32, #tpu.memory_space<vmem>>) dst(%dma_wait3A_463 : memref<4096x128xf32, #tpu.memory_space<vmem_shared>>)
      tpu.yield
    }) : () -> ()
    %dma_start3A_338 = arith.constant 13 : i32
    %dma_start3A_339 = arith.constant 1 : i32
    %dma_start3A_340 = arith.constant 0 : i32
    %dma_start3A_341 = arith.constant 0 : i32
    %dma_start3A_342 = tpu.memref_slice %arg8[%dma_start3A_339, %dma_start3A_340, %dma_start3A_341] : memref<2x128x128xf32, #tpu.memory_space<vmem>> -> memref<1x128x128xf32, #tpu.memory_space<vmem>>
    %dma_start3A_343 = tpu.memref_squeeze %dma_start3A_342 : memref<1x128x128xf32, #tpu.memory_space<vmem>> -> memref<128x128xf32, #tpu.memory_space<vmem>>
    %dma_start3A_344 = arith.constant 0 : i32
    %dma_start3A_345 = tpu.memref_slice %arg6[%dma_start3A_338, %dma_start3A_344] : memref<16x128xi32, #tpu.memory_space<vmem>> -> memref<1x128xi32, #tpu.memory_space<vmem>>
    %dma_start3A_346 = tpu.memref_squeeze %dma_start3A_345 : memref<1x128xi32, #tpu.memory_space<vmem>> -> memref<128xi32, #tpu.memory_space<vmem>>
    %dma_start3A_347 = arith.constant 0 : i32
    %dma_start3A_348 = arith.constant 0 : i32
    %dma_start3A_349 = tpu.memref_slice %arg4[%dma_start3A_347, %dma_start3A_348] : memref<4096x128xf32, #tpu.memory_space<hbm>> -> memref<4096x128xf32, #tpu.memory_space<hbm>>
    tpu.enqueue_indirect_dma source(%dma_start3A_349 : memref<4096x128xf32, #tpu.memory_space<hbm>>) target(%dma_start3A_343 : memref<128x128xf32, #tpu.memory_space<vmem>>) offsets(%dma_start3A_346 : memref<128xi32, #tpu.memory_space<vmem>>) semaphore(%arg12 : memref<!tpu.dma_semaphore, #tpu.memory_space<semaphore_mem>>)
    %dma_wait3A_350 = arith.constant 12 : i32
    %dma_wait3A_351 = arith.constant 0 : i32
    %dma_wait3A_352 = arith.constant 0 : i32
    %dma_wait3A_353 = arith.constant 0 : i32
    %dma_wait3A_354 = tpu.memref_slice %arg8[%dma_wait3A_351, %dma_wait3A_352, %dma_wait3A_353] : memref<2x128x128xf32, #tpu.memory_space<vmem>> -> memref<1x128x128xf32, #tpu.memory_space<vmem>>
    %dma_wait3A_355 = tpu.memref_squeeze %dma_wait3A_354 : memref<1x128x128xf32, #tpu.memory_space<vmem>> -> memref<128x128xf32, #tpu.memory_space<vmem>>
    %dma_wait3A_356 = arith.constant 0 : i32
    %dma_wait3A_357 = tpu.memref_slice %arg6[%dma_wait3A_350, %dma_wait3A_356] : memref<16x128xi32, #tpu.memory_space<vmem>> -> memref<1x128xi32, #tpu.memory_space<vmem>>
    %dma_wait3A_358 = tpu.memref_squeeze %dma_wait3A_357 : memref<1x128xi32, #tpu.memory_space<vmem>> -> memref<128xi32, #tpu.memory_space<vmem>>
    %dma_wait3A_359 = arith.constant 0 : i32
    %dma_wait3A_360 = arith.constant 0 : i32
    %dma_wait3A_361 = tpu.memref_slice %arg4[%dma_wait3A_359, %dma_wait3A_360] : memref<4096x128xf32, #tpu.memory_space<hbm>> -> memref<4096x128xf32, #tpu.memory_space<hbm>>
    tpu.wait_indirect_dma semaphore(%arg11 : memref<!tpu.dma_semaphore, #tpu.memory_space<semaphore_mem>>) src(%dma_wait3A_361 : memref<4096x128xf32, #tpu.memory_space<hbm>>) dst(%dma_wait3A_355 : memref<128x128xf32, #tpu.memory_space<vmem>>)
    %run_scoped3A_362 = arith.constant 0 : i32
    %run_scoped3A_363 = arith.constant 12 : i32
    "tpu.region"() ({
      %run_scoped3A_443 = tpu.sem_alloc : memref<!tpu.dma_semaphore, #tpu.memory_space<semaphore_mem>>
      %dma_start3A_444 = arith.constant 0 : i32
      %dma_start3A_445 = arith.constant 0 : i32
      %dma_start3A_446 = tpu.memref_slice %arg8[%run_scoped3A_362, %dma_start3A_444, %dma_start3A_445] : memref<2x128x128xf32, #tpu.memory_space<vmem>> -> memref<1x128x128xf32, #tpu.memory_space<vmem>>
      %dma_start3A_447 = tpu.memref_squeeze %dma_start3A_446 : memref<1x128x128xf32, #tpu.memory_space<vmem>> -> memref<128x128xf32, #tpu.memory_space<vmem>>
      %dma_start3A_448 = arith.constant 0 : i32
      %dma_start3A_449 = tpu.memref_slice %arg7[%run_scoped3A_363, %dma_start3A_448] : memref<16x128xi32, #tpu.memory_space<vmem>> -> memref<1x128xi32, #tpu.memory_space<vmem>>
      %dma_start3A_450 = tpu.memref_squeeze %dma_start3A_449 : memref<1x128xi32, #tpu.memory_space<vmem>> -> memref<128xi32, #tpu.memory_space<vmem>>
      %dma_start3A_451 = arith.constant 0 : i32
      %dma_start3A_452 = arith.constant 0 : i32
      %dma_start3A_453 = tpu.memref_slice %arg10[%dma_start3A_451, %dma_start3A_452] : memref<4096x128xf32, #tpu.memory_space<vmem_shared>> -> memref<4096x128xf32, #tpu.memory_space<vmem_shared>>
      tpu.enqueue_indirect_dma source(%dma_start3A_447 : memref<128x128xf32, #tpu.memory_space<vmem>>) target(%dma_start3A_453 : memref<4096x128xf32, #tpu.memory_space<vmem_shared>>) offsets(%dma_start3A_450 : memref<128xi32, #tpu.memory_space<vmem>>) semaphore(%run_scoped3A_443 : memref<!tpu.dma_semaphore, #tpu.memory_space<semaphore_mem>>) {add = true}
      %dma_wait3A_454 = arith.constant 0 : i32
      %dma_wait3A_455 = arith.constant 0 : i32
      %dma_wait3A_456 = tpu.memref_slice %arg8[%run_scoped3A_362, %dma_wait3A_454, %dma_wait3A_455] : memref<2x128x128xf32, #tpu.memory_space<vmem>> -> memref<1x128x128xf32, #tpu.memory_space<vmem>>
      %dma_wait3A_457 = tpu.memref_squeeze %dma_wait3A_456 : memref<1x128x128xf32, #tpu.memory_space<vmem>> -> memref<128x128xf32, #tpu.memory_space<vmem>>
      %dma_wait3A_458 = arith.constant 0 : i32
      %dma_wait3A_459 = tpu.memref_slice %arg7[%run_scoped3A_363, %dma_wait3A_458] : memref<16x128xi32, #tpu.memory_space<vmem>> -> memref<1x128xi32, #tpu.memory_space<vmem>>
      %dma_wait3A_460 = tpu.memref_squeeze %dma_wait3A_459 : memref<1x128xi32, #tpu.memory_space<vmem>> -> memref<128xi32, #tpu.memory_space<vmem>>
      %dma_wait3A_461 = arith.constant 0 : i32
      %dma_wait3A_462 = arith.constant 0 : i32
      %dma_wait3A_463 = tpu.memref_slice %arg10[%dma_wait3A_461, %dma_wait3A_462] : memref<4096x128xf32, #tpu.memory_space<vmem_shared>> -> memref<4096x128xf32, #tpu.memory_space<vmem_shared>>
      tpu.wait_indirect_dma semaphore(%run_scoped3A_443 : memref<!tpu.dma_semaphore, #tpu.memory_space<semaphore_mem>>) src(%dma_wait3A_457 : memref<128x128xf32, #tpu.memory_space<vmem>>) dst(%dma_wait3A_463 : memref<4096x128xf32, #tpu.memory_space<vmem_shared>>)
      tpu.yield
    }) : () -> ()
    %dma_start3A_364 = arith.constant 14 : i32
    %dma_start3A_365 = arith.constant 0 : i32
    %dma_start3A_366 = arith.constant 0 : i32
    %dma_start3A_367 = arith.constant 0 : i32
    %dma_start3A_368 = tpu.memref_slice %arg8[%dma_start3A_365, %dma_start3A_366, %dma_start3A_367] : memref<2x128x128xf32, #tpu.memory_space<vmem>> -> memref<1x128x128xf32, #tpu.memory_space<vmem>>
    %dma_start3A_369 = tpu.memref_squeeze %dma_start3A_368 : memref<1x128x128xf32, #tpu.memory_space<vmem>> -> memref<128x128xf32, #tpu.memory_space<vmem>>
    %dma_start3A_370 = arith.constant 0 : i32
    %dma_start3A_371 = tpu.memref_slice %arg6[%dma_start3A_364, %dma_start3A_370] : memref<16x128xi32, #tpu.memory_space<vmem>> -> memref<1x128xi32, #tpu.memory_space<vmem>>
    %dma_start3A_372 = tpu.memref_squeeze %dma_start3A_371 : memref<1x128xi32, #tpu.memory_space<vmem>> -> memref<128xi32, #tpu.memory_space<vmem>>
    %dma_start3A_373 = arith.constant 0 : i32
    %dma_start3A_374 = arith.constant 0 : i32
    %dma_start3A_375 = tpu.memref_slice %arg4[%dma_start3A_373, %dma_start3A_374] : memref<4096x128xf32, #tpu.memory_space<hbm>> -> memref<4096x128xf32, #tpu.memory_space<hbm>>
    tpu.enqueue_indirect_dma source(%dma_start3A_375 : memref<4096x128xf32, #tpu.memory_space<hbm>>) target(%dma_start3A_369 : memref<128x128xf32, #tpu.memory_space<vmem>>) offsets(%dma_start3A_372 : memref<128xi32, #tpu.memory_space<vmem>>) semaphore(%arg11 : memref<!tpu.dma_semaphore, #tpu.memory_space<semaphore_mem>>)
    %dma_wait3A_376 = arith.constant 13 : i32
    %dma_wait3A_377 = arith.constant 1 : i32
    %dma_wait3A_378 = arith.constant 0 : i32
    %dma_wait3A_379 = arith.constant 0 : i32
    %dma_wait3A_380 = tpu.memref_slice %arg8[%dma_wait3A_377, %dma_wait3A_378, %dma_wait3A_379] : memref<2x128x128xf32, #tpu.memory_space<vmem>> -> memref<1x128x128xf32, #tpu.memory_space<vmem>>
    %dma_wait3A_381 = tpu.memref_squeeze %dma_wait3A_380 : memref<1x128x128xf32, #tpu.memory_space<vmem>> -> memref<128x128xf32, #tpu.memory_space<vmem>>
    %dma_wait3A_382 = arith.constant 0 : i32
    %dma_wait3A_383 = tpu.memref_slice %arg6[%dma_wait3A_376, %dma_wait3A_382] : memref<16x128xi32, #tpu.memory_space<vmem>> -> memref<1x128xi32, #tpu.memory_space<vmem>>
    %dma_wait3A_384 = tpu.memref_squeeze %dma_wait3A_383 : memref<1x128xi32, #tpu.memory_space<vmem>> -> memref<128xi32, #tpu.memory_space<vmem>>
    %dma_wait3A_385 = arith.constant 0 : i32
    %dma_wait3A_386 = arith.constant 0 : i32
    %dma_wait3A_387 = tpu.memref_slice %arg4[%dma_wait3A_385, %dma_wait3A_386] : memref<4096x128xf32, #tpu.memory_space<hbm>> -> memref<4096x128xf32, #tpu.memory_space<hbm>>
    tpu.wait_indirect_dma semaphore(%arg12 : memref<!tpu.dma_semaphore, #tpu.memory_space<semaphore_mem>>) src(%dma_wait3A_387 : memref<4096x128xf32, #tpu.memory_space<hbm>>) dst(%dma_wait3A_381 : memref<128x128xf32, #tpu.memory_space<vmem>>)
    %run_scoped3A_388 = arith.constant 1 : i32
    %run_scoped3A_389 = arith.constant 13 : i32
    "tpu.region"() ({
      %run_scoped3A_443 = tpu.sem_alloc : memref<!tpu.dma_semaphore, #tpu.memory_space<semaphore_mem>>
      %dma_start3A_444 = arith.constant 0 : i32
      %dma_start3A_445 = arith.constant 0 : i32
      %dma_start3A_446 = tpu.memref_slice %arg8[%run_scoped3A_388, %dma_start3A_444, %dma_start3A_445] : memref<2x128x128xf32, #tpu.memory_space<vmem>> -> memref<1x128x128xf32, #tpu.memory_space<vmem>>
      %dma_start3A_447 = tpu.memref_squeeze %dma_start3A_446 : memref<1x128x128xf32, #tpu.memory_space<vmem>> -> memref<128x128xf32, #tpu.memory_space<vmem>>
      %dma_start3A_448 = arith.constant 0 : i32
      %dma_start3A_449 = tpu.memref_slice %arg7[%run_scoped3A_389, %dma_start3A_448] : memref<16x128xi32, #tpu.memory_space<vmem>> -> memref<1x128xi32, #tpu.memory_space<vmem>>
      %dma_start3A_450 = tpu.memref_squeeze %dma_start3A_449 : memref<1x128xi32, #tpu.memory_space<vmem>> -> memref<128xi32, #tpu.memory_space<vmem>>
      %dma_start3A_451 = arith.constant 0 : i32
      %dma_start3A_452 = arith.constant 0 : i32
      %dma_start3A_453 = tpu.memref_slice %arg10[%dma_start3A_451, %dma_start3A_452] : memref<4096x128xf32, #tpu.memory_space<vmem_shared>> -> memref<4096x128xf32, #tpu.memory_space<vmem_shared>>
      tpu.enqueue_indirect_dma source(%dma_start3A_447 : memref<128x128xf32, #tpu.memory_space<vmem>>) target(%dma_start3A_453 : memref<4096x128xf32, #tpu.memory_space<vmem_shared>>) offsets(%dma_start3A_450 : memref<128xi32, #tpu.memory_space<vmem>>) semaphore(%run_scoped3A_443 : memref<!tpu.dma_semaphore, #tpu.memory_space<semaphore_mem>>) {add = true}
      %dma_wait3A_454 = arith.constant 0 : i32
      %dma_wait3A_455 = arith.constant 0 : i32
      %dma_wait3A_456 = tpu.memref_slice %arg8[%run_scoped3A_388, %dma_wait3A_454, %dma_wait3A_455] : memref<2x128x128xf32, #tpu.memory_space<vmem>> -> memref<1x128x128xf32, #tpu.memory_space<vmem>>
      %dma_wait3A_457 = tpu.memref_squeeze %dma_wait3A_456 : memref<1x128x128xf32, #tpu.memory_space<vmem>> -> memref<128x128xf32, #tpu.memory_space<vmem>>
      %dma_wait3A_458 = arith.constant 0 : i32
      %dma_wait3A_459 = tpu.memref_slice %arg7[%run_scoped3A_389, %dma_wait3A_458] : memref<16x128xi32, #tpu.memory_space<vmem>> -> memref<1x128xi32, #tpu.memory_space<vmem>>
      %dma_wait3A_460 = tpu.memref_squeeze %dma_wait3A_459 : memref<1x128xi32, #tpu.memory_space<vmem>> -> memref<128xi32, #tpu.memory_space<vmem>>
      %dma_wait3A_461 = arith.constant 0 : i32
      %dma_wait3A_462 = arith.constant 0 : i32
      %dma_wait3A_463 = tpu.memref_slice %arg10[%dma_wait3A_461, %dma_wait3A_462] : memref<4096x128xf32, #tpu.memory_space<vmem_shared>> -> memref<4096x128xf32, #tpu.memory_space<vmem_shared>>
      tpu.wait_indirect_dma semaphore(%run_scoped3A_443 : memref<!tpu.dma_semaphore, #tpu.memory_space<semaphore_mem>>) src(%dma_wait3A_457 : memref<128x128xf32, #tpu.memory_space<vmem>>) dst(%dma_wait3A_463 : memref<4096x128xf32, #tpu.memory_space<vmem_shared>>)
      tpu.yield
    }) : () -> ()
    %dma_start3A_390 = arith.constant 15 : i32
    %dma_start3A_391 = arith.constant 1 : i32
    %dma_start3A_392 = arith.constant 0 : i32
    %dma_start3A_393 = arith.constant 0 : i32
    %dma_start3A_394 = tpu.memref_slice %arg8[%dma_start3A_391, %dma_start3A_392, %dma_start3A_393] : memref<2x128x128xf32, #tpu.memory_space<vmem>> -> memref<1x128x128xf32, #tpu.memory_space<vmem>>
    %dma_start3A_395 = tpu.memref_squeeze %dma_start3A_394 : memref<1x128x128xf32, #tpu.memory_space<vmem>> -> memref<128x128xf32, #tpu.memory_space<vmem>>
    %dma_start3A_396 = arith.constant 0 : i32
    %dma_start3A_397 = tpu.memref_slice %arg6[%dma_start3A_390, %dma_start3A_396] : memref<16x128xi32, #tpu.memory_space<vmem>> -> memref<1x128xi32, #tpu.memory_space<vmem>>
    %dma_start3A_398 = tpu.memref_squeeze %dma_start3A_397 : memref<1x128xi32, #tpu.memory_space<vmem>> -> memref<128xi32, #tpu.memory_space<vmem>>
    %dma_start3A_399 = arith.constant 0 : i32
    %dma_start3A_400 = arith.constant 0 : i32
    %dma_start3A_401 = tpu.memref_slice %arg4[%dma_start3A_399, %dma_start3A_400] : memref<4096x128xf32, #tpu.memory_space<hbm>> -> memref<4096x128xf32, #tpu.memory_space<hbm>>
    tpu.enqueue_indirect_dma source(%dma_start3A_401 : memref<4096x128xf32, #tpu.memory_space<hbm>>) target(%dma_start3A_395 : memref<128x128xf32, #tpu.memory_space<vmem>>) offsets(%dma_start3A_398 : memref<128xi32, #tpu.memory_space<vmem>>) semaphore(%arg12 : memref<!tpu.dma_semaphore, #tpu.memory_space<semaphore_mem>>)
    %dma_wait3A_402 = arith.constant 14 : i32
    %dma_wait3A_403 = arith.constant 0 : i32
    %dma_wait3A_404 = arith.constant 0 : i32
    %dma_wait3A_405 = arith.constant 0 : i32
    %dma_wait3A_406 = tpu.memref_slice %arg8[%dma_wait3A_403, %dma_wait3A_404, %dma_wait3A_405] : memref<2x128x128xf32, #tpu.memory_space<vmem>> -> memref<1x128x128xf32, #tpu.memory_space<vmem>>
    %dma_wait3A_407 = tpu.memref_squeeze %dma_wait3A_406 : memref<1x128x128xf32, #tpu.memory_space<vmem>> -> memref<128x128xf32, #tpu.memory_space<vmem>>
    %dma_wait3A_408 = arith.constant 0 : i32
    %dma_wait3A_409 = tpu.memref_slice %arg6[%dma_wait3A_402, %dma_wait3A_408] : memref<16x128xi32, #tpu.memory_space<vmem>> -> memref<1x128xi32, #tpu.memory_space<vmem>>
    %dma_wait3A_410 = tpu.memref_squeeze %dma_wait3A_409 : memref<1x128xi32, #tpu.memory_space<vmem>> -> memref<128xi32, #tpu.memory_space<vmem>>
    %dma_wait3A_411 = arith.constant 0 : i32
    %dma_wait3A_412 = arith.constant 0 : i32
    %dma_wait3A_413 = tpu.memref_slice %arg4[%dma_wait3A_411, %dma_wait3A_412] : memref<4096x128xf32, #tpu.memory_space<hbm>> -> memref<4096x128xf32, #tpu.memory_space<hbm>>
    tpu.wait_indirect_dma semaphore(%arg11 : memref<!tpu.dma_semaphore, #tpu.memory_space<semaphore_mem>>) src(%dma_wait3A_413 : memref<4096x128xf32, #tpu.memory_space<hbm>>) dst(%dma_wait3A_407 : memref<128x128xf32, #tpu.memory_space<vmem>>)
    %run_scoped3A_414 = arith.constant 0 : i32
    %run_scoped3A_415 = arith.constant 14 : i32
    "tpu.region"() ({
      %run_scoped3A_443 = tpu.sem_alloc : memref<!tpu.dma_semaphore, #tpu.memory_space<semaphore_mem>>
      %dma_start3A_444 = arith.constant 0 : i32
      %dma_start3A_445 = arith.constant 0 : i32
      %dma_start3A_446 = tpu.memref_slice %arg8[%run_scoped3A_414, %dma_start3A_444, %dma_start3A_445] : memref<2x128x128xf32, #tpu.memory_space<vmem>> -> memref<1x128x128xf32, #tpu.memory_space<vmem>>
      %dma_start3A_447 = tpu.memref_squeeze %dma_start3A_446 : memref<1x128x128xf32, #tpu.memory_space<vmem>> -> memref<128x128xf32, #tpu.memory_space<vmem>>
      %dma_start3A_448 = arith.constant 0 : i32
      %dma_start3A_449 = tpu.memref_slice %arg7[%run_scoped3A_415, %dma_start3A_448] : memref<16x128xi32, #tpu.memory_space<vmem>> -> memref<1x128xi32, #tpu.memory_space<vmem>>
      %dma_start3A_450 = tpu.memref_squeeze %dma_start3A_449 : memref<1x128xi32, #tpu.memory_space<vmem>> -> memref<128xi32, #tpu.memory_space<vmem>>
      %dma_start3A_451 = arith.constant 0 : i32
      %dma_start3A_452 = arith.constant 0 : i32
      %dma_start3A_453 = tpu.memref_slice %arg10[%dma_start3A_451, %dma_start3A_452] : memref<4096x128xf32, #tpu.memory_space<vmem_shared>> -> memref<4096x128xf32, #tpu.memory_space<vmem_shared>>
      tpu.enqueue_indirect_dma source(%dma_start3A_447 : memref<128x128xf32, #tpu.memory_space<vmem>>) target(%dma_start3A_453 : memref<4096x128xf32, #tpu.memory_space<vmem_shared>>) offsets(%dma_start3A_450 : memref<128xi32, #tpu.memory_space<vmem>>) semaphore(%run_scoped3A_443 : memref<!tpu.dma_semaphore, #tpu.memory_space<semaphore_mem>>) {add = true}
      %dma_wait3A_454 = arith.constant 0 : i32
      %dma_wait3A_455 = arith.constant 0 : i32
      %dma_wait3A_456 = tpu.memref_slice %arg8[%run_scoped3A_414, %dma_wait3A_454, %dma_wait3A_455] : memref<2x128x128xf32, #tpu.memory_space<vmem>> -> memref<1x128x128xf32, #tpu.memory_space<vmem>>
      %dma_wait3A_457 = tpu.memref_squeeze %dma_wait3A_456 : memref<1x128x128xf32, #tpu.memory_space<vmem>> -> memref<128x128xf32, #tpu.memory_space<vmem>>
      %dma_wait3A_458 = arith.constant 0 : i32
      %dma_wait3A_459 = tpu.memref_slice %arg7[%run_scoped3A_415, %dma_wait3A_458] : memref<16x128xi32, #tpu.memory_space<vmem>> -> memref<1x128xi32, #tpu.memory_space<vmem>>
      %dma_wait3A_460 = tpu.memref_squeeze %dma_wait3A_459 : memref<1x128xi32, #tpu.memory_space<vmem>> -> memref<128xi32, #tpu.memory_space<vmem>>
      %dma_wait3A_461 = arith.constant 0 : i32
      %dma_wait3A_462 = arith.constant 0 : i32
      %dma_wait3A_463 = tpu.memref_slice %arg10[%dma_wait3A_461, %dma_wait3A_462] : memref<4096x128xf32, #tpu.memory_space<vmem_shared>> -> memref<4096x128xf32, #tpu.memory_space<vmem_shared>>
      tpu.wait_indirect_dma semaphore(%run_scoped3A_443 : memref<!tpu.dma_semaphore, #tpu.memory_space<semaphore_mem>>) src(%dma_wait3A_457 : memref<128x128xf32, #tpu.memory_space<vmem>>) dst(%dma_wait3A_463 : memref<4096x128xf32, #tpu.memory_space<vmem_shared>>)
      tpu.yield
    }) : () -> ()
    %dma_wait3A_416 = arith.constant 15 : i32
    %dma_wait3A_417 = arith.constant 1 : i32
    %dma_wait3A_418 = arith.constant 0 : i32
    %dma_wait3A_419 = arith.constant 0 : i32
    %dma_wait3A_420 = tpu.memref_slice %arg8[%dma_wait3A_417, %dma_wait3A_418, %dma_wait3A_419] : memref<2x128x128xf32, #tpu.memory_space<vmem>> -> memref<1x128x128xf32, #tpu.memory_space<vmem>>
    %dma_wait3A_421 = tpu.memref_squeeze %dma_wait3A_420 : memref<1x128x128xf32, #tpu.memory_space<vmem>> -> memref<128x128xf32, #tpu.memory_space<vmem>>
    %dma_wait3A_422 = arith.constant 0 : i32
    %dma_wait3A_423 = tpu.memref_slice %arg6[%dma_wait3A_416, %dma_wait3A_422] : memref<16x128xi32, #tpu.memory_space<vmem>> -> memref<1x128xi32, #tpu.memory_space<vmem>>
    %dma_wait3A_424 = tpu.memref_squeeze %dma_wait3A_423 : memref<1x128xi32, #tpu.memory_space<vmem>> -> memref<128xi32, #tpu.memory_space<vmem>>
    %dma_wait3A_425 = arith.constant 0 : i32
    %dma_wait3A_426 = arith.constant 0 : i32
    %dma_wait3A_427 = tpu.memref_slice %arg4[%dma_wait3A_425, %dma_wait3A_426] : memref<4096x128xf32, #tpu.memory_space<hbm>> -> memref<4096x128xf32, #tpu.memory_space<hbm>>
    tpu.wait_indirect_dma semaphore(%arg12 : memref<!tpu.dma_semaphore, #tpu.memory_space<semaphore_mem>>) src(%dma_wait3A_427 : memref<4096x128xf32, #tpu.memory_space<hbm>>) dst(%dma_wait3A_421 : memref<128x128xf32, #tpu.memory_space<vmem>>)
    %run_scoped3A_428 = arith.constant 1 : i32
    %run_scoped3A_429 = arith.constant 15 : i32
    "tpu.region"() ({
      %run_scoped3A_443 = tpu.sem_alloc : memref<!tpu.dma_semaphore, #tpu.memory_space<semaphore_mem>>
      %dma_start3A_444 = arith.constant 0 : i32
      %dma_start3A_445 = arith.constant 0 : i32
      %dma_start3A_446 = tpu.memref_slice %arg8[%run_scoped3A_428, %dma_start3A_444, %dma_start3A_445] : memref<2x128x128xf32, #tpu.memory_space<vmem>> -> memref<1x128x128xf32, #tpu.memory_space<vmem>>
      %dma_start3A_447 = tpu.memref_squeeze %dma_start3A_446 : memref<1x128x128xf32, #tpu.memory_space<vmem>> -> memref<128x128xf32, #tpu.memory_space<vmem>>
      %dma_start3A_448 = arith.constant 0 : i32
      %dma_start3A_449 = tpu.memref_slice %arg7[%run_scoped3A_429, %dma_start3A_448] : memref<16x128xi32, #tpu.memory_space<vmem>> -> memref<1x128xi32, #tpu.memory_space<vmem>>
      %dma_start3A_450 = tpu.memref_squeeze %dma_start3A_449 : memref<1x128xi32, #tpu.memory_space<vmem>> -> memref<128xi32, #tpu.memory_space<vmem>>
      %dma_start3A_451 = arith.constant 0 : i32
      %dma_start3A_452 = arith.constant 0 : i32
      %dma_start3A_453 = tpu.memref_slice %arg10[%dma_start3A_451, %dma_start3A_452] : memref<4096x128xf32, #tpu.memory_space<vmem_shared>> -> memref<4096x128xf32, #tpu.memory_space<vmem_shared>>
      tpu.enqueue_indirect_dma source(%dma_start3A_447 : memref<128x128xf32, #tpu.memory_space<vmem>>) target(%dma_start3A_453 : memref<4096x128xf32, #tpu.memory_space<vmem_shared>>) offsets(%dma_start3A_450 : memref<128xi32, #tpu.memory_space<vmem>>) semaphore(%run_scoped3A_443 : memref<!tpu.dma_semaphore, #tpu.memory_space<semaphore_mem>>) {add = true}
      %dma_wait3A_454 = arith.constant 0 : i32
      %dma_wait3A_455 = arith.constant 0 : i32
      %dma_wait3A_456 = tpu.memref_slice %arg8[%run_scoped3A_428, %dma_wait3A_454, %dma_wait3A_455] : memref<2x128x128xf32, #tpu.memory_space<vmem>> -> memref<1x128x128xf32, #tpu.memory_space<vmem>>
      %dma_wait3A_457 = tpu.memref_squeeze %dma_wait3A_456 : memref<1x128x128xf32, #tpu.memory_space<vmem>> -> memref<128x128xf32, #tpu.memory_space<vmem>>
      %dma_wait3A_458 = arith.constant 0 : i32
      %dma_wait3A_459 = tpu.memref_slice %arg7[%run_scoped3A_429, %dma_wait3A_458] : memref<16x128xi32, #tpu.memory_space<vmem>> -> memref<1x128xi32, #tpu.memory_space<vmem>>
      %dma_wait3A_460 = tpu.memref_squeeze %dma_wait3A_459 : memref<1x128xi32, #tpu.memory_space<vmem>> -> memref<128xi32, #tpu.memory_space<vmem>>
      %dma_wait3A_461 = arith.constant 0 : i32
      %dma_wait3A_462 = arith.constant 0 : i32
      %dma_wait3A_463 = tpu.memref_slice %arg10[%dma_wait3A_461, %dma_wait3A_462] : memref<4096x128xf32, #tpu.memory_space<vmem_shared>> -> memref<4096x128xf32, #tpu.memory_space<vmem_shared>>
      tpu.wait_indirect_dma semaphore(%run_scoped3A_443 : memref<!tpu.dma_semaphore, #tpu.memory_space<semaphore_mem>>) src(%dma_wait3A_457 : memref<128x128xf32, #tpu.memory_space<vmem>>) dst(%dma_wait3A_463 : memref<4096x128xf32, #tpu.memory_space<vmem_shared>>)
      tpu.yield
    }) : () -> ()
    %barrier3A_430 = arith.constant 0 : index
    tpu.barrier barrier_id(%barrier3A_430)
    %mul3A_431 = arith.constant 256 : i32
    %mul3A_432 = arith.muli %arg1, %mul3A_431 : i32
    %mul3A_433 = arith.constant 256 : i32
    %mul3A_434 = arith.muli %arg1, %mul3A_433 : i32
    "tpu.region"() ({
      %run_scoped3A_443 = tpu.sem_alloc : memref<!tpu.dma_semaphore, #tpu.memory_space<semaphore_mem>>
      %dma_start3A_444 = arith.constant 0 : i32
      %dma_start3A_445 = tpu.memref_slice %arg5[%arg0, %mul3A_434, %dma_start3A_444] : memref<2x4096x128xf32, #tpu.memory_space<hbm>> -> memref<1x128x128xf32, #tpu.memory_space<hbm>>
      %dma_start3A_446 = tpu.memref_squeeze %dma_start3A_445 : memref<1x128x128xf32, #tpu.memory_space<hbm>> -> memref<128x128xf32, #tpu.memory_space<hbm>>
      %dma_start3A_447 = arith.constant 0 : i32
      %dma_start3A_448 = tpu.memref_slice %arg10[%mul3A_432, %dma_start3A_447] : memref<4096x128xf32, #tpu.memory_space<vmem_shared>> -> memref<128x128xf32, #tpu.memory_space<vmem_shared>>
      tpu.enqueue_dma source(%dma_start3A_448 : memref<128x128xf32, #tpu.memory_space<vmem_shared>>) target(%dma_start3A_446 : memref<128x128xf32, #tpu.memory_space<hbm>>) target_semaphore(%run_scoped3A_443 : memref<!tpu.dma_semaphore, #tpu.memory_space<semaphore_mem>>)
      %dma_wait3A_449 = arith.constant 0 : i32
      %dma_wait3A_450 = tpu.memref_slice %arg5[%arg0, %mul3A_434, %dma_wait3A_449] : memref<2x4096x128xf32, #tpu.memory_space<hbm>> -> memref<1x128x128xf32, #tpu.memory_space<hbm>>
      %dma_wait3A_451 = tpu.memref_squeeze %dma_wait3A_450 : memref<1x128x128xf32, #tpu.memory_space<hbm>> -> memref<128x128xf32, #tpu.memory_space<hbm>>
      %dma_wait3A_452 = arith.constant 0 : i32
      %dma_wait3A_453 = tpu.memref_slice %arg10[%mul3A_432, %dma_wait3A_452] : memref<4096x128xf32, #tpu.memory_space<vmem_shared>> -> memref<128x128xf32, #tpu.memory_space<vmem_shared>>
      tpu.wait_dma2 semaphore(%run_scoped3A_443 : memref<!tpu.dma_semaphore, #tpu.memory_space<semaphore_mem>>) src(%dma_wait3A_453 : memref<128x128xf32, #tpu.memory_space<vmem_shared>>) dst(%dma_wait3A_451 : memref<128x128xf32, #tpu.memory_space<hbm>>)
      tpu.yield
    }) : () -> ()
    %mul3A_435 = arith.constant 256 : i32
    %mul3A_436 = arith.muli %arg1, %mul3A_435 : i32
    %add3A_437 = arith.constant 128 : i32
    %add3A_438 = arith.addi %mul3A_436, %add3A_437 : i32
    %mul3A_439 = arith.constant 256 : i32
    %mul3A_440 = arith.muli %arg1, %mul3A_439 : i32
    %add3A_441 = arith.constant 128 : i32
    %add3A_442 = arith.addi %mul3A_440, %add3A_441 : i32
    "tpu.region"() ({
      %run_scoped3A_443 = tpu.sem_alloc : memref<!tpu.dma_semaphore, #tpu.memory_space<semaphore_mem>>
      %dma_start3A_444 = arith.constant 0 : i32
      %dma_start3A_445 = tpu.memref_slice %arg5[%arg0, %add3A_442, %dma_start3A_444] : memref<2x4096x128xf32, #tpu.memory_space<hbm>> -> memref<1x128x128xf32, #tpu.memory_space<hbm>>
      %dma_start3A_446 = tpu.memref_squeeze %dma_start3A_445 : memref<1x128x128xf32, #tpu.memory_space<hbm>> -> memref<128x128xf32, #tpu.memory_space<hbm>>
      %dma_start3A_447 = arith.constant 0 : i32
      %dma_start3A_448 = tpu.memref_slice %arg10[%add3A_438, %dma_start3A_447] : memref<4096x128xf32, #tpu.memory_space<vmem_shared>> -> memref<128x128xf32, #tpu.memory_space<vmem_shared>>
      tpu.enqueue_dma source(%dma_start3A_448 : memref<128x128xf32, #tpu.memory_space<vmem_shared>>) target(%dma_start3A_446 : memref<128x128xf32, #tpu.memory_space<hbm>>) target_semaphore(%run_scoped3A_443 : memref<!tpu.dma_semaphore, #tpu.memory_space<semaphore_mem>>)
      %dma_wait3A_449 = arith.constant 0 : i32
      %dma_wait3A_450 = tpu.memref_slice %arg5[%arg0, %add3A_442, %dma_wait3A_449] : memref<2x4096x128xf32, #tpu.memory_space<hbm>> -> memref<1x128x128xf32, #tpu.memory_space<hbm>>
      %dma_wait3A_451 = tpu.memref_squeeze %dma_wait3A_450 : memref<1x128x128xf32, #tpu.memory_space<hbm>> -> memref<128x128xf32, #tpu.memory_space<hbm>>
      %dma_wait3A_452 = arith.constant 0 : i32
      %dma_wait3A_453 = tpu.memref_slice %arg10[%add3A_438, %dma_wait3A_452] : memref<4096x128xf32, #tpu.memory_space<vmem_shared>> -> memref<128x128xf32, #tpu.memory_space<vmem_shared>>
      tpu.wait_dma2 semaphore(%run_scoped3A_443 : memref<!tpu.dma_semaphore, #tpu.memory_space<semaphore_mem>>) src(%dma_wait3A_453 : memref<128x128xf32, #tpu.memory_space<vmem_shared>>) dst(%dma_wait3A_451 : memref<128x128xf32, #tpu.memory_space<hbm>>)
      tpu.yield
    }) : () -> ()
    return
  }
}

#map = affine_map<(d0, d1) -> (0, 0)>
#map1 = affine_map<(d0, d1) -> (0, 0, 0)>
module attributes {stable_mosaic.version = 14 : i64} {
  func.func @agg_k(%arg0: i32, %arg1: i32, %arg2: memref<512x128xi32, #tpu.memory_space<hbm>>, %arg3: memref<512x128xi32, #tpu.memory_space<hbm>>, %arg4: memref<4096x128xf32, #tpu.memory_space<hbm>>, %arg5: memref<2x4096x128xf32, #tpu.memory_space<hbm>>, %arg6: memref<16x128xi32, #tpu.memory_space<vmem>>, %arg7: memref<16x128xi32, #tpu.memory_space<vmem>>, %arg8: memref<2x128x128xf32, #tpu.memory_space<vmem>>, %arg9: memref<128x128xf32, #tpu.memory_space<vmem>>, %arg10: memref<4096x128xf32, #tpu.memory_space<vmem_shared>>, %arg11: memref<!tpu.dma_semaphore, #tpu.memory_space<semaphore_mem>>, %arg12: memref<!tpu.dma_semaphore, #tpu.memory_space<semaphore_mem>>) attributes {dimension_semantics = [#tpu.dimension_semantics<core_parallel>, #tpu.dimension_semantics<subcore_parallel>], iteration_bounds = array<i64: 2, 16>, scalar_prefetch = 0 : i64, scratch_operands = 7 : i64, tpu.core_type = #tpu.core_type<sc_vector_subcore>, window_params = [{transform_indices = #map}, {transform_indices = #map}, {transform_indices = #map}, {transform_indices = #map1}]} {
    %mul3A = arith.constant 2 : i32
    %mul3A_0 = arith.muli %arg1, %mul3A : i32
    %add3A = arith.addi %mul3A_0, %arg0 : i32
    %broadcast_in_dim3A = arith.constant 0.000000e+00 : f32
    %broadcast_in_dim3A_1 = vector.broadcast %broadcast_in_dim3A : f32 to vector<16xf32>
    %scan3A = arith.constant 0 : i32
    %scan3A_2 = arith.constant 0 : i32
    %scan3A_3 = arith.constant 128 : i32
    %scan3A_4 = arith.addi %scan3A_2, %scan3A_3 : i32
    %scan3A_5 = arith.constant 1 : i32
    scf.for %scan3A_443 = %scan3A_2 to %scan3A_4 step %scan3A_5  : i32 {
      %swap3A = arith.index_cast %scan3A_443 : i32 to index
      %swap3A_444 = arith.constant 0 : index
      %swap3A_445 = tpu.vector_load %arg9[%swap3A, %swap3A_444] {strides = array<i32>} : memref<128x128xf32, #tpu.memory_space<vmem>>, vector<1x16xf32>,
      %swap3A_446 = vector.shape_cast %swap3A_445 : vector<1x16xf32> to vector<16xf32>
      %swap3A_447 = vector.shape_cast %broadcast_in_dim3A_1 : vector<16xf32> to vector<1x16xf32>
      tpu.vector_store %arg9[%swap3A, %swap3A_444], %swap3A_447 {strides = array<i32>} : memref<128x128xf32, #tpu.memory_space<vmem>>, vector<1x16xf32>,
      %swap3A_448 = arith.index_cast %scan3A_443 : i32 to index
      %swap3A_449 = arith.constant 16 : index
      %swap3A_450 = tpu.vector_load %arg9[%swap3A_448, %swap3A_449] {strides = array<i32>} : memref<128x128xf32, #tpu.memory_space<vmem>>, vector<1x16xf32>,
      %swap3A_451 = vector.shape_cast %swap3A_450 : vector<1x16xf32> to vector<16xf32>
      %swap3A_452 = vector.shape_cast %broadcast_in_dim3A_1 : vector<16xf32> to vector<1x16xf32>
      tpu.vector_store %arg9[%swap3A_448, %swap3A_449], %swap3A_452 {strides = array<i32>} : memref<128x128xf32, #tpu.memory_space<vmem>>, vector<1x16xf32>,
      %swap3A_453 = arith.index_cast %scan3A_443 : i32 to index
      %swap3A_454 = arith.constant 32 : index
      %swap3A_455 = tpu.vector_load %arg9[%swap3A_453, %swap3A_454] {strides = array<i32>} : memref<128x128xf32, #tpu.memory_space<vmem>>, vector<1x16xf32>,
      %swap3A_456 = vector.shape_cast %swap3A_455 : vector<1x16xf32> to vector<16xf32>
      %swap3A_457 = vector.shape_cast %broadcast_in_dim3A_1 : vector<16xf32> to vector<1x16xf32>
      tpu.vector_store %arg9[%swap3A_453, %swap3A_454], %swap3A_457 {strides = array<i32>} : memref<128x128xf32, #tpu.memory_space<vmem>>, vector<1x16xf32>,
      %swap3A_458 = arith.index_cast %scan3A_443 : i32 to index
      %swap3A_459 = arith.constant 48 : index
      %swap3A_460 = tpu.vector_load %arg9[%swap3A_458, %swap3A_459] {strides = array<i32>} : memref<128x128xf32, #tpu.memory_space<vmem>>, vector<1x16xf32>,
      %swap3A_461 = vector.shape_cast %swap3A_460 : vector<1x16xf32> to vector<16xf32>
      %swap3A_462 = vector.shape_cast %broadcast_in_dim3A_1 : vector<16xf32> to vector<1x16xf32>
      tpu.vector_store %arg9[%swap3A_458, %swap3A_459], %swap3A_462 {strides = array<i32>} : memref<128x128xf32, #tpu.memory_space<vmem>>, vector<1x16xf32>,
      %swap3A_463 = arith.index_cast %scan3A_443 : i32 to index
      %swap3A_464 = arith.constant 64 : index
      %swap3A_465 = tpu.vector_load %arg9[%swap3A_463, %swap3A_464] {strides = array<i32>} : memref<128x128xf32, #tpu.memory_space<vmem>>, vector<1x16xf32>,
      %swap3A_466 = vector.shape_cast %swap3A_465 : vector<1x16xf32> to vector<16xf32>
      %swap3A_467 = vector.shape_cast %broadcast_in_dim3A_1 : vector<16xf32> to vector<1x16xf32>
      tpu.vector_store %arg9[%swap3A_463, %swap3A_464], %swap3A_467 {strides = array<i32>} : memref<128x128xf32, #tpu.memory_space<vmem>>, vector<1x16xf32>,
      %swap3A_468 = arith.index_cast %scan3A_443 : i32 to index
      %swap3A_469 = arith.constant 80 : index
      %swap3A_470 = tpu.vector_load %arg9[%swap3A_468, %swap3A_469] {strides = array<i32>} : memref<128x128xf32, #tpu.memory_space<vmem>>, vector<1x16xf32>,
      %swap3A_471 = vector.shape_cast %swap3A_470 : vector<1x16xf32> to vector<16xf32>
      %swap3A_472 = vector.shape_cast %broadcast_in_dim3A_1 : vector<16xf32> to vector<1x16xf32>
      tpu.vector_store %arg9[%swap3A_468, %swap3A_469], %swap3A_472 {strides = array<i32>} : memref<128x128xf32, #tpu.memory_space<vmem>>, vector<1x16xf32>,
      %swap3A_473 = arith.index_cast %scan3A_443 : i32 to index
      %swap3A_474 = arith.constant 96 : index
      %swap3A_475 = tpu.vector_load %arg9[%swap3A_473, %swap3A_474] {strides = array<i32>} : memref<128x128xf32, #tpu.memory_space<vmem>>, vector<1x16xf32>,
      %swap3A_476 = vector.shape_cast %swap3A_475 : vector<1x16xf32> to vector<16xf32>
      %swap3A_477 = vector.shape_cast %broadcast_in_dim3A_1 : vector<16xf32> to vector<1x16xf32>
      tpu.vector_store %arg9[%swap3A_473, %swap3A_474], %swap3A_477 {strides = array<i32>} : memref<128x128xf32, #tpu.memory_space<vmem>>, vector<1x16xf32>,
      %swap3A_478 = arith.index_cast %scan3A_443 : i32 to index
      %swap3A_479 = arith.constant 112 : index
      %swap3A_480 = tpu.vector_load %arg9[%swap3A_478, %swap3A_479] {strides = array<i32>} : memref<128x128xf32, #tpu.memory_space<vmem>>, vector<1x16xf32>,
      %swap3A_481 = vector.shape_cast %swap3A_480 : vector<1x16xf32> to vector<16xf32>
      %swap3A_482 = vector.shape_cast %broadcast_in_dim3A_1 : vector<16xf32> to vector<1x16xf32>
      tpu.vector_store %arg9[%swap3A_478, %swap3A_479], %swap3A_482 {strides = array<i32>} : memref<128x128xf32, #tpu.memory_space<vmem>>, vector<1x16xf32>,
    }
    %scan3A_6 = arith.constant 128 : i32
    %mul3A_7 = arith.constant 256 : i32
    %mul3A_8 = arith.muli %arg1, %mul3A_7 : i32
    "tpu.region"() ({
      %run_scoped3A_443 = tpu.sem_alloc : memref<!tpu.dma_semaphore, #tpu.memory_space<semaphore_mem>>
      %dma_start3A_444 = arith.constant 0 : i32
      %dma_start3A_445 = tpu.memref_slice %arg10[%mul3A_8, %dma_start3A_444] : memref<4096x128xf32, #tpu.memory_space<vmem_shared>> -> memref<128x128xf32, #tpu.memory_space<vmem_shared>>
      %dma_start3A_446 = arith.constant 0 : i32
      %dma_start3A_447 = tpu.memref_slice %arg10[%mul3A_8, %dma_start3A_446] : memref<4096x128xf32, #tpu.memory_space<vmem_shared>> -> memref<128x128xf32, #tpu.memory_space<vmem_shared>>
      tpu.enqueue_dma source(%arg9 : memref<128x128xf32, #tpu.memory_space<vmem>>) target(%dma_start3A_447 : memref<128x128xf32, #tpu.memory_space<vmem_shared>>) target_semaphore(%run_scoped3A_443 : memref<!tpu.dma_semaphore, #tpu.memory_space<semaphore_mem>>)
      %dma_wait3A_448 = arith.constant 0 : i32
      %dma_wait3A_449 = tpu.memref_slice %arg10[%mul3A_8, %dma_wait3A_448] : memref<4096x128xf32, #tpu.memory_space<vmem_shared>> -> memref<128x128xf32, #tpu.memory_space<vmem_shared>>
      %dma_wait3A_450 = arith.constant 0 : i32
      %dma_wait3A_451 = tpu.memref_slice %arg10[%mul3A_8, %dma_wait3A_450] : memref<4096x128xf32, #tpu.memory_space<vmem_shared>> -> memref<128x128xf32, #tpu.memory_space<vmem_shared>>
      tpu.wait_dma2 semaphore(%run_scoped3A_443 : memref<!tpu.dma_semaphore, #tpu.memory_space<semaphore_mem>>) src(%arg9 : memref<128x128xf32, #tpu.memory_space<vmem>>) dst(%dma_wait3A_451 : memref<128x128xf32, #tpu.memory_space<vmem_shared>>)
      tpu.yield
    }) : () -> ()
    %mul3A_9 = arith.constant 256 : i32
    %mul3A_10 = arith.muli %arg1, %mul3A_9 : i32
    %add3A_11 = arith.constant 128 : i32
    %add3A_12 = arith.addi %mul3A_10, %add3A_11 : i32
    "tpu.region"() ({
      %run_scoped3A_443 = tpu.sem_alloc : memref<!tpu.dma_semaphore, #tpu.memory_space<semaphore_mem>>
      %dma_start3A_444 = arith.constant 0 : i32
      %dma_start3A_445 = tpu.memref_slice %arg10[%add3A_12, %dma_start3A_444] : memref<4096x128xf32, #tpu.memory_space<vmem_shared>> -> memref<128x128xf32, #tpu.memory_space<vmem_shared>>
      %dma_start3A_446 = arith.constant 0 : i32
      %dma_start3A_447 = tpu.memref_slice %arg10[%add3A_12, %dma_start3A_446] : memref<4096x128xf32, #tpu.memory_space<vmem_shared>> -> memref<128x128xf32, #tpu.memory_space<vmem_shared>>
      tpu.enqueue_dma source(%arg9 : memref<128x128xf32, #tpu.memory_space<vmem>>) target(%dma_start3A_447 : memref<128x128xf32, #tpu.memory_space<vmem_shared>>) target_semaphore(%run_scoped3A_443 : memref<!tpu.dma_semaphore, #tpu.memory_space<semaphore_mem>>)
      %dma_wait3A_448 = arith.constant 0 : i32
      %dma_wait3A_449 = tpu.memref_slice %arg10[%add3A_12, %dma_wait3A_448] : memref<4096x128xf32, #tpu.memory_space<vmem_shared>> -> memref<128x128xf32, #tpu.memory_space<vmem_shared>>
      %dma_wait3A_450 = arith.constant 0 : i32
      %dma_wait3A_451 = tpu.memref_slice %arg10[%add3A_12, %dma_wait3A_450] : memref<4096x128xf32, #tpu.memory_space<vmem_shared>> -> memref<128x128xf32, #tpu.memory_space<vmem_shared>>
      tpu.wait_dma2 semaphore(%run_scoped3A_443 : memref<!tpu.dma_semaphore, #tpu.memory_space<semaphore_mem>>) src(%arg9 : memref<128x128xf32, #tpu.memory_space<vmem>>) dst(%dma_wait3A_451 : memref<128x128xf32, #tpu.memory_space<vmem_shared>>)
      tpu.yield
    }) : () -> ()
    %mul3A_13 = arith.constant 16 : i32
    %mul3A_14 = arith.muli %add3A, %mul3A_13 : i32
    "tpu.region"() ({
      %run_scoped3A_443 = tpu.sem_alloc : memref<!tpu.dma_semaphore, #tpu.memory_space<semaphore_mem>>
      %dma_start3A_444 = arith.constant 0 : i32
      %dma_start3A_445 = tpu.memref_slice %arg2[%mul3A_14, %dma_start3A_444] : memref<512x128xi32, #tpu.memory_space<hbm>> -> memref<16x128xi32, #tpu.memory_space<hbm>>
      %dma_start3A_446 = arith.constant 0 : i32
      %dma_start3A_447 = tpu.memref_slice %arg2[%mul3A_14, %dma_start3A_446] : memref<512x128xi32, #tpu.memory_space<hbm>> -> memref<16x128xi32, #tpu.memory_space<hbm>>
      tpu.enqueue_dma source(%dma_start3A_447 : memref<16x128xi32, #tpu.memory_space<hbm>>) target(%arg6 : memref<16x128xi32, #tpu.memory_space<vmem>>) target_semaphore(%run_scoped3A_443 : memref<!tpu.dma_semaphore, #tpu.memory_space<semaphore_mem>>)
      %dma_wait3A_448 = arith.constant 0 : i32
      %dma_wait3A_449 = tpu.memref_slice %arg2[%mul3A_14, %dma_wait3A_448] : memref<512x128xi32, #tpu.memory_space<hbm>> -> memref<16x128xi32, #tpu.memory_space<hbm>>
      %dma_wait3A_450 = arith.constant 0 : i32
      %dma_wait3A_451 = tpu.memref_slice %arg2[%mul3A_14, %dma_wait3A_450] : memref<512x128xi32, #tpu.memory_space<hbm>> -> memref<16x128xi32, #tpu.memory_space<hbm>>
      tpu.wait_dma2 semaphore(%run_scoped3A_443 : memref<!tpu.dma_semaphore, #tpu.memory_space<semaphore_mem>>) src(%dma_wait3A_451 : memref<16x128xi32, #tpu.memory_space<hbm>>) dst(%arg6 : memref<16x128xi32, #tpu.memory_space<vmem>>)
      tpu.yield
    }) : () -> ()
    %mul3A_15 = arith.constant 16 : i32
    %mul3A_16 = arith.muli %add3A, %mul3A_15 : i32
    "tpu.region"() ({
      %run_scoped3A_443 = tpu.sem_alloc : memref<!tpu.dma_semaphore, #tpu.memory_space<semaphore_mem>>
      %dma_start3A_444 = arith.constant 0 : i32
      %dma_start3A_445 = tpu.memref_slice %arg3[%mul3A_16, %dma_start3A_444] : memref<512x128xi32, #tpu.memory_space<hbm>> -> memref<16x128xi32, #tpu.memory_space<hbm>>
      %dma_start3A_446 = arith.constant 0 : i32
      %dma_start3A_447 = tpu.memref_slice %arg3[%mul3A_16, %dma_start3A_446] : memref<512x128xi32, #tpu.memory_space<hbm>> -> memref<16x128xi32, #tpu.memory_space<hbm>>
      tpu.enqueue_dma source(%dma_start3A_447 : memref<16x128xi32, #tpu.memory_space<hbm>>) target(%arg7 : memref<16x128xi32, #tpu.memory_space<vmem>>) target_semaphore(%run_scoped3A_443 : memref<!tpu.dma_semaphore, #tpu.memory_space<semaphore_mem>>)
      %dma_wait3A_448 = arith.constant 0 : i32
      %dma_wait3A_449 = tpu.memref_slice %arg3[%mul3A_16, %dma_wait3A_448] : memref<512x128xi32, #tpu.memory_space<hbm>> -> memref<16x128xi32, #tpu.memory_space<hbm>>
      %dma_wait3A_450 = arith.constant 0 : i32
      %dma_wait3A_451 = tpu.memref_slice %arg3[%mul3A_16, %dma_wait3A_450] : memref<512x128xi32, #tpu.memory_space<hbm>> -> memref<16x128xi32, #tpu.memory_space<hbm>>
      tpu.wait_dma2 semaphore(%run_scoped3A_443 : memref<!tpu.dma_semaphore, #tpu.memory_space<semaphore_mem>>) src(%dma_wait3A_451 : memref<16x128xi32, #tpu.memory_space<hbm>>) dst(%arg7 : memref<16x128xi32, #tpu.memory_space<vmem>>)
      tpu.yield
    }) : () -> ()
    %barrier3A = arith.constant 0 : index
    tpu.barrier barrier_id(%barrier3A)
    %dma_start3A = arith.constant 0 : i32
    %dma_start3A_17 = arith.constant 0 : i32
    %dma_start3A_18 = arith.constant 0 : i32
    %dma_start3A_19 = arith.constant 0 : i32
    %dma_start3A_20 = tpu.memref_slice %arg8[%dma_start3A_17, %dma_start3A_18, %dma_start3A_19] : memref<2x128x128xf32, #tpu.memory_space<vmem>> -> memref<1x128x128xf32, #tpu.memory_space<vmem>>
    %dma_start3A_21 = tpu.memref_squeeze %dma_start3A_20 : memref<1x128x128xf32, #tpu.memory_space<vmem>> -> memref<128x128xf32, #tpu.memory_space<vmem>>
    %dma_start3A_22 = arith.constant 0 : i32
    %dma_start3A_23 = tpu.memref_slice %arg6[%dma_start3A, %dma_start3A_22] : memref<16x128xi32, #tpu.memory_space<vmem>> -> memref<1x128xi32, #tpu.memory_space<vmem>>
    %dma_start3A_24 = tpu.memref_squeeze %dma_start3A_23 : memref<1x128xi32, #tpu.memory_space<vmem>> -> memref<128xi32, #tpu.memory_space<vmem>>
    %dma_start3A_25 = arith.constant 0 : i32
    %dma_start3A_26 = arith.constant 0 : i32
    %dma_start3A_27 = tpu.memref_slice %arg4[%dma_start3A_25, %dma_start3A_26] : memref<4096x128xf32, #tpu.memory_space<hbm>> -> memref<4096x128xf32, #tpu.memory_space<hbm>>
    tpu.enqueue_indirect_dma source(%dma_start3A_27 : memref<4096x128xf32, #tpu.memory_space<hbm>>) target(%dma_start3A_21 : memref<128x128xf32, #tpu.memory_space<vmem>>) offsets(%dma_start3A_24 : memref<128xi32, #tpu.memory_space<vmem>>) semaphore(%arg11 : memref<!tpu.dma_semaphore, #tpu.memory_space<semaphore_mem>>)
    %dma_start3A_28 = arith.constant 1 : i32
    %dma_start3A_29 = arith.constant 1 : i32
    %dma_start3A_30 = arith.constant 0 : i32
    %dma_start3A_31 = arith.constant 0 : i32
    %dma_start3A_32 = tpu.memref_slice %arg8[%dma_start3A_29, %dma_start3A_30, %dma_start3A_31] : memref<2x128x128xf32, #tpu.memory_space<vmem>> -> memref<1x128x128xf32, #tpu.memory_space<vmem>>
    %dma_start3A_33 = tpu.memref_squeeze %dma_start3A_32 : memref<1x128x128xf32, #tpu.memory_space<vmem>> -> memref<128x128xf32, #tpu.memory_space<vmem>>
    %dma_start3A_34 = arith.constant 0 : i32
    %dma_start3A_35 = tpu.memref_slice %arg6[%dma_start3A_28, %dma_start3A_34] : memref<16x128xi32, #tpu.memory_space<vmem>> -> memref<1x128xi32, #tpu.memory_space<vmem>>
    %dma_start3A_36 = tpu.memref_squeeze %dma_start3A_35 : memref<1x128xi32, #tpu.memory_space<vmem>> -> memref<128xi32, #tpu.memory_space<vmem>>
    %dma_start3A_37 = arith.constant 0 : i32
    %dma_start3A_38 = arith.constant 0 : i32
    %dma_start3A_39 = tpu.memref_slice %arg4[%dma_start3A_37, %dma_start3A_38] : memref<4096x128xf32, #tpu.memory_space<hbm>> -> memref<4096x128xf32, #tpu.memory_space<hbm>>
    tpu.enqueue_indirect_dma source(%dma_start3A_39 : memref<4096x128xf32, #tpu.memory_space<hbm>>) target(%dma_start3A_33 : memref<128x128xf32, #tpu.memory_space<vmem>>) offsets(%dma_start3A_36 : memref<128xi32, #tpu.memory_space<vmem>>) semaphore(%arg12 : memref<!tpu.dma_semaphore, #tpu.memory_space<semaphore_mem>>)
    %dma_wait3A = arith.constant 0 : i32
    %dma_wait3A_40 = arith.constant 0 : i32
    %dma_wait3A_41 = arith.constant 0 : i32
    %dma_wait3A_42 = arith.constant 0 : i32
    %dma_wait3A_43 = tpu.memref_slice %arg8[%dma_wait3A_40, %dma_wait3A_41, %dma_wait3A_42] : memref<2x128x128xf32, #tpu.memory_space<vmem>> -> memref<1x128x128xf32, #tpu.memory_space<vmem>>
    %dma_wait3A_44 = tpu.memref_squeeze %dma_wait3A_43 : memref<1x128x128xf32, #tpu.memory_space<vmem>> -> memref<128x128xf32, #tpu.memory_space<vmem>>
    %dma_wait3A_45 = arith.constant 0 : i32
    %dma_wait3A_46 = tpu.memref_slice %arg6[%dma_wait3A, %dma_wait3A_45] : memref<16x128xi32, #tpu.memory_space<vmem>> -> memref<1x128xi32, #tpu.memory_space<vmem>>
    %dma_wait3A_47 = tpu.memref_squeeze %dma_wait3A_46 : memref<1x128xi32, #tpu.memory_space<vmem>> -> memref<128xi32, #tpu.memory_space<vmem>>
    %dma_wait3A_48 = arith.constant 0 : i32
    %dma_wait3A_49 = arith.constant 0 : i32
    %dma_wait3A_50 = tpu.memref_slice %arg4[%dma_wait3A_48, %dma_wait3A_49] : memref<4096x128xf32, #tpu.memory_space<hbm>> -> memref<4096x128xf32, #tpu.memory_space<hbm>>
    tpu.wait_indirect_dma semaphore(%arg11 : memref<!tpu.dma_semaphore, #tpu.memory_space<semaphore_mem>>) src(%dma_wait3A_50 : memref<4096x128xf32, #tpu.memory_space<hbm>>) dst(%dma_wait3A_44 : memref<128x128xf32, #tpu.memory_space<vmem>>)
    %run_scoped3A = arith.constant 0 : i32
    %run_scoped3A_51 = arith.constant 0 : i32
    "tpu.region"() ({
      %run_scoped3A_443 = tpu.sem_alloc : memref<!tpu.dma_semaphore, #tpu.memory_space<semaphore_mem>>
      %dma_start3A_444 = arith.constant 0 : i32
      %dma_start3A_445 = arith.constant 0 : i32
      %dma_start3A_446 = tpu.memref_slice %arg8[%run_scoped3A, %dma_start3A_444, %dma_start3A_445] : memref<2x128x128xf32, #tpu.memory_space<vmem>> -> memref<1x128x128xf32, #tpu.memory_space<vmem>>
      %dma_start3A_447 = tpu.memref_squeeze %dma_start3A_446 : memref<1x128x128xf32, #tpu.memory_space<vmem>> -> memref<128x128xf32, #tpu.memory_space<vmem>>
      %dma_start3A_448 = arith.constant 0 : i32
      %dma_start3A_449 = tpu.memref_slice %arg7[%run_scoped3A_51, %dma_start3A_448] : memref<16x128xi32, #tpu.memory_space<vmem>> -> memref<1x128xi32, #tpu.memory_space<vmem>>
      %dma_start3A_450 = tpu.memref_squeeze %dma_start3A_449 : memref<1x128xi32, #tpu.memory_space<vmem>> -> memref<128xi32, #tpu.memory_space<vmem>>
      %dma_start3A_451 = arith.constant 0 : i32
      %dma_start3A_452 = arith.constant 0 : i32
      %dma_start3A_453 = tpu.memref_slice %arg10[%dma_start3A_451, %dma_start3A_452] : memref<4096x128xf32, #tpu.memory_space<vmem_shared>> -> memref<4096x128xf32, #tpu.memory_space<vmem_shared>>
      tpu.enqueue_indirect_dma source(%dma_start3A_447 : memref<128x128xf32, #tpu.memory_space<vmem>>) target(%dma_start3A_453 : memref<4096x128xf32, #tpu.memory_space<vmem_shared>>) offsets(%dma_start3A_450 : memref<128xi32, #tpu.memory_space<vmem>>) semaphore(%run_scoped3A_443 : memref<!tpu.dma_semaphore, #tpu.memory_space<semaphore_mem>>) {add = true}
      %dma_wait3A_454 = arith.constant 0 : i32
      %dma_wait3A_455 = arith.constant 0 : i32
      %dma_wait3A_456 = tpu.memref_slice %arg8[%run_scoped3A, %dma_wait3A_454, %dma_wait3A_455] : memref<2x128x128xf32, #tpu.memory_space<vmem>> -> memref<1x128x128xf32, #tpu.memory_space<vmem>>
      %dma_wait3A_457 = tpu.memref_squeeze %dma_wait3A_456 : memref<1x128x128xf32, #tpu.memory_space<vmem>> -> memref<128x128xf32, #tpu.memory_space<vmem>>
      %dma_wait3A_458 = arith.constant 0 : i32
      %dma_wait3A_459 = tpu.memref_slice %arg7[%run_scoped3A_51, %dma_wait3A_458] : memref<16x128xi32, #tpu.memory_space<vmem>> -> memref<1x128xi32, #tpu.memory_space<vmem>>
      %dma_wait3A_460 = tpu.memref_squeeze %dma_wait3A_459 : memref<1x128xi32, #tpu.memory_space<vmem>> -> memref<128xi32, #tpu.memory_space<vmem>>
      %dma_wait3A_461 = arith.constant 0 : i32
      %dma_wait3A_462 = arith.constant 0 : i32
      %dma_wait3A_463 = tpu.memref_slice %arg10[%dma_wait3A_461, %dma_wait3A_462] : memref<4096x128xf32, #tpu.memory_space<vmem_shared>> -> memref<4096x128xf32, #tpu.memory_space<vmem_shared>>
      tpu.wait_indirect_dma semaphore(%run_scoped3A_443 : memref<!tpu.dma_semaphore, #tpu.memory_space<semaphore_mem>>) src(%dma_wait3A_457 : memref<128x128xf32, #tpu.memory_space<vmem>>) dst(%dma_wait3A_463 : memref<4096x128xf32, #tpu.memory_space<vmem_shared>>)
      tpu.yield
    }) : () -> ()
    %dma_start3A_52 = arith.constant 2 : i32
    %dma_start3A_53 = arith.constant 0 : i32
    %dma_start3A_54 = arith.constant 0 : i32
    %dma_start3A_55 = arith.constant 0 : i32
    %dma_start3A_56 = tpu.memref_slice %arg8[%dma_start3A_53, %dma_start3A_54, %dma_start3A_55] : memref<2x128x128xf32, #tpu.memory_space<vmem>> -> memref<1x128x128xf32, #tpu.memory_space<vmem>>
    %dma_start3A_57 = tpu.memref_squeeze %dma_start3A_56 : memref<1x128x128xf32, #tpu.memory_space<vmem>> -> memref<128x128xf32, #tpu.memory_space<vmem>>
    %dma_start3A_58 = arith.constant 0 : i32
    %dma_start3A_59 = tpu.memref_slice %arg6[%dma_start3A_52, %dma_start3A_58] : memref<16x128xi32, #tpu.memory_space<vmem>> -> memref<1x128xi32, #tpu.memory_space<vmem>>
    %dma_start3A_60 = tpu.memref_squeeze %dma_start3A_59 : memref<1x128xi32, #tpu.memory_space<vmem>> -> memref<128xi32, #tpu.memory_space<vmem>>
    %dma_start3A_61 = arith.constant 0 : i32
    %dma_start3A_62 = arith.constant 0 : i32
    %dma_start3A_63 = tpu.memref_slice %arg4[%dma_start3A_61, %dma_start3A_62] : memref<4096x128xf32, #tpu.memory_space<hbm>> -> memref<4096x128xf32, #tpu.memory_space<hbm>>
    tpu.enqueue_indirect_dma source(%dma_start3A_63 : memref<4096x128xf32, #tpu.memory_space<hbm>>) target(%dma_start3A_57 : memref<128x128xf32, #tpu.memory_space<vmem>>) offsets(%dma_start3A_60 : memref<128xi32, #tpu.memory_space<vmem>>) semaphore(%arg11 : memref<!tpu.dma_semaphore, #tpu.memory_space<semaphore_mem>>)
    %dma_wait3A_64 = arith.constant 1 : i32
    %dma_wait3A_65 = arith.constant 1 : i32
    %dma_wait3A_66 = arith.constant 0 : i32
    %dma_wait3A_67 = arith.constant 0 : i32
    %dma_wait3A_68 = tpu.memref_slice %arg8[%dma_wait3A_65, %dma_wait3A_66, %dma_wait3A_67] : memref<2x128x128xf32, #tpu.memory_space<vmem>> -> memref<1x128x128xf32, #tpu.memory_space<vmem>>
    %dma_wait3A_69 = tpu.memref_squeeze %dma_wait3A_68 : memref<1x128x128xf32, #tpu.memory_space<vmem>> -> memref<128x128xf32, #tpu.memory_space<vmem>>
    %dma_wait3A_70 = arith.constant 0 : i32
    %dma_wait3A_71 = tpu.memref_slice %arg6[%dma_wait3A_64, %dma_wait3A_70] : memref<16x128xi32, #tpu.memory_space<vmem>> -> memref<1x128xi32, #tpu.memory_space<vmem>>
    %dma_wait3A_72 = tpu.memref_squeeze %dma_wait3A_71 : memref<1x128xi32, #tpu.memory_space<vmem>> -> memref<128xi32, #tpu.memory_space<vmem>>
    %dma_wait3A_73 = arith.constant 0 : i32
    %dma_wait3A_74 = arith.constant 0 : i32
    %dma_wait3A_75 = tpu.memref_slice %arg4[%dma_wait3A_73, %dma_wait3A_74] : memref<4096x128xf32, #tpu.memory_space<hbm>> -> memref<4096x128xf32, #tpu.memory_space<hbm>>
    tpu.wait_indirect_dma semaphore(%arg12 : memref<!tpu.dma_semaphore, #tpu.memory_space<semaphore_mem>>) src(%dma_wait3A_75 : memref<4096x128xf32, #tpu.memory_space<hbm>>) dst(%dma_wait3A_69 : memref<128x128xf32, #tpu.memory_space<vmem>>)
    %run_scoped3A_76 = arith.constant 1 : i32
    %run_scoped3A_77 = arith.constant 1 : i32
    "tpu.region"() ({
      %run_scoped3A_443 = tpu.sem_alloc : memref<!tpu.dma_semaphore, #tpu.memory_space<semaphore_mem>>
      %dma_start3A_444 = arith.constant 0 : i32
      %dma_start3A_445 = arith.constant 0 : i32
      %dma_start3A_446 = tpu.memref_slice %arg8[%run_scoped3A_76, %dma_start3A_444, %dma_start3A_445] : memref<2x128x128xf32, #tpu.memory_space<vmem>> -> memref<1x128x128xf32, #tpu.memory_space<vmem>>
      %dma_start3A_447 = tpu.memref_squeeze %dma_start3A_446 : memref<1x128x128xf32, #tpu.memory_space<vmem>> -> memref<128x128xf32, #tpu.memory_space<vmem>>
      %dma_start3A_448 = arith.constant 0 : i32
      %dma_start3A_449 = tpu.memref_slice %arg7[%run_scoped3A_77, %dma_start3A_448] : memref<16x128xi32, #tpu.memory_space<vmem>> -> memref<1x128xi32, #tpu.memory_space<vmem>>
      %dma_start3A_450 = tpu.memref_squeeze %dma_start3A_449 : memref<1x128xi32, #tpu.memory_space<vmem>> -> memref<128xi32, #tpu.memory_space<vmem>>
      %dma_start3A_451 = arith.constant 0 : i32
      %dma_start3A_452 = arith.constant 0 : i32
      %dma_start3A_453 = tpu.memref_slice %arg10[%dma_start3A_451, %dma_start3A_452] : memref<4096x128xf32, #tpu.memory_space<vmem_shared>> -> memref<4096x128xf32, #tpu.memory_space<vmem_shared>>
      tpu.enqueue_indirect_dma source(%dma_start3A_447 : memref<128x128xf32, #tpu.memory_space<vmem>>) target(%dma_start3A_453 : memref<4096x128xf32, #tpu.memory_space<vmem_shared>>) offsets(%dma_start3A_450 : memref<128xi32, #tpu.memory_space<vmem>>) semaphore(%run_scoped3A_443 : memref<!tpu.dma_semaphore, #tpu.memory_space<semaphore_mem>>) {add = true}
      %dma_wait3A_454 = arith.constant 0 : i32
      %dma_wait3A_455 = arith.constant 0 : i32
      %dma_wait3A_456 = tpu.memref_slice %arg8[%run_scoped3A_76, %dma_wait3A_454, %dma_wait3A_455] : memref<2x128x128xf32, #tpu.memory_space<vmem>> -> memref<1x128x128xf32, #tpu.memory_space<vmem>>
      %dma_wait3A_457 = tpu.memref_squeeze %dma_wait3A_456 : memref<1x128x128xf32, #tpu.memory_space<vmem>> -> memref<128x128xf32, #tpu.memory_space<vmem>>
      %dma_wait3A_458 = arith.constant 0 : i32
      %dma_wait3A_459 = tpu.memref_slice %arg7[%run_scoped3A_77, %dma_wait3A_458] : memref<16x128xi32, #tpu.memory_space<vmem>> -> memref<1x128xi32, #tpu.memory_space<vmem>>
      %dma_wait3A_460 = tpu.memref_squeeze %dma_wait3A_459 : memref<1x128xi32, #tpu.memory_space<vmem>> -> memref<128xi32, #tpu.memory_space<vmem>>
      %dma_wait3A_461 = arith.constant 0 : i32
      %dma_wait3A_462 = arith.constant 0 : i32
      %dma_wait3A_463 = tpu.memref_slice %arg10[%dma_wait3A_461, %dma_wait3A_462] : memref<4096x128xf32, #tpu.memory_space<vmem_shared>> -> memref<4096x128xf32, #tpu.memory_space<vmem_shared>>
      tpu.wait_indirect_dma semaphore(%run_scoped3A_443 : memref<!tpu.dma_semaphore, #tpu.memory_space<semaphore_mem>>) src(%dma_wait3A_457 : memref<128x128xf32, #tpu.memory_space<vmem>>) dst(%dma_wait3A_463 : memref<4096x128xf32, #tpu.memory_space<vmem_shared>>)
      tpu.yield
    }) : () -> ()
    %dma_start3A_78 = arith.constant 3 : i32
    %dma_start3A_79 = arith.constant 1 : i32
    %dma_start3A_80 = arith.constant 0 : i32
    %dma_start3A_81 = arith.constant 0 : i32
    %dma_start3A_82 = tpu.memref_slice %arg8[%dma_start3A_79, %dma_start3A_80, %dma_start3A_81] : memref<2x128x128xf32, #tpu.memory_space<vmem>> -> memref<1x128x128xf32, #tpu.memory_space<vmem>>
    %dma_start3A_83 = tpu.memref_squeeze %dma_start3A_82 : memref<1x128x128xf32, #tpu.memory_space<vmem>> -> memref<128x128xf32, #tpu.memory_space<vmem>>
    %dma_start3A_84 = arith.constant 0 : i32
    %dma_start3A_85 = tpu.memref_slice %arg6[%dma_start3A_78, %dma_start3A_84] : memref<16x128xi32, #tpu.memory_space<vmem>> -> memref<1x128xi32, #tpu.memory_space<vmem>>
    %dma_start3A_86 = tpu.memref_squeeze %dma_start3A_85 : memref<1x128xi32, #tpu.memory_space<vmem>> -> memref<128xi32, #tpu.memory_space<vmem>>
    %dma_start3A_87 = arith.constant 0 : i32
    %dma_start3A_88 = arith.constant 0 : i32
    %dma_start3A_89 = tpu.memref_slice %arg4[%dma_start3A_87, %dma_start3A_88] : memref<4096x128xf32, #tpu.memory_space<hbm>> -> memref<4096x128xf32, #tpu.memory_space<hbm>>
    tpu.enqueue_indirect_dma source(%dma_start3A_89 : memref<4096x128xf32, #tpu.memory_space<hbm>>) target(%dma_start3A_83 : memref<128x128xf32, #tpu.memory_space<vmem>>) offsets(%dma_start3A_86 : memref<128xi32, #tpu.memory_space<vmem>>) semaphore(%arg12 : memref<!tpu.dma_semaphore, #tpu.memory_space<semaphore_mem>>)
    %dma_wait3A_90 = arith.constant 2 : i32
    %dma_wait3A_91 = arith.constant 0 : i32
    %dma_wait3A_92 = arith.constant 0 : i32
    %dma_wait3A_93 = arith.constant 0 : i32
    %dma_wait3A_94 = tpu.memref_slice %arg8[%dma_wait3A_91, %dma_wait3A_92, %dma_wait3A_93] : memref<2x128x128xf32, #tpu.memory_space<vmem>> -> memref<1x128x128xf32, #tpu.memory_space<vmem>>
    %dma_wait3A_95 = tpu.memref_squeeze %dma_wait3A_94 : memref<1x128x128xf32, #tpu.memory_space<vmem>> -> memref<128x128xf32, #tpu.memory_space<vmem>>
    %dma_wait3A_96 = arith.constant 0 : i32
    %dma_wait3A_97 = tpu.memref_slice %arg6[%dma_wait3A_90, %dma_wait3A_96] : memref<16x128xi32, #tpu.memory_space<vmem>> -> memref<1x128xi32, #tpu.memory_space<vmem>>
    %dma_wait3A_98 = tpu.memref_squeeze %dma_wait3A_97 : memref<1x128xi32, #tpu.memory_space<vmem>> -> memref<128xi32, #tpu.memory_space<vmem>>
    %dma_wait3A_99 = arith.constant 0 : i32
    %dma_wait3A_100 = arith.constant 0 : i32
    %dma_wait3A_101 = tpu.memref_slice %arg4[%dma_wait3A_99, %dma_wait3A_100] : memref<4096x128xf32, #tpu.memory_space<hbm>> -> memref<4096x128xf32, #tpu.memory_space<hbm>>
    tpu.wait_indirect_dma semaphore(%arg11 : memref<!tpu.dma_semaphore, #tpu.memory_space<semaphore_mem>>) src(%dma_wait3A_101 : memref<4096x128xf32, #tpu.memory_space<hbm>>) dst(%dma_wait3A_95 : memref<128x128xf32, #tpu.memory_space<vmem>>)
    %run_scoped3A_102 = arith.constant 0 : i32
    %run_scoped3A_103 = arith.constant 2 : i32
    "tpu.region"() ({
      %run_scoped3A_443 = tpu.sem_alloc : memref<!tpu.dma_semaphore, #tpu.memory_space<semaphore_mem>>
      %dma_start3A_444 = arith.constant 0 : i32
      %dma_start3A_445 = arith.constant 0 : i32
      %dma_start3A_446 = tpu.memref_slice %arg8[%run_scoped3A_102, %dma_start3A_444, %dma_start3A_445] : memref<2x128x128xf32, #tpu.memory_space<vmem>> -> memref<1x128x128xf32, #tpu.memory_space<vmem>>
      %dma_start3A_447 = tpu.memref_squeeze %dma_start3A_446 : memref<1x128x128xf32, #tpu.memory_space<vmem>> -> memref<128x128xf32, #tpu.memory_space<vmem>>
      %dma_start3A_448 = arith.constant 0 : i32
      %dma_start3A_449 = tpu.memref_slice %arg7[%run_scoped3A_103, %dma_start3A_448] : memref<16x128xi32, #tpu.memory_space<vmem>> -> memref<1x128xi32, #tpu.memory_space<vmem>>
      %dma_start3A_450 = tpu.memref_squeeze %dma_start3A_449 : memref<1x128xi32, #tpu.memory_space<vmem>> -> memref<128xi32, #tpu.memory_space<vmem>>
      %dma_start3A_451 = arith.constant 0 : i32
      %dma_start3A_452 = arith.constant 0 : i32
      %dma_start3A_453 = tpu.memref_slice %arg10[%dma_start3A_451, %dma_start3A_452] : memref<4096x128xf32, #tpu.memory_space<vmem_shared>> -> memref<4096x128xf32, #tpu.memory_space<vmem_shared>>
      tpu.enqueue_indirect_dma source(%dma_start3A_447 : memref<128x128xf32, #tpu.memory_space<vmem>>) target(%dma_start3A_453 : memref<4096x128xf32, #tpu.memory_space<vmem_shared>>) offsets(%dma_start3A_450 : memref<128xi32, #tpu.memory_space<vmem>>) semaphore(%run_scoped3A_443 : memref<!tpu.dma_semaphore, #tpu.memory_space<semaphore_mem>>) {add = true}
      %dma_wait3A_454 = arith.constant 0 : i32
      %dma_wait3A_455 = arith.constant 0 : i32
      %dma_wait3A_456 = tpu.memref_slice %arg8[%run_scoped3A_102, %dma_wait3A_454, %dma_wait3A_455] : memref<2x128x128xf32, #tpu.memory_space<vmem>> -> memref<1x128x128xf32, #tpu.memory_space<vmem>>
      %dma_wait3A_457 = tpu.memref_squeeze %dma_wait3A_456 : memref<1x128x128xf32, #tpu.memory_space<vmem>> -> memref<128x128xf32, #tpu.memory_space<vmem>>
      %dma_wait3A_458 = arith.constant 0 : i32
      %dma_wait3A_459 = tpu.memref_slice %arg7[%run_scoped3A_103, %dma_wait3A_458] : memref<16x128xi32, #tpu.memory_space<vmem>> -> memref<1x128xi32, #tpu.memory_space<vmem>>
      %dma_wait3A_460 = tpu.memref_squeeze %dma_wait3A_459 : memref<1x128xi32, #tpu.memory_space<vmem>> -> memref<128xi32, #tpu.memory_space<vmem>>
      %dma_wait3A_461 = arith.constant 0 : i32
      %dma_wait3A_462 = arith.constant 0 : i32
      %dma_wait3A_463 = tpu.memref_slice %arg10[%dma_wait3A_461, %dma_wait3A_462] : memref<4096x128xf32, #tpu.memory_space<vmem_shared>> -> memref<4096x128xf32, #tpu.memory_space<vmem_shared>>
      tpu.wait_indirect_dma semaphore(%run_scoped3A_443 : memref<!tpu.dma_semaphore, #tpu.memory_space<semaphore_mem>>) src(%dma_wait3A_457 : memref<128x128xf32, #tpu.memory_space<vmem>>) dst(%dma_wait3A_463 : memref<4096x128xf32, #tpu.memory_space<vmem_shared>>)
      tpu.yield
    }) : () -> ()
    %dma_start3A_104 = arith.constant 4 : i32
    %dma_start3A_105 = arith.constant 0 : i32
    %dma_start3A_106 = arith.constant 0 : i32
    %dma_start3A_107 = arith.constant 0 : i32
    %dma_start3A_108 = tpu.memref_slice %arg8[%dma_start3A_105, %dma_start3A_106, %dma_start3A_107] : memref<2x128x128xf32, #tpu.memory_space<vmem>> -> memref<1x128x128xf32, #tpu.memory_space<vmem>>
    %dma_start3A_109 = tpu.memref_squeeze %dma_start3A_108 : memref<1x128x128xf32, #tpu.memory_space<vmem>> -> memref<128x128xf32, #tpu.memory_space<vmem>>
    %dma_start3A_110 = arith.constant 0 : i32
    %dma_start3A_111 = tpu.memref_slice %arg6[%dma_start3A_104, %dma_start3A_110] : memref<16x128xi32, #tpu.memory_space<vmem>> -> memref<1x128xi32, #tpu.memory_space<vmem>>
    %dma_start3A_112 = tpu.memref_squeeze %dma_start3A_111 : memref<1x128xi32, #tpu.memory_space<vmem>> -> memref<128xi32, #tpu.memory_space<vmem>>
    %dma_start3A_113 = arith.constant 0 : i32
    %dma_start3A_114 = arith.constant 0 : i32
    %dma_start3A_115 = tpu.memref_slice %arg4[%dma_start3A_113, %dma_start3A_114] : memref<4096x128xf32, #tpu.memory_space<hbm>> -> memref<4096x128xf32, #tpu.memory_space<hbm>>
    tpu.enqueue_indirect_dma source(%dma_start3A_115 : memref<4096x128xf32, #tpu.memory_space<hbm>>) target(%dma_start3A_109 : memref<128x128xf32, #tpu.memory_space<vmem>>) offsets(%dma_start3A_112 : memref<128xi32, #tpu.memory_space<vmem>>) semaphore(%arg11 : memref<!tpu.dma_semaphore, #tpu.memory_space<semaphore_mem>>)
    %dma_wait3A_116 = arith.constant 3 : i32
    %dma_wait3A_117 = arith.constant 1 : i32
    %dma_wait3A_118 = arith.constant 0 : i32
    %dma_wait3A_119 = arith.constant 0 : i32
    %dma_wait3A_120 = tpu.memref_slice %arg8[%dma_wait3A_117, %dma_wait3A_118, %dma_wait3A_119] : memref<2x128x128xf32, #tpu.memory_space<vmem>> -> memref<1x128x128xf32, #tpu.memory_space<vmem>>
    %dma_wait3A_121 = tpu.memref_squeeze %dma_wait3A_120 : memref<1x128x128xf32, #tpu.memory_space<vmem>> -> memref<128x128xf32, #tpu.memory_space<vmem>>
    %dma_wait3A_122 = arith.constant 0 : i32
    %dma_wait3A_123 = tpu.memref_slice %arg6[%dma_wait3A_116, %dma_wait3A_122] : memref<16x128xi32, #tpu.memory_space<vmem>> -> memref<1x128xi32, #tpu.memory_space<vmem>>
    %dma_wait3A_124 = tpu.memref_squeeze %dma_wait3A_123 : memref<1x128xi32, #tpu.memory_space<vmem>> -> memref<128xi32, #tpu.memory_space<vmem>>
    %dma_wait3A_125 = arith.constant 0 : i32
    %dma_wait3A_126 = arith.constant 0 : i32
    %dma_wait3A_127 = tpu.memref_slice %arg4[%dma_wait3A_125, %dma_wait3A_126] : memref<4096x128xf32, #tpu.memory_space<hbm>> -> memref<4096x128xf32, #tpu.memory_space<hbm>>
    tpu.wait_indirect_dma semaphore(%arg12 : memref<!tpu.dma_semaphore, #tpu.memory_space<semaphore_mem>>) src(%dma_wait3A_127 : memref<4096x128xf32, #tpu.memory_space<hbm>>) dst(%dma_wait3A_121 : memref<128x128xf32, #tpu.memory_space<vmem>>)
    %run_scoped3A_128 = arith.constant 1 : i32
    %run_scoped3A_129 = arith.constant 3 : i32
    "tpu.region"() ({
      %run_scoped3A_443 = tpu.sem_alloc : memref<!tpu.dma_semaphore, #tpu.memory_space<semaphore_mem>>
      %dma_start3A_444 = arith.constant 0 : i32
      %dma_start3A_445 = arith.constant 0 : i32
      %dma_start3A_446 = tpu.memref_slice %arg8[%run_scoped3A_128, %dma_start3A_444, %dma_start3A_445] : memref<2x128x128xf32, #tpu.memory_space<vmem>> -> memref<1x128x128xf32, #tpu.memory_space<vmem>>
      %dma_start3A_447 = tpu.memref_squeeze %dma_start3A_446 : memref<1x128x128xf32, #tpu.memory_space<vmem>> -> memref<128x128xf32, #tpu.memory_space<vmem>>
      %dma_start3A_448 = arith.constant 0 : i32
      %dma_start3A_449 = tpu.memref_slice %arg7[%run_scoped3A_129, %dma_start3A_448] : memref<16x128xi32, #tpu.memory_space<vmem>> -> memref<1x128xi32, #tpu.memory_space<vmem>>
      %dma_start3A_450 = tpu.memref_squeeze %dma_start3A_449 : memref<1x128xi32, #tpu.memory_space<vmem>> -> memref<128xi32, #tpu.memory_space<vmem>>
      %dma_start3A_451 = arith.constant 0 : i32
      %dma_start3A_452 = arith.constant 0 : i32
      %dma_start3A_453 = tpu.memref_slice %arg10[%dma_start3A_451, %dma_start3A_452] : memref<4096x128xf32, #tpu.memory_space<vmem_shared>> -> memref<4096x128xf32, #tpu.memory_space<vmem_shared>>
      tpu.enqueue_indirect_dma source(%dma_start3A_447 : memref<128x128xf32, #tpu.memory_space<vmem>>) target(%dma_start3A_453 : memref<4096x128xf32, #tpu.memory_space<vmem_shared>>) offsets(%dma_start3A_450 : memref<128xi32, #tpu.memory_space<vmem>>) semaphore(%run_scoped3A_443 : memref<!tpu.dma_semaphore, #tpu.memory_space<semaphore_mem>>) {add = true}
      %dma_wait3A_454 = arith.constant 0 : i32
      %dma_wait3A_455 = arith.constant 0 : i32
      %dma_wait3A_456 = tpu.memref_slice %arg8[%run_scoped3A_128, %dma_wait3A_454, %dma_wait3A_455] : memref<2x128x128xf32, #tpu.memory_space<vmem>> -> memref<1x128x128xf32, #tpu.memory_space<vmem>>
      %dma_wait3A_457 = tpu.memref_squeeze %dma_wait3A_456 : memref<1x128x128xf32, #tpu.memory_space<vmem>> -> memref<128x128xf32, #tpu.memory_space<vmem>>
      %dma_wait3A_458 = arith.constant 0 : i32
      %dma_wait3A_459 = tpu.memref_slice %arg7[%run_scoped3A_129, %dma_wait3A_458] : memref<16x128xi32, #tpu.memory_space<vmem>> -> memref<1x128xi32, #tpu.memory_space<vmem>>
      %dma_wait3A_460 = tpu.memref_squeeze %dma_wait3A_459 : memref<1x128xi32, #tpu.memory_space<vmem>> -> memref<128xi32, #tpu.memory_space<vmem>>
      %dma_wait3A_461 = arith.constant 0 : i32
      %dma_wait3A_462 = arith.constant 0 : i32
      %dma_wait3A_463 = tpu.memref_slice %arg10[%dma_wait3A_461, %dma_wait3A_462] : memref<4096x128xf32, #tpu.memory_space<vmem_shared>> -> memref<4096x128xf32, #tpu.memory_space<vmem_shared>>
      tpu.wait_indirect_dma semaphore(%run_scoped3A_443 : memref<!tpu.dma_semaphore, #tpu.memory_space<semaphore_mem>>) src(%dma_wait3A_457 : memref<128x128xf32, #tpu.memory_space<vmem>>) dst(%dma_wait3A_463 : memref<4096x128xf32, #tpu.memory_space<vmem_shared>>)
      tpu.yield
    }) : () -> ()
    %dma_start3A_130 = arith.constant 5 : i32
    %dma_start3A_131 = arith.constant 1 : i32
    %dma_start3A_132 = arith.constant 0 : i32
    %dma_start3A_133 = arith.constant 0 : i32
    %dma_start3A_134 = tpu.memref_slice %arg8[%dma_start3A_131, %dma_start3A_132, %dma_start3A_133] : memref<2x128x128xf32, #tpu.memory_space<vmem>> -> memref<1x128x128xf32, #tpu.memory_space<vmem>>
    %dma_start3A_135 = tpu.memref_squeeze %dma_start3A_134 : memref<1x128x128xf32, #tpu.memory_space<vmem>> -> memref<128x128xf32, #tpu.memory_space<vmem>>
    %dma_start3A_136 = arith.constant 0 : i32
    %dma_start3A_137 = tpu.memref_slice %arg6[%dma_start3A_130, %dma_start3A_136] : memref<16x128xi32, #tpu.memory_space<vmem>> -> memref<1x128xi32, #tpu.memory_space<vmem>>
    %dma_start3A_138 = tpu.memref_squeeze %dma_start3A_137 : memref<1x128xi32, #tpu.memory_space<vmem>> -> memref<128xi32, #tpu.memory_space<vmem>>
    %dma_start3A_139 = arith.constant 0 : i32
    %dma_start3A_140 = arith.constant 0 : i32
    %dma_start3A_141 = tpu.memref_slice %arg4[%dma_start3A_139, %dma_start3A_140] : memref<4096x128xf32, #tpu.memory_space<hbm>> -> memref<4096x128xf32, #tpu.memory_space<hbm>>
    tpu.enqueue_indirect_dma source(%dma_start3A_141 : memref<4096x128xf32, #tpu.memory_space<hbm>>) target(%dma_start3A_135 : memref<128x128xf32, #tpu.memory_space<vmem>>) offsets(%dma_start3A_138 : memref<128xi32, #tpu.memory_space<vmem>>) semaphore(%arg12 : memref<!tpu.dma_semaphore, #tpu.memory_space<semaphore_mem>>)
    %dma_wait3A_142 = arith.constant 4 : i32
    %dma_wait3A_143 = arith.constant 0 : i32
    %dma_wait3A_144 = arith.constant 0 : i32
    %dma_wait3A_145 = arith.constant 0 : i32
    %dma_wait3A_146 = tpu.memref_slice %arg8[%dma_wait3A_143, %dma_wait3A_144, %dma_wait3A_145] : memref<2x128x128xf32, #tpu.memory_space<vmem>> -> memref<1x128x128xf32, #tpu.memory_space<vmem>>
    %dma_wait3A_147 = tpu.memref_squeeze %dma_wait3A_146 : memref<1x128x128xf32, #tpu.memory_space<vmem>> -> memref<128x128xf32, #tpu.memory_space<vmem>>
    %dma_wait3A_148 = arith.constant 0 : i32
    %dma_wait3A_149 = tpu.memref_slice %arg6[%dma_wait3A_142, %dma_wait3A_148] : memref<16x128xi32, #tpu.memory_space<vmem>> -> memref<1x128xi32, #tpu.memory_space<vmem>>
    %dma_wait3A_150 = tpu.memref_squeeze %dma_wait3A_149 : memref<1x128xi32, #tpu.memory_space<vmem>> -> memref<128xi32, #tpu.memory_space<vmem>>
    %dma_wait3A_151 = arith.constant 0 : i32
    %dma_wait3A_152 = arith.constant 0 : i32
    %dma_wait3A_153 = tpu.memref_slice %arg4[%dma_wait3A_151, %dma_wait3A_152] : memref<4096x128xf32, #tpu.memory_space<hbm>> -> memref<4096x128xf32, #tpu.memory_space<hbm>>
    tpu.wait_indirect_dma semaphore(%arg11 : memref<!tpu.dma_semaphore, #tpu.memory_space<semaphore_mem>>) src(%dma_wait3A_153 : memref<4096x128xf32, #tpu.memory_space<hbm>>) dst(%dma_wait3A_147 : memref<128x128xf32, #tpu.memory_space<vmem>>)
    %run_scoped3A_154 = arith.constant 0 : i32
    %run_scoped3A_155 = arith.constant 4 : i32
    "tpu.region"() ({
      %run_scoped3A_443 = tpu.sem_alloc : memref<!tpu.dma_semaphore, #tpu.memory_space<semaphore_mem>>
      %dma_start3A_444 = arith.constant 0 : i32
      %dma_start3A_445 = arith.constant 0 : i32
      %dma_start3A_446 = tpu.memref_slice %arg8[%run_scoped3A_154, %dma_start3A_444, %dma_start3A_445] : memref<2x128x128xf32, #tpu.memory_space<vmem>> -> memref<1x128x128xf32, #tpu.memory_space<vmem>>
      %dma_start3A_447 = tpu.memref_squeeze %dma_start3A_446 : memref<1x128x128xf32, #tpu.memory_space<vmem>> -> memref<128x128xf32, #tpu.memory_space<vmem>>
      %dma_start3A_448 = arith.constant 0 : i32
      %dma_start3A_449 = tpu.memref_slice %arg7[%run_scoped3A_155, %dma_start3A_448] : memref<16x128xi32, #tpu.memory_space<vmem>> -> memref<1x128xi32, #tpu.memory_space<vmem>>
      %dma_start3A_450 = tpu.memref_squeeze %dma_start3A_449 : memref<1x128xi32, #tpu.memory_space<vmem>> -> memref<128xi32, #tpu.memory_space<vmem>>
      %dma_start3A_451 = arith.constant 0 : i32
      %dma_start3A_452 = arith.constant 0 : i32
      %dma_start3A_453 = tpu.memref_slice %arg10[%dma_start3A_451, %dma_start3A_452] : memref<4096x128xf32, #tpu.memory_space<vmem_shared>> -> memref<4096x128xf32, #tpu.memory_space<vmem_shared>>
      tpu.enqueue_indirect_dma source(%dma_start3A_447 : memref<128x128xf32, #tpu.memory_space<vmem>>) target(%dma_start3A_453 : memref<4096x128xf32, #tpu.memory_space<vmem_shared>>) offsets(%dma_start3A_450 : memref<128xi32, #tpu.memory_space<vmem>>) semaphore(%run_scoped3A_443 : memref<!tpu.dma_semaphore, #tpu.memory_space<semaphore_mem>>) {add = true}
      %dma_wait3A_454 = arith.constant 0 : i32
      %dma_wait3A_455 = arith.constant 0 : i32
      %dma_wait3A_456 = tpu.memref_slice %arg8[%run_scoped3A_154, %dma_wait3A_454, %dma_wait3A_455] : memref<2x128x128xf32, #tpu.memory_space<vmem>> -> memref<1x128x128xf32, #tpu.memory_space<vmem>>
      %dma_wait3A_457 = tpu.memref_squeeze %dma_wait3A_456 : memref<1x128x128xf32, #tpu.memory_space<vmem>> -> memref<128x128xf32, #tpu.memory_space<vmem>>
      %dma_wait3A_458 = arith.constant 0 : i32
      %dma_wait3A_459 = tpu.memref_slice %arg7[%run_scoped3A_155, %dma_wait3A_458] : memref<16x128xi32, #tpu.memory_space<vmem>> -> memref<1x128xi32, #tpu.memory_space<vmem>>
      %dma_wait3A_460 = tpu.memref_squeeze %dma_wait3A_459 : memref<1x128xi32, #tpu.memory_space<vmem>> -> memref<128xi32, #tpu.memory_space<vmem>>
      %dma_wait3A_461 = arith.constant 0 : i32
      %dma_wait3A_462 = arith.constant 0 : i32
      %dma_wait3A_463 = tpu.memref_slice %arg10[%dma_wait3A_461, %dma_wait3A_462] : memref<4096x128xf32, #tpu.memory_space<vmem_shared>> -> memref<4096x128xf32, #tpu.memory_space<vmem_shared>>
      tpu.wait_indirect_dma semaphore(%run_scoped3A_443 : memref<!tpu.dma_semaphore, #tpu.memory_space<semaphore_mem>>) src(%dma_wait3A_457 : memref<128x128xf32, #tpu.memory_space<vmem>>) dst(%dma_wait3A_463 : memref<4096x128xf32, #tpu.memory_space<vmem_shared>>)
      tpu.yield
    }) : () -> ()
    %dma_start3A_156 = arith.constant 6 : i32
    %dma_start3A_157 = arith.constant 0 : i32
    %dma_start3A_158 = arith.constant 0 : i32
    %dma_start3A_159 = arith.constant 0 : i32
    %dma_start3A_160 = tpu.memref_slice %arg8[%dma_start3A_157, %dma_start3A_158, %dma_start3A_159] : memref<2x128x128xf32, #tpu.memory_space<vmem>> -> memref<1x128x128xf32, #tpu.memory_space<vmem>>
    %dma_start3A_161 = tpu.memref_squeeze %dma_start3A_160 : memref<1x128x128xf32, #tpu.memory_space<vmem>> -> memref<128x128xf32, #tpu.memory_space<vmem>>
    %dma_start3A_162 = arith.constant 0 : i32
    %dma_start3A_163 = tpu.memref_slice %arg6[%dma_start3A_156, %dma_start3A_162] : memref<16x128xi32, #tpu.memory_space<vmem>> -> memref<1x128xi32, #tpu.memory_space<vmem>>
    %dma_start3A_164 = tpu.memref_squeeze %dma_start3A_163 : memref<1x128xi32, #tpu.memory_space<vmem>> -> memref<128xi32, #tpu.memory_space<vmem>>
    %dma_start3A_165 = arith.constant 0 : i32
    %dma_start3A_166 = arith.constant 0 : i32
    %dma_start3A_167 = tpu.memref_slice %arg4[%dma_start3A_165, %dma_start3A_166] : memref<4096x128xf32, #tpu.memory_space<hbm>> -> memref<4096x128xf32, #tpu.memory_space<hbm>>
    tpu.enqueue_indirect_dma source(%dma_start3A_167 : memref<4096x128xf32, #tpu.memory_space<hbm>>) target(%dma_start3A_161 : memref<128x128xf32, #tpu.memory_space<vmem>>) offsets(%dma_start3A_164 : memref<128xi32, #tpu.memory_space<vmem>>) semaphore(%arg11 : memref<!tpu.dma_semaphore, #tpu.memory_space<semaphore_mem>>)
    %dma_wait3A_168 = arith.constant 5 : i32
    %dma_wait3A_169 = arith.constant 1 : i32
    %dma_wait3A_170 = arith.constant 0 : i32
    %dma_wait3A_171 = arith.constant 0 : i32
    %dma_wait3A_172 = tpu.memref_slice %arg8[%dma_wait3A_169, %dma_wait3A_170, %dma_wait3A_171] : memref<2x128x128xf32, #tpu.memory_space<vmem>> -> memref<1x128x128xf32, #tpu.memory_space<vmem>>
    %dma_wait3A_173 = tpu.memref_squeeze %dma_wait3A_172 : memref<1x128x128xf32, #tpu.memory_space<vmem>> -> memref<128x128xf32, #tpu.memory_space<vmem>>
    %dma_wait3A_174 = arith.constant 0 : i32
    %dma_wait3A_175 = tpu.memref_slice %arg6[%dma_wait3A_168, %dma_wait3A_174] : memref<16x128xi32, #tpu.memory_space<vmem>> -> memref<1x128xi32, #tpu.memory_space<vmem>>
    %dma_wait3A_176 = tpu.memref_squeeze %dma_wait3A_175 : memref<1x128xi32, #tpu.memory_space<vmem>> -> memref<128xi32, #tpu.memory_space<vmem>>
    %dma_wait3A_177 = arith.constant 0 : i32
    %dma_wait3A_178 = arith.constant 0 : i32
    %dma_wait3A_179 = tpu.memref_slice %arg4[%dma_wait3A_177, %dma_wait3A_178] : memref<4096x128xf32, #tpu.memory_space<hbm>> -> memref<4096x128xf32, #tpu.memory_space<hbm>>
    tpu.wait_indirect_dma semaphore(%arg12 : memref<!tpu.dma_semaphore, #tpu.memory_space<semaphore_mem>>) src(%dma_wait3A_179 : memref<4096x128xf32, #tpu.memory_space<hbm>>) dst(%dma_wait3A_173 : memref<128x128xf32, #tpu.memory_space<vmem>>)
    %run_scoped3A_180 = arith.constant 1 : i32
    %run_scoped3A_181 = arith.constant 5 : i32
    "tpu.region"() ({
      %run_scoped3A_443 = tpu.sem_alloc : memref<!tpu.dma_semaphore, #tpu.memory_space<semaphore_mem>>
      %dma_start3A_444 = arith.constant 0 : i32
      %dma_start3A_445 = arith.constant 0 : i32
      %dma_start3A_446 = tpu.memref_slice %arg8[%run_scoped3A_180, %dma_start3A_444, %dma_start3A_445] : memref<2x128x128xf32, #tpu.memory_space<vmem>> -> memref<1x128x128xf32, #tpu.memory_space<vmem>>
      %dma_start3A_447 = tpu.memref_squeeze %dma_start3A_446 : memref<1x128x128xf32, #tpu.memory_space<vmem>> -> memref<128x128xf32, #tpu.memory_space<vmem>>
      %dma_start3A_448 = arith.constant 0 : i32
      %dma_start3A_449 = tpu.memref_slice %arg7[%run_scoped3A_181, %dma_start3A_448] : memref<16x128xi32, #tpu.memory_space<vmem>> -> memref<1x128xi32, #tpu.memory_space<vmem>>
      %dma_start3A_450 = tpu.memref_squeeze %dma_start3A_449 : memref<1x128xi32, #tpu.memory_space<vmem>> -> memref<128xi32, #tpu.memory_space<vmem>>
      %dma_start3A_451 = arith.constant 0 : i32
      %dma_start3A_452 = arith.constant 0 : i32
      %dma_start3A_453 = tpu.memref_slice %arg10[%dma_start3A_451, %dma_start3A_452] : memref<4096x128xf32, #tpu.memory_space<vmem_shared>> -> memref<4096x128xf32, #tpu.memory_space<vmem_shared>>
      tpu.enqueue_indirect_dma source(%dma_start3A_447 : memref<128x128xf32, #tpu.memory_space<vmem>>) target(%dma_start3A_453 : memref<4096x128xf32, #tpu.memory_space<vmem_shared>>) offsets(%dma_start3A_450 : memref<128xi32, #tpu.memory_space<vmem>>) semaphore(%run_scoped3A_443 : memref<!tpu.dma_semaphore, #tpu.memory_space<semaphore_mem>>) {add = true}
      %dma_wait3A_454 = arith.constant 0 : i32
      %dma_wait3A_455 = arith.constant 0 : i32
      %dma_wait3A_456 = tpu.memref_slice %arg8[%run_scoped3A_180, %dma_wait3A_454, %dma_wait3A_455] : memref<2x128x128xf32, #tpu.memory_space<vmem>> -> memref<1x128x128xf32, #tpu.memory_space<vmem>>
      %dma_wait3A_457 = tpu.memref_squeeze %dma_wait3A_456 : memref<1x128x128xf32, #tpu.memory_space<vmem>> -> memref<128x128xf32, #tpu.memory_space<vmem>>
      %dma_wait3A_458 = arith.constant 0 : i32
      %dma_wait3A_459 = tpu.memref_slice %arg7[%run_scoped3A_181, %dma_wait3A_458] : memref<16x128xi32, #tpu.memory_space<vmem>> -> memref<1x128xi32, #tpu.memory_space<vmem>>
      %dma_wait3A_460 = tpu.memref_squeeze %dma_wait3A_459 : memref<1x128xi32, #tpu.memory_space<vmem>> -> memref<128xi32, #tpu.memory_space<vmem>>
      %dma_wait3A_461 = arith.constant 0 : i32
      %dma_wait3A_462 = arith.constant 0 : i32
      %dma_wait3A_463 = tpu.memref_slice %arg10[%dma_wait3A_461, %dma_wait3A_462] : memref<4096x128xf32, #tpu.memory_space<vmem_shared>> -> memref<4096x128xf32, #tpu.memory_space<vmem_shared>>
      tpu.wait_indirect_dma semaphore(%run_scoped3A_443 : memref<!tpu.dma_semaphore, #tpu.memory_space<semaphore_mem>>) src(%dma_wait3A_457 : memref<128x128xf32, #tpu.memory_space<vmem>>) dst(%dma_wait3A_463 : memref<4096x128xf32, #tpu.memory_space<vmem_shared>>)
      tpu.yield
    }) : () -> ()
    %dma_start3A_182 = arith.constant 7 : i32
    %dma_start3A_183 = arith.constant 1 : i32
    %dma_start3A_184 = arith.constant 0 : i32
    %dma_start3A_185 = arith.constant 0 : i32
    %dma_start3A_186 = tpu.memref_slice %arg8[%dma_start3A_183, %dma_start3A_184, %dma_start3A_185] : memref<2x128x128xf32, #tpu.memory_space<vmem>> -> memref<1x128x128xf32, #tpu.memory_space<vmem>>
    %dma_start3A_187 = tpu.memref_squeeze %dma_start3A_186 : memref<1x128x128xf32, #tpu.memory_space<vmem>> -> memref<128x128xf32, #tpu.memory_space<vmem>>
    %dma_start3A_188 = arith.constant 0 : i32
    %dma_start3A_189 = tpu.memref_slice %arg6[%dma_start3A_182, %dma_start3A_188] : memref<16x128xi32, #tpu.memory_space<vmem>> -> memref<1x128xi32, #tpu.memory_space<vmem>>
    %dma_start3A_190 = tpu.memref_squeeze %dma_start3A_189 : memref<1x128xi32, #tpu.memory_space<vmem>> -> memref<128xi32, #tpu.memory_space<vmem>>
    %dma_start3A_191 = arith.constant 0 : i32
    %dma_start3A_192 = arith.constant 0 : i32
    %dma_start3A_193 = tpu.memref_slice %arg4[%dma_start3A_191, %dma_start3A_192] : memref<4096x128xf32, #tpu.memory_space<hbm>> -> memref<4096x128xf32, #tpu.memory_space<hbm>>
    tpu.enqueue_indirect_dma source(%dma_start3A_193 : memref<4096x128xf32, #tpu.memory_space<hbm>>) target(%dma_start3A_187 : memref<128x128xf32, #tpu.memory_space<vmem>>) offsets(%dma_start3A_190 : memref<128xi32, #tpu.memory_space<vmem>>) semaphore(%arg12 : memref<!tpu.dma_semaphore, #tpu.memory_space<semaphore_mem>>)
    %dma_wait3A_194 = arith.constant 6 : i32
    %dma_wait3A_195 = arith.constant 0 : i32
    %dma_wait3A_196 = arith.constant 0 : i32
    %dma_wait3A_197 = arith.constant 0 : i32
    %dma_wait3A_198 = tpu.memref_slice %arg8[%dma_wait3A_195, %dma_wait3A_196, %dma_wait3A_197] : memref<2x128x128xf32, #tpu.memory_space<vmem>> -> memref<1x128x128xf32, #tpu.memory_space<vmem>>
    %dma_wait3A_199 = tpu.memref_squeeze %dma_wait3A_198 : memref<1x128x128xf32, #tpu.memory_space<vmem>> -> memref<128x128xf32, #tpu.memory_space<vmem>>
    %dma_wait3A_200 = arith.constant 0 : i32
    %dma_wait3A_201 = tpu.memref_slice %arg6[%dma_wait3A_194, %dma_wait3A_200] : memref<16x128xi32, #tpu.memory_space<vmem>> -> memref<1x128xi32, #tpu.memory_space<vmem>>
    %dma_wait3A_202 = tpu.memref_squeeze %dma_wait3A_201 : memref<1x128xi32, #tpu.memory_space<vmem>> -> memref<128xi32, #tpu.memory_space<vmem>>
    %dma_wait3A_203 = arith.constant 0 : i32
    %dma_wait3A_204 = arith.constant 0 : i32
    %dma_wait3A_205 = tpu.memref_slice %arg4[%dma_wait3A_203, %dma_wait3A_204] : memref<4096x128xf32, #tpu.memory_space<hbm>> -> memref<4096x128xf32, #tpu.memory_space<hbm>>
    tpu.wait_indirect_dma semaphore(%arg11 : memref<!tpu.dma_semaphore, #tpu.memory_space<semaphore_mem>>) src(%dma_wait3A_205 : memref<4096x128xf32, #tpu.memory_space<hbm>>) dst(%dma_wait3A_199 : memref<128x128xf32, #tpu.memory_space<vmem>>)
    %run_scoped3A_206 = arith.constant 0 : i32
    %run_scoped3A_207 = arith.constant 6 : i32
    "tpu.region"() ({
      %run_scoped3A_443 = tpu.sem_alloc : memref<!tpu.dma_semaphore, #tpu.memory_space<semaphore_mem>>
      %dma_start3A_444 = arith.constant 0 : i32
      %dma_start3A_445 = arith.constant 0 : i32
      %dma_start3A_446 = tpu.memref_slice %arg8[%run_scoped3A_206, %dma_start3A_444, %dma_start3A_445] : memref<2x128x128xf32, #tpu.memory_space<vmem>> -> memref<1x128x128xf32, #tpu.memory_space<vmem>>
      %dma_start3A_447 = tpu.memref_squeeze %dma_start3A_446 : memref<1x128x128xf32, #tpu.memory_space<vmem>> -> memref<128x128xf32, #tpu.memory_space<vmem>>
      %dma_start3A_448 = arith.constant 0 : i32
      %dma_start3A_449 = tpu.memref_slice %arg7[%run_scoped3A_207, %dma_start3A_448] : memref<16x128xi32, #tpu.memory_space<vmem>> -> memref<1x128xi32, #tpu.memory_space<vmem>>
      %dma_start3A_450 = tpu.memref_squeeze %dma_start3A_449 : memref<1x128xi32, #tpu.memory_space<vmem>> -> memref<128xi32, #tpu.memory_space<vmem>>
      %dma_start3A_451 = arith.constant 0 : i32
      %dma_start3A_452 = arith.constant 0 : i32
      %dma_start3A_453 = tpu.memref_slice %arg10[%dma_start3A_451, %dma_start3A_452] : memref<4096x128xf32, #tpu.memory_space<vmem_shared>> -> memref<4096x128xf32, #tpu.memory_space<vmem_shared>>
      tpu.enqueue_indirect_dma source(%dma_start3A_447 : memref<128x128xf32, #tpu.memory_space<vmem>>) target(%dma_start3A_453 : memref<4096x128xf32, #tpu.memory_space<vmem_shared>>) offsets(%dma_start3A_450 : memref<128xi32, #tpu.memory_space<vmem>>) semaphore(%run_scoped3A_443 : memref<!tpu.dma_semaphore, #tpu.memory_space<semaphore_mem>>) {add = true}
      %dma_wait3A_454 = arith.constant 0 : i32
      %dma_wait3A_455 = arith.constant 0 : i32
      %dma_wait3A_456 = tpu.memref_slice %arg8[%run_scoped3A_206, %dma_wait3A_454, %dma_wait3A_455] : memref<2x128x128xf32, #tpu.memory_space<vmem>> -> memref<1x128x128xf32, #tpu.memory_space<vmem>>
      %dma_wait3A_457 = tpu.memref_squeeze %dma_wait3A_456 : memref<1x128x128xf32, #tpu.memory_space<vmem>> -> memref<128x128xf32, #tpu.memory_space<vmem>>
      %dma_wait3A_458 = arith.constant 0 : i32
      %dma_wait3A_459 = tpu.memref_slice %arg7[%run_scoped3A_207, %dma_wait3A_458] : memref<16x128xi32, #tpu.memory_space<vmem>> -> memref<1x128xi32, #tpu.memory_space<vmem>>
      %dma_wait3A_460 = tpu.memref_squeeze %dma_wait3A_459 : memref<1x128xi32, #tpu.memory_space<vmem>> -> memref<128xi32, #tpu.memory_space<vmem>>
      %dma_wait3A_461 = arith.constant 0 : i32
      %dma_wait3A_462 = arith.constant 0 : i32
      %dma_wait3A_463 = tpu.memref_slice %arg10[%dma_wait3A_461, %dma_wait3A_462] : memref<4096x128xf32, #tpu.memory_space<vmem_shared>> -> memref<4096x128xf32, #tpu.memory_space<vmem_shared>>
      tpu.wait_indirect_dma semaphore(%run_scoped3A_443 : memref<!tpu.dma_semaphore, #tpu.memory_space<semaphore_mem>>) src(%dma_wait3A_457 : memref<128x128xf32, #tpu.memory_space<vmem>>) dst(%dma_wait3A_463 : memref<4096x128xf32, #tpu.memory_space<vmem_shared>>)
      tpu.yield
    }) : () -> ()
    %dma_start3A_208 = arith.constant 8 : i32
    %dma_start3A_209 = arith.constant 0 : i32
    %dma_start3A_210 = arith.constant 0 : i32
    %dma_start3A_211 = arith.constant 0 : i32
    %dma_start3A_212 = tpu.memref_slice %arg8[%dma_start3A_209, %dma_start3A_210, %dma_start3A_211] : memref<2x128x128xf32, #tpu.memory_space<vmem>> -> memref<1x128x128xf32, #tpu.memory_space<vmem>>
    %dma_start3A_213 = tpu.memref_squeeze %dma_start3A_212 : memref<1x128x128xf32, #tpu.memory_space<vmem>> -> memref<128x128xf32, #tpu.memory_space<vmem>>
    %dma_start3A_214 = arith.constant 0 : i32
    %dma_start3A_215 = tpu.memref_slice %arg6[%dma_start3A_208, %dma_start3A_214] : memref<16x128xi32, #tpu.memory_space<vmem>> -> memref<1x128xi32, #tpu.memory_space<vmem>>
    %dma_start3A_216 = tpu.memref_squeeze %dma_start3A_215 : memref<1x128xi32, #tpu.memory_space<vmem>> -> memref<128xi32, #tpu.memory_space<vmem>>
    %dma_start3A_217 = arith.constant 0 : i32
    %dma_start3A_218 = arith.constant 0 : i32
    %dma_start3A_219 = tpu.memref_slice %arg4[%dma_start3A_217, %dma_start3A_218] : memref<4096x128xf32, #tpu.memory_space<hbm>> -> memref<4096x128xf32, #tpu.memory_space<hbm>>
    tpu.enqueue_indirect_dma source(%dma_start3A_219 : memref<4096x128xf32, #tpu.memory_space<hbm>>) target(%dma_start3A_213 : memref<128x128xf32, #tpu.memory_space<vmem>>) offsets(%dma_start3A_216 : memref<128xi32, #tpu.memory_space<vmem>>) semaphore(%arg11 : memref<!tpu.dma_semaphore, #tpu.memory_space<semaphore_mem>>)
    %dma_wait3A_220 = arith.constant 7 : i32
    %dma_wait3A_221 = arith.constant 1 : i32
    %dma_wait3A_222 = arith.constant 0 : i32
    %dma_wait3A_223 = arith.constant 0 : i32
    %dma_wait3A_224 = tpu.memref_slice %arg8[%dma_wait3A_221, %dma_wait3A_222, %dma_wait3A_223] : memref<2x128x128xf32, #tpu.memory_space<vmem>> -> memref<1x128x128xf32, #tpu.memory_space<vmem>>
    %dma_wait3A_225 = tpu.memref_squeeze %dma_wait3A_224 : memref<1x128x128xf32, #tpu.memory_space<vmem>> -> memref<128x128xf32, #tpu.memory_space<vmem>>
    %dma_wait3A_226 = arith.constant 0 : i32
    %dma_wait3A_227 = tpu.memref_slice %arg6[%dma_wait3A_220, %dma_wait3A_226] : memref<16x128xi32, #tpu.memory_space<vmem>> -> memref<1x128xi32, #tpu.memory_space<vmem>>
    %dma_wait3A_228 = tpu.memref_squeeze %dma_wait3A_227 : memref<1x128xi32, #tpu.memory_space<vmem>> -> memref<128xi32, #tpu.memory_space<vmem>>
    %dma_wait3A_229 = arith.constant 0 : i32
    %dma_wait3A_230 = arith.constant 0 : i32
    %dma_wait3A_231 = tpu.memref_slice %arg4[%dma_wait3A_229, %dma_wait3A_230] : memref<4096x128xf32, #tpu.memory_space<hbm>> -> memref<4096x128xf32, #tpu.memory_space<hbm>>
    tpu.wait_indirect_dma semaphore(%arg12 : memref<!tpu.dma_semaphore, #tpu.memory_space<semaphore_mem>>) src(%dma_wait3A_231 : memref<4096x128xf32, #tpu.memory_space<hbm>>) dst(%dma_wait3A_225 : memref<128x128xf32, #tpu.memory_space<vmem>>)
    %run_scoped3A_232 = arith.constant 1 : i32
    %run_scoped3A_233 = arith.constant 7 : i32
    "tpu.region"() ({
      %run_scoped3A_443 = tpu.sem_alloc : memref<!tpu.dma_semaphore, #tpu.memory_space<semaphore_mem>>
      %dma_start3A_444 = arith.constant 0 : i32
      %dma_start3A_445 = arith.constant 0 : i32
      %dma_start3A_446 = tpu.memref_slice %arg8[%run_scoped3A_232, %dma_start3A_444, %dma_start3A_445] : memref<2x128x128xf32, #tpu.memory_space<vmem>> -> memref<1x128x128xf32, #tpu.memory_space<vmem>>
      %dma_start3A_447 = tpu.memref_squeeze %dma_start3A_446 : memref<1x128x128xf32, #tpu.memory_space<vmem>> -> memref<128x128xf32, #tpu.memory_space<vmem>>
      %dma_start3A_448 = arith.constant 0 : i32
      %dma_start3A_449 = tpu.memref_slice %arg7[%run_scoped3A_233, %dma_start3A_448] : memref<16x128xi32, #tpu.memory_space<vmem>> -> memref<1x128xi32, #tpu.memory_space<vmem>>
      %dma_start3A_450 = tpu.memref_squeeze %dma_start3A_449 : memref<1x128xi32, #tpu.memory_space<vmem>> -> memref<128xi32, #tpu.memory_space<vmem>>
      %dma_start3A_451 = arith.constant 0 : i32
      %dma_start3A_452 = arith.constant 0 : i32
      %dma_start3A_453 = tpu.memref_slice %arg10[%dma_start3A_451, %dma_start3A_452] : memref<4096x128xf32, #tpu.memory_space<vmem_shared>> -> memref<4096x128xf32, #tpu.memory_space<vmem_shared>>
      tpu.enqueue_indirect_dma source(%dma_start3A_447 : memref<128x128xf32, #tpu.memory_space<vmem>>) target(%dma_start3A_453 : memref<4096x128xf32, #tpu.memory_space<vmem_shared>>) offsets(%dma_start3A_450 : memref<128xi32, #tpu.memory_space<vmem>>) semaphore(%run_scoped3A_443 : memref<!tpu.dma_semaphore, #tpu.memory_space<semaphore_mem>>) {add = true}
      %dma_wait3A_454 = arith.constant 0 : i32
      %dma_wait3A_455 = arith.constant 0 : i32
      %dma_wait3A_456 = tpu.memref_slice %arg8[%run_scoped3A_232, %dma_wait3A_454, %dma_wait3A_455] : memref<2x128x128xf32, #tpu.memory_space<vmem>> -> memref<1x128x128xf32, #tpu.memory_space<vmem>>
      %dma_wait3A_457 = tpu.memref_squeeze %dma_wait3A_456 : memref<1x128x128xf32, #tpu.memory_space<vmem>> -> memref<128x128xf32, #tpu.memory_space<vmem>>
      %dma_wait3A_458 = arith.constant 0 : i32
      %dma_wait3A_459 = tpu.memref_slice %arg7[%run_scoped3A_233, %dma_wait3A_458] : memref<16x128xi32, #tpu.memory_space<vmem>> -> memref<1x128xi32, #tpu.memory_space<vmem>>
      %dma_wait3A_460 = tpu.memref_squeeze %dma_wait3A_459 : memref<1x128xi32, #tpu.memory_space<vmem>> -> memref<128xi32, #tpu.memory_space<vmem>>
      %dma_wait3A_461 = arith.constant 0 : i32
      %dma_wait3A_462 = arith.constant 0 : i32
      %dma_wait3A_463 = tpu.memref_slice %arg10[%dma_wait3A_461, %dma_wait3A_462] : memref<4096x128xf32, #tpu.memory_space<vmem_shared>> -> memref<4096x128xf32, #tpu.memory_space<vmem_shared>>
      tpu.wait_indirect_dma semaphore(%run_scoped3A_443 : memref<!tpu.dma_semaphore, #tpu.memory_space<semaphore_mem>>) src(%dma_wait3A_457 : memref<128x128xf32, #tpu.memory_space<vmem>>) dst(%dma_wait3A_463 : memref<4096x128xf32, #tpu.memory_space<vmem_shared>>)
      tpu.yield
    }) : () -> ()
    %dma_start3A_234 = arith.constant 9 : i32
    %dma_start3A_235 = arith.constant 1 : i32
    %dma_start3A_236 = arith.constant 0 : i32
    %dma_start3A_237 = arith.constant 0 : i32
    %dma_start3A_238 = tpu.memref_slice %arg8[%dma_start3A_235, %dma_start3A_236, %dma_start3A_237] : memref<2x128x128xf32, #tpu.memory_space<vmem>> -> memref<1x128x128xf32, #tpu.memory_space<vmem>>
    %dma_start3A_239 = tpu.memref_squeeze %dma_start3A_238 : memref<1x128x128xf32, #tpu.memory_space<vmem>> -> memref<128x128xf32, #tpu.memory_space<vmem>>
    %dma_start3A_240 = arith.constant 0 : i32
    %dma_start3A_241 = tpu.memref_slice %arg6[%dma_start3A_234, %dma_start3A_240] : memref<16x128xi32, #tpu.memory_space<vmem>> -> memref<1x128xi32, #tpu.memory_space<vmem>>
    %dma_start3A_242 = tpu.memref_squeeze %dma_start3A_241 : memref<1x128xi32, #tpu.memory_space<vmem>> -> memref<128xi32, #tpu.memory_space<vmem>>
    %dma_start3A_243 = arith.constant 0 : i32
    %dma_start3A_244 = arith.constant 0 : i32
    %dma_start3A_245 = tpu.memref_slice %arg4[%dma_start3A_243, %dma_start3A_244] : memref<4096x128xf32, #tpu.memory_space<hbm>> -> memref<4096x128xf32, #tpu.memory_space<hbm>>
    tpu.enqueue_indirect_dma source(%dma_start3A_245 : memref<4096x128xf32, #tpu.memory_space<hbm>>) target(%dma_start3A_239 : memref<128x128xf32, #tpu.memory_space<vmem>>) offsets(%dma_start3A_242 : memref<128xi32, #tpu.memory_space<vmem>>) semaphore(%arg12 : memref<!tpu.dma_semaphore, #tpu.memory_space<semaphore_mem>>)
    %dma_wait3A_246 = arith.constant 8 : i32
    %dma_wait3A_247 = arith.constant 0 : i32
    %dma_wait3A_248 = arith.constant 0 : i32
    %dma_wait3A_249 = arith.constant 0 : i32
    %dma_wait3A_250 = tpu.memref_slice %arg8[%dma_wait3A_247, %dma_wait3A_248, %dma_wait3A_249] : memref<2x128x128xf32, #tpu.memory_space<vmem>> -> memref<1x128x128xf32, #tpu.memory_space<vmem>>
    %dma_wait3A_251 = tpu.memref_squeeze %dma_wait3A_250 : memref<1x128x128xf32, #tpu.memory_space<vmem>> -> memref<128x128xf32, #tpu.memory_space<vmem>>
    %dma_wait3A_252 = arith.constant 0 : i32
    %dma_wait3A_253 = tpu.memref_slice %arg6[%dma_wait3A_246, %dma_wait3A_252] : memref<16x128xi32, #tpu.memory_space<vmem>> -> memref<1x128xi32, #tpu.memory_space<vmem>>
    %dma_wait3A_254 = tpu.memref_squeeze %dma_wait3A_253 : memref<1x128xi32, #tpu.memory_space<vmem>> -> memref<128xi32, #tpu.memory_space<vmem>>
    %dma_wait3A_255 = arith.constant 0 : i32
    %dma_wait3A_256 = arith.constant 0 : i32
    %dma_wait3A_257 = tpu.memref_slice %arg4[%dma_wait3A_255, %dma_wait3A_256] : memref<4096x128xf32, #tpu.memory_space<hbm>> -> memref<4096x128xf32, #tpu.memory_space<hbm>>
    tpu.wait_indirect_dma semaphore(%arg11 : memref<!tpu.dma_semaphore, #tpu.memory_space<semaphore_mem>>) src(%dma_wait3A_257 : memref<4096x128xf32, #tpu.memory_space<hbm>>) dst(%dma_wait3A_251 : memref<128x128xf32, #tpu.memory_space<vmem>>)
    %run_scoped3A_258 = arith.constant 0 : i32
    %run_scoped3A_259 = arith.constant 8 : i32
    "tpu.region"() ({
      %run_scoped3A_443 = tpu.sem_alloc : memref<!tpu.dma_semaphore, #tpu.memory_space<semaphore_mem>>
      %dma_start3A_444 = arith.constant 0 : i32
      %dma_start3A_445 = arith.constant 0 : i32
      %dma_start3A_446 = tpu.memref_slice %arg8[%run_scoped3A_258, %dma_start3A_444, %dma_start3A_445] : memref<2x128x128xf32, #tpu.memory_space<vmem>> -> memref<1x128x128xf32, #tpu.memory_space<vmem>>
      %dma_start3A_447 = tpu.memref_squeeze %dma_start3A_446 : memref<1x128x128xf32, #tpu.memory_space<vmem>> -> memref<128x128xf32, #tpu.memory_space<vmem>>
      %dma_start3A_448 = arith.constant 0 : i32
      %dma_start3A_449 = tpu.memref_slice %arg7[%run_scoped3A_259, %dma_start3A_448] : memref<16x128xi32, #tpu.memory_space<vmem>> -> memref<1x128xi32, #tpu.memory_space<vmem>>
      %dma_start3A_450 = tpu.memref_squeeze %dma_start3A_449 : memref<1x128xi32, #tpu.memory_space<vmem>> -> memref<128xi32, #tpu.memory_space<vmem>>
      %dma_start3A_451 = arith.constant 0 : i32
      %dma_start3A_452 = arith.constant 0 : i32
      %dma_start3A_453 = tpu.memref_slice %arg10[%dma_start3A_451, %dma_start3A_452] : memref<4096x128xf32, #tpu.memory_space<vmem_shared>> -> memref<4096x128xf32, #tpu.memory_space<vmem_shared>>
      tpu.enqueue_indirect_dma source(%dma_start3A_447 : memref<128x128xf32, #tpu.memory_space<vmem>>) target(%dma_start3A_453 : memref<4096x128xf32, #tpu.memory_space<vmem_shared>>) offsets(%dma_start3A_450 : memref<128xi32, #tpu.memory_space<vmem>>) semaphore(%run_scoped3A_443 : memref<!tpu.dma_semaphore, #tpu.memory_space<semaphore_mem>>) {add = true}
      %dma_wait3A_454 = arith.constant 0 : i32
      %dma_wait3A_455 = arith.constant 0 : i32
      %dma_wait3A_456 = tpu.memref_slice %arg8[%run_scoped3A_258, %dma_wait3A_454, %dma_wait3A_455] : memref<2x128x128xf32, #tpu.memory_space<vmem>> -> memref<1x128x128xf32, #tpu.memory_space<vmem>>
      %dma_wait3A_457 = tpu.memref_squeeze %dma_wait3A_456 : memref<1x128x128xf32, #tpu.memory_space<vmem>> -> memref<128x128xf32, #tpu.memory_space<vmem>>
      %dma_wait3A_458 = arith.constant 0 : i32
      %dma_wait3A_459 = tpu.memref_slice %arg7[%run_scoped3A_259, %dma_wait3A_458] : memref<16x128xi32, #tpu.memory_space<vmem>> -> memref<1x128xi32, #tpu.memory_space<vmem>>
      %dma_wait3A_460 = tpu.memref_squeeze %dma_wait3A_459 : memref<1x128xi32, #tpu.memory_space<vmem>> -> memref<128xi32, #tpu.memory_space<vmem>>
      %dma_wait3A_461 = arith.constant 0 : i32
      %dma_wait3A_462 = arith.constant 0 : i32
      %dma_wait3A_463 = tpu.memref_slice %arg10[%dma_wait3A_461, %dma_wait3A_462] : memref<4096x128xf32, #tpu.memory_space<vmem_shared>> -> memref<4096x128xf32, #tpu.memory_space<vmem_shared>>
      tpu.wait_indirect_dma semaphore(%run_scoped3A_443 : memref<!tpu.dma_semaphore, #tpu.memory_space<semaphore_mem>>) src(%dma_wait3A_457 : memref<128x128xf32, #tpu.memory_space<vmem>>) dst(%dma_wait3A_463 : memref<4096x128xf32, #tpu.memory_space<vmem_shared>>)
      tpu.yield
    }) : () -> ()
    %dma_start3A_260 = arith.constant 10 : i32
    %dma_start3A_261 = arith.constant 0 : i32
    %dma_start3A_262 = arith.constant 0 : i32
    %dma_start3A_263 = arith.constant 0 : i32
    %dma_start3A_264 = tpu.memref_slice %arg8[%dma_start3A_261, %dma_start3A_262, %dma_start3A_263] : memref<2x128x128xf32, #tpu.memory_space<vmem>> -> memref<1x128x128xf32, #tpu.memory_space<vmem>>
    %dma_start3A_265 = tpu.memref_squeeze %dma_start3A_264 : memref<1x128x128xf32, #tpu.memory_space<vmem>> -> memref<128x128xf32, #tpu.memory_space<vmem>>
    %dma_start3A_266 = arith.constant 0 : i32
    %dma_start3A_267 = tpu.memref_slice %arg6[%dma_start3A_260, %dma_start3A_266] : memref<16x128xi32, #tpu.memory_space<vmem>> -> memref<1x128xi32, #tpu.memory_space<vmem>>
    %dma_start3A_268 = tpu.memref_squeeze %dma_start3A_267 : memref<1x128xi32, #tpu.memory_space<vmem>> -> memref<128xi32, #tpu.memory_space<vmem>>
    %dma_start3A_269 = arith.constant 0 : i32
    %dma_start3A_270 = arith.constant 0 : i32
    %dma_start3A_271 = tpu.memref_slice %arg4[%dma_start3A_269, %dma_start3A_270] : memref<4096x128xf32, #tpu.memory_space<hbm>> -> memref<4096x128xf32, #tpu.memory_space<hbm>>
    tpu.enqueue_indirect_dma source(%dma_start3A_271 : memref<4096x128xf32, #tpu.memory_space<hbm>>) target(%dma_start3A_265 : memref<128x128xf32, #tpu.memory_space<vmem>>) offsets(%dma_start3A_268 : memref<128xi32, #tpu.memory_space<vmem>>) semaphore(%arg11 : memref<!tpu.dma_semaphore, #tpu.memory_space<semaphore_mem>>)
    %dma_wait3A_272 = arith.constant 9 : i32
    %dma_wait3A_273 = arith.constant 1 : i32
    %dma_wait3A_274 = arith.constant 0 : i32
    %dma_wait3A_275 = arith.constant 0 : i32
    %dma_wait3A_276 = tpu.memref_slice %arg8[%dma_wait3A_273, %dma_wait3A_274, %dma_wait3A_275] : memref<2x128x128xf32, #tpu.memory_space<vmem>> -> memref<1x128x128xf32, #tpu.memory_space<vmem>>
    %dma_wait3A_277 = tpu.memref_squeeze %dma_wait3A_276 : memref<1x128x128xf32, #tpu.memory_space<vmem>> -> memref<128x128xf32, #tpu.memory_space<vmem>>
    %dma_wait3A_278 = arith.constant 0 : i32
    %dma_wait3A_279 = tpu.memref_slice %arg6[%dma_wait3A_272, %dma_wait3A_278] : memref<16x128xi32, #tpu.memory_space<vmem>> -> memref<1x128xi32, #tpu.memory_space<vmem>>
    %dma_wait3A_280 = tpu.memref_squeeze %dma_wait3A_279 : memref<1x128xi32, #tpu.memory_space<vmem>> -> memref<128xi32, #tpu.memory_space<vmem>>
    %dma_wait3A_281 = arith.constant 0 : i32
    %dma_wait3A_282 = arith.constant 0 : i32
    %dma_wait3A_283 = tpu.memref_slice %arg4[%dma_wait3A_281, %dma_wait3A_282] : memref<4096x128xf32, #tpu.memory_space<hbm>> -> memref<4096x128xf32, #tpu.memory_space<hbm>>
    tpu.wait_indirect_dma semaphore(%arg12 : memref<!tpu.dma_semaphore, #tpu.memory_space<semaphore_mem>>) src(%dma_wait3A_283 : memref<4096x128xf32, #tpu.memory_space<hbm>>) dst(%dma_wait3A_277 : memref<128x128xf32, #tpu.memory_space<vmem>>)
    %run_scoped3A_284 = arith.constant 1 : i32
    %run_scoped3A_285 = arith.constant 9 : i32
    "tpu.region"() ({
      %run_scoped3A_443 = tpu.sem_alloc : memref<!tpu.dma_semaphore, #tpu.memory_space<semaphore_mem>>
      %dma_start3A_444 = arith.constant 0 : i32
      %dma_start3A_445 = arith.constant 0 : i32
      %dma_start3A_446 = tpu.memref_slice %arg8[%run_scoped3A_284, %dma_start3A_444, %dma_start3A_445] : memref<2x128x128xf32, #tpu.memory_space<vmem>> -> memref<1x128x128xf32, #tpu.memory_space<vmem>>
      %dma_start3A_447 = tpu.memref_squeeze %dma_start3A_446 : memref<1x128x128xf32, #tpu.memory_space<vmem>> -> memref<128x128xf32, #tpu.memory_space<vmem>>
      %dma_start3A_448 = arith.constant 0 : i32
      %dma_start3A_449 = tpu.memref_slice %arg7[%run_scoped3A_285, %dma_start3A_448] : memref<16x128xi32, #tpu.memory_space<vmem>> -> memref<1x128xi32, #tpu.memory_space<vmem>>
      %dma_start3A_450 = tpu.memref_squeeze %dma_start3A_449 : memref<1x128xi32, #tpu.memory_space<vmem>> -> memref<128xi32, #tpu.memory_space<vmem>>
      %dma_start3A_451 = arith.constant 0 : i32
      %dma_start3A_452 = arith.constant 0 : i32
      %dma_start3A_453 = tpu.memref_slice %arg10[%dma_start3A_451, %dma_start3A_452] : memref<4096x128xf32, #tpu.memory_space<vmem_shared>> -> memref<4096x128xf32, #tpu.memory_space<vmem_shared>>
      tpu.enqueue_indirect_dma source(%dma_start3A_447 : memref<128x128xf32, #tpu.memory_space<vmem>>) target(%dma_start3A_453 : memref<4096x128xf32, #tpu.memory_space<vmem_shared>>) offsets(%dma_start3A_450 : memref<128xi32, #tpu.memory_space<vmem>>) semaphore(%run_scoped3A_443 : memref<!tpu.dma_semaphore, #tpu.memory_space<semaphore_mem>>) {add = true}
      %dma_wait3A_454 = arith.constant 0 : i32
      %dma_wait3A_455 = arith.constant 0 : i32
      %dma_wait3A_456 = tpu.memref_slice %arg8[%run_scoped3A_284, %dma_wait3A_454, %dma_wait3A_455] : memref<2x128x128xf32, #tpu.memory_space<vmem>> -> memref<1x128x128xf32, #tpu.memory_space<vmem>>
      %dma_wait3A_457 = tpu.memref_squeeze %dma_wait3A_456 : memref<1x128x128xf32, #tpu.memory_space<vmem>> -> memref<128x128xf32, #tpu.memory_space<vmem>>
      %dma_wait3A_458 = arith.constant 0 : i32
      %dma_wait3A_459 = tpu.memref_slice %arg7[%run_scoped3A_285, %dma_wait3A_458] : memref<16x128xi32, #tpu.memory_space<vmem>> -> memref<1x128xi32, #tpu.memory_space<vmem>>
      %dma_wait3A_460 = tpu.memref_squeeze %dma_wait3A_459 : memref<1x128xi32, #tpu.memory_space<vmem>> -> memref<128xi32, #tpu.memory_space<vmem>>
      %dma_wait3A_461 = arith.constant 0 : i32
      %dma_wait3A_462 = arith.constant 0 : i32
      %dma_wait3A_463 = tpu.memref_slice %arg10[%dma_wait3A_461, %dma_wait3A_462] : memref<4096x128xf32, #tpu.memory_space<vmem_shared>> -> memref<4096x128xf32, #tpu.memory_space<vmem_shared>>
      tpu.wait_indirect_dma semaphore(%run_scoped3A_443 : memref<!tpu.dma_semaphore, #tpu.memory_space<semaphore_mem>>) src(%dma_wait3A_457 : memref<128x128xf32, #tpu.memory_space<vmem>>) dst(%dma_wait3A_463 : memref<4096x128xf32, #tpu.memory_space<vmem_shared>>)
      tpu.yield
    }) : () -> ()
    %dma_start3A_286 = arith.constant 11 : i32
    %dma_start3A_287 = arith.constant 1 : i32
    %dma_start3A_288 = arith.constant 0 : i32
    %dma_start3A_289 = arith.constant 0 : i32
    %dma_start3A_290 = tpu.memref_slice %arg8[%dma_start3A_287, %dma_start3A_288, %dma_start3A_289] : memref<2x128x128xf32, #tpu.memory_space<vmem>> -> memref<1x128x128xf32, #tpu.memory_space<vmem>>
    %dma_start3A_291 = tpu.memref_squeeze %dma_start3A_290 : memref<1x128x128xf32, #tpu.memory_space<vmem>> -> memref<128x128xf32, #tpu.memory_space<vmem>>
    %dma_start3A_292 = arith.constant 0 : i32
    %dma_start3A_293 = tpu.memref_slice %arg6[%dma_start3A_286, %dma_start3A_292] : memref<16x128xi32, #tpu.memory_space<vmem>> -> memref<1x128xi32, #tpu.memory_space<vmem>>
    %dma_start3A_294 = tpu.memref_squeeze %dma_start3A_293 : memref<1x128xi32, #tpu.memory_space<vmem>> -> memref<128xi32, #tpu.memory_space<vmem>>
    %dma_start3A_295 = arith.constant 0 : i32
    %dma_start3A_296 = arith.constant 0 : i32
    %dma_start3A_297 = tpu.memref_slice %arg4[%dma_start3A_295, %dma_start3A_296] : memref<4096x128xf32, #tpu.memory_space<hbm>> -> memref<4096x128xf32, #tpu.memory_space<hbm>>
    tpu.enqueue_indirect_dma source(%dma_start3A_297 : memref<4096x128xf32, #tpu.memory_space<hbm>>) target(%dma_start3A_291 : memref<128x128xf32, #tpu.memory_space<vmem>>) offsets(%dma_start3A_294 : memref<128xi32, #tpu.memory_space<vmem>>) semaphore(%arg12 : memref<!tpu.dma_semaphore, #tpu.memory_space<semaphore_mem>>)
    %dma_wait3A_298 = arith.constant 10 : i32
    %dma_wait3A_299 = arith.constant 0 : i32
    %dma_wait3A_300 = arith.constant 0 : i32
    %dma_wait3A_301 = arith.constant 0 : i32
    %dma_wait3A_302 = tpu.memref_slice %arg8[%dma_wait3A_299, %dma_wait3A_300, %dma_wait3A_301] : memref<2x128x128xf32, #tpu.memory_space<vmem>> -> memref<1x128x128xf32, #tpu.memory_space<vmem>>
    %dma_wait3A_303 = tpu.memref_squeeze %dma_wait3A_302 : memref<1x128x128xf32, #tpu.memory_space<vmem>> -> memref<128x128xf32, #tpu.memory_space<vmem>>
    %dma_wait3A_304 = arith.constant 0 : i32
    %dma_wait3A_305 = tpu.memref_slice %arg6[%dma_wait3A_298, %dma_wait3A_304] : memref<16x128xi32, #tpu.memory_space<vmem>> -> memref<1x128xi32, #tpu.memory_space<vmem>>
    %dma_wait3A_306 = tpu.memref_squeeze %dma_wait3A_305 : memref<1x128xi32, #tpu.memory_space<vmem>> -> memref<128xi32, #tpu.memory_space<vmem>>
    %dma_wait3A_307 = arith.constant 0 : i32
    %dma_wait3A_308 = arith.constant 0 : i32
    %dma_wait3A_309 = tpu.memref_slice %arg4[%dma_wait3A_307, %dma_wait3A_308] : memref<4096x128xf32, #tpu.memory_space<hbm>> -> memref<4096x128xf32, #tpu.memory_space<hbm>>
    tpu.wait_indirect_dma semaphore(%arg11 : memref<!tpu.dma_semaphore, #tpu.memory_space<semaphore_mem>>) src(%dma_wait3A_309 : memref<4096x128xf32, #tpu.memory_space<hbm>>) dst(%dma_wait3A_303 : memref<128x128xf32, #tpu.memory_space<vmem>>)
    %run_scoped3A_310 = arith.constant 0 : i32
    %run_scoped3A_311 = arith.constant 10 : i32
    "tpu.region"() ({
      %run_scoped3A_443 = tpu.sem_alloc : memref<!tpu.dma_semaphore, #tpu.memory_space<semaphore_mem>>
      %dma_start3A_444 = arith.constant 0 : i32
      %dma_start3A_445 = arith.constant 0 : i32
      %dma_start3A_446 = tpu.memref_slice %arg8[%run_scoped3A_310, %dma_start3A_444, %dma_start3A_445] : memref<2x128x128xf32, #tpu.memory_space<vmem>> -> memref<1x128x128xf32, #tpu.memory_space<vmem>>
      %dma_start3A_447 = tpu.memref_squeeze %dma_start3A_446 : memref<1x128x128xf32, #tpu.memory_space<vmem>> -> memref<128x128xf32, #tpu.memory_space<vmem>>
      %dma_start3A_448 = arith.constant 0 : i32
      %dma_start3A_449 = tpu.memref_slice %arg7[%run_scoped3A_311, %dma_start3A_448] : memref<16x128xi32, #tpu.memory_space<vmem>> -> memref<1x128xi32, #tpu.memory_space<vmem>>
      %dma_start3A_450 = tpu.memref_squeeze %dma_start3A_449 : memref<1x128xi32, #tpu.memory_space<vmem>> -> memref<128xi32, #tpu.memory_space<vmem>>
      %dma_start3A_451 = arith.constant 0 : i32
      %dma_start3A_452 = arith.constant 0 : i32
      %dma_start3A_453 = tpu.memref_slice %arg10[%dma_start3A_451, %dma_start3A_452] : memref<4096x128xf32, #tpu.memory_space<vmem_shared>> -> memref<4096x128xf32, #tpu.memory_space<vmem_shared>>
      tpu.enqueue_indirect_dma source(%dma_start3A_447 : memref<128x128xf32, #tpu.memory_space<vmem>>) target(%dma_start3A_453 : memref<4096x128xf32, #tpu.memory_space<vmem_shared>>) offsets(%dma_start3A_450 : memref<128xi32, #tpu.memory_space<vmem>>) semaphore(%run_scoped3A_443 : memref<!tpu.dma_semaphore, #tpu.memory_space<semaphore_mem>>) {add = true}
      %dma_wait3A_454 = arith.constant 0 : i32
      %dma_wait3A_455 = arith.constant 0 : i32
      %dma_wait3A_456 = tpu.memref_slice %arg8[%run_scoped3A_310, %dma_wait3A_454, %dma_wait3A_455] : memref<2x128x128xf32, #tpu.memory_space<vmem>> -> memref<1x128x128xf32, #tpu.memory_space<vmem>>
      %dma_wait3A_457 = tpu.memref_squeeze %dma_wait3A_456 : memref<1x128x128xf32, #tpu.memory_space<vmem>> -> memref<128x128xf32, #tpu.memory_space<vmem>>
      %dma_wait3A_458 = arith.constant 0 : i32
      %dma_wait3A_459 = tpu.memref_slice %arg7[%run_scoped3A_311, %dma_wait3A_458] : memref<16x128xi32, #tpu.memory_space<vmem>> -> memref<1x128xi32, #tpu.memory_space<vmem>>
      %dma_wait3A_460 = tpu.memref_squeeze %dma_wait3A_459 : memref<1x128xi32, #tpu.memory_space<vmem>> -> memref<128xi32, #tpu.memory_space<vmem>>
      %dma_wait3A_461 = arith.constant 0 : i32
      %dma_wait3A_462 = arith.constant 0 : i32
      %dma_wait3A_463 = tpu.memref_slice %arg10[%dma_wait3A_461, %dma_wait3A_462] : memref<4096x128xf32, #tpu.memory_space<vmem_shared>> -> memref<4096x128xf32, #tpu.memory_space<vmem_shared>>
      tpu.wait_indirect_dma semaphore(%run_scoped3A_443 : memref<!tpu.dma_semaphore, #tpu.memory_space<semaphore_mem>>) src(%dma_wait3A_457 : memref<128x128xf32, #tpu.memory_space<vmem>>) dst(%dma_wait3A_463 : memref<4096x128xf32, #tpu.memory_space<vmem_shared>>)
      tpu.yield
    }) : () -> ()
    %dma_start3A_312 = arith.constant 12 : i32
    %dma_start3A_313 = arith.constant 0 : i32
    %dma_start3A_314 = arith.constant 0 : i32
    %dma_start3A_315 = arith.constant 0 : i32
    %dma_start3A_316 = tpu.memref_slice %arg8[%dma_start3A_313, %dma_start3A_314, %dma_start3A_315] : memref<2x128x128xf32, #tpu.memory_space<vmem>> -> memref<1x128x128xf32, #tpu.memory_space<vmem>>
    %dma_start3A_317 = tpu.memref_squeeze %dma_start3A_316 : memref<1x128x128xf32, #tpu.memory_space<vmem>> -> memref<128x128xf32, #tpu.memory_space<vmem>>
    %dma_start3A_318 = arith.constant 0 : i32
    %dma_start3A_319 = tpu.memref_slice %arg6[%dma_start3A_312, %dma_start3A_318] : memref<16x128xi32, #tpu.memory_space<vmem>> -> memref<1x128xi32, #tpu.memory_space<vmem>>
    %dma_start3A_320 = tpu.memref_squeeze %dma_start3A_319 : memref<1x128xi32, #tpu.memory_space<vmem>> -> memref<128xi32, #tpu.memory_space<vmem>>
    %dma_start3A_321 = arith.constant 0 : i32
    %dma_start3A_322 = arith.constant 0 : i32
    %dma_start3A_323 = tpu.memref_slice %arg4[%dma_start3A_321, %dma_start3A_322] : memref<4096x128xf32, #tpu.memory_space<hbm>> -> memref<4096x128xf32, #tpu.memory_space<hbm>>
    tpu.enqueue_indirect_dma source(%dma_start3A_323 : memref<4096x128xf32, #tpu.memory_space<hbm>>) target(%dma_start3A_317 : memref<128x128xf32, #tpu.memory_space<vmem>>) offsets(%dma_start3A_320 : memref<128xi32, #tpu.memory_space<vmem>>) semaphore(%arg11 : memref<!tpu.dma_semaphore, #tpu.memory_space<semaphore_mem>>)
    %dma_wait3A_324 = arith.constant 11 : i32
    %dma_wait3A_325 = arith.constant 1 : i32
    %dma_wait3A_326 = arith.constant 0 : i32
    %dma_wait3A_327 = arith.constant 0 : i32
    %dma_wait3A_328 = tpu.memref_slice %arg8[%dma_wait3A_325, %dma_wait3A_326, %dma_wait3A_327] : memref<2x128x128xf32, #tpu.memory_space<vmem>> -> memref<1x128x128xf32, #tpu.memory_space<vmem>>
    %dma_wait3A_329 = tpu.memref_squeeze %dma_wait3A_328 : memref<1x128x128xf32, #tpu.memory_space<vmem>> -> memref<128x128xf32, #tpu.memory_space<vmem>>
    %dma_wait3A_330 = arith.constant 0 : i32
    %dma_wait3A_331 = tpu.memref_slice %arg6[%dma_wait3A_324, %dma_wait3A_330] : memref<16x128xi32, #tpu.memory_space<vmem>> -> memref<1x128xi32, #tpu.memory_space<vmem>>
    %dma_wait3A_332 = tpu.memref_squeeze %dma_wait3A_331 : memref<1x128xi32, #tpu.memory_space<vmem>> -> memref<128xi32, #tpu.memory_space<vmem>>
    %dma_wait3A_333 = arith.constant 0 : i32
    %dma_wait3A_334 = arith.constant 0 : i32
    %dma_wait3A_335 = tpu.memref_slice %arg4[%dma_wait3A_333, %dma_wait3A_334] : memref<4096x128xf32, #tpu.memory_space<hbm>> -> memref<4096x128xf32, #tpu.memory_space<hbm>>
    tpu.wait_indirect_dma semaphore(%arg12 : memref<!tpu.dma_semaphore, #tpu.memory_space<semaphore_mem>>) src(%dma_wait3A_335 : memref<4096x128xf32, #tpu.memory_space<hbm>>) dst(%dma_wait3A_329 : memref<128x128xf32, #tpu.memory_space<vmem>>)
    %run_scoped3A_336 = arith.constant 1 : i32
    %run_scoped3A_337 = arith.constant 11 : i32
    "tpu.region"() ({
      %run_scoped3A_443 = tpu.sem_alloc : memref<!tpu.dma_semaphore, #tpu.memory_space<semaphore_mem>>
      %dma_start3A_444 = arith.constant 0 : i32
      %dma_start3A_445 = arith.constant 0 : i32
      %dma_start3A_446 = tpu.memref_slice %arg8[%run_scoped3A_336, %dma_start3A_444, %dma_start3A_445] : memref<2x128x128xf32, #tpu.memory_space<vmem>> -> memref<1x128x128xf32, #tpu.memory_space<vmem>>
      %dma_start3A_447 = tpu.memref_squeeze %dma_start3A_446 : memref<1x128x128xf32, #tpu.memory_space<vmem>> -> memref<128x128xf32, #tpu.memory_space<vmem>>
      %dma_start3A_448 = arith.constant 0 : i32
      %dma_start3A_449 = tpu.memref_slice %arg7[%run_scoped3A_337, %dma_start3A_448] : memref<16x128xi32, #tpu.memory_space<vmem>> -> memref<1x128xi32, #tpu.memory_space<vmem>>
      %dma_start3A_450 = tpu.memref_squeeze %dma_start3A_449 : memref<1x128xi32, #tpu.memory_space<vmem>> -> memref<128xi32, #tpu.memory_space<vmem>>
      %dma_start3A_451 = arith.constant 0 : i32
      %dma_start3A_452 = arith.constant 0 : i32
      %dma_start3A_453 = tpu.memref_slice %arg10[%dma_start3A_451, %dma_start3A_452] : memref<4096x128xf32, #tpu.memory_space<vmem_shared>> -> memref<4096x128xf32, #tpu.memory_space<vmem_shared>>
      tpu.enqueue_indirect_dma source(%dma_start3A_447 : memref<128x128xf32, #tpu.memory_space<vmem>>) target(%dma_start3A_453 : memref<4096x128xf32, #tpu.memory_space<vmem_shared>>) offsets(%dma_start3A_450 : memref<128xi32, #tpu.memory_space<vmem>>) semaphore(%run_scoped3A_443 : memref<!tpu.dma_semaphore, #tpu.memory_space<semaphore_mem>>) {add = true}
      %dma_wait3A_454 = arith.constant 0 : i32
      %dma_wait3A_455 = arith.constant 0 : i32
      %dma_wait3A_456 = tpu.memref_slice %arg8[%run_scoped3A_336, %dma_wait3A_454, %dma_wait3A_455] : memref<2x128x128xf32, #tpu.memory_space<vmem>> -> memref<1x128x128xf32, #tpu.memory_space<vmem>>
      %dma_wait3A_457 = tpu.memref_squeeze %dma_wait3A_456 : memref<1x128x128xf32, #tpu.memory_space<vmem>> -> memref<128x128xf32, #tpu.memory_space<vmem>>
      %dma_wait3A_458 = arith.constant 0 : i32
      %dma_wait3A_459 = tpu.memref_slice %arg7[%run_scoped3A_337, %dma_wait3A_458] : memref<16x128xi32, #tpu.memory_space<vmem>> -> memref<1x128xi32, #tpu.memory_space<vmem>>
      %dma_wait3A_460 = tpu.memref_squeeze %dma_wait3A_459 : memref<1x128xi32, #tpu.memory_space<vmem>> -> memref<128xi32, #tpu.memory_space<vmem>>
      %dma_wait3A_461 = arith.constant 0 : i32
      %dma_wait3A_462 = arith.constant 0 : i32
      %dma_wait3A_463 = tpu.memref_slice %arg10[%dma_wait3A_461, %dma_wait3A_462] : memref<4096x128xf32, #tpu.memory_space<vmem_shared>> -> memref<4096x128xf32, #tpu.memory_space<vmem_shared>>
      tpu.wait_indirect_dma semaphore(%run_scoped3A_443 : memref<!tpu.dma_semaphore, #tpu.memory_space<semaphore_mem>>) src(%dma_wait3A_457 : memref<128x128xf32, #tpu.memory_space<vmem>>) dst(%dma_wait3A_463 : memref<4096x128xf32, #tpu.memory_space<vmem_shared>>)
      tpu.yield
    }) : () -> ()
    %dma_start3A_338 = arith.constant 13 : i32
    %dma_start3A_339 = arith.constant 1 : i32
    %dma_start3A_340 = arith.constant 0 : i32
    %dma_start3A_341 = arith.constant 0 : i32
    %dma_start3A_342 = tpu.memref_slice %arg8[%dma_start3A_339, %dma_start3A_340, %dma_start3A_341] : memref<2x128x128xf32, #tpu.memory_space<vmem>> -> memref<1x128x128xf32, #tpu.memory_space<vmem>>
    %dma_start3A_343 = tpu.memref_squeeze %dma_start3A_342 : memref<1x128x128xf32, #tpu.memory_space<vmem>> -> memref<128x128xf32, #tpu.memory_space<vmem>>
    %dma_start3A_344 = arith.constant 0 : i32
    %dma_start3A_345 = tpu.memref_slice %arg6[%dma_start3A_338, %dma_start3A_344] : memref<16x128xi32, #tpu.memory_space<vmem>> -> memref<1x128xi32, #tpu.memory_space<vmem>>
    %dma_start3A_346 = tpu.memref_squeeze %dma_start3A_345 : memref<1x128xi32, #tpu.memory_space<vmem>> -> memref<128xi32, #tpu.memory_space<vmem>>
    %dma_start3A_347 = arith.constant 0 : i32
    %dma_start3A_348 = arith.constant 0 : i32
    %dma_start3A_349 = tpu.memref_slice %arg4[%dma_start3A_347, %dma_start3A_348] : memref<4096x128xf32, #tpu.memory_space<hbm>> -> memref<4096x128xf32, #tpu.memory_space<hbm>>
    tpu.enqueue_indirect_dma source(%dma_start3A_349 : memref<4096x128xf32, #tpu.memory_space<hbm>>) target(%dma_start3A_343 : memref<128x128xf32, #tpu.memory_space<vmem>>) offsets(%dma_start3A_346 : memref<128xi32, #tpu.memory_space<vmem>>) semaphore(%arg12 : memref<!tpu.dma_semaphore, #tpu.memory_space<semaphore_mem>>)
    %dma_wait3A_350 = arith.constant 12 : i32
    %dma_wait3A_351 = arith.constant 0 : i32
    %dma_wait3A_352 = arith.constant 0 : i32
    %dma_wait3A_353 = arith.constant 0 : i32
    %dma_wait3A_354 = tpu.memref_slice %arg8[%dma_wait3A_351, %dma_wait3A_352, %dma_wait3A_353] : memref<2x128x128xf32, #tpu.memory_space<vmem>> -> memref<1x128x128xf32, #tpu.memory_space<vmem>>
    %dma_wait3A_355 = tpu.memref_squeeze %dma_wait3A_354 : memref<1x128x128xf32, #tpu.memory_space<vmem>> -> memref<128x128xf32, #tpu.memory_space<vmem>>
    %dma_wait3A_356 = arith.constant 0 : i32
    %dma_wait3A_357 = tpu.memref_slice %arg6[%dma_wait3A_350, %dma_wait3A_356] : memref<16x128xi32, #tpu.memory_space<vmem>> -> memref<1x128xi32, #tpu.memory_space<vmem>>
    %dma_wait3A_358 = tpu.memref_squeeze %dma_wait3A_357 : memref<1x128xi32, #tpu.memory_space<vmem>> -> memref<128xi32, #tpu.memory_space<vmem>>
    %dma_wait3A_359 = arith.constant 0 : i32
    %dma_wait3A_360 = arith.constant 0 : i32
    %dma_wait3A_361 = tpu.memref_slice %arg4[%dma_wait3A_359, %dma_wait3A_360] : memref<4096x128xf32, #tpu.memory_space<hbm>> -> memref<4096x128xf32, #tpu.memory_space<hbm>>
    tpu.wait_indirect_dma semaphore(%arg11 : memref<!tpu.dma_semaphore, #tpu.memory_space<semaphore_mem>>) src(%dma_wait3A_361 : memref<4096x128xf32, #tpu.memory_space<hbm>>) dst(%dma_wait3A_355 : memref<128x128xf32, #tpu.memory_space<vmem>>)
    %run_scoped3A_362 = arith.constant 0 : i32
    %run_scoped3A_363 = arith.constant 12 : i32
    "tpu.region"() ({
      %run_scoped3A_443 = tpu.sem_alloc : memref<!tpu.dma_semaphore, #tpu.memory_space<semaphore_mem>>
      %dma_start3A_444 = arith.constant 0 : i32
      %dma_start3A_445 = arith.constant 0 : i32
      %dma_start3A_446 = tpu.memref_slice %arg8[%run_scoped3A_362, %dma_start3A_444, %dma_start3A_445] : memref<2x128x128xf32, #tpu.memory_space<vmem>> -> memref<1x128x128xf32, #tpu.memory_space<vmem>>
      %dma_start3A_447 = tpu.memref_squeeze %dma_start3A_446 : memref<1x128x128xf32, #tpu.memory_space<vmem>> -> memref<128x128xf32, #tpu.memory_space<vmem>>
      %dma_start3A_448 = arith.constant 0 : i32
      %dma_start3A_449 = tpu.memref_slice %arg7[%run_scoped3A_363, %dma_start3A_448] : memref<16x128xi32, #tpu.memory_space<vmem>> -> memref<1x128xi32, #tpu.memory_space<vmem>>
      %dma_start3A_450 = tpu.memref_squeeze %dma_start3A_449 : memref<1x128xi32, #tpu.memory_space<vmem>> -> memref<128xi32, #tpu.memory_space<vmem>>
      %dma_start3A_451 = arith.constant 0 : i32
      %dma_start3A_452 = arith.constant 0 : i32
      %dma_start3A_453 = tpu.memref_slice %arg10[%dma_start3A_451, %dma_start3A_452] : memref<4096x128xf32, #tpu.memory_space<vmem_shared>> -> memref<4096x128xf32, #tpu.memory_space<vmem_shared>>
      tpu.enqueue_indirect_dma source(%dma_start3A_447 : memref<128x128xf32, #tpu.memory_space<vmem>>) target(%dma_start3A_453 : memref<4096x128xf32, #tpu.memory_space<vmem_shared>>) offsets(%dma_start3A_450 : memref<128xi32, #tpu.memory_space<vmem>>) semaphore(%run_scoped3A_443 : memref<!tpu.dma_semaphore, #tpu.memory_space<semaphore_mem>>) {add = true}
      %dma_wait3A_454 = arith.constant 0 : i32
      %dma_wait3A_455 = arith.constant 0 : i32
      %dma_wait3A_456 = tpu.memref_slice %arg8[%run_scoped3A_362, %dma_wait3A_454, %dma_wait3A_455] : memref<2x128x128xf32, #tpu.memory_space<vmem>> -> memref<1x128x128xf32, #tpu.memory_space<vmem>>
      %dma_wait3A_457 = tpu.memref_squeeze %dma_wait3A_456 : memref<1x128x128xf32, #tpu.memory_space<vmem>> -> memref<128x128xf32, #tpu.memory_space<vmem>>
      %dma_wait3A_458 = arith.constant 0 : i32
      %dma_wait3A_459 = tpu.memref_slice %arg7[%run_scoped3A_363, %dma_wait3A_458] : memref<16x128xi32, #tpu.memory_space<vmem>> -> memref<1x128xi32, #tpu.memory_space<vmem>>
      %dma_wait3A_460 = tpu.memref_squeeze %dma_wait3A_459 : memref<1x128xi32, #tpu.memory_space<vmem>> -> memref<128xi32, #tpu.memory_space<vmem>>
      %dma_wait3A_461 = arith.constant 0 : i32
      %dma_wait3A_462 = arith.constant 0 : i32
      %dma_wait3A_463 = tpu.memref_slice %arg10[%dma_wait3A_461, %dma_wait3A_462] : memref<4096x128xf32, #tpu.memory_space<vmem_shared>> -> memref<4096x128xf32, #tpu.memory_space<vmem_shared>>
      tpu.wait_indirect_dma semaphore(%run_scoped3A_443 : memref<!tpu.dma_semaphore, #tpu.memory_space<semaphore_mem>>) src(%dma_wait3A_457 : memref<128x128xf32, #tpu.memory_space<vmem>>) dst(%dma_wait3A_463 : memref<4096x128xf32, #tpu.memory_space<vmem_shared>>)
      tpu.yield
    }) : () -> ()
    %dma_start3A_364 = arith.constant 14 : i32
    %dma_start3A_365 = arith.constant 0 : i32
    %dma_start3A_366 = arith.constant 0 : i32
    %dma_start3A_367 = arith.constant 0 : i32
    %dma_start3A_368 = tpu.memref_slice %arg8[%dma_start3A_365, %dma_start3A_366, %dma_start3A_367] : memref<2x128x128xf32, #tpu.memory_space<vmem>> -> memref<1x128x128xf32, #tpu.memory_space<vmem>>
    %dma_start3A_369 = tpu.memref_squeeze %dma_start3A_368 : memref<1x128x128xf32, #tpu.memory_space<vmem>> -> memref<128x128xf32, #tpu.memory_space<vmem>>
    %dma_start3A_370 = arith.constant 0 : i32
    %dma_start3A_371 = tpu.memref_slice %arg6[%dma_start3A_364, %dma_start3A_370] : memref<16x128xi32, #tpu.memory_space<vmem>> -> memref<1x128xi32, #tpu.memory_space<vmem>>
    %dma_start3A_372 = tpu.memref_squeeze %dma_start3A_371 : memref<1x128xi32, #tpu.memory_space<vmem>> -> memref<128xi32, #tpu.memory_space<vmem>>
    %dma_start3A_373 = arith.constant 0 : i32
    %dma_start3A_374 = arith.constant 0 : i32
    %dma_start3A_375 = tpu.memref_slice %arg4[%dma_start3A_373, %dma_start3A_374] : memref<4096x128xf32, #tpu.memory_space<hbm>> -> memref<4096x128xf32, #tpu.memory_space<hbm>>
    tpu.enqueue_indirect_dma source(%dma_start3A_375 : memref<4096x128xf32, #tpu.memory_space<hbm>>) target(%dma_start3A_369 : memref<128x128xf32, #tpu.memory_space<vmem>>) offsets(%dma_start3A_372 : memref<128xi32, #tpu.memory_space<vmem>>) semaphore(%arg11 : memref<!tpu.dma_semaphore, #tpu.memory_space<semaphore_mem>>)
    %dma_wait3A_376 = arith.constant 13 : i32
    %dma_wait3A_377 = arith.constant 1 : i32
    %dma_wait3A_378 = arith.constant 0 : i32
    %dma_wait3A_379 = arith.constant 0 : i32
    %dma_wait3A_380 = tpu.memref_slice %arg8[%dma_wait3A_377, %dma_wait3A_378, %dma_wait3A_379] : memref<2x128x128xf32, #tpu.memory_space<vmem>> -> memref<1x128x128xf32, #tpu.memory_space<vmem>>
    %dma_wait3A_381 = tpu.memref_squeeze %dma_wait3A_380 : memref<1x128x128xf32, #tpu.memory_space<vmem>> -> memref<128x128xf32, #tpu.memory_space<vmem>>
    %dma_wait3A_382 = arith.constant 0 : i32
    %dma_wait3A_383 = tpu.memref_slice %arg6[%dma_wait3A_376, %dma_wait3A_382] : memref<16x128xi32, #tpu.memory_space<vmem>> -> memref<1x128xi32, #tpu.memory_space<vmem>>
    %dma_wait3A_384 = tpu.memref_squeeze %dma_wait3A_383 : memref<1x128xi32, #tpu.memory_space<vmem>> -> memref<128xi32, #tpu.memory_space<vmem>>
    %dma_wait3A_385 = arith.constant 0 : i32
    %dma_wait3A_386 = arith.constant 0 : i32
    %dma_wait3A_387 = tpu.memref_slice %arg4[%dma_wait3A_385, %dma_wait3A_386] : memref<4096x128xf32, #tpu.memory_space<hbm>> -> memref<4096x128xf32, #tpu.memory_space<hbm>>
    tpu.wait_indirect_dma semaphore(%arg12 : memref<!tpu.dma_semaphore, #tpu.memory_space<semaphore_mem>>) src(%dma_wait3A_387 : memref<4096x128xf32, #tpu.memory_space<hbm>>) dst(%dma_wait3A_381 : memref<128x128xf32, #tpu.memory_space<vmem>>)
    %run_scoped3A_388 = arith.constant 1 : i32
    %run_scoped3A_389 = arith.constant 13 : i32
    "tpu.region"() ({
      %run_scoped3A_443 = tpu.sem_alloc : memref<!tpu.dma_semaphore, #tpu.memory_space<semaphore_mem>>
      %dma_start3A_444 = arith.constant 0 : i32
      %dma_start3A_445 = arith.constant 0 : i32
      %dma_start3A_446 = tpu.memref_slice %arg8[%run_scoped3A_388, %dma_start3A_444, %dma_start3A_445] : memref<2x128x128xf32, #tpu.memory_space<vmem>> -> memref<1x128x128xf32, #tpu.memory_space<vmem>>
      %dma_start3A_447 = tpu.memref_squeeze %dma_start3A_446 : memref<1x128x128xf32, #tpu.memory_space<vmem>> -> memref<128x128xf32, #tpu.memory_space<vmem>>
      %dma_start3A_448 = arith.constant 0 : i32
      %dma_start3A_449 = tpu.memref_slice %arg7[%run_scoped3A_389, %dma_start3A_448] : memref<16x128xi32, #tpu.memory_space<vmem>> -> memref<1x128xi32, #tpu.memory_space<vmem>>
      %dma_start3A_450 = tpu.memref_squeeze %dma_start3A_449 : memref<1x128xi32, #tpu.memory_space<vmem>> -> memref<128xi32, #tpu.memory_space<vmem>>
      %dma_start3A_451 = arith.constant 0 : i32
      %dma_start3A_452 = arith.constant 0 : i32
      %dma_start3A_453 = tpu.memref_slice %arg10[%dma_start3A_451, %dma_start3A_452] : memref<4096x128xf32, #tpu.memory_space<vmem_shared>> -> memref<4096x128xf32, #tpu.memory_space<vmem_shared>>
      tpu.enqueue_indirect_dma source(%dma_start3A_447 : memref<128x128xf32, #tpu.memory_space<vmem>>) target(%dma_start3A_453 : memref<4096x128xf32, #tpu.memory_space<vmem_shared>>) offsets(%dma_start3A_450 : memref<128xi32, #tpu.memory_space<vmem>>) semaphore(%run_scoped3A_443 : memref<!tpu.dma_semaphore, #tpu.memory_space<semaphore_mem>>) {add = true}
      %dma_wait3A_454 = arith.constant 0 : i32
      %dma_wait3A_455 = arith.constant 0 : i32
      %dma_wait3A_456 = tpu.memref_slice %arg8[%run_scoped3A_388, %dma_wait3A_454, %dma_wait3A_455] : memref<2x128x128xf32, #tpu.memory_space<vmem>> -> memref<1x128x128xf32, #tpu.memory_space<vmem>>
      %dma_wait3A_457 = tpu.memref_squeeze %dma_wait3A_456 : memref<1x128x128xf32, #tpu.memory_space<vmem>> -> memref<128x128xf32, #tpu.memory_space<vmem>>
      %dma_wait3A_458 = arith.constant 0 : i32
      %dma_wait3A_459 = tpu.memref_slice %arg7[%run_scoped3A_389, %dma_wait3A_458] : memref<16x128xi32, #tpu.memory_space<vmem>> -> memref<1x128xi32, #tpu.memory_space<vmem>>
      %dma_wait3A_460 = tpu.memref_squeeze %dma_wait3A_459 : memref<1x128xi32, #tpu.memory_space<vmem>> -> memref<128xi32, #tpu.memory_space<vmem>>
      %dma_wait3A_461 = arith.constant 0 : i32
      %dma_wait3A_462 = arith.constant 0 : i32
      %dma_wait3A_463 = tpu.memref_slice %arg10[%dma_wait3A_461, %dma_wait3A_462] : memref<4096x128xf32, #tpu.memory_space<vmem_shared>> -> memref<4096x128xf32, #tpu.memory_space<vmem_shared>>
      tpu.wait_indirect_dma semaphore(%run_scoped3A_443 : memref<!tpu.dma_semaphore, #tpu.memory_space<semaphore_mem>>) src(%dma_wait3A_457 : memref<128x128xf32, #tpu.memory_space<vmem>>) dst(%dma_wait3A_463 : memref<4096x128xf32, #tpu.memory_space<vmem_shared>>)
      tpu.yield
    }) : () -> ()
    %dma_start3A_390 = arith.constant 15 : i32
    %dma_start3A_391 = arith.constant 1 : i32
    %dma_start3A_392 = arith.constant 0 : i32
    %dma_start3A_393 = arith.constant 0 : i32
    %dma_start3A_394 = tpu.memref_slice %arg8[%dma_start3A_391, %dma_start3A_392, %dma_start3A_393] : memref<2x128x128xf32, #tpu.memory_space<vmem>> -> memref<1x128x128xf32, #tpu.memory_space<vmem>>
    %dma_start3A_395 = tpu.memref_squeeze %dma_start3A_394 : memref<1x128x128xf32, #tpu.memory_space<vmem>> -> memref<128x128xf32, #tpu.memory_space<vmem>>
    %dma_start3A_396 = arith.constant 0 : i32
    %dma_start3A_397 = tpu.memref_slice %arg6[%dma_start3A_390, %dma_start3A_396] : memref<16x128xi32, #tpu.memory_space<vmem>> -> memref<1x128xi32, #tpu.memory_space<vmem>>
    %dma_start3A_398 = tpu.memref_squeeze %dma_start3A_397 : memref<1x128xi32, #tpu.memory_space<vmem>> -> memref<128xi32, #tpu.memory_space<vmem>>
    %dma_start3A_399 = arith.constant 0 : i32
    %dma_start3A_400 = arith.constant 0 : i32
    %dma_start3A_401 = tpu.memref_slice %arg4[%dma_start3A_399, %dma_start3A_400] : memref<4096x128xf32, #tpu.memory_space<hbm>> -> memref<4096x128xf32, #tpu.memory_space<hbm>>
    tpu.enqueue_indirect_dma source(%dma_start3A_401 : memref<4096x128xf32, #tpu.memory_space<hbm>>) target(%dma_start3A_395 : memref<128x128xf32, #tpu.memory_space<vmem>>) offsets(%dma_start3A_398 : memref<128xi32, #tpu.memory_space<vmem>>) semaphore(%arg12 : memref<!tpu.dma_semaphore, #tpu.memory_space<semaphore_mem>>)
    %dma_wait3A_402 = arith.constant 14 : i32
    %dma_wait3A_403 = arith.constant 0 : i32
    %dma_wait3A_404 = arith.constant 0 : i32
    %dma_wait3A_405 = arith.constant 0 : i32
    %dma_wait3A_406 = tpu.memref_slice %arg8[%dma_wait3A_403, %dma_wait3A_404, %dma_wait3A_405] : memref<2x128x128xf32, #tpu.memory_space<vmem>> -> memref<1x128x128xf32, #tpu.memory_space<vmem>>
    %dma_wait3A_407 = tpu.memref_squeeze %dma_wait3A_406 : memref<1x128x128xf32, #tpu.memory_space<vmem>> -> memref<128x128xf32, #tpu.memory_space<vmem>>
    %dma_wait3A_408 = arith.constant 0 : i32
    %dma_wait3A_409 = tpu.memref_slice %arg6[%dma_wait3A_402, %dma_wait3A_408] : memref<16x128xi32, #tpu.memory_space<vmem>> -> memref<1x128xi32, #tpu.memory_space<vmem>>
    %dma_wait3A_410 = tpu.memref_squeeze %dma_wait3A_409 : memref<1x128xi32, #tpu.memory_space<vmem>> -> memref<128xi32, #tpu.memory_space<vmem>>
    %dma_wait3A_411 = arith.constant 0 : i32
    %dma_wait3A_412 = arith.constant 0 : i32
    %dma_wait3A_413 = tpu.memref_slice %arg4[%dma_wait3A_411, %dma_wait3A_412] : memref<4096x128xf32, #tpu.memory_space<hbm>> -> memref<4096x128xf32, #tpu.memory_space<hbm>>
    tpu.wait_indirect_dma semaphore(%arg11 : memref<!tpu.dma_semaphore, #tpu.memory_space<semaphore_mem>>) src(%dma_wait3A_413 : memref<4096x128xf32, #tpu.memory_space<hbm>>) dst(%dma_wait3A_407 : memref<128x128xf32, #tpu.memory_space<vmem>>)
    %run_scoped3A_414 = arith.constant 0 : i32
    %run_scoped3A_415 = arith.constant 14 : i32
    "tpu.region"() ({
      %run_scoped3A_443 = tpu.sem_alloc : memref<!tpu.dma_semaphore, #tpu.memory_space<semaphore_mem>>
      %dma_start3A_444 = arith.constant 0 : i32
      %dma_start3A_445 = arith.constant 0 : i32
      %dma_start3A_446 = tpu.memref_slice %arg8[%run_scoped3A_414, %dma_start3A_444, %dma_start3A_445] : memref<2x128x128xf32, #tpu.memory_space<vmem>> -> memref<1x128x128xf32, #tpu.memory_space<vmem>>
      %dma_start3A_447 = tpu.memref_squeeze %dma_start3A_446 : memref<1x128x128xf32, #tpu.memory_space<vmem>> -> memref<128x128xf32, #tpu.memory_space<vmem>>
      %dma_start3A_448 = arith.constant 0 : i32
      %dma_start3A_449 = tpu.memref_slice %arg7[%run_scoped3A_415, %dma_start3A_448] : memref<16x128xi32, #tpu.memory_space<vmem>> -> memref<1x128xi32, #tpu.memory_space<vmem>>
      %dma_start3A_450 = tpu.memref_squeeze %dma_start3A_449 : memref<1x128xi32, #tpu.memory_space<vmem>> -> memref<128xi32, #tpu.memory_space<vmem>>
      %dma_start3A_451 = arith.constant 0 : i32
      %dma_start3A_452 = arith.constant 0 : i32
      %dma_start3A_453 = tpu.memref_slice %arg10[%dma_start3A_451, %dma_start3A_452] : memref<4096x128xf32, #tpu.memory_space<vmem_shared>> -> memref<4096x128xf32, #tpu.memory_space<vmem_shared>>
      tpu.enqueue_indirect_dma source(%dma_start3A_447 : memref<128x128xf32, #tpu.memory_space<vmem>>) target(%dma_start3A_453 : memref<4096x128xf32, #tpu.memory_space<vmem_shared>>) offsets(%dma_start3A_450 : memref<128xi32, #tpu.memory_space<vmem>>) semaphore(%run_scoped3A_443 : memref<!tpu.dma_semaphore, #tpu.memory_space<semaphore_mem>>) {add = true}
      %dma_wait3A_454 = arith.constant 0 : i32
      %dma_wait3A_455 = arith.constant 0 : i32
      %dma_wait3A_456 = tpu.memref_slice %arg8[%run_scoped3A_414, %dma_wait3A_454, %dma_wait3A_455] : memref<2x128x128xf32, #tpu.memory_space<vmem>> -> memref<1x128x128xf32, #tpu.memory_space<vmem>>
      %dma_wait3A_457 = tpu.memref_squeeze %dma_wait3A_456 : memref<1x128x128xf32, #tpu.memory_space<vmem>> -> memref<128x128xf32, #tpu.memory_space<vmem>>
      %dma_wait3A_458 = arith.constant 0 : i32
      %dma_wait3A_459 = tpu.memref_slice %arg7[%run_scoped3A_415, %dma_wait3A_458] : memref<16x128xi32, #tpu.memory_space<vmem>> -> memref<1x128xi32, #tpu.memory_space<vmem>>
      %dma_wait3A_460 = tpu.memref_squeeze %dma_wait3A_459 : memref<1x128xi32, #tpu.memory_space<vmem>> -> memref<128xi32, #tpu.memory_space<vmem>>
      %dma_wait3A_461 = arith.constant 0 : i32
      %dma_wait3A_462 = arith.constant 0 : i32
      %dma_wait3A_463 = tpu.memref_slice %arg10[%dma_wait3A_461, %dma_wait3A_462] : memref<4096x128xf32, #tpu.memory_space<vmem_shared>> -> memref<4096x128xf32, #tpu.memory_space<vmem_shared>>
      tpu.wait_indirect_dma semaphore(%run_scoped3A_443 : memref<!tpu.dma_semaphore, #tpu.memory_space<semaphore_mem>>) src(%dma_wait3A_457 : memref<128x128xf32, #tpu.memory_space<vmem>>) dst(%dma_wait3A_463 : memref<4096x128xf32, #tpu.memory_space<vmem_shared>>)
      tpu.yield
    }) : () -> ()
    %dma_wait3A_416 = arith.constant 15 : i32
    %dma_wait3A_417 = arith.constant 1 : i32
    %dma_wait3A_418 = arith.constant 0 : i32
    %dma_wait3A_419 = arith.constant 0 : i32
    %dma_wait3A_420 = tpu.memref_slice %arg8[%dma_wait3A_417, %dma_wait3A_418, %dma_wait3A_419] : memref<2x128x128xf32, #tpu.memory_space<vmem>> -> memref<1x128x128xf32, #tpu.memory_space<vmem>>
    %dma_wait3A_421 = tpu.memref_squeeze %dma_wait3A_420 : memref<1x128x128xf32, #tpu.memory_space<vmem>> -> memref<128x128xf32, #tpu.memory_space<vmem>>
    %dma_wait3A_422 = arith.constant 0 : i32
    %dma_wait3A_423 = tpu.memref_slice %arg6[%dma_wait3A_416, %dma_wait3A_422] : memref<16x128xi32, #tpu.memory_space<vmem>> -> memref<1x128xi32, #tpu.memory_space<vmem>>
    %dma_wait3A_424 = tpu.memref_squeeze %dma_wait3A_423 : memref<1x128xi32, #tpu.memory_space<vmem>> -> memref<128xi32, #tpu.memory_space<vmem>>
    %dma_wait3A_425 = arith.constant 0 : i32
    %dma_wait3A_426 = arith.constant 0 : i32
    %dma_wait3A_427 = tpu.memref_slice %arg4[%dma_wait3A_425, %dma_wait3A_426] : memref<4096x128xf32, #tpu.memory_space<hbm>> -> memref<4096x128xf32, #tpu.memory_space<hbm>>
    tpu.wait_indirect_dma semaphore(%arg12 : memref<!tpu.dma_semaphore, #tpu.memory_space<semaphore_mem>>) src(%dma_wait3A_427 : memref<4096x128xf32, #tpu.memory_space<hbm>>) dst(%dma_wait3A_421 : memref<128x128xf32, #tpu.memory_space<vmem>>)
    %run_scoped3A_428 = arith.constant 1 : i32
    %run_scoped3A_429 = arith.constant 15 : i32
    "tpu.region"() ({
      %run_scoped3A_443 = tpu.sem_alloc : memref<!tpu.dma_semaphore, #tpu.memory_space<semaphore_mem>>
      %dma_start3A_444 = arith.constant 0 : i32
      %dma_start3A_445 = arith.constant 0 : i32
      %dma_start3A_446 = tpu.memref_slice %arg8[%run_scoped3A_428, %dma_start3A_444, %dma_start3A_445] : memref<2x128x128xf32, #tpu.memory_space<vmem>> -> memref<1x128x128xf32, #tpu.memory_space<vmem>>
      %dma_start3A_447 = tpu.memref_squeeze %dma_start3A_446 : memref<1x128x128xf32, #tpu.memory_space<vmem>> -> memref<128x128xf32, #tpu.memory_space<vmem>>
      %dma_start3A_448 = arith.constant 0 : i32
      %dma_start3A_449 = tpu.memref_slice %arg7[%run_scoped3A_429, %dma_start3A_448] : memref<16x128xi32, #tpu.memory_space<vmem>> -> memref<1x128xi32, #tpu.memory_space<vmem>>
      %dma_start3A_450 = tpu.memref_squeeze %dma_start3A_449 : memref<1x128xi32, #tpu.memory_space<vmem>> -> memref<128xi32, #tpu.memory_space<vmem>>
      %dma_start3A_451 = arith.constant 0 : i32
      %dma_start3A_452 = arith.constant 0 : i32
      %dma_start3A_453 = tpu.memref_slice %arg10[%dma_start3A_451, %dma_start3A_452] : memref<4096x128xf32, #tpu.memory_space<vmem_shared>> -> memref<4096x128xf32, #tpu.memory_space<vmem_shared>>
      tpu.enqueue_indirect_dma source(%dma_start3A_447 : memref<128x128xf32, #tpu.memory_space<vmem>>) target(%dma_start3A_453 : memref<4096x128xf32, #tpu.memory_space<vmem_shared>>) offsets(%dma_start3A_450 : memref<128xi32, #tpu.memory_space<vmem>>) semaphore(%run_scoped3A_443 : memref<!tpu.dma_semaphore, #tpu.memory_space<semaphore_mem>>) {add = true}
      %dma_wait3A_454 = arith.constant 0 : i32
      %dma_wait3A_455 = arith.constant 0 : i32
      %dma_wait3A_456 = tpu.memref_slice %arg8[%run_scoped3A_428, %dma_wait3A_454, %dma_wait3A_455] : memref<2x128x128xf32, #tpu.memory_space<vmem>> -> memref<1x128x128xf32, #tpu.memory_space<vmem>>
      %dma_wait3A_457 = tpu.memref_squeeze %dma_wait3A_456 : memref<1x128x128xf32, #tpu.memory_space<vmem>> -> memref<128x128xf32, #tpu.memory_space<vmem>>
      %dma_wait3A_458 = arith.constant 0 : i32
      %dma_wait3A_459 = tpu.memref_slice %arg7[%run_scoped3A_429, %dma_wait3A_458] : memref<16x128xi32, #tpu.memory_space<vmem>> -> memref<1x128xi32, #tpu.memory_space<vmem>>
      %dma_wait3A_460 = tpu.memref_squeeze %dma_wait3A_459 : memref<1x128xi32, #tpu.memory_space<vmem>> -> memref<128xi32, #tpu.memory_space<vmem>>
      %dma_wait3A_461 = arith.constant 0 : i32
      %dma_wait3A_462 = arith.constant 0 : i32
      %dma_wait3A_463 = tpu.memref_slice %arg10[%dma_wait3A_461, %dma_wait3A_462] : memref<4096x128xf32, #tpu.memory_space<vmem_shared>> -> memref<4096x128xf32, #tpu.memory_space<vmem_shared>>
      tpu.wait_indirect_dma semaphore(%run_scoped3A_443 : memref<!tpu.dma_semaphore, #tpu.memory_space<semaphore_mem>>) src(%dma_wait3A_457 : memref<128x128xf32, #tpu.memory_space<vmem>>) dst(%dma_wait3A_463 : memref<4096x128xf32, #tpu.memory_space<vmem_shared>>)
      tpu.yield
    }) : () -> ()
    %barrier3A_430 = arith.constant 0 : index
    tpu.barrier barrier_id(%barrier3A_430)
    %mul3A_431 = arith.constant 256 : i32
    %mul3A_432 = arith.muli %arg1, %mul3A_431 : i32
    %mul3A_433 = arith.constant 256 : i32
    %mul3A_434 = arith.muli %arg1, %mul3A_433 : i32
    "tpu.region"() ({
      %run_scoped3A_443 = tpu.sem_alloc : memref<!tpu.dma_semaphore, #tpu.memory_space<semaphore_mem>>
      %dma_start3A_444 = arith.constant 0 : i32
      %dma_start3A_445 = tpu.memref_slice %arg5[%arg0, %mul3A_434, %dma_start3A_444] : memref<2x4096x128xf32, #tpu.memory_space<hbm>> -> memref<1x128x128xf32, #tpu.memory_space<hbm>>
      %dma_start3A_446 = tpu.memref_squeeze %dma_start3A_445 : memref<1x128x128xf32, #tpu.memory_space<hbm>> -> memref<128x128xf32, #tpu.memory_space<hbm>>
      %dma_start3A_447 = arith.constant 0 : i32
      %dma_start3A_448 = tpu.memref_slice %arg10[%mul3A_432, %dma_start3A_447] : memref<4096x128xf32, #tpu.memory_space<vmem_shared>> -> memref<128x128xf32, #tpu.memory_space<vmem_shared>>
      tpu.enqueue_dma source(%dma_start3A_448 : memref<128x128xf32, #tpu.memory_space<vmem_shared>>) target(%dma_start3A_446 : memref<128x128xf32, #tpu.memory_space<hbm>>) target_semaphore(%run_scoped3A_443 : memref<!tpu.dma_semaphore, #tpu.memory_space<semaphore_mem>>)
      %dma_wait3A_449 = arith.constant 0 : i32
      %dma_wait3A_450 = tpu.memref_slice %arg5[%arg0, %mul3A_434, %dma_wait3A_449] : memref<2x4096x128xf32, #tpu.memory_space<hbm>> -> memref<1x128x128xf32, #tpu.memory_space<hbm>>
      %dma_wait3A_451 = tpu.memref_squeeze %dma_wait3A_450 : memref<1x128x128xf32, #tpu.memory_space<hbm>> -> memref<128x128xf32, #tpu.memory_space<hbm>>
      %dma_wait3A_452 = arith.constant 0 : i32
      %dma_wait3A_453 = tpu.memref_slice %arg10[%mul3A_432, %dma_wait3A_452] : memref<4096x128xf32, #tpu.memory_space<vmem_shared>> -> memref<128x128xf32, #tpu.memory_space<vmem_shared>>
      tpu.wait_dma2 semaphore(%run_scoped3A_443 : memref<!tpu.dma_semaphore, #tpu.memory_space<semaphore_mem>>) src(%dma_wait3A_453 : memref<128x128xf32, #tpu.memory_space<vmem_shared>>) dst(%dma_wait3A_451 : memref<128x128xf32, #tpu.memory_space<hbm>>)
      tpu.yield
    }) : () -> ()
    %mul3A_435 = arith.constant 256 : i32
    %mul3A_436 = arith.muli %arg1, %mul3A_435 : i32
    %add3A_437 = arith.constant 128 : i32
    %add3A_438 = arith.addi %mul3A_436, %add3A_437 : i32
    %mul3A_439 = arith.constant 256 : i32
    %mul3A_440 = arith.muli %arg1, %mul3A_439 : i32
    %add3A_441 = arith.constant 128 : i32
    %add3A_442 = arith.addi %mul3A_440, %add3A_441 : i32
    "tpu.region"() ({
      %run_scoped3A_443 = tpu.sem_alloc : memref<!tpu.dma_semaphore, #tpu.memory_space<semaphore_mem>>
      %dma_start3A_444 = arith.constant 0 : i32
      %dma_start3A_445 = tpu.memref_slice %arg5[%arg0, %add3A_442, %dma_start3A_444] : memref<2x4096x128xf32, #tpu.memory_space<hbm>> -> memref<1x128x128xf32, #tpu.memory_space<hbm>>
      %dma_start3A_446 = tpu.memref_squeeze %dma_start3A_445 : memref<1x128x128xf32, #tpu.memory_space<hbm>> -> memref<128x128xf32, #tpu.memory_space<hbm>>
      %dma_start3A_447 = arith.constant 0 : i32
      %dma_start3A_448 = tpu.memref_slice %arg10[%add3A_438, %dma_start3A_447] : memref<4096x128xf32, #tpu.memory_space<vmem_shared>> -> memref<128x128xf32, #tpu.memory_space<vmem_shared>>
      tpu.enqueue_dma source(%dma_start3A_448 : memref<128x128xf32, #tpu.memory_space<vmem_shared>>) target(%dma_start3A_446 : memref<128x128xf32, #tpu.memory_space<hbm>>) target_semaphore(%run_scoped3A_443 : memref<!tpu.dma_semaphore, #tpu.memory_space<semaphore_mem>>)
      %dma_wait3A_449 = arith.constant 0 : i32
      %dma_wait3A_450 = tpu.memref_slice %arg5[%arg0, %add3A_442, %dma_wait3A_449] : memref<2x4096x128xf32, #tpu.memory_space<hbm>> -> memref<1x128x128xf32, #tpu.memory_space<hbm>>
      %dma_wait3A_451 = tpu.memref_squeeze %dma_wait3A_450 : memref<1x128x128xf32, #tpu.memory_space<hbm>> -> memref<128x128xf32, #tpu.memory_space<hbm>>
      %dma_wait3A_452 = arith.constant 0 : i32
      %dma_wait3A_453 = tpu.memref_slice %arg10[%add3A_438, %dma_wait3A_452] : memref<4096x128xf32, #tpu.memory_space<vmem_shared>> -> memref<128x128xf32, #tpu.memory_space<vmem_shared>>
      tpu.wait_dma2 semaphore(%run_scoped3A_443 : memref<!tpu.dma_semaphore, #tpu.memory_space<semaphore_mem>>) src(%dma_wait3A_453 : memref<128x128xf32, #tpu.memory_space<vmem_shared>>) dst(%dma_wait3A_451 : memref<128x128xf32, #tpu.memory_space<hbm>>)
      tpu.yield
    }) : () -> ()
    return
  }
}

module attributes {stable_mosaic.version = 14 : i64} {
  func.func @_p1a_body(%arg0: i32, %arg1: memref<512x4096xf32, #tpu.memory_space<vmem>>, %arg2: memref<4096x128xf32, #tpu.memory_space<vmem>>, %arg3: memref<2x512x16xf32, #tpu.memory_space<vmem>>, %arg4: memref<512x128xf32, #tpu.memory_space<vmem>>) attributes {dimension_semantics = [#tpu.dimension_semantics<arbitrary>], iteration_bounds = array<i64: 8>, scalar_prefetch = 0 : i64, scratch_operands = 0 : i64, tpu.core_type = #tpu.core_type<tc>, window_params = [{transform_indices = @transform_0, window_bounds = array<i64: 512, 4096>}, {pipeline_mode = #tpu.pipeline_mode<synchronous>, transform_indices = @transform_1, window_bounds = array<i64: 4096, 128>}, {transform_indices = @transform_2, window_bounds = array<i64: 2, 512, 16>}, {transform_indices = @transform_3, window_bounds = array<i64: 512, 128>}]} {
    %get3A = arith.constant 0 : index
    %get3A_0 = arith.constant 0 : index
    %get3A_1 = arith.constant 0 : index
    %get3A_2 = vector.load %arg3[%get3A, %get3A_0, %get3A_1] : memref<2x512x16xf32, #tpu.memory_space<vmem>>, vector<1x512x16xf32>
    %get3A_3 = vector.shape_cast %get3A_2 : vector<1x512x16xf32> to vector<512x16xf32>
    %get3A_4 = arith.constant 1 : index
    %get3A_5 = arith.constant 0 : index
    %get3A_6 = arith.constant 0 : index
    %get3A_7 = vector.load %arg3[%get3A_4, %get3A_5, %get3A_6] : memref<2x512x16xf32, #tpu.memory_space<vmem>>, vector<1x512x16xf32>
    %get3A_8 = vector.shape_cast %get3A_7 : vector<1x512x16xf32> to vector<512x16xf32>
    %add3A = arith.addf %get3A_3, %get3A_8 : vector<512x16xf32>
    %slice3A = vector.extract_strided_slice %add3A {offsets = [0, 0], sizes = [512, 1], strides = [1, 1]} : vector<512x16xf32> to vector<512x1xf32>
    %add3A_9 = arith.constant 1.000000e+00 : f32
    %add3A_10 = vector.broadcast %add3A_9 : f32 to vector<512x1xf32>
    %add3A_11 = arith.addf %slice3A, %add3A_10 : vector<512x1xf32>
    %rsqrt3A = math.rsqrt %add3A_11 : vector<512x1xf32>
    %get3A_12 = arith.constant 0 : index
    %get3A_13 = arith.constant 0 : index
    %get3A_14 = vector.load %arg1[%get3A_12, %get3A_13] : memref<512x4096xf32, #tpu.memory_space<vmem>>, vector<512x4096xf32>
    %get3A_15 = arith.constant 0 : index
    %get3A_16 = arith.constant 0 : index
    %get3A_17 = vector.load %arg2[%get3A_15, %get3A_16] : memref<4096x128xf32, #tpu.memory_space<vmem>>, vector<4096x128xf32>
    %dot_general3A = arith.constant dense<0.000000e+00> : vector<512x128xf32>
    %dot_general3A_18 = tpu.matmul %get3A_14, %get3A_17, %dot_general3A {dimension_numbers = #tpu.dot_dimension_numbers<[1], [0], [0], [1], [0, 0, 1, 1], [], []>, transpose_lhs_hint = false} : vector<512x4096xf32>, vector<4096x128xf32>, vector<512x128xf32> -> vector<512x128xf32>
    %mul3A = vector.broadcast %rsqrt3A : vector<512x1xf32> to vector<512x128xf32>
    %mul3A_19 = arith.mulf %dot_general3A_18, %mul3A : vector<512x128xf32>
    %swap3A = arith.constant 0 : index
    %swap3A_20 = arith.constant 0 : index
    %swap3A_21 = vector.load %arg4[%swap3A, %swap3A_20] : memref<512x128xf32, #tpu.memory_space<vmem>>, vector<512x128xf32>
    tpu.vector_store %arg4[%swap3A, %swap3A_20], %mul3A_19 {strides = array<i32>} : memref<512x128xf32, #tpu.memory_space<vmem>>, vector<512x128xf32>,
    return
  }
  func.func @transform_0(%arg0: i32) -> (i32, i32) {
    %c0_i32 = arith.constant 0 : i32
    %c0_i32_0 = arith.constant 0 : i32
    return %arg0, %c0_i32 : i32, i32
  }
  func.func @transform_1(%arg0: i32) -> (i32, i32) {
    %c0_i32 = arith.constant 0 : i32
    %c0_i32_0 = arith.constant 0 : i32
    %c0_i32_1 = arith.constant 0 : i32
    return %c0_i32, %c0_i32_0 : i32, i32
  }
  func.func @transform_2(%arg0: i32) -> (i32, i32, i32) {
    %c0_i32 = arith.constant 0 : i32
    %c0_i32_0 = arith.constant 0 : i32
    %c0_i32_1 = arith.constant 0 : i32
    return %c0_i32, %arg0, %c0_i32_0 : i32, i32, i32
  }
  func.func @transform_3(%arg0: i32) -> (i32, i32) {
    %c0_i32 = arith.constant 0 : i32
    %c0_i32_0 = arith.constant 0 : i32
    return %arg0, %c0_i32 : i32, i32
  }
}

module attributes {stable_mosaic.version = 14 : i64} {
  func.func @_p1b_body(%arg0: i32, %arg1: memref<512x64xf32, #tpu.memory_space<vmem>>, %arg2: memref<2x512x16xf32, #tpu.memory_space<vmem>>, %arg3: memref<512x128xf32, #tpu.memory_space<vmem>>) attributes {dimension_semantics = [#tpu.dimension_semantics<arbitrary>], iteration_bounds = array<i64: 8>, scalar_prefetch = 0 : i64, scratch_operands = 0 : i64, tpu.core_type = #tpu.core_type<tc>, window_params = [{transform_indices = @transform_0, window_bounds = array<i64: 512, 64>}, {transform_indices = @transform_1, window_bounds = array<i64: 2, 512, 16>}, {transform_indices = @transform_2, window_bounds = array<i64: 512, 128>}]} {
    %get3A = arith.constant 0 : index
    %get3A_0 = arith.constant 0 : index
    %get3A_1 = arith.constant 0 : index
    %get3A_2 = vector.load %arg2[%get3A, %get3A_0, %get3A_1] : memref<2x512x16xf32, #tpu.memory_space<vmem>>, vector<1x512x16xf32>
    %get3A_3 = vector.shape_cast %get3A_2 : vector<1x512x16xf32> to vector<512x16xf32>
    %get3A_4 = arith.constant 1 : index
    %get3A_5 = arith.constant 0 : index
    %get3A_6 = arith.constant 0 : index
    %get3A_7 = vector.load %arg2[%get3A_4, %get3A_5, %get3A_6] : memref<2x512x16xf32, #tpu.memory_space<vmem>>, vector<1x512x16xf32>
    %get3A_8 = vector.shape_cast %get3A_7 : vector<1x512x16xf32> to vector<512x16xf32>
    %add3A = arith.addf %get3A_3, %get3A_8 : vector<512x16xf32>
    %slice3A = vector.extract_strided_slice %add3A {offsets = [0, 0], sizes = [512, 1], strides = [1, 1]} : vector<512x16xf32> to vector<512x1xf32>
    %add3A_9 = arith.constant 1.000000e+00 : f32
    %add3A_10 = vector.broadcast %add3A_9 : f32 to vector<512x1xf32>
    %add3A_11 = arith.addf %slice3A, %add3A_10 : vector<512x1xf32>
    %rsqrt3A = math.rsqrt %add3A_11 : vector<512x1xf32>
    %get3A_12 = arith.constant 0 : index
    %get3A_13 = arith.constant 0 : index
    %get3A_14 = vector.load %arg1[%get3A_12, %get3A_13] : memref<512x64xf32, #tpu.memory_space<vmem>>, vector<512x64xf32>
    %mul3A = vector.broadcast %rsqrt3A : vector<512x1xf32> to vector<512x64xf32>
    %mul3A_15 = arith.mulf %get3A_14, %mul3A : vector<512x64xf32>
    %broadcast_in_dim3A = arith.constant 0.000000e+00 : f32
    %broadcast_in_dim3A_16 = vector.broadcast %broadcast_in_dim3A : f32 to vector<512x64xf32>
    %concatenate3A = tpu.concatenate %mul3A_15, %broadcast_in_dim3A_16 in 1 : vector<512x64xf32>, vector<512x64xf32> -> vector<512x128xf32>
    %swap3A = arith.constant 0 : index
    %swap3A_17 = arith.constant 0 : index
    %swap3A_18 = vector.load %arg3[%swap3A, %swap3A_17] : memref<512x128xf32, #tpu.memory_space<vmem>>, vector<512x128xf32>
    tpu.vector_store %arg3[%swap3A, %swap3A_17], %concatenate3A {strides = array<i32>} : memref<512x128xf32, #tpu.memory_space<vmem>>, vector<512x128xf32>,
    return
  }
  func.func @transform_0(%arg0: i32) -> (i32, i32) {
    %c0_i32 = arith.constant 0 : i32
    %c0_i32_0 = arith.constant 0 : i32
    return %arg0, %c0_i32 : i32, i32
  }
  func.func @transform_1(%arg0: i32) -> (i32, i32, i32) {
    %c0_i32 = arith.constant 0 : i32
    %c0_i32_0 = arith.constant 0 : i32
    %c0_i32_1 = arith.constant 0 : i32
    return %c0_i32, %arg0, %c0_i32_0 : i32, i32, i32
  }
  func.func @transform_2(%arg0: i32) -> (i32, i32) {
    %c0_i32 = arith.constant 0 : i32
    %c0_i32_0 = arith.constant 0 : i32
    return %arg0, %c0_i32 : i32, i32
  }
}

module attributes {stable_mosaic.version = 14 : i64} {
  func.func @_p4_body(%arg0: i32, %arg1: memref<2x512x128xf32, #tpu.memory_space<vmem>>, %arg2: memref<2x512x128xf32, #tpu.memory_space<vmem>>, %arg3: memref<512x128xf32, #tpu.memory_space<vmem>>, %arg4: memref<512x128xf32, #tpu.memory_space<vmem>>, %arg5: memref<2x512x16xf32, #tpu.memory_space<vmem>>, %arg6: memref<1x128xf32, #tpu.memory_space<vmem>>, %arg7: memref<1x256xf32, #tpu.memory_space<vmem>>, %arg8: memref<64x256xf32, #tpu.memory_space<vmem>>, %arg9: memref<256x128xf32, #tpu.memory_space<vmem>>, %arg10: memref<512x128xf32, #tpu.memory_space<vmem>>, %arg11: memref<3x128xf32, #tpu.memory_space<vmem>>, %arg12: memref<2x128xf32, #tpu.memory_space<vmem>>) attributes {dimension_semantics = [#tpu.dimension_semantics<arbitrary>], iteration_bounds = array<i64: 8>, scalar_prefetch = 0 : i64, scratch_operands = 0 : i64, tpu.core_type = #tpu.core_type<tc>, window_params = [{transform_indices = @transform_0, window_bounds = array<i64: 2, 512, 128>}, {transform_indices = @transform_1, window_bounds = array<i64: 2, 512, 128>}, {transform_indices = @transform_2, window_bounds = array<i64: 512, 128>}, {transform_indices = @transform_3, window_bounds = array<i64: 512, 128>}, {transform_indices = @transform_4, window_bounds = array<i64: 2, 512, 16>}, {pipeline_mode = #tpu.pipeline_mode<synchronous>, transform_indices = @transform_5, window_bounds = array<i64: 1, 128>}, {pipeline_mode = #tpu.pipeline_mode<synchronous>, transform_indices = @transform_6, window_bounds = array<i64: 1, 256>}, {pipeline_mode = #tpu.pipeline_mode<synchronous>, transform_indices = @transform_7, window_bounds = array<i64: 64, 256>}, {pipeline_mode = #tpu.pipeline_mode<synchronous>, transform_indices = @transform_8, window_bounds = array<i64: 256, 128>}, {transform_indices = @transform_9, window_bounds = array<i64: 512, 128>}, {pipeline_mode = #tpu.pipeline_mode<synchronous>, transform_indices = @transform_10, window_bounds = array<i64: 3, 128>}, {pipeline_mode = #tpu.pipeline_mode<synchronous>, transform_indices = @transform_11, window_bounds = array<i64: 2, 128>}]} {
    %get3A = arith.constant 0 : index
    %get3A_0 = arith.constant 0 : index
    %get3A_1 = arith.constant 0 : index
    %get3A_2 = vector.load %arg5[%get3A, %get3A_0, %get3A_1] : memref<2x512x16xf32, #tpu.memory_space<vmem>>, vector<1x512x16xf32>
    %get3A_3 = vector.shape_cast %get3A_2 : vector<1x512x16xf32> to vector<512x16xf32>
    %get3A_4 = arith.constant 1 : index
    %get3A_5 = arith.constant 0 : index
    %get3A_6 = arith.constant 0 : index
    %get3A_7 = vector.load %arg5[%get3A_4, %get3A_5, %get3A_6] : memref<2x512x16xf32, #tpu.memory_space<vmem>>, vector<1x512x16xf32>
    %get3A_8 = vector.shape_cast %get3A_7 : vector<1x512x16xf32> to vector<512x16xf32>
    %add3A = arith.addf %get3A_3, %get3A_8 : vector<512x16xf32>
    %slice3A = vector.extract_strided_slice %add3A {offsets = [0, 0], sizes = [512, 1], strides = [1, 1]} : vector<512x16xf32> to vector<512x1xf32>
    %add3A_9 = arith.constant 1.000000e+00 : f32
    %add3A_10 = vector.broadcast %add3A_9 : f32 to vector<512x1xf32>
    %add3A_11 = arith.addf %slice3A, %add3A_10 : vector<512x1xf32>
    %rsqrt3A = math.rsqrt %add3A_11 : vector<512x1xf32>
    %get3A_12 = arith.constant 0 : index
    %get3A_13 = arith.constant 0 : index
    %get3A_14 = arith.constant 0 : index
    %get3A_15 = vector.load %arg1[%get3A_12, %get3A_13, %get3A_14] : memref<2x512x128xf32, #tpu.memory_space<vmem>>, vector<1x512x128xf32>
    %get3A_16 = vector.shape_cast %get3A_15 : vector<1x512x128xf32> to vector<512x128xf32>
    %get3A_17 = arith.constant 1 : index
    %get3A_18 = arith.constant 0 : index
    %get3A_19 = arith.constant 0 : index
    %get3A_20 = vector.load %arg1[%get3A_17, %get3A_18, %get3A_19] : memref<2x512x128xf32, #tpu.memory_space<vmem>>, vector<1x512x128xf32>
    %get3A_21 = vector.shape_cast %get3A_20 : vector<1x512x128xf32> to vector<512x128xf32>
    %add3A_22 = arith.addf %get3A_16, %get3A_21 : vector<512x128xf32>
    %get3A_23 = arith.constant 0 : index
    %get3A_24 = arith.constant 0 : index
    %get3A_25 = vector.load %arg3[%get3A_23, %get3A_24] : memref<512x128xf32, #tpu.memory_space<vmem>>, vector<512x128xf32>
    %add3A_26 = arith.addf %add3A_22, %get3A_25 : vector<512x128xf32>
    %mul3A = vector.broadcast %rsqrt3A : vector<512x1xf32> to vector<512x128xf32>
    %mul3A_27 = arith.mulf %add3A_26, %mul3A : vector<512x128xf32>
    %get3A_28 = arith.constant 0 : index
    %get3A_29 = arith.constant 0 : index
    %get3A_30 = vector.load %arg6[%get3A_28, %get3A_29] : memref<1x128xf32, #tpu.memory_space<vmem>>, vector<1x128xf32>
    %add3A_31 = vector.broadcast %get3A_30 : vector<1x128xf32> to vector<512x128xf32>
    %add3A_32 = arith.addf %mul3A_27, %add3A_31 : vector<512x128xf32>
    %max3A = arith.constant 0.000000e+00 : f32
    %max3A_33 = vector.broadcast %max3A : f32 to vector<512x128xf32>
    %max3A_34 = arith.maximumf %add3A_32, %max3A_33 : vector<512x128xf32>
    %get3A_35 = arith.constant 0 : index
    %get3A_36 = arith.constant 0 : index
    %get3A_37 = arith.constant 0 : index
    %get3A_38 = vector.load %arg2[%get3A_35, %get3A_36, %get3A_37] : memref<2x512x128xf32, #tpu.memory_space<vmem>>, vector<1x512x128xf32>
    %get3A_39 = vector.shape_cast %get3A_38 : vector<1x512x128xf32> to vector<512x128xf32>
    %get3A_40 = arith.constant 1 : index
    %get3A_41 = arith.constant 0 : index
    %get3A_42 = arith.constant 0 : index
    %get3A_43 = vector.load %arg2[%get3A_40, %get3A_41, %get3A_42] : memref<2x512x128xf32, #tpu.memory_space<vmem>>, vector<1x512x128xf32>
    %get3A_44 = vector.shape_cast %get3A_43 : vector<1x512x128xf32> to vector<512x128xf32>
    %add3A_45 = arith.addf %get3A_39, %get3A_44 : vector<512x128xf32>
    %get3A_46 = arith.constant 0 : index
    %get3A_47 = arith.constant 0 : index
    %get3A_48 = vector.load %arg4[%get3A_46, %get3A_47] : memref<512x128xf32, #tpu.memory_space<vmem>>, vector<512x128xf32>
    %add3A_49 = arith.addf %add3A_45, %get3A_48 : vector<512x128xf32>
    %mul3A_50 = vector.broadcast %rsqrt3A : vector<512x1xf32> to vector<512x128xf32>
    %mul3A_51 = arith.mulf %add3A_49, %mul3A_50 : vector<512x128xf32>
    %slice3A_52 = vector.extract_strided_slice %mul3A_51 {offsets = [0, 0], sizes = [512, 64], strides = [1, 1]} : vector<512x128xf32> to vector<512x64xf32>
    %get3A_53 = arith.constant 0 : index
    %get3A_54 = arith.constant 0 : index
    %get3A_55 = vector.load %arg8[%get3A_53, %get3A_54] : memref<64x256xf32, #tpu.memory_space<vmem>>, vector<64x256xf32>
    %dot_general3A = arith.constant dense<0.000000e+00> : vector<512x256xf32>
    %dot_general3A_56 = tpu.matmul %slice3A_52, %get3A_55, %dot_general3A {dimension_numbers = #tpu.dot_dimension_numbers<[1], [0], [0], [1], [0, 0, 1, 1], [], []>, transpose_lhs_hint = false} : vector<512x64xf32>, vector<64x256xf32>, vector<512x256xf32> -> vector<512x256xf32>
    %get3A_57 = arith.constant 0 : index
    %get3A_58 = arith.constant 0 : index
    %get3A_59 = vector.load %arg7[%get3A_57, %get3A_58] : memref<1x256xf32, #tpu.memory_space<vmem>>, vector<1x256xf32>
    %add3A_60 = vector.broadcast %get3A_59 : vector<1x256xf32> to vector<512x256xf32>
    %add3A_61 = arith.addf %dot_general3A_56, %add3A_60 : vector<512x256xf32>
    %slice3A_62 = vector.extract_strided_slice %add3A_61 {offsets = [0, 0], sizes = [512, 128], strides = [1, 1]} : vector<512x256xf32> to vector<512x128xf32>
    %slice3A_63 = vector.extract_strided_slice %add3A_61 {offsets = [0, 128], sizes = [512, 128], strides = [1, 1]} : vector<512x256xf32> to vector<512x128xf32>
    %add3A_64 = arith.addf %max3A_34, %slice3A_62 : vector<512x128xf32>
    %add3A_65 = arith.addf %max3A_34, %slice3A_63 : vector<512x128xf32>
    %concatenate3A = tpu.concatenate %add3A_64, %add3A_65 in 1 : vector<512x128xf32>, vector<512x128xf32> -> vector<512x256xf32>
    %get3A_66 = arith.constant 0 : index
    %get3A_67 = arith.constant 0 : index
    %get3A_68 = vector.load %arg9[%get3A_66, %get3A_67] : memref<256x128xf32, #tpu.memory_space<vmem>>, vector<256x128xf32>
    %dot_general3A_69 = arith.constant dense<0.000000e+00> : vector<512x128xf32>
    %dot_general3A_70 = tpu.matmul %concatenate3A, %get3A_68, %dot_general3A_69 {dimension_numbers = #tpu.dot_dimension_numbers<[1], [0], [0], [1], [0, 0, 1, 1], [], []>, transpose_lhs_hint = false} : vector<512x256xf32>, vector<256x128xf32>, vector<512x128xf32> -> vector<512x128xf32>
    %mul3A_71 = vector.broadcast %rsqrt3A : vector<512x1xf32> to vector<512x128xf32>
    %mul3A_72 = arith.mulf %dot_general3A_70, %mul3A_71 : vector<512x128xf32>
    %swap3A = arith.constant 0 : index
    %swap3A_73 = arith.constant 0 : index
    %swap3A_74 = vector.load %arg10[%swap3A, %swap3A_73] : memref<512x128xf32, #tpu.memory_space<vmem>>, vector<512x128xf32>
    tpu.vector_store %arg10[%swap3A, %swap3A_73], %mul3A_72 {strides = array<i32>} : memref<512x128xf32, #tpu.memory_space<vmem>>, vector<512x128xf32>,
    %mul3A_75 = arith.mulf %max3A_34, %max3A_34 : vector<512x128xf32>
    %reduce_sum3A = arith.constant dense<0.000000e+00> : vector<128xf32>
    %reduce_sum3A_76 = vector.multi_reduction <add>, %mul3A_75, %reduce_sum3A [0] : vector<512x128xf32> to vector<128xf32>
    %mul3A_77 = arith.mulf %slice3A_62, %slice3A_62 : vector<512x128xf32>
    %reduce_sum3A_78 = arith.constant dense<0.000000e+00> : vector<128xf32>
    %reduce_sum3A_79 = vector.multi_reduction <add>, %mul3A_77, %reduce_sum3A_78 [0] : vector<512x128xf32> to vector<128xf32>
    %mul3A_80 = arith.mulf %slice3A_63, %slice3A_63 : vector<512x128xf32>
    %reduce_sum3A_81 = arith.constant dense<0.000000e+00> : vector<128xf32>
    %reduce_sum3A_82 = vector.multi_reduction <add>, %mul3A_80, %reduce_sum3A_81 [0] : vector<512x128xf32> to vector<128xf32>
    %stack3A = vector.shape_cast %reduce_sum3A_76 : vector<128xf32> to vector<1x128xf32>
    %stack3A_83 = vector.shape_cast %reduce_sum3A_79 : vector<128xf32> to vector<1x128xf32>
    %stack3A_84 = vector.shape_cast %reduce_sum3A_82 : vector<128xf32> to vector<1x128xf32>
    %stack3A_85 = tpu.concatenate %stack3A, %stack3A_83, %stack3A_84 in 0 : vector<1x128xf32>, vector<1x128xf32>, vector<1x128xf32> -> vector<3x128xf32>
    %eq3A = arith.constant 0 : i32
    %eq3A_86 = arith.cmpi eq, %arg0, %eq3A : i32
    %convert_element_type3A = arith.extui %eq3A_86 : i1 to i32
    %cond3A = arith.constant 0 : i32
    %cond3A_87 = arith.cmpi ne, %convert_element_type3A, %cond3A : i32
    scf.if %cond3A_87 {
      %broadcast_in_dim3A = arith.constant 0.000000e+00 : f32
      %broadcast_in_dim3A_100 = vector.broadcast %broadcast_in_dim3A : f32 to vector<3x128xf32>
      %swap3A_101 = arith.constant 0 : index
      %swap3A_102 = arith.constant 0 : index
      %swap3A_103 = vector.load %arg11[%swap3A_101, %swap3A_102] : memref<3x128xf32, #tpu.memory_space<vmem>>, vector<3x128xf32>
      tpu.vector_store %arg11[%swap3A_101, %swap3A_102], %broadcast_in_dim3A_100 {strides = array<i32>} : memref<3x128xf32, #tpu.memory_space<vmem>>, vector<3x128xf32>,
    } else {
    }
    %get3A_88 = arith.constant 0 : index
    %get3A_89 = arith.constant 0 : index
    %get3A_90 = vector.load %arg11[%get3A_88, %get3A_89] : memref<3x128xf32, #tpu.memory_space<vmem>>, vector<3x128xf32>
    %add3A_91 = arith.addf %get3A_90, %stack3A_85 : vector<3x128xf32>
    %swap3A_92 = arith.constant 0 : index
    %swap3A_93 = arith.constant 0 : index
    %swap3A_94 = vector.load %arg11[%swap3A_92, %swap3A_93] : memref<3x128xf32, #tpu.memory_space<vmem>>, vector<3x128xf32>
    tpu.vector_store %arg11[%swap3A_92, %swap3A_93], %add3A_91 {strides = array<i32>} : memref<3x128xf32, #tpu.memory_space<vmem>>, vector<3x128xf32>,
    %eq3A_95 = arith.constant 7 : i32
    %eq3A_96 = arith.cmpi eq, %arg0, %eq3A_95 : i32
    %convert_element_type3A_97 = arith.extui %eq3A_96 : i1 to i32
    %cond3A_98 = arith.constant 0 : i32
    %cond3A_99 = arith.cmpi ne, %convert_element_type3A_97, %cond3A_98 : i32
    scf.if %cond3A_99 {
      %get3A_100 = arith.constant 0 : index
      %get3A_101 = arith.constant 0 : index
      %get3A_102 = vector.load %arg11[%get3A_100, %get3A_101] : memref<3x128xf32, #tpu.memory_space<vmem>>, vector<3x128xf32>
      %reduce_sum3A_103 = arith.constant dense<0.000000e+00> : vector<3xf32>
      %reduce_sum3A_104 = vector.multi_reduction <add>, %get3A_102, %reduce_sum3A_103 [1] : vector<3x128xf32> to vector<3xf32>
      %slice3A_105 = vector.extract_strided_slice %reduce_sum3A_104 {offsets = [0], sizes = [1], strides = [1]} : vector<3xf32> to vector<1xf32>
      %squeeze3A = vector.extract %slice3A_105[0] : f32 from vector<1xf32>
      %slice3A_106 = vector.extract_strided_slice %reduce_sum3A_104 {offsets = [1], sizes = [1], strides = [1]} : vector<3xf32> to vector<1xf32>
      %squeeze3A_107 = vector.extract %slice3A_106[0] : f32 from vector<1xf32>
      %slice3A_108 = vector.extract_strided_slice %reduce_sum3A_104 {offsets = [2], sizes = [1], strides = [1]} : vector<3xf32> to vector<1xf32>
      %squeeze3A_109 = vector.extract %slice3A_108[0] : f32 from vector<1xf32>
      %stack3A_110 = vector.broadcast %squeeze3A_107 : f32 to vector<1xf32>
      %stack3A_111 = vector.broadcast %squeeze3A_109 : f32 to vector<1xf32>
      %stack3A_112 = tpu.concatenate %stack3A_110, %stack3A_111 in 0 : vector<1xf32>, vector<1xf32> -> vector<2xf32>
      %div3A = vector.broadcast %squeeze3A : f32 to vector<2xf32>
      %div3A_113 = arith.divf %div3A, %stack3A_112 : vector<2xf32>
      %broadcast_in_dim3A = vector.shape_cast %div3A_113 : vector<2xf32> to vector<2x1xf32>
      %broadcast_in_dim3A_114 = vector.shape_cast %broadcast_in_dim3A : vector<2x1xf32> to vector<2x1xf32>
      %broadcast_in_dim3A_115 = vector.broadcast %broadcast_in_dim3A_114 : vector<2x1xf32> to vector<2x128xf32>
      %swap3A_116 = arith.constant 0 : index
      %swap3A_117 = arith.constant 0 : index
      %swap3A_118 = vector.load %arg12[%swap3A_116, %swap3A_117] : memref<2x128xf32, #tpu.memory_space<vmem>>, vector<2x128xf32>
      tpu.vector_store %arg12[%swap3A_116, %swap3A_117], %broadcast_in_dim3A_115 {strides = array<i32>} : memref<2x128xf32, #tpu.memory_space<vmem>>, vector<2x128xf32>,
    } else {
    }
    return
  }
  func.func @transform_0(%arg0: i32) -> (i32, i32, i32) {
    %c0_i32 = arith.constant 0 : i32
    %c0_i32_0 = arith.constant 0 : i32
    %c0_i32_1 = arith.constant 0 : i32
    return %c0_i32, %arg0, %c0_i32_0 : i32, i32, i32
  }
  func.func @transform_1(%arg0: i32) -> (i32, i32, i32) {
    %c0_i32 = arith.constant 0 : i32
    %c0_i32_0 = arith.constant 0 : i32
    %c0_i32_1 = arith.constant 0 : i32
    return %c0_i32, %arg0, %c0_i32_0 : i32, i32, i32
  }
  func.func @transform_2(%arg0: i32) -> (i32, i32) {
    %c0_i32 = arith.constant 0 : i32
    %c0_i32_0 = arith.constant 0 : i32
    return %arg0, %c0_i32 : i32, i32
  }
  func.func @transform_3(%arg0: i32) -> (i32, i32) {
    %c0_i32 = arith.constant 0 : i32
    %c0_i32_0 = arith.constant 0 : i32
    return %arg0, %c0_i32 : i32, i32
  }
  func.func @transform_4(%arg0: i32) -> (i32, i32, i32) {
    %c0_i32 = arith.constant 0 : i32
    %c0_i32_0 = arith.constant 0 : i32
    %c0_i32_1 = arith.constant 0 : i32
    return %c0_i32, %arg0, %c0_i32_0 : i32, i32, i32
  }
  func.func @transform_5(%arg0: i32) -> (i32, i32) {
    %c0_i32 = arith.constant 0 : i32
    %c0_i32_0 = arith.constant 0 : i32
    %c0_i32_1 = arith.constant 0 : i32
    return %c0_i32, %c0_i32_0 : i32, i32
  }
  func.func @transform_6(%arg0: i32) -> (i32, i32) {
    %c0_i32 = arith.constant 0 : i32
    %c0_i32_0 = arith.constant 0 : i32
    %c0_i32_1 = arith.constant 0 : i32
    return %c0_i32, %c0_i32_0 : i32, i32
  }
  func.func @transform_7(%arg0: i32) -> (i32, i32) {
    %c0_i32 = arith.constant 0 : i32
    %c0_i32_0 = arith.constant 0 : i32
    %c0_i32_1 = arith.constant 0 : i32
    return %c0_i32, %c0_i32_0 : i32, i32
  }
  func.func @transform_8(%arg0: i32) -> (i32, i32) {
    %c0_i32 = arith.constant 0 : i32
    %c0_i32_0 = arith.constant 0 : i32
    %c0_i32_1 = arith.constant 0 : i32
    return %c0_i32, %c0_i32_0 : i32, i32
  }
  func.func @transform_9(%arg0: i32) -> (i32, i32) {
    %c0_i32 = arith.constant 0 : i32
    %c0_i32_0 = arith.constant 0 : i32
    return %arg0, %c0_i32 : i32, i32
  }
  func.func @transform_10(%arg0: i32) -> (i32, i32) {
    %c0_i32 = arith.constant 0 : i32
    %c0_i32_0 = arith.constant 0 : i32
    %c0_i32_1 = arith.constant 0 : i32
    return %c0_i32, %c0_i32_0 : i32, i32
  }
  func.func @transform_11(%arg0: i32) -> (i32, i32) {
    %c0_i32 = arith.constant 0 : i32
    %c0_i32_0 = arith.constant 0 : i32
    %c0_i32_1 = arith.constant 0 : i32
    return %c0_i32, %c0_i32_0 : i32, i32
  }
}

module attributes {stable_mosaic.version = 14 : i64} {
  func.func @_p6_body(%arg0: i32, %arg1: memref<2x512x128xf32, #tpu.memory_space<vmem>>, %arg2: memref<512x128xf32, #tpu.memory_space<vmem>>, %arg3: memref<2x512x16xf32, #tpu.memory_space<vmem>>, %arg4: memref<1x128xf32, #tpu.memory_space<vmem>>, %arg5: memref<512x32xf32, #tpu.memory_space<vmem>>, %arg6: memref<1x32xf32, #tpu.memory_space<vmem>>, %arg7: memref<2x512x32xf32, #tpu.memory_space<vmem>>, %arg8: memref<2x512x32xf32, #tpu.memory_space<vmem>>, %arg9: memref<512x32xf32, #tpu.memory_space<vmem>>, %arg10: memref<1x32xf32, #tpu.memory_space<vmem>>) attributes {dimension_semantics = [#tpu.dimension_semantics<arbitrary>], iteration_bounds = array<i64: 8>, scalar_prefetch = 0 : i64, scratch_operands = 0 : i64, tpu.core_type = #tpu.core_type<tc>, window_params = [{transform_indices = @transform_0, window_bounds = array<i64: 2, 512, 128>}, {transform_indices = @transform_1, window_bounds = array<i64: 512, 128>}, {transform_indices = @transform_2, window_bounds = array<i64: 2, 512, 16>}, {pipeline_mode = #tpu.pipeline_mode<synchronous>, transform_indices = @transform_3, window_bounds = array<i64: 1, 128>}, {transform_indices = @transform_4, window_bounds = array<i64: 512, 32>}, {pipeline_mode = #tpu.pipeline_mode<synchronous>, transform_indices = @transform_5, window_bounds = array<i64: 1, 32>}, {transform_indices = @transform_6, window_bounds = array<i64: 2, 512, 32>}, {transform_indices = @transform_7, window_bounds = array<i64: 2, 512, 32>}, {transform_indices = @transform_8, window_bounds = array<i64: 512, 32>}, {pipeline_mode = #tpu.pipeline_mode<synchronous>, transform_indices = @transform_9, window_bounds = array<i64: 1, 32>}]} {
    %get3A = arith.constant 0 : index
    %get3A_0 = arith.constant 0 : index
    %get3A_1 = arith.constant 0 : index
    %get3A_2 = vector.load %arg3[%get3A, %get3A_0, %get3A_1] : memref<2x512x16xf32, #tpu.memory_space<vmem>>, vector<1x512x16xf32>
    %get3A_3 = vector.shape_cast %get3A_2 : vector<1x512x16xf32> to vector<512x16xf32>
    %get3A_4 = arith.constant 1 : index
    %get3A_5 = arith.constant 0 : index
    %get3A_6 = arith.constant 0 : index
    %get3A_7 = vector.load %arg3[%get3A_4, %get3A_5, %get3A_6] : memref<2x512x16xf32, #tpu.memory_space<vmem>>, vector<1x512x16xf32>
    %get3A_8 = vector.shape_cast %get3A_7 : vector<1x512x16xf32> to vector<512x16xf32>
    %add3A = arith.addf %get3A_3, %get3A_8 : vector<512x16xf32>
    %slice3A = vector.extract_strided_slice %add3A {offsets = [0, 0], sizes = [512, 1], strides = [1, 1]} : vector<512x16xf32> to vector<512x1xf32>
    %add3A_9 = arith.constant 1.000000e+00 : f32
    %add3A_10 = vector.broadcast %add3A_9 : f32 to vector<512x1xf32>
    %add3A_11 = arith.addf %slice3A, %add3A_10 : vector<512x1xf32>
    %rsqrt3A = math.rsqrt %add3A_11 : vector<512x1xf32>
    %get3A_12 = arith.constant 0 : index
    %get3A_13 = arith.constant 0 : index
    %get3A_14 = arith.constant 0 : index
    %get3A_15 = vector.load %arg1[%get3A_12, %get3A_13, %get3A_14] : memref<2x512x128xf32, #tpu.memory_space<vmem>>, vector<1x512x128xf32>
    %get3A_16 = vector.shape_cast %get3A_15 : vector<1x512x128xf32> to vector<512x128xf32>
    %get3A_17 = arith.constant 1 : index
    %get3A_18 = arith.constant 0 : index
    %get3A_19 = arith.constant 0 : index
    %get3A_20 = vector.load %arg1[%get3A_17, %get3A_18, %get3A_19] : memref<2x512x128xf32, #tpu.memory_space<vmem>>, vector<1x512x128xf32>
    %get3A_21 = vector.shape_cast %get3A_20 : vector<1x512x128xf32> to vector<512x128xf32>
    %add3A_22 = arith.addf %get3A_16, %get3A_21 : vector<512x128xf32>
    %get3A_23 = arith.constant 0 : index
    %get3A_24 = arith.constant 0 : index
    %get3A_25 = vector.load %arg2[%get3A_23, %get3A_24] : memref<512x128xf32, #tpu.memory_space<vmem>>, vector<512x128xf32>
    %add3A_26 = arith.addf %add3A_22, %get3A_25 : vector<512x128xf32>
    %mul3A = vector.broadcast %rsqrt3A : vector<512x1xf32> to vector<512x128xf32>
    %mul3A_27 = arith.mulf %add3A_26, %mul3A : vector<512x128xf32>
    %get3A_28 = arith.constant 0 : index
    %get3A_29 = arith.constant 0 : index
    %get3A_30 = vector.load %arg4[%get3A_28, %get3A_29] : memref<1x128xf32, #tpu.memory_space<vmem>>, vector<1x128xf32>
    %add3A_31 = vector.broadcast %get3A_30 : vector<1x128xf32> to vector<512x128xf32>
    %add3A_32 = arith.addf %mul3A_27, %add3A_31 : vector<512x128xf32>
    %slice3A_33 = vector.extract_strided_slice %add3A_32 {offsets = [0, 0], sizes = [512, 32], strides = [1, 1]} : vector<512x128xf32> to vector<512x32xf32>
    %swap3A = arith.constant 0 : index
    %swap3A_34 = arith.constant 0 : index
    %swap3A_35 = arith.constant 0 : index
    %swap3A_36 = vector.load %arg7[%swap3A, %swap3A_34, %swap3A_35] : memref<2x512x32xf32, #tpu.memory_space<vmem>>, vector<1x512x32xf32>
    %swap3A_37 = vector.shape_cast %swap3A_36 : vector<1x512x32xf32> to vector<512x32xf32>
    %swap3A_38 = vector.shape_cast %slice3A_33 : vector<512x32xf32> to vector<1x512x32xf32>
    tpu.vector_store %arg7[%swap3A, %swap3A_34, %swap3A_35], %swap3A_38 {strides = array<i32>} : memref<2x512x32xf32, #tpu.memory_space<vmem>>, vector<1x512x32xf32>,
    %slice3A_39 = vector.extract_strided_slice %add3A_32 {offsets = [0, 32], sizes = [512, 32], strides = [1, 1]} : vector<512x128xf32> to vector<512x32xf32>
    %swap3A_40 = arith.constant 1 : index
    %swap3A_41 = arith.constant 0 : index
    %swap3A_42 = arith.constant 0 : index
    %swap3A_43 = vector.load %arg7[%swap3A_40, %swap3A_41, %swap3A_42] : memref<2x512x32xf32, #tpu.memory_space<vmem>>, vector<1x512x32xf32>
    %swap3A_44 = vector.shape_cast %swap3A_43 : vector<1x512x32xf32> to vector<512x32xf32>
    %swap3A_45 = vector.shape_cast %slice3A_39 : vector<512x32xf32> to vector<1x512x32xf32>
    tpu.vector_store %arg7[%swap3A_40, %swap3A_41, %swap3A_42], %swap3A_45 {strides = array<i32>} : memref<2x512x32xf32, #tpu.memory_space<vmem>>, vector<1x512x32xf32>,
    %slice3A_46 = vector.extract_strided_slice %add3A_32 {offsets = [0, 64], sizes = [512, 32], strides = [1, 1]} : vector<512x128xf32> to vector<512x32xf32>
    %swap3A_47 = arith.constant 0 : index
    %swap3A_48 = arith.constant 0 : index
    %swap3A_49 = arith.constant 0 : index
    %swap3A_50 = vector.load %arg8[%swap3A_47, %swap3A_48, %swap3A_49] : memref<2x512x32xf32, #tpu.memory_space<vmem>>, vector<1x512x32xf32>
    %swap3A_51 = vector.shape_cast %swap3A_50 : vector<1x512x32xf32> to vector<512x32xf32>
    %swap3A_52 = vector.shape_cast %slice3A_46 : vector<512x32xf32> to vector<1x512x32xf32>
    tpu.vector_store %arg8[%swap3A_47, %swap3A_48, %swap3A_49], %swap3A_52 {strides = array<i32>} : memref<2x512x32xf32, #tpu.memory_space<vmem>>, vector<1x512x32xf32>,
    %slice3A_53 = vector.extract_strided_slice %add3A_32 {offsets = [0, 96], sizes = [512, 32], strides = [1, 1]} : vector<512x128xf32> to vector<512x32xf32>
    %swap3A_54 = arith.constant 1 : index
    %swap3A_55 = arith.constant 0 : index
    %swap3A_56 = arith.constant 0 : index
    %swap3A_57 = vector.load %arg8[%swap3A_54, %swap3A_55, %swap3A_56] : memref<2x512x32xf32, #tpu.memory_space<vmem>>, vector<1x512x32xf32>
    %swap3A_58 = vector.shape_cast %swap3A_57 : vector<1x512x32xf32> to vector<512x32xf32>
    %swap3A_59 = vector.shape_cast %slice3A_53 : vector<512x32xf32> to vector<1x512x32xf32>
    tpu.vector_store %arg8[%swap3A_54, %swap3A_55, %swap3A_56], %swap3A_59 {strides = array<i32>} : memref<2x512x32xf32, #tpu.memory_space<vmem>>, vector<1x512x32xf32>,
    %get3A_60 = arith.constant 0 : index
    %get3A_61 = arith.constant 0 : index
    %get3A_62 = vector.load %arg5[%get3A_60, %get3A_61] : memref<512x32xf32, #tpu.memory_space<vmem>>, vector<512x32xf32>
    %slice3A_63 = vector.extract_strided_slice %add3A_32 {offsets = [0, 96], sizes = [512, 32], strides = [1, 1]} : vector<512x128xf32> to vector<512x32xf32>
    %mul3A_64 = arith.constant 5.000000e-01 : f32
    %mul3A_65 = vector.broadcast %mul3A_64 : f32 to vector<512x32xf32>
    %mul3A_66 = arith.mulf %slice3A_63, %mul3A_65 : vector<512x32xf32>
    %exp3A = math.exp %mul3A_66 : vector<512x32xf32>
    %mul3A_67 = arith.mulf %get3A_62, %exp3A : vector<512x32xf32>
    %slice3A_68 = vector.extract_strided_slice %add3A_32 {offsets = [0, 32], sizes = [512, 32], strides = [1, 1]} : vector<512x128xf32> to vector<512x32xf32>
    %add3A_69 = arith.addf %mul3A_67, %slice3A_68 : vector<512x32xf32>
    %swap3A_70 = arith.constant 0 : index
    %swap3A_71 = arith.constant 0 : index
    %swap3A_72 = vector.load %arg9[%swap3A_70, %swap3A_71] : memref<512x32xf32, #tpu.memory_space<vmem>>, vector<512x32xf32>
    tpu.vector_store %arg9[%swap3A_70, %swap3A_71], %add3A_69 {strides = array<i32>} : memref<512x32xf32, #tpu.memory_space<vmem>>, vector<512x32xf32>,
    %eq3A = arith.constant 0 : i32
    %eq3A_73 = arith.cmpi eq, %arg0, %eq3A : i32
    %convert_element_type3A = arith.extui %eq3A_73 : i1 to i32
    %cond3A = arith.constant 0 : i32
    %cond3A_74 = arith.cmpi ne, %convert_element_type3A, %cond3A : i32
    scf.if %cond3A_74 {
      %get3A_75 = arith.constant 0 : index
      %get3A_76 = arith.constant 0 : index
      %get3A_77 = vector.load %arg6[%get3A_75, %get3A_76] : memref<1x32xf32, #tpu.memory_space<vmem>>, vector<1x32xf32>
      %logistic3A = arith.negf %get3A_77 : vector<1x32xf32>
      %logistic3A_78 = math.exp %logistic3A : vector<1x32xf32>
      %logistic3A_79 = arith.constant 1.000000e+00 : f32
      %logistic3A_80 = vector.broadcast %logistic3A_79 : f32 to vector<1x32xf32>
      %logistic3A_81 = arith.addf %logistic3A_80, %logistic3A_78 : vector<1x32xf32>
      %logistic3A_82 = arith.divf %logistic3A_80, %logistic3A_81 : vector<1x32xf32>
      %swap3A_83 = arith.constant 0 : index
      %swap3A_84 = arith.constant 0 : index
      %swap3A_85 = vector.load %arg10[%swap3A_83, %swap3A_84] : memref<1x32xf32, #tpu.memory_space<vmem>>, vector<1x32xf32>
      tpu.vector_store %arg10[%swap3A_83, %swap3A_84], %logistic3A_82 {strides = array<i32>} : memref<1x32xf32, #tpu.memory_space<vmem>>, vector<1x32xf32>,
    } else {
    }
    return
  }
  func.func @transform_0(%arg0: i32) -> (i32, i32, i32) {
    %c0_i32 = arith.constant 0 : i32
    %c0_i32_0 = arith.constant 0 : i32
    %c0_i32_1 = arith.constant 0 : i32
    return %c0_i32, %arg0, %c0_i32_0 : i32, i32, i32
  }
  func.func @transform_1(%arg0: i32) -> (i32, i32) {
    %c0_i32 = arith.constant 0 : i32
    %c0_i32_0 = arith.constant 0 : i32
    return %arg0, %c0_i32 : i32, i32
  }
  func.func @transform_2(%arg0: i32) -> (i32, i32, i32) {
    %c0_i32 = arith.constant 0 : i32
    %c0_i32_0 = arith.constant 0 : i32
    %c0_i32_1 = arith.constant 0 : i32
    return %c0_i32, %arg0, %c0_i32_0 : i32, i32, i32
  }
  func.func @transform_3(%arg0: i32) -> (i32, i32) {
    %c0_i32 = arith.constant 0 : i32
    %c0_i32_0 = arith.constant 0 : i32
    %c0_i32_1 = arith.constant 0 : i32
    return %c0_i32, %c0_i32_0 : i32, i32
  }
  func.func @transform_4(%arg0: i32) -> (i32, i32) {
    %c0_i32 = arith.constant 0 : i32
    %c0_i32_0 = arith.constant 0 : i32
    return %arg0, %c0_i32 : i32, i32
  }
  func.func @transform_5(%arg0: i32) -> (i32, i32) {
    %c0_i32 = arith.constant 0 : i32
    %c0_i32_0 = arith.constant 0 : i32
    %c0_i32_1 = arith.constant 0 : i32
    return %c0_i32, %c0_i32_0 : i32, i32
  }
  func.func @transform_6(%arg0: i32) -> (i32, i32, i32) {
    %c0_i32 = arith.constant 0 : i32
    %c0_i32_0 = arith.constant 0 : i32
    %c0_i32_1 = arith.constant 0 : i32
    return %c0_i32, %arg0, %c0_i32_0 : i32, i32, i32
  }
  func.func @transform_7(%arg0: i32) -> (i32, i32, i32) {
    %c0_i32 = arith.constant 0 : i32
    %c0_i32_0 = arith.constant 0 : i32
    %c0_i32_1 = arith.constant 0 : i32
    return %c0_i32, %arg0, %c0_i32_0 : i32, i32, i32
  }
  func.func @transform_8(%arg0: i32) -> (i32, i32) {
    %c0_i32 = arith.constant 0 : i32
    %c0_i32_0 = arith.constant 0 : i32
    return %arg0, %c0_i32 : i32, i32
  }
  func.func @transform_9(%arg0: i32) -> (i32, i32) {
    %c0_i32 = arith.constant 0 : i32
    %c0_i32_0 = arith.constant 0 : i32
    %c0_i32_1 = arith.constant 0 : i32
    return %c0_i32, %c0_i32_0 : i32, i32
  }
}

module attributes {stable_mosaic.version = 14 : i64} {
  func.func @_p7_body(%arg0: i32, %arg1: memref<512x32xf32, #tpu.memory_space<vmem>>, %arg2: memref<4096x32xf32, #tpu.memory_space<vmem>>, %arg3: memref<512x4096xf32, #tpu.memory_space<vmem>>) attributes {dimension_semantics = [#tpu.dimension_semantics<arbitrary>], iteration_bounds = array<i64: 8>, scalar_prefetch = 0 : i64, scratch_operands = 0 : i64, tpu.core_type = #tpu.core_type<tc>, window_params = [{transform_indices = @transform_0, window_bounds = array<i64: 512, 32>}, {pipeline_mode = #tpu.pipeline_mode<synchronous>, transform_indices = @transform_1, window_bounds = array<i64: 4096, 32>}, {transform_indices = @transform_2, window_bounds = array<i64: 512, 4096>}]} {
    %get3A = arith.constant 0 : index
    %get3A_0 = arith.constant 0 : index
    %get3A_1 = vector.load %arg1[%get3A, %get3A_0] : memref<512x32xf32, #tpu.memory_space<vmem>>, vector<512x32xf32>
    %get3A_2 = arith.constant 0 : index
    %get3A_3 = arith.constant 0 : index
    %get3A_4 = vector.load %arg2[%get3A_2, %get3A_3] : memref<4096x32xf32, #tpu.memory_space<vmem>>, vector<4096x32xf32>
    %dot_general3A = arith.constant dense<0.000000e+00> : vector<512x4096xf32>
    %dot_general3A_5 = tpu.matmul %get3A_1, %get3A_4, %dot_general3A {dimension_numbers = #tpu.dot_dimension_numbers<[1], [1], [0], [0], [0, 0, 1, 0], [], []>, transpose_lhs_hint = false} : vector<512x32xf32>, vector<4096x32xf32>, vector<512x4096xf32> -> vector<512x4096xf32>
    %logistic3A = arith.negf %dot_general3A_5 : vector<512x4096xf32>
    %logistic3A_6 = math.exp %logistic3A : vector<512x4096xf32>
    %logistic3A_7 = arith.constant 1.000000e+00 : f32
    %logistic3A_8 = vector.broadcast %logistic3A_7 : f32 to vector<512x4096xf32>
    %logistic3A_9 = arith.addf %logistic3A_8, %logistic3A_6 : vector<512x4096xf32>
    %logistic3A_10 = arith.divf %logistic3A_8, %logistic3A_9 : vector<512x4096xf32>
    %swap3A = arith.constant 0 : index
    %swap3A_11 = arith.constant 0 : index
    %swap3A_12 = vector.load %arg3[%swap3A, %swap3A_11] : memref<512x4096xf32, #tpu.memory_space<vmem>>, vector<512x4096xf32>
    tpu.vector_store %arg3[%swap3A, %swap3A_11], %logistic3A_10 {strides = array<i32>} : memref<512x4096xf32, #tpu.memory_space<vmem>>, vector<512x4096xf32>,
    return
  }
  func.func @transform_0(%arg0: i32) -> (i32, i32) {
    %c0_i32 = arith.constant 0 : i32
    %c0_i32_0 = arith.constant 0 : i32
    return %arg0, %c0_i32 : i32, i32
  }
  func.func @transform_1(%arg0: i32) -> (i32, i32) {
    %c0_i32 = arith.constant 0 : i32
    %c0_i32_0 = arith.constant 0 : i32
    %c0_i32_1 = arith.constant 0 : i32
    return %c0_i32, %c0_i32_0 : i32, i32
  }
  func.func @transform_2(%arg0: i32) -> (i32, i32) {
    %c0_i32 = arith.constant 0 : i32
    %c0_i32_0 = arith.constant 0 : i32
    return %arg0, %c0_i32 : i32, i32
  }
}

</mosaic_0001>

<sc_bundles>
// kernel: kernel.11.cloned.1.call-start
scs
__scs_entry_jumppad:
0x0: {  	(pc) =	sbr.rel $0x88, $3  }
0x1: {  	(tag) =	ssettag $0x0;
	lr =	simm.s32 $0x1  }
0x2: {  	[smem:$0x3F96] =	sst lr;
	_ =	strace $0xD0000000  }
0x3: {  	_ = 	snop  }
0x4: {  	_ = 	snop  }
0x5: {  	_ = 	snop  }
0x6: {  	_ = 	snop  }
0x7: {  	_ = 	snop  }
__scs_overlays_trampoline_lowered:
0x8: {  	[smem:$0x3FA5] =	sst s0  }
0x9: {  	[smem:$0x3FA6] =	sst s1  }
0xa: {  	[smem:$0x3FA7] =	sst s2  }
0xb: {  	[smem:$0x3FA8] =	sst s3  }
0xc: {  	[smem:$0x3FA9] =	sst s4  }
0xd: {  	[smem:$0x3FAA] =	sst s5  }
0xe: {  	[smem:$0x3FAB] =	sst s6  }
0xf: {  	[smem:$0x3FAC] =	sst s7  }
0x10: {  	[smem:$0x3FAD] =	sst s8  }
0x11: {  	[smem:$0x3FAE] =	sst s9;
	s0 =	simm.s32 @!p0 $0x0  }
0x12: {  	s1 =	sld [smem:$0x3F94];
	s0 =	simm.s32 @p0 $0x1  }
0x13: {  	[smem:$0x3FAF] =	sst s0;
	s0 =	simm.s32 @!p1 $0x0  }
0x14: {  	s2 =	sld [smem:$0x3F93];
	s0 =	simm.s32 @p1 $0x1  }
0x15: {  	[smem:$0x3FB0] =	sst s0;
	s0 =	simm.s32 @!p2 $0x0  }
0x16: {  	s3 =	sld [smem:$0x3FDB];
	s0 =	simm.s32 @p2 $0x1  }
0x17: {  	s4 =	simm.s32 $0x1BF5;
	[smem:$0x3FB2] =	sst s0  }
0x18: {  	s0 =	sld [smem:$0x3F95];
	_ =	swait.ge [sflag:s4], $0x0  }
0x19: {  	s7 =	sld [smem:$0x3F96]  }
0x1a: {  	s8 =	sadd.s32 $0xFFFFE003, lr  }
0x1b: {  	s9 =	sadd.s32 $0xFFFFFEF7, lr;
	s5 =	simm.s32 $0xFFFFFFFF;
	p2 =	slt.u32 s8, $0xFFFFF086  }
0x1c: {  	p1 =	slt.u32 s9, $0xF7A;
	s5 =	simm.s32 @!p2 $0x0  }
0x1d: {  	s5 =	simm.s32 @p1 $0x1;
	p0 =	seq.s32 s7, s2  }
0x1e: {  	s7 =	smul.u32 @!p0 $0xF7A, s2;
	p2 =	seq.s32 @!p0 s5, $0x0  }
0x1f: {  	s9 =	smul.u32 $0xF7A, s1;
	s8 =	simm.s32 @!p0 $0x1BF5;
	p2 =	por !p2, p0  }
0x20: {  	[sflag:s8] =	ssyncset.s32 @!p0 $0xFFFFF086;
	s6 =	sadd.s32 @!p0 s3, s7;
	s7 =	simm.s32 @!p0 $0x108  }
0x21: {  	s3 =	sadd.s32 s3, s9;
	s6 =	sadd.s32 @!p0 $0x88, s6;
	s7 =	simm.s32 @p2 $0x1082  }
0x22: {  	[simem:s7], [sflag:s8] =	dma.local @!p0 [hbm:s6], $0xF7A  }
0x23: {  	s9 =	sor.u32 $0xD0000000, s2;
	s6 =	simm.s32 $0x108;
	_ =	swait.ge @!p0 [sflag:s8], $0x0  }
0x24: {  	s3 =	sadd.s32 $0x88, s3;
	s6 =	simm.s32 @!p1 $0x1082;
	[sflag:s4] =	ssyncset.s32 $0xFFFFF086  }
0x25: {  	[simem:s6], [sflag:s4] =	dma.local [hbm:s3], $0xF7A  }
0x26: {  	[smem:$0x3F96] =	sst s1;
	(tag) =	ssettag s2;
	_ =	strace s9  }
0x27: {  	s1 =	sld [smem:$0x3FA6]  }
0x28: {  	s2 =	sld [smem:$0x3FA7]  }
0x29: {  	s4 =	sld [smem:$0x3FA9]  }
0x2a: {  	p0 =	seq.s32 s5, $0x0;
	s5 =	sld [smem:$0x3FAA]  }
0x2b: {  	s6 =	sld [smem:$0x3FAB]  }
0x2c: {  	s7 =	sld [smem:$0x3FAC]  }
0x2d: {  	s3 =	simm.s32 $0x108;
	s8 =	sld [smem:$0x3FAD]  }
0x2e: {  	s3 =	simm.s32 @!p0 $0x1082;
	s9 =	sld [smem:$0x3FAE]  }
0x2f: {  	lr =	sadd.s32 s0, s3;
	s0 =	sld [smem:$0x3FA5]  }
0x30: {  	s3 =	sld [smem:$0x3FA8]  }
0x31: {  	[smem:$0x3FB1] =	sst s10  }
0x32: {  	s10 =	sld [smem:$0x3FAF];
	_ =	sdelay $0x3  }
0x33: {  	p0 =	seq.s32 s10, $0x1;
	s10 =	sld [smem:$0x3FB1];
	_ =	sdelay $0x3  }
0x34: {  	[smem:$0x3FB1] =	sst s10  }
0x35: {  	s10 =	sld [smem:$0x3FB0];
	_ =	sdelay $0x3  }
0x36: {  	p1 =	seq.s32 s10, $0x1;
	s10 =	sld [smem:$0x3FB1];
	_ =	sdelay $0x3  }
0x37: {  	[smem:$0x3FB1] =	sst s10  }
0x38: {  	s10 =	sld [smem:$0x3FB2]  }
0x39: {  	_ = 	snop;
	(pc) =	sbr.ind lr, $3  }
0x3a: {  	_ = 	snop  }
0x3b: {  	_ = 	snop  }
0x3c: {  	p2 =	seq.s32 s10, $0x1;
	s10 =	sld [smem:$0x3FB1]  }
0x3d: {  	_ =	shalt  }
0x3e: {  	_ =	shalt  }
0x3f: {  	_ =	shalt  }
0x40: {  	_ =	shalt  }
0x41: {  	_ =	shalt  }
0x42: {  	_ =	shalt  }
0x43: {  	_ =	shalt  }
0x44: {  	_ =	shalt  }
0x45: {  	_ =	shalt  }
0x46: {  	_ =	shalt  }
0x47: {  	_ =	shalt  }
0x48: {  	_ =	shalt  }
0x49: {  	_ =	shalt  }
0x4a: {  	_ =	shalt  }
0x4b: {  	_ =	shalt  }
0x4c: {  	_ =	shalt  }
0x4d: {  	_ =	shalt  }
0x4e: {  	_ =	shalt  }
0x4f: {  	_ =	shalt  }
0x50: {  	_ =	shalt  }
0x51: {  	_ =	shalt  }
0x52: {  	_ =	shalt  }
0x53: {  	_ =	shalt  }
0x54: {  	_ =	shalt  }
0x55: {  	_ =	shalt  }
0x56: {  	_ =	shalt  }
0x57: {  	_ =	shalt  }
0x58: {  	_ =	shalt  }
0x59: {  	_ =	shalt  }
0x5a: {  	_ =	shalt  }
0x5b: {  	_ =	shalt  }
0x5c: {  	_ =	shalt  }
0x5d: {  	_ =	shalt  }
0x5e: {  	_ =	shalt  }
0x5f: {  	_ =	shalt  }
0x60: {  	_ =	shalt  }
0x61: {  	_ =	shalt  }
0x62: {  	_ =	shalt  }
0x63: {  	_ =	shalt  }
0x64: {  	_ =	shalt  }
0x65: {  	_ =	shalt  }
0x66: {  	_ =	shalt  }
0x67: {  	_ =	shalt  }
0x68: {  	_ =	shalt  }
0x69: {  	_ =	shalt  }
0x6a: {  	_ =	shalt  }
0x6b: {  	_ =	shalt  }
0x6c: {  	_ =	shalt  }
0x6d: {  	_ =	shalt  }
0x6e: {  	_ =	shalt  }
0x6f: {  	_ =	shalt  }
0x70: {  	_ =	shalt  }
0x71: {  	_ =	shalt  }
0x72: {  	_ =	shalt  }
0x73: {  	_ =	shalt  }
0x74: {  	_ =	shalt  }
0x75: {  	_ =	shalt  }
0x76: {  	_ =	shalt  }
0x77: {  	_ =	shalt  }
0x78: {  	_ =	shalt  }
0x79: {  	_ =	shalt  }
0x7a: {  	_ =	shalt  }
0x7b: {  	_ =	shalt  }
0x7c: {  	_ =	shalt  }
0x7d: {  	_ =	shalt  }
0x7e: {  	_ =	shalt  }
0x7f: {  	_ =	shalt  }
0x80: {  	_ =	shalt  }
0x81: {  	_ =	shalt  }
0x82: {  	_ =	shalt  }
0x83: {  	_ =	shalt  }
0x84: {  	_ =	shalt  }
0x85: {  	_ =	shalt  }
0x86: {  	_ =	shalt  }
0x87: {  	_ =	shalt  }
.Lfunc_end0:
.L_simem_size_0:
called_computation_lowered:
.L_overlay_start_0:
0x88: {  	s2 =	sld [smem:$0x3FD9]  }
0x89: {  	s3 =	sld [smem:$0x3FFE];
	_ =	sdelay $0x1  }
0x8a: {  	s1 =	srdreg.scid  }
0x8b: {  	s0 =	sand.u32 $0x1, s1  }
0x8c: {  	s14 =	sshll.u32 s0, $0xA;
	s2 =	sadd.s32 s3, s2  }
0x8d: {  	s2 =	sadd.s32 s2, s14  }
0x8e: {  	[smem:$0x3FBD] =	sst s2  }
0x8f: {  	_ = 	snop  }
0x90: {  	s2 =	sld [smem:$0x3FD0];
	_ =	sdelay $0x2  }
0x91: {  	s15 =	simm.s32 $0xB;
	s4 =	simm.s32 $0x10  }
0x92: {  	[smem:s4], [sflag:s15] =	dma.local [hbm:s2], $0x1  }
0x93: {  	_ =	swait.eq [sflag:s15], $0x1  }
0x94: {  	[sflag:s15] =	ssyncset.done $0x0  }
0x95: {  	[sflag:s15] =	ssyncadd.s32 $0xFFFFFFFF  }
0x96: {  	s16 =	sld [smem:$0x14];
	(tm) =	ssettm $0x1  }
0x97: {  	s17 =	sld [smem:$0x3FFB];
	_ =	sdelay $0x3  }
0x98: {  	_ =	strace s17  }
0x99: {  	s3 =	sld [smem:$0x3FFC];
	_ =	sdelay $0x3  }
0x9a: {  	_ =	strace s3  }
0x9b: {  	s3 =	sld [smem:$0x3FFD];
	_ =	sdelay $0x3  }
0x9c: {  	_ =	strace s3  }
0x9d: {  	_ =	strace $0x8FFFFFFF  }
0x9e: {  	s18 =	sld [smem:$0x3FDB];
	_ =	sdelay $0x1  }
0x9f: {  	s19 =	simm.s32 $_scs_section_size  }
0xa0: {  	s5 =	simm.s32 $_size__tile_overlayer_lowered;
	s6 =	simm.s32 $_tile_overlayer_lowered  }
0xa1: {  	s22 =	simm.s32 $0x1BFF;
	s21 =	sshll.u32 s6, $0x1;
	s3 =	sadd.s32 s19, s18  }
0xa2: {  	s7 =	simm.s32 $0x0;
	s20 =	sshll.u32 s5, $0x1;
	s5 =	sadd.s32 s21, s3  }
0xa3: {  	[timem:s7], [sflag:s22] =	dma.local [hbm:s5], s20  }
0xa4: {  	_ =	swait.ge [sflag:s22], s20  }
0xa5: {  	s4 =	ssub.s32 $0x0, s20;
	[sflag:s22] =	ssyncset.done $0x0  }
0xa6: {  	[sflag:s22] =	ssyncadd.s32 s4;
	_ =	sdelay $0x1  }
0xa7: {  	s23 =	simm.s32 $0x1B8B  }
0xa8: {  	_ =	swait.ge [sflag:s23], $0x1  }
0xa9: {  	[sflag:s23] =	ssyncset.done $0x0  }
0xaa: {  	s25 =	simm.s32 $0x1B8E;
	s24 =	sld [smem:$0x3FFE];
	[sflag:s23] =	ssyncadd.s32 $0xFFFFFFFF  }
0xab: {  	s26 =	simm.s32 $execute0_lowered;
	[smem:$0x3FD2] =	sst s25  }
0xac: {  	s5 =	sshll.u32 s26, $0x1;
	_ =	strace $0x80000046;
	[dreg:$0x1] =	wrdreg $0xFFFFFFFF  }
0xad: {  	s28 =	simm.s32 $_size_execute0_lowered;
	s3 =	sadd.s32 s3, s5;
	[dreg:$0x0] =	wrdreg $0x0  }
0xae: {  	s5 =	sshll.u32 s28, $0x1;
	[dreg:$0x2] =	wrdreg s3  }
0xaf: {  	[dreg:$0x3] =	wrdreg s5  }
0xb0: {  	[dreg:$0x4] =	wrdreg $0xC0  }
0xb1: {  	_ =	task [dreg:s7], $0x5FFFF  }
0xb2: {  	[dreg:$0x1] =	wrdreg $0xFFFFFFFF  }
0xb3: {  	[dreg:$0x0] =	wrdreg $0x60  }
0xb4: {  	[dreg:$0x2] =	wrdreg s16  }
0xb5: {  	[dreg:$0x3] =	wrdreg s24  }
0xb6: {  	[dreg:$0x4] =	wrdreg $0xC8000  }
0xb7: {  	[dreg:$0x5] =	wrdreg $0x9  }
0xb8: {  	_ =	task.clear_ibuf [dreg:s7], $0x6FFFF;
	_ =	strace $0x90000046  }
0xb9: {  	s29 =	simm.s32 $0x9;
	_ =	strace $0x80000048  }
0xba: {  	_ =	swait.ge [sflag:s29], $0x1  }
0xbb: {  	[sflag:s29] =	ssyncadd.s32 $0xFFFFFFFF  }
0xbc: {  	_ =	strace $0x90000048  }
0xbd: {  	_ =	sfence  }
0xbe: {  	s30 =	sld [smem:$0x0];
	_ =	sdelay $0x2  }
0xbf: {  	s31 =	sshll.u32 s1, $0xD;
	s1 =	sshrl.u32 s1, $0x2  }
0xc0: {  	s3 =	sand.u32 $0x4000, s31;
	s1 =	sadd.s32 s1, s30  }
0xc1: {  	s0 =	sor.u32 s3, s0;
	s1 =	sshll.u32 s1, $0x11  }
0xc2: {  	s0 =	sor.u32 s1, s0  }
0xc3: {  	s0 =	sadd.s32 $0x8F2B, s0  }
0xc4: {  	[sflag:s0] =	ssyncadd.remote.s32 $0x1  }
0xc5: {  	_ =	sfence.sel $0xFFFF  }
0xc6: {  	[dreg:$0x0] =	wrdreg $0xFFFFFFFF;
	(pc) =	sbr.abs _section_cstart, $3  }
0xc7: {  	[dreg:$0x1] =	wrdreg $0xFFFFFFFF  }
0xc8: {  	_ =	task.clear_ibuf [dreg:s7], $0x2FFFF;
	_ =	strace $0x9FFFFFFF  }
0xc9: {  	(tm) =	ssettm $0x7FFFFFFF  }
tec
execute0_lowered:
.L_overlay_start_1:
0x0: {  	(tag) =	ssettag $0x1  }
0x1: {  	s4 =	rddreg [dreg:$0x0]  }
0x2: {  	s5 =	rddreg [dreg:$0x1]  }
0x3: {  	s2 =	rddreg [dreg:$0x2]  }
0x4: {  	s0 =	rddreg [dreg:$0x3];
	s6 =	srdreg.scid  }
0x5: {  	s3 =	simm.s32 $0x0;
	s1 =	stileid.u32;
	s11 =	simm.s32 $0x800  }
0x6: {  	s12 =	simm.s32 $0x100;
	s13 =	simm.s32 $0x180;
	s14 =	simm.s32 $0x200  }
0x7: {  	s15 =	simm.s32 $0x280;
	s16 =	simm.s32 $0x300;
	s17 =	simm.s32 $0x380  }
0x8: {  	s18 =	simm.s32 $0x400;
	s19 =	simm.s32 $0x480;
	s20 =	simm.s32 $0x500  }
0x9: {  	s21 =	simm.s32 $0x580;
	s22 =	simm.s32 $0x600;
	s23 =	simm.s32 $0x680  }
0xa: {  	s24 =	simm.s32 $0x700;
	s25 =	simm.s32 $0x780;
	s26 =	simm.s32 $0x0  }
0xb: {  	s6 =	sand.u32 $0x1, s6;
	[smem:$0x7FF] =	sst s3;
	s7 =	sshll.u32 s1, $0xC  }
0xc: {  	s31 =	sshll.u32 s1, $0xF;
	s10 =	sshll.u32 s1, $0x9;
	s8 =	ssub.s32 $0x2, s6  }
0xd: {  	_ =	strace $0x80000047;
	s7 =	sadd.s32 s7, s5;
	s9 =	sshll.u32 s6, $0x8  }
0xe: {  	s6 =	sshll.u32 s6, $0x10;
	s30 =	sshrl.u32 s8, $0x1;
	s9 =	sadd.s32 s4, s9  }
0xf: {  	s4 =	sadd.s32 s31, s2;
	s6 =	sadd.s32 s6, s7;
	s8 =	ssub.s32 s8, s30  }
0x10: {  	s5 =	sadd.s32 s10, s9;
	s6 =	sadd.s32 $0x3E00, s6;
	s9 =	simm.s32 $0x1  }
0x11: {  	v0 =	vimm.f32 $0.0e+00;
	v1 =	vimm.f32 $1.000000000e+00;
	s10 =	simm.s32 $0x80;
	s7 =	smax.u32 s8, $0x1;
	s8 =	simm.s32 $0x4800  }
.LBB2_1:
0x12: {  	s28 =	simm.s32 $0x0  }
.LBB2_2:
0x13: {  	p0 =	sne.s32 s28, $0x1FE00  }
.Ltmp0:
0x14: {  	_ = 	snop;
	(pc) =	sbr.rel @p0 .LBB2_2-.Ltmp0, $3  }
0x15: {  	_ =	sdelay $0x1  }
0x16: {  	s29 =	sshra.s32 s28, $0x2  }
0x17: {  	s28 =	sadd.s32 $0x200, s28;
	[tilespmem:s29+$0x4800] =	vst v0  }
0x18: {  	s28 =	simm.s32 $0x200;
	s29 =	simm.s32 $0x0  }
.LBB2_4:
0x19: {  	p0 =	sne.s32 s28, $0xFE00;
	[tilespmem:s29+$0x800] =	vst v1;
	s29 =	smov.u32 s28;
	s28 =	sadd.s32 $0x200, s28  }
.Ltmp1:
0x1a: {  	(pc) =	sbr.rel @p0 .LBB2_4-.Ltmp1, $2  }
0x1b: {  	_ =	sdelay $0x2  }
0x1c: {  	s29 =	sshra.s32 s29, $0x2  }
0x1d: {  	[tilespmem:s29+$0x800] =	vst v1  }
0x1e: {  	[spmem:s4] =	stream.linear.scatter [tilespmem:s8], [sflag:$0x1], $0x8000, $0x38;
	[tilespmem:$0xD800] =	vst v63  }
0x1f: {  	_ =	swait.ge [sflag:s9], $0x8000  }
0x20: {  	[sflag:s9] =	ssyncset.done $0x0  }
0x21: {  	[sflag:s9] =	ssyncadd.s32 $0xFFFF8000  }
0x22: {  	[bflag:$0x0] =	sbarrier.arrive $0xFFFF  }
0x23: {  	[tilespmem:s3], [sflag:$0x1] =	stream.linear.gather [hbm4b:s5+s3], $0x800, $0x38;
	[tilespmem:$0xD800] =	vst v63  }
0x24: {  	_ =	swait.ge [sflag:s9], $0x800  }
0x25: {  	[sflag:s9] =	ssyncset.done $0x0  }
0x26: {  	[sflag:s9] =	ssyncadd.s32 $0xFFFFF800  }
0x27: {  	[spmem:s2] =	stream.indirect.scatter.add.f32 [tilespmem:s11], [sflag:$0x1], $0x10, s3, s10, $0xb8;
	[tilespmem:$0xD800] =	vst v63  }
0x28: {  	_ =	swait.ge [sflag:s9], $0x800  }
0x29: {  	[sflag:s9] =	ssyncset.done $0x0  }
0x2a: {  	[sflag:s9] =	ssyncadd.s32 $0xFFFFF800  }
0x2b: {  	[spmem:s2] =	stream.indirect.scatter.add.f32 [tilespmem:s11], [sflag:$0x1], $0x10, s10, s10, $0xb8;
	[tilespmem:$0xD800] =	vst v63  }
0x2c: {  	_ =	swait.ge [sflag:s9], $0x800  }
0x2d: {  	[sflag:s9] =	ssyncset.done $0x0  }
0x2e: {  	[sflag:s9] =	ssyncadd.s32 $0xFFFFF800  }
0x2f: {  	[spmem:s2] =	stream.indirect.scatter.add.f32 [tilespmem:s11], [sflag:$0x1], $0x10, s12, s10, $0xb8;
	[tilespmem:$0xD800] =	vst v63  }
0x30: {  	_ =	swait.ge [sflag:s9], $0x800  }
0x31: {  	[sflag:s9] =	ssyncset.done $0x0  }
0x32: {  	[sflag:s9] =	ssyncadd.s32 $0xFFFFF800  }
0x33: {  	[spmem:s2] =	stream.indirect.scatter.add.f32 [tilespmem:s11], [sflag:$0x1], $0x10, s13, s10, $0xb8;
	[tilespmem:$0xD800] =	vst v63  }
0x34: {  	_ =	swait.ge [sflag:s9], $0x800  }
0x35: {  	[sflag:s9] =	ssyncset.done $0x0  }
0x36: {  	[sflag:s9] =	ssyncadd.s32 $0xFFFFF800  }
0x37: {  	[spmem:s2] =	stream.indirect.scatter.add.f32 [tilespmem:s11], [sflag:$0x1], $0x10, s14, s10, $0xb8;
	[tilespmem:$0xD800] =	vst v63  }
0x38: {  	_ =	swait.ge [sflag:s9], $0x800  }
0x39: {  	[sflag:s9] =	ssyncset.done $0x0  }
0x3a: {  	[sflag:s9] =	ssyncadd.s32 $0xFFFFF800  }
0x3b: {  	[spmem:s2] =	stream.indirect.scatter.add.f32 [tilespmem:s11], [sflag:$0x1], $0x10, s15, s10, $0xb8;
	[tilespmem:$0xD800] =	vst v63  }
0x3c: {  	_ =	swait.ge [sflag:s9], $0x800  }
0x3d: {  	[sflag:s9] =	ssyncset.done $0x0  }
0x3e: {  	[sflag:s9] =	ssyncadd.s32 $0xFFFFF800  }
0x3f: {  	[spmem:s2] =	stream.indirect.scatter.add.f32 [tilespmem:s11], [sflag:$0x1], $0x10, s16, s10, $0xb8;
	[tilespmem:$0xD800] =	vst v63  }
0x40: {  	_ =	swait.ge [sflag:s9], $0x800  }
0x41: {  	[sflag:s9] =	ssyncset.done $0x0  }
0x42: {  	[sflag:s9] =	ssyncadd.s32 $0xFFFFF800  }
0x43: {  	[spmem:s2] =	stream.indirect.scatter.add.f32 [tilespmem:s11], [sflag:$0x1], $0x10, s17, s10, $0xb8;
	[tilespmem:$0xD800] =	vst v63  }
0x44: {  	_ =	swait.ge [sflag:s9], $0x800  }
0x45: {  	[sflag:s9] =	ssyncset.done $0x0  }
0x46: {  	[sflag:s9] =	ssyncadd.s32 $0xFFFFF800  }
0x47: {  	[spmem:s2] =	stream.indirect.scatter.add.f32 [tilespmem:s11], [sflag:$0x1], $0x10, s18, s10, $0xb8;
	[tilespmem:$0xD800] =	vst v63  }
0x48: {  	_ =	swait.ge [sflag:s9], $0x800  }
0x49: {  	[sflag:s9] =	ssyncset.done $0x0  }
0x4a: {  	[sflag:s9] =	ssyncadd.s32 $0xFFFFF800  }
0x4b: {  	[spmem:s2] =	stream.indirect.scatter.add.f32 [tilespmem:s11], [sflag:$0x1], $0x10, s19, s10, $0xb8;
	[tilespmem:$0xD800] =	vst v63  }
0x4c: {  	_ =	swait.ge [sflag:s9], $0x800  }
0x4d: {  	[sflag:s9] =	ssyncset.done $0x0  }
0x4e: {  	[sflag:s9] =	ssyncadd.s32 $0xFFFFF800  }
0x4f: {  	[spmem:s2] =	stream.indirect.scatter.add.f32 [tilespmem:s11], [sflag:$0x1], $0x10, s20, s10, $0xb8;
	[tilespmem:$0xD800] =	vst v63  }
0x50: {  	_ =	swait.ge [sflag:s9], $0x800  }
0x51: {  	[sflag:s9] =	ssyncset.done $0x0  }
0x52: {  	[sflag:s9] =	ssyncadd.s32 $0xFFFFF800  }
0x53: {  	[spmem:s2] =	stream.indirect.scatter.add.f32 [tilespmem:s11], [sflag:$0x1], $0x10, s21, s10, $0xb8;
	[tilespmem:$0xD800] =	vst v63  }
0x54: {  	_ =	swait.ge [sflag:s9], $0x800  }
0x55: {  	[sflag:s9] =	ssyncset.done $0x0  }
0x56: {  	[sflag:s9] =	ssyncadd.s32 $0xFFFFF800  }
0x57: {  	[spmem:s2] =	stream.indirect.scatter.add.f32 [tilespmem:s11], [sflag:$0x1], $0x10, s22, s10, $0xb8;
	[tilespmem:$0xD800] =	vst v63  }
0x58: {  	_ =	swait.ge [sflag:s9], $0x800  }
0x59: {  	[sflag:s9] =	ssyncset.done $0x0  }
0x5a: {  	[sflag:s9] =	ssyncadd.s32 $0xFFFFF800  }
0x5b: {  	[spmem:s2] =	stream.indirect.scatter.add.f32 [tilespmem:s11], [sflag:$0x1], $0x10, s23, s10, $0xb8;
	[tilespmem:$0xD800] =	vst v63  }
0x5c: {  	_ =	swait.ge [sflag:s9], $0x800  }
0x5d: {  	[sflag:s9] =	ssyncset.done $0x0  }
0x5e: {  	[sflag:s9] =	ssyncadd.s32 $0xFFFFF800  }
0x5f: {  	[spmem:s2] =	stream.indirect.scatter.add.f32 [tilespmem:s11], [sflag:$0x1], $0x10, s24, s10, $0xb8;
	[tilespmem:$0xD800] =	vst v63  }
0x60: {  	_ =	swait.ge [sflag:s9], $0x800  }
0x61: {  	[sflag:s9] =	ssyncset.done $0x0  }
0x62: {  	[sflag:s9] =	ssyncadd.s32 $0xFFFFF800  }
0x63: {  	[spmem:s2] =	stream.indirect.scatter.add.f32 [tilespmem:s11], [sflag:$0x1], $0x10, s25, s10, $0xb8;
	[tilespmem:$0xD800] =	vst v63  }
0x64: {  	_ =	swait.ge [sflag:s9], $0x800  }
0x65: {  	s28 =	sshll.u32 s1, $0x6;
	s26 =	sadd.s32 $0x1, s26;
	[sflag:s9] =	ssyncset.done $0x0  }
0x66: {  	s31 =	sshrl.u32 s4, $0x3;
	p0 =	sne.s32 s26, s7;
	[sflag:s9] =	ssyncadd.s32 $0xFFFFF800  }
.Ltmp2:
0x67: {  	s28 =	sor.u32 $0x1C01, s28;
	[bflag:$0x0] =	sbarrier.arrive $0xFFFF;
	(pc) =	sbr.rel @p0 .LBB2_1-.Ltmp2, $4  }
0x68: {  	[hbm:s6], [sflag:s28] =	dma.local [spmem:s31], $0x1000  }
0x69: {  	_ =	swait.ge [sflag:s9], $0x1000  }
0x6a: {  	[sflag:s9] =	ssyncset.done $0x0  }
0x6b: {  	[sflag:s9] =	ssyncadd.s32 $0xFFFFF000  }
0x6c: {  	_ =	sfence.sel $0x180000  }
0x6d: {  	[bflag:$0x0] =	sbarrier.arrive $0xFFFF  }
0x6e: {  	p0 =	sne.s32 s1, $0x0;
	_ =	strace $0x90000047  }
0x6f: {  	s0 =	sadd.s32 @!p0 $0x100000, s0;
	[bflag:$0x2] =	sbarrier.arrive $0xFFFF  }
0x70: {  	[sflag:s0] =	ssyncadd.tile.s32 @!p0 $0x1;
	_ =	shalt  }
.Lfunc_end2:
_tile_overlayer_lowered:
.L_overlay_start_2:
0x71: {  	(tag) =	ssettag $0x2  }
0x72: {  	s0 =	rddreg [dreg:$0x0];
	s2 =	stileid.u32  }
0x73: {  	s1 =	rddreg [dreg:$0x1];
	p0 =	sne.s32 s2, $0x0  }
0x74: {  	s3 =	rddreg [dreg:$0x2];
	[bflag:$0x3] =	sbarrier.arrive $0xFFFF;
	s2 =	simm.s32 @!p0 $0x1C01  }
0x75: {  	[timem:s3], [sflag:s2] =	dma.local @!p0 [hbm:s0], s1  }
0x76: {  	s0 =	simm.s32 @!p0 $0x1  }
0x77: {  	_ =	swait.ge @!p0 [sflag:s0], s1  }
0x78: {  	s1 =	ssub.s32 @!p0 $0x0, s1;
	[sflag:s0] =	ssyncset.done @!p0 $0x0  }
0x79: {  	[sflag:s0] =	ssyncadd.s32 @!p0 s1  }
0x7a: {  	[bflag:$0x3] =	sbarrier.arrive $0xFFFF  }
0x7b: {  	_ =	shalt  }

// kernel: kernel.14.cloned.1.call-start
scs
__scs_entry_jumppad:
0x0: {  	(pc) =	sbr.rel $0x88, $3  }
0x1: {  	(tag) =	ssettag $0x0;
	lr =	simm.s32 $0x1  }
0x2: {  	[smem:$0x3F96] =	sst lr;
	_ =	strace $0xD0000000  }
0x3: {  	_ = 	snop  }
0x4: {  	_ = 	snop  }
0x5: {  	_ = 	snop  }
0x6: {  	_ = 	snop  }
0x7: {  	_ = 	snop  }
__scs_overlays_trampoline_lowered:
0x8: {  	[smem:$0x3FA5] =	sst s0  }
0x9: {  	[smem:$0x3FA6] =	sst s1  }
0xa: {  	[smem:$0x3FA7] =	sst s2  }
0xb: {  	[smem:$0x3FA8] =	sst s3  }
0xc: {  	[smem:$0x3FA9] =	sst s4  }
0xd: {  	[smem:$0x3FAA] =	sst s5  }
0xe: {  	[smem:$0x3FAB] =	sst s6  }
0xf: {  	[smem:$0x3FAC] =	sst s7  }
0x10: {  	[smem:$0x3FAD] =	sst s8  }
0x11: {  	[smem:$0x3FAE] =	sst s9;
	s0 =	simm.s32 @!p0 $0x0  }
0x12: {  	s1 =	sld [smem:$0x3F94];
	s0 =	simm.s32 @p0 $0x1  }
0x13: {  	[smem:$0x3FAF] =	sst s0;
	s0 =	simm.s32 @!p1 $0x0  }
0x14: {  	s2 =	sld [smem:$0x3F93];
	s0 =	simm.s32 @p1 $0x1  }
0x15: {  	[smem:$0x3FB0] =	sst s0;
	s0 =	simm.s32 @!p2 $0x0  }
0x16: {  	s3 =	sld [smem:$0x3FDB];
	s0 =	simm.s32 @p2 $0x1  }
0x17: {  	s4 =	simm.s32 $0x1BF5;
	[smem:$0x3FB2] =	sst s0  }
0x18: {  	s0 =	sld [smem:$0x3F95];
	_ =	swait.ge [sflag:s4], $0x0  }
0x19: {  	s7 =	sld [smem:$0x3F96]  }
0x1a: {  	s8 =	sadd.s32 $0xFFFFE003, lr  }
0x1b: {  	s9 =	sadd.s32 $0xFFFFFEF7, lr;
	s5 =	simm.s32 $0xFFFFFFFF;
	p2 =	slt.u32 s8, $0xFFFFF086  }
0x1c: {  	p1 =	slt.u32 s9, $0xF7A;
	s5 =	simm.s32 @!p2 $0x0  }
0x1d: {  	s5 =	simm.s32 @p1 $0x1;
	p0 =	seq.s32 s7, s2  }
0x1e: {  	s7 =	smul.u32 @!p0 $0xF7A, s2;
	p2 =	seq.s32 @!p0 s5, $0x0  }
0x1f: {  	s9 =	smul.u32 $0xF7A, s1;
	s8 =	simm.s32 @!p0 $0x1BF5;
	p2 =	por !p2, p0  }
0x20: {  	[sflag:s8] =	ssyncset.s32 @!p0 $0xFFFFF086;
	s6 =	sadd.s32 @!p0 s3, s7;
	s7 =	simm.s32 @!p0 $0x108  }
0x21: {  	s3 =	sadd.s32 s3, s9;
	s6 =	sadd.s32 @!p0 $0x88, s6;
	s7 =	simm.s32 @p2 $0x1082  }
0x22: {  	[simem:s7], [sflag:s8] =	dma.local @!p0 [hbm:s6], $0xF7A  }
0x23: {  	s9 =	sor.u32 $0xD0000000, s2;
	s6 =	simm.s32 $0x108;
	_ =	swait.ge @!p0 [sflag:s8], $0x0  }
0x24: {  	s3 =	sadd.s32 $0x88, s3;
	s6 =	simm.s32 @!p1 $0x1082;
	[sflag:s4] =	ssyncset.s32 $0xFFFFF086  }
0x25: {  	[simem:s6], [sflag:s4] =	dma.local [hbm:s3], $0xF7A  }
0x26: {  	[smem:$0x3F96] =	sst s1;
	(tag) =	ssettag s2;
	_ =	strace s9  }
0x27: {  	s1 =	sld [smem:$0x3FA6]  }
0x28: {  	s2 =	sld [smem:$0x3FA7]  }
0x29: {  	s4 =	sld [smem:$0x3FA9]  }
0x2a: {  	p0 =	seq.s32 s5, $0x0;
	s5 =	sld [smem:$0x3FAA]  }
0x2b: {  	s6 =	sld [smem:$0x3FAB]  }
0x2c: {  	s7 =	sld [smem:$0x3FAC]  }
0x2d: {  	s3 =	simm.s32 $0x108;
	s8 =	sld [smem:$0x3FAD]  }
0x2e: {  	s3 =	simm.s32 @!p0 $0x1082;
	s9 =	sld [smem:$0x3FAE]  }
0x2f: {  	lr =	sadd.s32 s0, s3;
	s0 =	sld [smem:$0x3FA5]  }
0x30: {  	s3 =	sld [smem:$0x3FA8]  }
0x31: {  	[smem:$0x3FB1] =	sst s10  }
0x32: {  	s10 =	sld [smem:$0x3FAF];
	_ =	sdelay $0x3  }
0x33: {  	p0 =	seq.s32 s10, $0x1;
	s10 =	sld [smem:$0x3FB1];
	_ =	sdelay $0x3  }
0x34: {  	[smem:$0x3FB1] =	sst s10  }
0x35: {  	s10 =	sld [smem:$0x3FB0];
	_ =	sdelay $0x3  }
0x36: {  	p1 =	seq.s32 s10, $0x1;
	s10 =	sld [smem:$0x3FB1];
	_ =	sdelay $0x3  }
0x37: {  	[smem:$0x3FB1] =	sst s10  }
0x38: {  	s10 =	sld [smem:$0x3FB2]  }
0x39: {  	_ = 	snop;
	(pc) =	sbr.ind lr, $3  }
0x3a: {  	_ = 	snop  }
0x3b: {  	_ = 	snop  }
0x3c: {  	p2 =	seq.s32 s10, $0x1;
	s10 =	sld [smem:$0x3FB1]  }
0x3d: {  	_ =	shalt  }
0x3e: {  	_ =	shalt  }
0x3f: {  	_ =	shalt  }
0x40: {  	_ =	shalt  }
0x41: {  	_ =	shalt  }
0x42: {  	_ =	shalt  }
0x43: {  	_ =	shalt  }
0x44: {  	_ =	shalt  }
0x45: {  	_ =	shalt  }
0x46: {  	_ =	shalt  }
0x47: {  	_ =	shalt  }
0x48: {  	_ =	shalt  }
0x49: {  	_ =	shalt  }
0x4a: {  	_ =	shalt  }
0x4b: {  	_ =	shalt  }
0x4c: {  	_ =	shalt  }
0x4d: {  	_ =	shalt  }
0x4e: {  	_ =	shalt  }
0x4f: {  	_ =	shalt  }
0x50: {  	_ =	shalt  }
0x51: {  	_ =	shalt  }
0x52: {  	_ =	shalt  }
0x53: {  	_ =	shalt  }
0x54: {  	_ =	shalt  }
0x55: {  	_ =	shalt  }
0x56: {  	_ =	shalt  }
0x57: {  	_ =	shalt  }
0x58: {  	_ =	shalt  }
0x59: {  	_ =	shalt  }
0x5a: {  	_ =	shalt  }
0x5b: {  	_ =	shalt  }
0x5c: {  	_ =	shalt  }
0x5d: {  	_ =	shalt  }
0x5e: {  	_ =	shalt  }
0x5f: {  	_ =	shalt  }
0x60: {  	_ =	shalt  }
0x61: {  	_ =	shalt  }
0x62: {  	_ =	shalt  }
0x63: {  	_ =	shalt  }
0x64: {  	_ =	shalt  }
0x65: {  	_ =	shalt  }
0x66: {  	_ =	shalt  }
0x67: {  	_ =	shalt  }
0x68: {  	_ =	shalt  }
0x69: {  	_ =	shalt  }
0x6a: {  	_ =	shalt  }
0x6b: {  	_ =	shalt  }
0x6c: {  	_ =	shalt  }
0x6d: {  	_ =	shalt  }
0x6e: {  	_ =	shalt  }
0x6f: {  	_ =	shalt  }
0x70: {  	_ =	shalt  }
0x71: {  	_ =	shalt  }
0x72: {  	_ =	shalt  }
0x73: {  	_ =	shalt  }
0x74: {  	_ =	shalt  }
0x75: {  	_ =	shalt  }
0x76: {  	_ =	shalt  }
0x77: {  	_ =	shalt  }
0x78: {  	_ =	shalt  }
0x79: {  	_ =	shalt  }
0x7a: {  	_ =	shalt  }
0x7b: {  	_ =	shalt  }
0x7c: {  	_ =	shalt  }
0x7d: {  	_ =	shalt  }
0x7e: {  	_ =	shalt  }
0x7f: {  	_ =	shalt  }
0x80: {  	_ =	shalt  }
0x81: {  	_ =	shalt  }
0x82: {  	_ =	shalt  }
0x83: {  	_ =	shalt  }
0x84: {  	_ =	shalt  }
0x85: {  	_ =	shalt  }
0x86: {  	_ =	shalt  }
0x87: {  	_ =	shalt  }
.Lfunc_end0:
.L_simem_size_0:
called_computation.1_lowered:
.L_overlay_start_0:
0x88: {  	s2 =	sld [smem:$0x3FD9]  }
0x89: {  	s3 =	sld [smem:$0x3FFE];
	_ =	sdelay $0x1  }
0x8a: {  	s1 =	srdreg.scid  }
0x8b: {  	s0 =	sand.u32 $0x1, s1  }
0x8c: {  	s14 =	sshll.u32 s0, $0xA;
	s2 =	sadd.s32 s3, s2  }
0x8d: {  	s2 =	sadd.s32 s2, s14  }
0x8e: {  	[smem:$0x3FBD] =	sst s2  }
0x8f: {  	_ = 	snop  }
0x90: {  	s2 =	sld [smem:$0x3FD0];
	_ =	sdelay $0x2  }
0x91: {  	s15 =	simm.s32 $0xB;
	s4 =	simm.s32 $0x10  }
0x92: {  	[smem:s4], [sflag:s15] =	dma.local [hbm:s2], $0x1  }
0x93: {  	_ =	swait.eq [sflag:s15], $0x1  }
0x94: {  	[sflag:s15] =	ssyncset.done $0x0  }
0x95: {  	s16 =	sld [smem:$0x13];
	[sflag:s15] =	ssyncadd.s32 $0xFFFFFFFF  }
0x96: {  	s17 =	sld [smem:$0x14];
	(tm) =	ssettm $0x1  }
0x97: {  	s18 =	sld [smem:$0x3FFB];
	_ =	sdelay $0x3  }
0x98: {  	_ =	strace s18  }
0x99: {  	s4 =	sld [smem:$0x3FFC];
	_ =	sdelay $0x3  }
0x9a: {  	_ =	strace s4  }
0x9b: {  	s4 =	sld [smem:$0x3FFD];
	_ =	sdelay $0x3  }
0x9c: {  	_ =	strace s4  }
0x9d: {  	_ =	strace $0x8FFFFFFF  }
0x9e: {  	s19 =	sld [smem:$0x3FDB];
	_ =	sdelay $0x1  }
0x9f: {  	s5 =	simm.s32 $_scs_section_size  }
0xa0: {  	s6 =	simm.s32 $_size__tile_overlayer_lowered;
	s7 =	simm.s32 $_tile_overlayer_lowered  }
0xa1: {  	s22 =	simm.s32 $0x1BFF;
	s21 =	sshll.u32 s7, $0x1;
	s4 =	sadd.s32 s5, s19  }
0xa2: {  	s8 =	simm.s32 $0x0;
	s20 =	sshll.u32 s6, $0x1;
	s6 =	sadd.s32 s21, s4  }
0xa3: {  	[timem:s8], [sflag:s22] =	dma.local [hbm:s6], s20  }
0xa4: {  	_ =	swait.ge [sflag:s22], s20  }
0xa5: {  	s5 =	ssub.s32 $0x0, s20;
	[sflag:s22] =	ssyncset.done $0x0  }
0xa6: {  	[sflag:s22] =	ssyncadd.s32 s5;
	_ =	sdelay $0x1  }
0xa7: {  	s23 =	simm.s32 $0x1B8B  }
0xa8: {  	_ =	swait.ge [sflag:s23], $0x1  }
0xa9: {  	[sflag:s23] =	ssyncset.done $0x0  }
0xaa: {  	s25 =	simm.s32 $0x1B8E;
	s24 =	sld [smem:$0x3FFE];
	[sflag:s23] =	ssyncadd.s32 $0xFFFFFFFF  }
0xab: {  	s26 =	simm.s32 $execute0_lowered;
	[smem:$0x3FD2] =	sst s25  }
0xac: {  	s6 =	sshll.u32 s26, $0x1;
	_ =	strace $0x80000049;
	[dreg:$0x1] =	wrdreg $0xFFFFFFFF  }
0xad: {  	s28 =	simm.s32 $_size_execute0_lowered;
	s4 =	sadd.s32 s4, s6;
	[dreg:$0x0] =	wrdreg $0x0  }
0xae: {  	s6 =	sshll.u32 s28, $0x1;
	[dreg:$0x2] =	wrdreg s4  }
0xaf: {  	[dreg:$0x3] =	wrdreg s6  }
0xb0: {  	[dreg:$0x4] =	wrdreg $0xC0  }
0xb1: {  	_ =	task [dreg:s8], $0x5FFFF  }
0xb2: {  	[dreg:$0x1] =	wrdreg $0xFFFFFFFF  }
0xb3: {  	[dreg:$0x0] =	wrdreg $0x60  }
0xb4: {  	[dreg:$0x2] =	wrdreg s16  }
0xb5: {  	[dreg:$0x3] =	wrdreg s17  }
0xb6: {  	[dreg:$0x4] =	wrdreg s24  }
0xb7: {  	[dreg:$0x5] =	wrdreg $0xD0000  }
0xb8: {  	[dreg:$0x6] =	wrdreg $0x9  }
0xb9: {  	_ =	task.clear_ibuf [dreg:s8], $0x7FFFF;
	_ =	strace $0x90000049  }
0xba: {  	s29 =	simm.s32 $0x9;
	_ =	strace $0x8000004B  }
0xbb: {  	_ =	swait.ge [sflag:s29], $0x1  }
0xbc: {  	[sflag:s29] =	ssyncadd.s32 $0xFFFFFFFF  }
0xbd: {  	_ =	strace $0x9000004B  }
0xbe: {  	_ =	sfence  }
0xbf: {  	s30 =	sld [smem:$0x0];
	_ =	sdelay $0x2  }
0xc0: {  	s31 =	sshll.u32 s1, $0xD;
	s1 =	sshrl.u32 s1, $0x2  }
0xc1: {  	s3 =	sand.u32 $0x4000, s31;
	s1 =	sadd.s32 s1, s30  }
0xc2: {  	s0 =	sor.u32 s3, s0;
	s1 =	sshll.u32 s1, $0x11  }
0xc3: {  	s0 =	sor.u32 s1, s0  }
0xc4: {  	s0 =	sadd.s32 $0x8F2B, s0  }
0xc5: {  	[sflag:s0] =	ssyncadd.remote.s32 $0x1  }
0xc6: {  	_ =	sfence.sel $0xFFFF  }
0xc7: {  	[dreg:$0x0] =	wrdreg $0xFFFFFFFF;
	(pc) =	sbr.abs _section_cstart, $3  }
0xc8: {  	[dreg:$0x1] =	wrdreg $0xFFFFFFFF  }
0xc9: {  	_ =	task.clear_ibuf [dreg:s8], $0x2FFFF;
	_ =	strace $0x9FFFFFFF  }
0xca: {  	(tm) =	ssettm $0x7FFFFFFF  }
0xcb: {  	_ =	shalt  }
tec
execute0_lowered:
.L_overlay_start_1:
0x0: {  	(tag) =	ssettag $0x1  }
0x1: {  	s0 =	rddreg [dreg:$0x0]  }
0x2: {  	s2 =	rddreg [dreg:$0x1]  }
0x3: {  	s5 =	rddreg [dreg:$0x2]  }
0x4: {  	s1 =	rddreg [dreg:$0x3];
	s3 =	simm.s32 $0x0;
	s4 =	srdreg.scid  }
0x5: {  	s12 =	stileid.u32;
	s14 =	simm.s32 $0x800;
	s15 =	simm.s32 $0x80  }
0x6: {  	s16 =	simm.s32 $0x1000;
	s17 =	simm.s32 $0x5000;
	s18 =	simm.s32 $0x1  }
0x7: {  	s20 =	simm.s32 $0x2;
	s28 =	simm.s32 $0x600;
	s29 =	simm.s32 $0xD80  }
0x8: {  	s30 =	simm.s32 $0x680;
	s31 =	simm.s32 $0xE00;
	s19 =	simm.s32 $0x780  }
0x9: {  	s21 =	simm.s32 $0xF00;
	s22 =	simm.s32 $0xF80;
	s23 =	simm.s32 $0x0  }
0xa: {  	[smem:$0x7FF] =	sst s3;
	s7 =	sand.u32 $0x1, s4;
	s4 =	sadd.s32 $0x23E00, s5  }
0xb: {  	s8 =	sshll.u32 s12, $0xF;
	s10 =	sadd.s32 $0x33E00, s5;
	s12 =	sshll.u32 s12, $0x9  }
0xc: {  	_ =	strace $0x8000004A;
	s6 =	ssub.s32 $0x2, s7;
	s9 =	sor.u32 $0x4000, s8  }
0xd: {  	s5 =	sadd.s32 s8, s1;
	s13 =	sshll.u32 s7, $0x8;
	s7 =	sshll.u32 s7, $0x13  }
0xe: {  	s24 =	sshrl.u32 s6, $0x1;
	s12 =	sor.u32 s13, s12;
	s8 =	sor.u32 s8, s7  }
0xf: {  	s13 =	simm.s32 $0x3;
	s11 =	ssub.s32 s6, s24;
	s6 =	sadd.s32 s9, s1  }
0x10: {  	s9 =	sor.u32 s7, s9;
	s7 =	sadd.s32 s0, s12;
	s25 =	sshrl.u32 s8, $0x3  }
0x11: {  	s8 =	sadd.s32 s2, s12;
	s12 =	simm.s32 $0x9000;
	s0 =	simm.s32 $0x700  }
0x12: {  	s2 =	simm.s32 $0xE80;
	s26 =	sshrl.u32 s9, $0x3;
	s9 =	sadd.s32 s10, s25  }
0x13: {  	v0 =	vimm.f32 $0.0e+00;
	s11 =	smax.u32 s11, $0x1;
	s10 =	sadd.s32 s10, s26;
	s26 =	simm.s32 $0xD00  }
.LBB2_1:
0x14: {  	s24 =	simm.s32 $0x0;
	s25 =	simm.s32 $0x200  }
.LBB2_2:
0x15: {  	p0 =	sne.s32 s25, $0xFE00;
	[tilespmem:s24+$0x9070] =	vst v0  }
0x16: {  	[tilespmem:s24+$0x9000] =	vst v0  }
0x17: {  	[tilespmem:s24+$0x9010] =	vst v0  }
.Ltmp0:
0x18: {  	[tilespmem:s24+$0x9020] =	vst v0;
	(pc) =	sbr.rel @p0 .LBB2_2-.Ltmp0, $4  }
0x19: {  	[tilespmem:s24+$0x9030] =	vst v0  }
0x1a: {  	[tilespmem:s24+$0x9040] =	vst v0  }
0x1b: {  	[tilespmem:s24+$0x9050] =	vst v0  }
0x1c: {  	[tilespmem:s24+$0x9060] =	vst v0;
	s24 =	sshra.s32 s25, $0x2;
	s25 =	sadd.s32 $0x200, s25  }
0x1d: {  	[tilespmem:s24+$0x9070] =	vst v0  }
0x1e: {  	[tilespmem:s24+$0x9000] =	vst v0  }
0x1f: {  	[tilespmem:s24+$0x9010] =	vst v0  }
0x20: {  	[tilespmem:s24+$0x9020] =	vst v0  }
0x21: {  	[tilespmem:s24+$0x9030] =	vst v0  }
0x22: {  	[tilespmem:s24+$0x9040] =	vst v0  }
0x23: {  	[tilespmem:s24+$0x9050] =	vst v0  }
0x24: {  	[tilespmem:s24+$0x9060] =	vst v0  }
0x25: {  	[spmem:s5] =	stream.linear.scatter [tilespmem:s12], [sflag:$0x3], $0x4000, $0x38;
	[tilespmem:$0x15000] =	vst v63  }
0x26: {  	_ =	swait.ge [sflag:s13], $0x4000  }
0x27: {  	[sflag:s13] =	ssyncset.done $0x0  }
0x28: {  	[sflag:s13] =	ssyncadd.s32 $0xFFFFC000  }
0x29: {  	[spmem:s6] =	stream.linear.scatter [tilespmem:s12], [sflag:$0x3], $0x4000, $0x38;
	[tilespmem:$0x15000] =	vst v63  }
0x2a: {  	_ =	swait.ge [sflag:s13], $0x4000  }
0x2b: {  	[sflag:s13] =	ssyncset.done $0x0  }
0x2c: {  	[sflag:s13] =	ssyncadd.s32 $0xFFFFC000  }
0x2d: {  	[tilespmem:s3], [sflag:$0x3] =	stream.linear.gather [hbm4b:s7+s3], $0x800, $0x38;
	[tilespmem:$0x15000] =	vst v63  }
0x2e: {  	_ =	swait.ge [sflag:s13], $0x800  }
0x2f: {  	[sflag:s13] =	ssyncset.done $0x0  }
0x30: {  	[sflag:s13] =	ssyncadd.s32 $0xFFFFF800  }
0x31: {  	[tilespmem:s14], [sflag:$0x3] =	stream.linear.gather [hbm4b:s8+s3], $0x800, $0x38;
	[tilespmem:$0x15000] =	vst v63  }
0x32: {  	_ =	swait.ge [sflag:s13], $0x800  }
0x33: {  	[sflag:s13] =	ssyncset.done $0x0  }
0x34: {  	[sflag:s13] =	ssyncadd.s32 $0xFFFFF800  }
0x35: {  	[bflag:$0x0] =	sbarrier.arrive $0xFFFF  }
0x36: {  	[tilespmem:s16], [sflag:$0x1] =	stream.indirect.gather [hbm4b:s4+s15], $0x80, s3, s15, $0xb8;
	[tilespmem:$0x15000] =	vst v63  }
0x37: {  	_ = 	snop  }
0x38: {  	[tilespmem:s17], [sflag:$0x2] =	stream.indirect.gather [hbm4b:s4+s15], $0x80, s15, s15, $0xb8;
	[tilespmem:$0x15000] =	vst v63  }
0x39: {  	_ =	swait.ge [sflag:s18], $0x4000  }
0x3a: {  	[sflag:s18] =	ssyncset.done $0x0  }
0x3b: {  	[sflag:s18] =	ssyncadd.s32 $0xFFFFC000  }
0x3c: {  	[spmem:s1] =	stream.indirect.scatter.add.f32 [tilespmem:s16], [sflag:$0x3], $0x80, s14, s15, $0xb8;
	[tilespmem:$0x15000] =	vst v63  }
0x3d: {  	_ =	swait.ge [sflag:s13], $0x4000  }
0x3e: {  	[sflag:s13] =	ssyncset.done $0x0  }
0x3f: {  	s25 =	simm.s32 $0x100;
	[sflag:s13] =	ssyncadd.s32 $0xFFFFC000  }
0x40: {  	[tilespmem:s16], [sflag:$0x1] =	stream.indirect.gather [hbm4b:s4+s15], $0x80, s25, s15, $0xb8;
	[tilespmem:$0x15000] =	vst v63  }
0x41: {  	_ =	swait.ge [sflag:s20], $0x4000  }
0x42: {  	[sflag:s20] =	ssyncset.done $0x0  }
0x43: {  	s25 =	simm.s32 $0x880;
	[sflag:s20] =	ssyncadd.s32 $0xFFFFC000  }
0x44: {  	[spmem:s1] =	stream.indirect.scatter.add.f32 [tilespmem:s17], [sflag:$0x3], $0x80, s25, s15, $0xb8;
	[tilespmem:$0x15000] =	vst v63  }
0x45: {  	_ =	swait.ge [sflag:s13], $0x4000  }
0x46: {  	[sflag:s13] =	ssyncset.done $0x0  }
0x47: {  	s25 =	simm.s32 $0x180;
	[sflag:s13] =	ssyncadd.s32 $0xFFFFC000  }
0x48: {  	[tilespmem:s17], [sflag:$0x2] =	stream.indirect.gather [hbm4b:s4+s15], $0x80, s25, s15, $0xb8;
	[tilespmem:$0x15000] =	vst v63  }
0x49: {  	_ =	swait.ge [sflag:s18], $0x4000  }
0x4a: {  	[sflag:s18] =	ssyncset.done $0x0  }
0x4b: {  	s25 =	simm.s32 $0x900;
	[sflag:s18] =	ssyncadd.s32 $0xFFFFC000  }
0x4c: {  	[spmem:s1] =	stream.indirect.scatter.add.f32 [tilespmem:s16], [sflag:$0x3], $0x80, s25, s15, $0xb8;
	[tilespmem:$0x15000] =	vst v63  }
0x4d: {  	_ =	swait.ge [sflag:s13], $0x4000  }
0x4e: {  	[sflag:s13] =	ssyncset.done $0x0  }
0x4f: {  	s25 =	simm.s32 $0x200;
	[sflag:s13] =	ssyncadd.s32 $0xFFFFC000  }
0x50: {  	[tilespmem:s16], [sflag:$0x1] =	stream.indirect.gather [hbm4b:s4+s15], $0x80, s25, s15, $0xb8;
	[tilespmem:$0x15000] =	vst v63  }
0x51: {  	_ =	swait.ge [sflag:s20], $0x4000  }
0x52: {  	[sflag:s20] =	ssyncset.done $0x0  }
0x53: {  	s25 =	simm.s32 $0x980;
	[sflag:s20] =	ssyncadd.s32 $0xFFFFC000  }
0x54: {  	[spmem:s1] =	stream.indirect.scatter.add.f32 [tilespmem:s17], [sflag:$0x3], $0x80, s25, s15, $0xb8;
	[tilespmem:$0x15000] =	vst v63  }
0x55: {  	_ =	swait.ge [sflag:s13], $0x4000  }
0x56: {  	[sflag:s13] =	ssyncset.done $0x0  }
0x57: {  	s25 =	simm.s32 $0x280;
	[sflag:s13] =	ssyncadd.s32 $0xFFFFC000  }
0x58: {  	[tilespmem:s17], [sflag:$0x2] =	stream.indirect.gather [hbm4b:s4+s15], $0x80, s25, s15, $0xb8;
	[tilespmem:$0x15000] =	vst v63  }
0x59: {  	_ =	swait.ge [sflag:s18], $0x4000  }
0x5a: {  	[sflag:s18] =	ssyncset.done $0x0  }
0x5b: {  	s25 =	simm.s32 $0xA00;
	[sflag:s18] =	ssyncadd.s32 $0xFFFFC000  }
0x5c: {  	[spmem:s1] =	stream.indirect.scatter.add.f32 [tilespmem:s16], [sflag:$0x3], $0x80, s25, s15, $0xb8;
	[tilespmem:$0x15000] =	vst v63  }
0x5d: {  	_ =	swait.ge [sflag:s13], $0x4000  }
0x5e: {  	[sflag:s13] =	ssyncset.done $0x0  }
0x5f: {  	s25 =	simm.s32 $0x300;
	[sflag:s13] =	ssyncadd.s32 $0xFFFFC000  }
0x60: {  	[tilespmem:s16], [sflag:$0x1] =	stream.indirect.gather [hbm4b:s4+s15], $0x80, s25, s15, $0xb8;
	[tilespmem:$0x15000] =	vst v63  }
0x61: {  	_ =	swait.ge [sflag:s20], $0x4000  }
0x62: {  	[sflag:s20] =	ssyncset.done $0x0  }
0x63: {  	s25 =	simm.s32 $0xA80;
	[sflag:s20] =	ssyncadd.s32 $0xFFFFC000  }
0x64: {  	[spmem:s1] =	stream.indirect.scatter.add.f32 [tilespmem:s17], [sflag:$0x3], $0x80, s25, s15, $0xb8;
	[tilespmem:$0x15000] =	vst v63  }
0x65: {  	_ =	swait.ge [sflag:s13], $0x4000  }
0x66: {  	[sflag:s13] =	ssyncset.done $0x0  }
0x67: {  	s25 =	simm.s32 $0x380;
	[sflag:s13] =	ssyncadd.s32 $0xFFFFC000  }
0x68: {  	[tilespmem:s17], [sflag:$0x2] =	stream.indirect.gather [hbm4b:s4+s15], $0x80, s25, s15, $0xb8;
	[tilespmem:$0x15000] =	vst v63  }
0x69: {  	_ =	swait.ge [sflag:s18], $0x4000  }
0x6a: {  	[sflag:s18] =	ssyncset.done $0x0  }
0x6b: {  	s25 =	simm.s32 $0xB00;
	[sflag:s18] =	ssyncadd.s32 $0xFFFFC000  }
0x6c: {  	[spmem:s1] =	stream.indirect.scatter.add.f32 [tilespmem:s16], [sflag:$0x3], $0x80, s25, s15, $0xb8;
	[tilespmem:$0x15000] =	vst v63  }
0x6d: {  	_ =	swait.ge [sflag:s13], $0x4000  }
0x6e: {  	[sflag:s13] =	ssyncset.done $0x0  }
0x6f: {  	s25 =	simm.s32 $0x400;
	[sflag:s13] =	ssyncadd.s32 $0xFFFFC000  }
0x70: {  	[tilespmem:s16], [sflag:$0x1] =	stream.indirect.gather [hbm4b:s4+s15], $0x80, s25, s15, $0xb8;
	[tilespmem:$0x15000] =	vst v63  }
0x71: {  	_ =	swait.ge [sflag:s20], $0x4000  }
0x72: {  	[sflag:s20] =	ssyncset.done $0x0  }
0x73: {  	s25 =	simm.s32 $0xB80;
	[sflag:s20] =	ssyncadd.s32 $0xFFFFC000  }
0x74: {  	[spmem:s1] =	stream.indirect.scatter.add.f32 [tilespmem:s17], [sflag:$0x3], $0x80, s25, s15, $0xb8;
	[tilespmem:$0x15000] =	vst v63  }
0x75: {  	_ =	swait.ge [sflag:s13], $0x4000  }
0x76: {  	[sflag:s13] =	ssyncset.done $0x0  }
0x77: {  	s25 =	simm.s32 $0x480;
	[sflag:s13] =	ssyncadd.s32 $0xFFFFC000  }
0x78: {  	[tilespmem:s17], [sflag:$0x2] =	stream.indirect.gather [hbm4b:s4+s15], $0x80, s25, s15, $0xb8;
	[tilespmem:$0x15000] =	vst v63  }
0x79: {  	_ =	swait.ge [sflag:s18], $0x4000  }
0x7a: {  	[sflag:s18] =	ssyncset.done $0x0  }
0x7b: {  	s25 =	simm.s32 $0xC00;
	[sflag:s18] =	ssyncadd.s32 $0xFFFFC000  }
0x7c: {  	[spmem:s1] =	stream.indirect.scatter.add.f32 [tilespmem:s16], [sflag:$0x3], $0x80, s25, s15, $0xb8;
	[tilespmem:$0x15000] =	vst v63  }
0x7d: {  	_ =	swait.ge [sflag:s13], $0x4000  }
0x7e: {  	[sflag:s13] =	ssyncset.done $0x0  }
0x7f: {  	s25 =	simm.s32 $0x500;
	[sflag:s13] =	ssyncadd.s32 $0xFFFFC000  }
0x80: {  	[tilespmem:s16], [sflag:$0x1] =	stream.indirect.gather [hbm4b:s4+s15], $0x80, s25, s15, $0xb8;
	[tilespmem:$0x15000] =	vst v63  }
0x81: {  	_ =	swait.ge [sflag:s20], $0x4000  }
0x82: {  	[sflag:s20] =	ssyncset.done $0x0  }
0x83: {  	s25 =	simm.s32 $0xC80;
	[sflag:s20] =	ssyncadd.s32 $0xFFFFC000  }
0x84: {  	[spmem:s1] =	stream.indirect.scatter.add.f32 [tilespmem:s17], [sflag:$0x3], $0x80, s25, s15, $0xb8;
	[tilespmem:$0x15000] =	vst v63  }
0x85: {  	_ =	swait.ge [sflag:s13], $0x4000  }
0x86: {  	[sflag:s13] =	ssyncset.done $0x0  }
0x87: {  	s25 =	simm.s32 $0x580;
	[sflag:s13] =	ssyncadd.s32 $0xFFFFC000  }
0x88: {  	[tilespmem:s17], [sflag:$0x2] =	stream.indirect.gather [hbm4b:s4+s15], $0x80, s25, s15, $0xb8;
	[tilespmem:$0x15000] =	vst v63  }
0x89: {  	_ =	swait.ge [sflag:s18], $0x4000  }
0x8a: {  	[sflag:s18] =	ssyncset.done $0x0  }
0x8b: {  	[sflag:s18] =	ssyncadd.s32 $0xFFFFC000  }
0x8c: {  	[spmem:s1] =	stream.indirect.scatter.add.f32 [tilespmem:s16], [sflag:$0x3], $0x80, s26, s15, $0xb8;
	[tilespmem:$0x15000] =	vst v63  }
0x8d: {  	_ =	swait.ge [sflag:s13], $0x4000  }
0x8e: {  	[sflag:s13] =	ssyncset.done $0x0  }
0x8f: {  	[sflag:s13] =	ssyncadd.s32 $0xFFFFC000  }
0x90: {  	[tilespmem:s16], [sflag:$0x1] =	stream.indirect.gather [hbm4b:s4+s15], $0x80, s28, s15, $0xb8;
	[tilespmem:$0x15000] =	vst v63  }
0x91: {  	_ =	swait.ge [sflag:s20], $0x4000  }
0x92: {  	[sflag:s20] =	ssyncset.done $0x0  }
0x93: {  	[sflag:s20] =	ssyncadd.s32 $0xFFFFC000  }
0x94: {  	[spmem:s1] =	stream.indirect.scatter.add.f32 [tilespmem:s17], [sflag:$0x3], $0x80, s29, s15, $0xb8;
	[tilespmem:$0x15000] =	vst v63  }
0x95: {  	_ =	swait.ge [sflag:s13], $0x4000  }
0x96: {  	[sflag:s13] =	ssyncset.done $0x0  }
0x97: {  	[sflag:s13] =	ssyncadd.s32 $0xFFFFC000  }
0x98: {  	[tilespmem:s17], [sflag:$0x2] =	stream.indirect.gather [hbm4b:s4+s15], $0x80, s30, s15, $0xb8;
	[tilespmem:$0x15000] =	vst v63  }
0x99: {  	_ =	swait.ge [sflag:s18], $0x4000  }
0x9a: {  	[sflag:s18] =	ssyncset.done $0x0  }
0x9b: {  	[sflag:s18] =	ssyncadd.s32 $0xFFFFC000  }
0x9c: {  	[spmem:s1] =	stream.indirect.scatter.add.f32 [tilespmem:s16], [sflag:$0x3], $0x80, s31, s15, $0xb8;
	[tilespmem:$0x15000] =	vst v63  }
0x9d: {  	_ =	swait.ge [sflag:s13], $0x4000  }
0x9e: {  	[sflag:s13] =	ssyncset.done $0x0  }
0x9f: {  	[sflag:s13] =	ssyncadd.s32 $0xFFFFC000  }
0xa0: {  	[tilespmem:s16], [sflag:$0x1] =	stream.indirect.gather [hbm4b:s4+s15], $0x80, s0, s15, $0xb8;
	[tilespmem:$0x15000] =	vst v63  }
0xa1: {  	_ =	swait.ge [sflag:s20], $0x4000  }
0xa2: {  	[sflag:s20] =	ssyncset.done $0x0  }
0xa3: {  	[sflag:s20] =	ssyncadd.s32 $0xFFFFC000  }
0xa4: {  	[spmem:s1] =	stream.indirect.scatter.add.f32 [tilespmem:s17], [sflag:$0x3], $0x80, s2, s15, $0xb8;
	[tilespmem:$0x15000] =	vst v63  }
0xa5: {  	_ =	swait.ge [sflag:s13], $0x4000  }
0xa6: {  	[sflag:s13] =	ssyncset.done $0x0  }
0xa7: {  	[sflag:s13] =	ssyncadd.s32 $0xFFFFC000  }
0xa8: {  	[tilespmem:s17], [sflag:$0x2] =	stream.indirect.gather [hbm4b:s4+s15], $0x80, s19, s15, $0xb8;
	[tilespmem:$0x15000] =	vst v63  }
0xa9: {  	_ =	swait.ge [sflag:s18], $0x4000  }
0xaa: {  	[sflag:s18] =	ssyncset.done $0x0  }
0xab: {  	[sflag:s18] =	ssyncadd.s32 $0xFFFFC000  }
0xac: {  	[spmem:s1] =	stream.indirect.scatter.add.f32 [tilespmem:s16], [sflag:$0x3], $0x80, s21, s15, $0xb8;
	[tilespmem:$0x15000] =	vst v63  }
0xad: {  	_ =	swait.ge [sflag:s13], $0x4000  }
0xae: {  	[sflag:s13] =	ssyncset.done $0x0  }
0xaf: {  	[sflag:s13] =	ssyncadd.s32 $0xFFFFC000  }
0xb0: {  	_ =	swait.ge [sflag:s20], $0x4000  }
0xb1: {  	[sflag:s20] =	ssyncset.done $0x0  }
0xb2: {  	[sflag:s20] =	ssyncadd.s32 $0xFFFFC000  }
0xb3: {  	[spmem:s1] =	stream.indirect.scatter.add.f32 [tilespmem:s17], [sflag:$0x3], $0x80, s22, s15, $0xb8;
	[tilespmem:$0x15000] =	vst v63  }
0xb4: {  	_ =	swait.ge [sflag:s13], $0x4000  }
0xb5: {  	s25 =	stileid.u32;
	[sflag:s13] =	ssyncset.done $0x0  }
0xb6: {  	s24 =	sshll.u32 s25, $0x6;
	[sflag:s13] =	ssyncadd.s32 $0xFFFFC000  }
0xb7: {  	s25 =	sshrl.u32 s5, $0x3;
	s24 =	sor.u32 $0x1C03, s24;
	[bflag:$0x0] =	sbarrier.arrive $0xFFFF  }
0xb8: {  	[hbm:s9], [sflag:s24] =	dma.local [spmem:s25], $0x800  }
0xb9: {  	s23 =	sadd.s32 $0x1, s23;
	_ =	swait.ge [sflag:s13], $0x800  }
0xba: {  	p0 =	sne.s32 s23, s11;
	[sflag:s13] =	ssyncset.done $0x0  }
.Ltmp1:
0xbb: {  	s25 =	sshrl.u32 s6, $0x3;
	[sflag:s13] =	ssyncadd.s32 $0xFFFFF800;
	(pc) =	sbr.rel @p0 .LBB2_1-.Ltmp1, $4  }
0xbc: {  	[hbm:s10], [sflag:s24] =	dma.local [spmem:s25], $0x800  }
0xbd: {  	_ =	swait.ge [sflag:s13], $0x800  }
0xbe: {  	[sflag:s13] =	ssyncset.done $0x0  }
0xbf: {  	[sflag:s13] =	ssyncadd.s32 $0xFFFFF800  }
0xc0: {  	_ =	sfence.sel $0x180000  }
0xc1: {  	[bflag:$0x0] =	sbarrier.arrive $0xFFFF  }
0xc2: {  	_ =	strace $0x9000004A  }
0xc3: {  	s0 =	stileid.u32;
	[bflag:$0x2] =	sbarrier.arrive $0xFFFF  }
0xc4: {  	p0 =	sne.s32 s0, $0x0;
	s0 =	rddreg [dreg:$0x4]  }
0xc5: {  	s0 =	sadd.s32 @!p0 $0x100000, s0  }
0xc6: {  	[sflag:s0] =	ssyncadd.tile.s32 @!p0 $0x1;
	_ =	shalt  }
.Lfunc_end2:
_tile_overlayer_lowered:
.L_overlay_start_2:
0xc7: {  	(tag) =	ssettag $0x2  }
0xc8: {  	s0 =	rddreg [dreg:$0x0];
	s2 =	stileid.u32  }
0xc9: {  	s1 =	rddreg [dreg:$0x1];
	p0 =	sne.s32 s2, $0x0  }
0xca: {  	s3 =	rddreg [dreg:$0x2];
	[bflag:$0x3] =	sbarrier.arrive $0xFFFF;
	s2 =	simm.s32 @!p0 $0x1C03  }
0xcb: {  	[timem:s3], [sflag:s2] =	dma.local @!p0 [hbm:s0], s1  }
0xcc: {  	s0 =	simm.s32 @!p0 $0x3  }
0xcd: {  	_ =	swait.ge @!p0 [sflag:s0], s1  }
0xce: {  	s1 =	ssub.s32 @!p0 $0x0, s1;
	[sflag:s0] =	ssyncset.done @!p0 $0x0  }
0xcf: {  	[sflag:s0] =	ssyncadd.s32 @!p0 s1  }
0xd0: {  	[bflag:$0x3] =	sbarrier.arrive $0xFFFF  }
0xd1: {  	_ =	shalt  }

// kernel: kernel.17.cloned.1.call-start
scs
__scs_entry_jumppad:
0x0: {  	(pc) =	sbr.rel $0x88, $3  }
0x1: {  	(tag) =	ssettag $0x0;
	lr =	simm.s32 $0x1  }
0x2: {  	[smem:$0x3F96] =	sst lr;
	_ =	strace $0xD0000000  }
0x3: {  	_ = 	snop  }
0x4: {  	_ = 	snop  }
0x5: {  	_ = 	snop  }
0x6: {  	_ = 	snop  }
0x7: {  	_ = 	snop  }
__scs_overlays_trampoline_lowered:
0x8: {  	[smem:$0x3FA5] =	sst s0  }
0x9: {  	[smem:$0x3FA6] =	sst s1  }
0xa: {  	[smem:$0x3FA7] =	sst s2  }
0xb: {  	[smem:$0x3FA8] =	sst s3  }
0xc: {  	[smem:$0x3FA9] =	sst s4  }
0xd: {  	[smem:$0x3FAA] =	sst s5  }
0xe: {  	[smem:$0x3FAB] =	sst s6  }
0xf: {  	[smem:$0x3FAC] =	sst s7  }
0x10: {  	[smem:$0x3FAD] =	sst s8  }
0x11: {  	[smem:$0x3FAE] =	sst s9;
	s0 =	simm.s32 @!p0 $0x0  }
0x12: {  	s1 =	sld [smem:$0x3F94];
	s0 =	simm.s32 @p0 $0x1  }
0x13: {  	[smem:$0x3FAF] =	sst s0;
	s0 =	simm.s32 @!p1 $0x0  }
0x14: {  	s2 =	sld [smem:$0x3F93];
	s0 =	simm.s32 @p1 $0x1  }
0x15: {  	[smem:$0x3FB0] =	sst s0;
	s0 =	simm.s32 @!p2 $0x0  }
0x16: {  	s3 =	sld [smem:$0x3FDB];
	s0 =	simm.s32 @p2 $0x1  }
0x17: {  	s4 =	simm.s32 $0x1BF5;
	[smem:$0x3FB2] =	sst s0  }
0x18: {  	s0 =	sld [smem:$0x3F95];
	_ =	swait.ge [sflag:s4], $0x0  }
0x19: {  	s7 =	sld [smem:$0x3F96]  }
0x1a: {  	s8 =	sadd.s32 $0xFFFFE003, lr  }
0x1b: {  	s9 =	sadd.s32 $0xFFFFFEF7, lr;
	s5 =	simm.s32 $0xFFFFFFFF;
	p2 =	slt.u32 s8, $0xFFFFF086  }
0x1c: {  	p1 =	slt.u32 s9, $0xF7A;
	s5 =	simm.s32 @!p2 $0x0  }
0x1d: {  	s5 =	simm.s32 @p1 $0x1;
	p0 =	seq.s32 s7, s2  }
0x1e: {  	s7 =	smul.u32 @!p0 $0xF7A, s2;
	p2 =	seq.s32 @!p0 s5, $0x0  }
0x1f: {  	s9 =	smul.u32 $0xF7A, s1;
	s8 =	simm.s32 @!p0 $0x1BF5;
	p2 =	por !p2, p0  }
0x20: {  	[sflag:s8] =	ssyncset.s32 @!p0 $0xFFFFF086;
	s6 =	sadd.s32 @!p0 s3, s7;
	s7 =	simm.s32 @!p0 $0x108  }
0x21: {  	s3 =	sadd.s32 s3, s9;
	s6 =	sadd.s32 @!p0 $0x88, s6;
	s7 =	simm.s32 @p2 $0x1082  }
0x22: {  	[simem:s7], [sflag:s8] =	dma.local @!p0 [hbm:s6], $0xF7A  }
0x23: {  	s9 =	sor.u32 $0xD0000000, s2;
	s6 =	simm.s32 $0x108;
	_ =	swait.ge @!p0 [sflag:s8], $0x0  }
0x24: {  	s3 =	sadd.s32 $0x88, s3;
	s6 =	simm.s32 @!p1 $0x1082;
	[sflag:s4] =	ssyncset.s32 $0xFFFFF086  }
0x25: {  	[simem:s6], [sflag:s4] =	dma.local [hbm:s3], $0xF7A  }
0x26: {  	[smem:$0x3F96] =	sst s1;
	(tag) =	ssettag s2;
	_ =	strace s9  }
0x27: {  	s1 =	sld [smem:$0x3FA6]  }
0x28: {  	s2 =	sld [smem:$0x3FA7]  }
0x29: {  	s4 =	sld [smem:$0x3FA9]  }
0x2a: {  	p0 =	seq.s32 s5, $0x0;
	s5 =	sld [smem:$0x3FAA]  }
0x2b: {  	s6 =	sld [smem:$0x3FAB]  }
0x2c: {  	s7 =	sld [smem:$0x3FAC]  }
0x2d: {  	s3 =	simm.s32 $0x108;
	s8 =	sld [smem:$0x3FAD]  }
0x2e: {  	s3 =	simm.s32 @!p0 $0x1082;
	s9 =	sld [smem:$0x3FAE]  }
0x2f: {  	lr =	sadd.s32 s0, s3;
	s0 =	sld [smem:$0x3FA5]  }
0x30: {  	s3 =	sld [smem:$0x3FA8]  }
0x31: {  	[smem:$0x3FB1] =	sst s10  }
0x32: {  	s10 =	sld [smem:$0x3FAF];
	_ =	sdelay $0x3  }
0x33: {  	p0 =	seq.s32 s10, $0x1;
	s10 =	sld [smem:$0x3FB1];
	_ =	sdelay $0x3  }
0x34: {  	[smem:$0x3FB1] =	sst s10  }
0x35: {  	s10 =	sld [smem:$0x3FB0];
	_ =	sdelay $0x3  }
0x36: {  	p1 =	seq.s32 s10, $0x1;
	s10 =	sld [smem:$0x3FB1];
	_ =	sdelay $0x3  }
0x37: {  	[smem:$0x3FB1] =	sst s10  }
0x38: {  	s10 =	sld [smem:$0x3FB2]  }
0x39: {  	_ = 	snop;
	(pc) =	sbr.ind lr, $3  }
0x3a: {  	_ = 	snop  }
0x3b: {  	_ = 	snop  }
0x3c: {  	p2 =	seq.s32 s10, $0x1;
	s10 =	sld [smem:$0x3FB1]  }
0x3d: {  	_ =	shalt  }
0x3e: {  	_ =	shalt  }
0x3f: {  	_ =	shalt  }
0x40: {  	_ =	shalt  }
0x41: {  	_ =	shalt  }
0x42: {  	_ =	shalt  }
0x43: {  	_ =	shalt  }
0x44: {  	_ =	shalt  }
0x45: {  	_ =	shalt  }
0x46: {  	_ =	shalt  }
0x47: {  	_ =	shalt  }
0x48: {  	_ =	shalt  }
0x49: {  	_ =	shalt  }
0x4a: {  	_ =	shalt  }
0x4b: {  	_ =	shalt  }
0x4c: {  	_ =	shalt  }
0x4d: {  	_ =	shalt  }
0x4e: {  	_ =	shalt  }
0x4f: {  	_ =	shalt  }
0x50: {  	_ =	shalt  }
0x51: {  	_ =	shalt  }
0x52: {  	_ =	shalt  }
0x53: {  	_ =	shalt  }
0x54: {  	_ =	shalt  }
0x55: {  	_ =	shalt  }
0x56: {  	_ =	shalt  }
0x57: {  	_ =	shalt  }
0x58: {  	_ =	shalt  }
0x59: {  	_ =	shalt  }
0x5a: {  	_ =	shalt  }
0x5b: {  	_ =	shalt  }
0x5c: {  	_ =	shalt  }
0x5d: {  	_ =	shalt  }
0x5e: {  	_ =	shalt  }
0x5f: {  	_ =	shalt  }
0x60: {  	_ =	shalt  }
0x61: {  	_ =	shalt  }
0x62: {  	_ =	shalt  }
0x63: {  	_ =	shalt  }
0x64: {  	_ =	shalt  }
0x65: {  	_ =	shalt  }
0x66: {  	_ =	shalt  }
0x67: {  	_ =	shalt  }
0x68: {  	_ =	shalt  }
0x69: {  	_ =	shalt  }
0x6a: {  	_ =	shalt  }
0x6b: {  	_ =	shalt  }
0x6c: {  	_ =	shalt  }
0x6d: {  	_ =	shalt  }
0x6e: {  	_ =	shalt  }
0x6f: {  	_ =	shalt  }
0x70: {  	_ =	shalt  }
0x71: {  	_ =	shalt  }
0x72: {  	_ =	shalt  }
0x73: {  	_ =	shalt  }
0x74: {  	_ =	shalt  }
0x75: {  	_ =	shalt  }
0x76: {  	_ =	shalt  }
0x77: {  	_ =	shalt  }
0x78: {  	_ =	shalt  }
0x79: {  	_ =	shalt  }
0x7a: {  	_ =	shalt  }
0x7b: {  	_ =	shalt  }
0x7c: {  	_ =	shalt  }
0x7d: {  	_ =	shalt  }
0x7e: {  	_ =	shalt  }
0x7f: {  	_ =	shalt  }
0x80: {  	_ =	shalt  }
0x81: {  	_ =	shalt  }
0x82: {  	_ =	shalt  }
0x83: {  	_ =	shalt  }
0x84: {  	_ =	shalt  }
0x85: {  	_ =	shalt  }
0x86: {  	_ =	shalt  }
0x87: {  	_ =	shalt  }
.Lfunc_end0:
.L_simem_size_0:
called_computation.2_lowered:
.L_overlay_start_0:
0x88: {  	s2 =	sld [smem:$0x3FD9]  }
0x89: {  	s3 =	sld [smem:$0x3FFE];
	_ =	sdelay $0x1  }
0x8a: {  	s1 =	srdreg.scid  }
0x8b: {  	s0 =	sand.u32 $0x1, s1  }
0x8c: {  	s15 =	sshll.u32 s0, $0xA;
	s2 =	sadd.s32 s3, s2  }
0x8d: {  	s2 =	sadd.s32 s2, s15  }
0x8e: {  	[smem:$0x3FBD] =	sst s2  }
0x8f: {  	_ = 	snop  }
0x90: {  	s2 =	sld [smem:$0x3FD0];
	_ =	sdelay $0x2  }
0x91: {  	s5 =	simm.s32 $0xB;
	s16 =	simm.s32 $0x10  }
0x92: {  	[smem:s16], [sflag:s5] =	dma.local [hbm:s2], $0x1  }
0x93: {  	_ =	swait.eq [sflag:s5], $0x1  }
0x94: {  	s17 =	sld [smem:$0x10];
	[sflag:s5] =	ssyncset.done $0x0  }
0x95: {  	s4 =	sld [smem:$0x13];
	[sflag:s5] =	ssyncadd.s32 $0xFFFFFFFF  }
0x96: {  	s18 =	sld [smem:$0x14];
	(tm) =	ssettm $0x1  }
0x97: {  	s19 =	sld [smem:$0x3FFB];
	_ =	sdelay $0x3  }
0x98: {  	_ =	strace s19  }
0x99: {  	s2 =	sld [smem:$0x3FFC];
	_ =	sdelay $0x3  }
0x9a: {  	_ =	strace s2  }
0x9b: {  	s2 =	sld [smem:$0x3FFD];
	_ =	sdelay $0x3  }
0x9c: {  	_ =	strace s2  }
0x9d: {  	_ =	strace $0x8FFFFFFF  }
0x9e: {  	s20 =	sld [smem:$0x3FDB];
	_ =	sdelay $0x1  }
0x9f: {  	s6 =	simm.s32 $_scs_section_size  }
0xa0: {  	s7 =	simm.s32 $_size__tile_overlayer_lowered;
	s8 =	simm.s32 $_tile_overlayer_lowered  }
0xa1: {  	s9 =	simm.s32 $0x1BFF;
	s21 =	sshll.u32 s8, $0x1;
	s6 =	sadd.s32 s6, s20  }
0xa2: {  	s22 =	simm.s32 $0x0;
	s7 =	sshll.u32 s7, $0x1;
	s8 =	sadd.s32 s21, s6  }
0xa3: {  	[timem:s22], [sflag:s9] =	dma.local [hbm:s8], s7  }
0xa4: {  	_ =	swait.ge [sflag:s9], s7  }
0xa5: {  	s7 =	ssub.s32 $0x0, s7;
	[sflag:s9] =	ssyncset.done $0x0  }
0xa6: {  	[sflag:s9] =	ssyncadd.s32 s7;
	_ =	sdelay $0x1  }
0xa7: {  	s23 =	simm.s32 $0x1B8B  }
0xa8: {  	_ =	swait.ge [sflag:s23], $0x1  }
0xa9: {  	[sflag:s23] =	ssyncset.done $0x0  }
0xaa: {  	[sflag:s23] =	ssyncadd.s32 $0xFFFFFFFF  }
0xab: {  	s7 =	sld [smem:$0x0]  }
0xac: {  	s8 =	sand.u32 $0xFFFFFFFE, s1  }
0xad: {  	p0 =	sne.s32 s1, s8  }
0xae: {  	s8 =	sshll.u32 @p0 s8, $0xE  }
0xaf: {  	s8 =	sadd.s32 @p0 $0x11B8D, s8;
	s9 =	sshll.u32 @p0 s7, $0x11  }
0xb0: {  	s8 =	sor.u32 @p0 s9, s8  }
0xb1: {  	[sflag:s8] =	ssyncadd.remote.s32 @p0 $0x1;
	_ =	sdelay $0x1  }
0xb2: {  	s8 =	simm.s32 @p0 $0x1B8D  }
0xb3: {  	_ =	swait.eq @p0 [sflag:s8], $0x1  }
0xb4: {  	[sflag:s8] =	ssyncadd.s32 @p0 $0xFFFFFFFF  }
0xb5: {  	s9 =	sshll.u32 @!p0 s1, $0xE  }
0xb6: {  	s9 =	sor.u32 @!p0 $0x4000, s9;
	s8 =	simm.s32 @!p0 $0x1B8D  }
0xb7: {  	s7 =	sshll.u32 @!p0 s7, $0x11;
	s9 =	sadd.s32 @!p0 $0x11B8D, s9;
	_ =	swait.eq @!p0 [sflag:s8], $0x1  }
0xb8: {  	s7 =	sor.u32 @!p0 s7, s9;
	[sflag:s8] =	ssyncadd.s32 @!p0 $0xFFFFFFFF  }
0xb9: {  	s25 =	simm.s32 $0x1B8E;
	s24 =	sld [smem:$0x3FFE];
	[sflag:s7] =	ssyncadd.remote.s32 @!p0 $0x1  }
0xba: {  	s26 =	simm.s32 $execute0_lowered;
	[smem:$0x3FD2] =	sst s25  }
0xbb: {  	s8 =	sshll.u32 s26, $0x1;
	_ =	strace $0x8000004C;
	[dreg:$0x1] =	wrdreg $0xFFFFFFFF  }
0xbc: {  	s28 =	simm.s32 $_size_execute0_lowered;
	s6 =	sadd.s32 s6, s8;
	[dreg:$0x0] =	wrdreg $0x0  }
0xbd: {  	s8 =	sshll.u32 s28, $0x1;
	[dreg:$0x2] =	wrdreg s6  }
0xbe: {  	[dreg:$0x3] =	wrdreg s8  }
0xbf: {  	[dreg:$0x4] =	wrdreg $0xC0  }
0xc0: {  	_ =	task [dreg:s22], $0x5FFFF  }
0xc1: {  	[dreg:$0x1] =	wrdreg $0xFFFFFFFF  }
0xc2: {  	[dreg:$0x0] =	wrdreg $0x60  }
0xc3: {  	[dreg:$0x2] =	wrdreg s4  }
0xc4: {  	[dreg:$0x3] =	wrdreg s18  }
0xc5: {  	[dreg:$0x4] =	wrdreg s24  }
0xc6: {  	[dreg:$0x5] =	wrdreg s17  }
0xc7: {  	[dreg:$0x6] =	wrdreg $0xD0000  }
0xc8: {  	[dreg:$0x7] =	wrdreg $0xA  }
0xc9: {  	_ =	task.clear_ibuf [dreg:s22], $0x8FFFF;
	_ =	strace $0x9000004C  }
0xca: {  	s29 =	simm.s32 $0xA;
	_ =	strace $0x8000004E  }
0xcb: {  	_ =	swait.ge [sflag:s29], $0x1  }
0xcc: {  	[sflag:s29] =	ssyncadd.s32 $0xFFFFFFFF  }
0xcd: {  	_ =	strace $0x9000004E  }
0xce: {  	_ =	sfence  }
0xcf: {  	s30 =	sld [smem:$0x0];
	_ =	sdelay $0x2  }
0xd0: {  	s31 =	sshll.u32 s1, $0xD;
	s1 =	sshrl.u32 s1, $0x2  }
0xd1: {  	s4 =	sand.u32 $0x4000, s31;
	s1 =	sadd.s32 s1, s30  }
0xd2: {  	s0 =	sor.u32 s4, s0;
	s1 =	sshll.u32 s1, $0x11  }
0xd3: {  	s0 =	sor.u32 s1, s0  }
0xd4: {  	s0 =	sadd.s32 $0x8F2B, s0  }
0xd5: {  	[sflag:s0] =	ssyncadd.remote.s32 $0x1  }
0xd6: {  	_ =	sfence.sel $0xFFFF  }
0xd7: {  	[dreg:$0x0] =	wrdreg $0xFFFFFFFF;
	(pc) =	sbr.abs _section_cstart, $3  }
0xd8: {  	[dreg:$0x1] =	wrdreg $0xFFFFFFFF  }
0xd9: {  	_ =	task.clear_ibuf [dreg:s22], $0x2FFFF;
	_ =	strace $0x9FFFFFFF  }
0xda: {  	(tm) =	ssettm $0x7FFFFFFF  }
0xdb: {  	_ =	shalt  }
tec
execute0_lowered:
.L_overlay_start_1:
0x0: {  	(tag) =	ssettag $0x1  }
0x1: {  	s0 =	rddreg [dreg:$0x0]  }
0x2: {  	s2 =	rddreg [dreg:$0x1]  }
0x3: {  	s4 =	rddreg [dreg:$0x2]  }
0x4: {  	s10 =	rddreg [dreg:$0x3]  }
0x5: {  	s1 =	rddreg [dreg:$0x4];
	s3 =	simm.s32 $0x0  }
0x6: {  	s5 =	srdreg.scid;
	s12 =	stileid.u32;
	s14 =	simm.s32 $0x800  }
0x7: {  	s15 =	simm.s32 $0x80;
	s16 =	simm.s32 $0x1000;
	s17 =	simm.s32 $0x5000  }
0x8: {  	s18 =	simm.s32 $0x1;
	s20 =	simm.s32 $0x2;
	s28 =	simm.s32 $0x600  }
0x9: {  	s29 =	simm.s32 $0xD80;
	s30 =	simm.s32 $0x680;
	s31 =	simm.s32 $0xE00  }
0xa: {  	s19 =	simm.s32 $0x780;
	s21 =	simm.s32 $0xF00;
	s22 =	simm.s32 $0xF80  }
0xb: {  	s23 =	simm.s32 $0x0;
	[smem:$0x7FF] =	sst s3;
	s7 =	sand.u32 $0x1, s5  }
0xc: {  	s8 =	sshll.u32 s12, $0xF;
	s4 =	sadd.s32 $0x53E00, s4;
	s12 =	sshll.u32 s12, $0x9  }
0xd: {  	_ =	strace $0x8000004D;
	s5 =	ssub.s32 $0x2, s7;
	s9 =	sor.u32 $0x4000, s8  }
0xe: {  	s13 =	sshll.u32 s7, $0x8;
	s7 =	sshll.u32 s7, $0x13;
	s6 =	sshrl.u32 s5, $0x1  }
0xf: {  	s12 =	sor.u32 s13, s12;
	s13 =	simm.s32 $0x3;
	s11 =	ssub.s32 s5, s6  }
0x10: {  	s5 =	sadd.s32 s8, s1;
	s6 =	sadd.s32 s9, s1;
	s8 =	sor.u32 s8, s7  }
0x11: {  	s9 =	sor.u32 s7, s9;
	s7 =	sadd.s32 s0, s12;
	s0 =	simm.s32 $0x700  }
0x12: {  	s25 =	sshrl.u32 s8, $0x3;
	s26 =	sshrl.u32 s9, $0x3;
	s8 =	sadd.s32 s2, s12  }
0x13: {  	s11 =	smax.u32 s11, $0x1;
	s12 =	simm.s32 $0x9000;
	s2 =	simm.s32 $0xE80  }
0x14: {  	v0 =	vimm.f32 $0.0e+00;
	s9 =	sadd.s32 s10, s25;
	s10 =	sadd.s32 s10, s26;
	s26 =	simm.s32 $0xD00  }
.LBB2_1:
0x15: {  	s24 =	simm.s32 $0x0;
	s25 =	simm.s32 $0x200  }
.LBB2_2:
0x16: {  	p0 =	sne.s32 s25, $0xFE00;
	[tilespmem:s24+$0x9070] =	vst v0  }
0x17: {  	[tilespmem:s24+$0x9000] =	vst v0  }
0x18: {  	[tilespmem:s24+$0x9010] =	vst v0  }
.Ltmp0:
0x19: {  	[tilespmem:s24+$0x9020] =	vst v0;
	(pc) =	sbr.rel @p0 .LBB2_2-.Ltmp0, $4  }
0x1a: {  	[tilespmem:s24+$0x9030] =	vst v0  }
0x1b: {  	[tilespmem:s24+$0x9040] =	vst v0  }
0x1c: {  	[tilespmem:s24+$0x9050] =	vst v0  }
0x1d: {  	[tilespmem:s24+$0x9060] =	vst v0;
	s24 =	sshra.s32 s25, $0x2;
	s25 =	sadd.s32 $0x200, s25  }
0x1e: {  	[tilespmem:s24+$0x9070] =	vst v0  }
0x1f: {  	[tilespmem:s24+$0x9000] =	vst v0  }
0x20: {  	[tilespmem:s24+$0x9010] =	vst v0  }
0x21: {  	[tilespmem:s24+$0x9020] =	vst v0  }
0x22: {  	[tilespmem:s24+$0x9030] =	vst v0  }
0x23: {  	[tilespmem:s24+$0x9040] =	vst v0  }
0x24: {  	[tilespmem:s24+$0x9050] =	vst v0  }
0x25: {  	[tilespmem:s24+$0x9060] =	vst v0  }
0x26: {  	[spmem:s5] =	stream.linear.scatter [tilespmem:s12], [sflag:$0x3], $0x4000, $0x38;
	[tilespmem:$0x15000] =	vst v63  }
0x27: {  	_ =	swait.ge [sflag:s13], $0x4000  }
0x28: {  	[sflag:s13] =	ssyncset.done $0x0  }
0x29: {  	[sflag:s13] =	ssyncadd.s32 $0xFFFFC000  }
0x2a: {  	[spmem:s6] =	stream.linear.scatter [tilespmem:s12], [sflag:$0x3], $0x4000, $0x38;
	[tilespmem:$0x15000] =	vst v63  }
0x2b: {  	_ =	swait.ge [sflag:s13], $0x4000  }
0x2c: {  	[sflag:s13] =	ssyncset.done $0x0  }
0x2d: {  	[sflag:s13] =	ssyncadd.s32 $0xFFFFC000  }
0x2e: {  	[tilespmem:s3], [sflag:$0x3] =	stream.linear.gather [hbm4b:s7+s3], $0x800, $0x38;
	[tilespmem:$0x15000] =	vst v63  }
0x2f: {  	_ =	swait.ge [sflag:s13], $0x800  }
0x30: {  	[sflag:s13] =	ssyncset.done $0x0  }
0x31: {  	[sflag:s13] =	ssyncadd.s32 $0xFFFFF800  }
0x32: {  	[tilespmem:s14], [sflag:$0x3] =	stream.linear.gather [hbm4b:s8+s3], $0x800, $0x38;
	[tilespmem:$0x15000] =	vst v63  }
0x33: {  	_ =	swait.ge [sflag:s13], $0x800  }
0x34: {  	[sflag:s13] =	ssyncset.done $0x0  }
0x35: {  	[sflag:s13] =	ssyncadd.s32 $0xFFFFF800  }
0x36: {  	[bflag:$0x0] =	sbarrier.arrive $0xFFFF  }
0x37: {  	[tilespmem:s16], [sflag:$0x1] =	stream.indirect.gather [hbm4b:s4+s15], $0x80, s3, s15, $0xb8;
	[tilespmem:$0x15000] =	vst v63  }
0x38: {  	_ = 	snop  }
0x39: {  	[tilespmem:s17], [sflag:$0x2] =	stream.indirect.gather [hbm4b:s4+s15], $0x80, s15, s15, $0xb8;
	[tilespmem:$0x15000] =	vst v63  }
0x3a: {  	_ =	swait.ge [sflag:s18], $0x4000  }
0x3b: {  	[sflag:s18] =	ssyncset.done $0x0  }
0x3c: {  	[sflag:s18] =	ssyncadd.s32 $0xFFFFC000  }
0x3d: {  	[spmem:s1] =	stream.indirect.scatter.add.f32 [tilespmem:s16], [sflag:$0x3], $0x80, s14, s15, $0xb8;
	[tilespmem:$0x15000] =	vst v63  }
0x3e: {  	_ =	swait.ge [sflag:s13], $0x4000  }
0x3f: {  	[sflag:s13] =	ssyncset.done $0x0  }
0x40: {  	s25 =	simm.s32 $0x100;
	[sflag:s13] =	ssyncadd.s32 $0xFFFFC000  }
0x41: {  	[tilespmem:s16], [sflag:$0x1] =	stream.indirect.gather [hbm4b:s4+s15], $0x80, s25, s15, $0xb8;
	[tilespmem:$0x15000] =	vst v63  }
0x42: {  	_ =	swait.ge [sflag:s20], $0x4000  }
0x43: {  	[sflag:s20] =	ssyncset.done $0x0  }
0x44: {  	s25 =	simm.s32 $0x880;
	[sflag:s20] =	ssyncadd.s32 $0xFFFFC000  }
0x45: {  	[spmem:s1] =	stream.indirect.scatter.add.f32 [tilespmem:s17], [sflag:$0x3], $0x80, s25, s15, $0xb8;
	[tilespmem:$0x15000] =	vst v63  }
0x46: {  	_ =	swait.ge [sflag:s13], $0x4000  }
0x47: {  	[sflag:s13] =	ssyncset.done $0x0  }
0x48: {  	s25 =	simm.s32 $0x180;
	[sflag:s13] =	ssyncadd.s32 $0xFFFFC000  }
0x49: {  	[tilespmem:s17], [sflag:$0x2] =	stream.indirect.gather [hbm4b:s4+s15], $0x80, s25, s15, $0xb8;
	[tilespmem:$0x15000] =	vst v63  }
0x4a: {  	_ =	swait.ge [sflag:s18], $0x4000  }
0x4b: {  	[sflag:s18] =	ssyncset.done $0x0  }
0x4c: {  	s25 =	simm.s32 $0x900;
	[sflag:s18] =	ssyncadd.s32 $0xFFFFC000  }
0x4d: {  	[spmem:s1] =	stream.indirect.scatter.add.f32 [tilespmem:s16], [sflag:$0x3], $0x80, s25, s15, $0xb8;
	[tilespmem:$0x15000] =	vst v63  }
0x4e: {  	_ =	swait.ge [sflag:s13], $0x4000  }
0x4f: {  	[sflag:s13] =	ssyncset.done $0x0  }
0x50: {  	s25 =	simm.s32 $0x200;
	[sflag:s13] =	ssyncadd.s32 $0xFFFFC000  }
0x51: {  	[tilespmem:s16], [sflag:$0x1] =	stream.indirect.gather [hbm4b:s4+s15], $0x80, s25, s15, $0xb8;
	[tilespmem:$0x15000] =	vst v63  }
0x52: {  	_ =	swait.ge [sflag:s20], $0x4000  }
0x53: {  	[sflag:s20] =	ssyncset.done $0x0  }
0x54: {  	s25 =	simm.s32 $0x980;
	[sflag:s20] =	ssyncadd.s32 $0xFFFFC000  }
0x55: {  	[spmem:s1] =	stream.indirect.scatter.add.f32 [tilespmem:s17], [sflag:$0x3], $0x80, s25, s15, $0xb8;
	[tilespmem:$0x15000] =	vst v63  }
0x56: {  	_ =	swait.ge [sflag:s13], $0x4000  }
0x57: {  	[sflag:s13] =	ssyncset.done $0x0  }
0x58: {  	s25 =	simm.s32 $0x280;
	[sflag:s13] =	ssyncadd.s32 $0xFFFFC000  }
0x59: {  	[tilespmem:s17], [sflag:$0x2] =	stream.indirect.gather [hbm4b:s4+s15], $0x80, s25, s15, $0xb8;
	[tilespmem:$0x15000] =	vst v63  }
0x5a: {  	_ =	swait.ge [sflag:s18], $0x4000  }
0x5b: {  	[sflag:s18] =	ssyncset.done $0x0  }
0x5c: {  	s25 =	simm.s32 $0xA00;
	[sflag:s18] =	ssyncadd.s32 $0xFFFFC000  }
0x5d: {  	[spmem:s1] =	stream.indirect.scatter.add.f32 [tilespmem:s16], [sflag:$0x3], $0x80, s25, s15, $0xb8;
	[tilespmem:$0x15000] =	vst v63  }
0x5e: {  	_ =	swait.ge [sflag:s13], $0x4000  }
0x5f: {  	[sflag:s13] =	ssyncset.done $0x0  }
0x60: {  	s25 =	simm.s32 $0x300;
	[sflag:s13] =	ssyncadd.s32 $0xFFFFC000  }
0x61: {  	[tilespmem:s16], [sflag:$0x1] =	stream.indirect.gather [hbm4b:s4+s15], $0x80, s25, s15, $0xb8;
	[tilespmem:$0x15000] =	vst v63  }
0x62: {  	_ =	swait.ge [sflag:s20], $0x4000  }
0x63: {  	[sflag:s20] =	ssyncset.done $0x0  }
0x64: {  	s25 =	simm.s32 $0xA80;
	[sflag:s20] =	ssyncadd.s32 $0xFFFFC000  }
0x65: {  	[spmem:s1] =	stream.indirect.scatter.add.f32 [tilespmem:s17], [sflag:$0x3], $0x80, s25, s15, $0xb8;
	[tilespmem:$0x15000] =	vst v63  }
0x66: {  	_ =	swait.ge [sflag:s13], $0x4000  }
0x67: {  	[sflag:s13] =	ssyncset.done $0x0  }
0x68: {  	s25 =	simm.s32 $0x380;
	[sflag:s13] =	ssyncadd.s32 $0xFFFFC000  }
0x69: {  	[tilespmem:s17], [sflag:$0x2] =	stream.indirect.gather [hbm4b:s4+s15], $0x80, s25, s15, $0xb8;
	[tilespmem:$0x15000] =	vst v63  }
0x6a: {  	_ =	swait.ge [sflag:s18], $0x4000  }
0x6b: {  	[sflag:s18] =	ssyncset.done $0x0  }
0x6c: {  	s25 =	simm.s32 $0xB00;
	[sflag:s18] =	ssyncadd.s32 $0xFFFFC000  }
0x6d: {  	[spmem:s1] =	stream.indirect.scatter.add.f32 [tilespmem:s16], [sflag:$0x3], $0x80, s25, s15, $0xb8;
	[tilespmem:$0x15000] =	vst v63  }
0x6e: {  	_ =	swait.ge [sflag:s13], $0x4000  }
0x6f: {  	[sflag:s13] =	ssyncset.done $0x0  }
0x70: {  	s25 =	simm.s32 $0x400;
	[sflag:s13] =	ssyncadd.s32 $0xFFFFC000  }
0x71: {  	[tilespmem:s16], [sflag:$0x1] =	stream.indirect.gather [hbm4b:s4+s15], $0x80, s25, s15, $0xb8;
	[tilespmem:$0x15000] =	vst v63  }
0x72: {  	_ =	swait.ge [sflag:s20], $0x4000  }
0x73: {  	[sflag:s20] =	ssyncset.done $0x0  }
0x74: {  	s25 =	simm.s32 $0xB80;
	[sflag:s20] =	ssyncadd.s32 $0xFFFFC000  }
0x75: {  	[spmem:s1] =	stream.indirect.scatter.add.f32 [tilespmem:s17], [sflag:$0x3], $0x80, s25, s15, $0xb8;
	[tilespmem:$0x15000] =	vst v63  }
0x76: {  	_ =	swait.ge [sflag:s13], $0x4000  }
0x77: {  	[sflag:s13] =	ssyncset.done $0x0  }
0x78: {  	s25 =	simm.s32 $0x480;
	[sflag:s13] =	ssyncadd.s32 $0xFFFFC000  }
0x79: {  	[tilespmem:s17], [sflag:$0x2] =	stream.indirect.gather [hbm4b:s4+s15], $0x80, s25, s15, $0xb8;
	[tilespmem:$0x15000] =	vst v63  }
0x7a: {  	_ =	swait.ge [sflag:s18], $0x4000  }
0x7b: {  	[sflag:s18] =	ssyncset.done $0x0  }
0x7c: {  	s25 =	simm.s32 $0xC00;
	[sflag:s18] =	ssyncadd.s32 $0xFFFFC000  }
0x7d: {  	[spmem:s1] =	stream.indirect.scatter.add.f32 [tilespmem:s16], [sflag:$0x3], $0x80, s25, s15, $0xb8;
	[tilespmem:$0x15000] =	vst v63  }
0x7e: {  	_ =	swait.ge [sflag:s13], $0x4000  }
0x7f: {  	[sflag:s13] =	ssyncset.done $0x0  }
0x80: {  	s25 =	simm.s32 $0x500;
	[sflag:s13] =	ssyncadd.s32 $0xFFFFC000  }
0x81: {  	[tilespmem:s16], [sflag:$0x1] =	stream.indirect.gather [hbm4b:s4+s15], $0x80, s25, s15, $0xb8;
	[tilespmem:$0x15000] =	vst v63  }
0x82: {  	_ =	swait.ge [sflag:s20], $0x4000  }
0x83: {  	[sflag:s20] =	ssyncset.done $0x0  }
0x84: {  	s25 =	simm.s32 $0xC80;
	[sflag:s20] =	ssyncadd.s32 $0xFFFFC000  }
0x85: {  	[spmem:s1] =	stream.indirect.scatter.add.f32 [tilespmem:s17], [sflag:$0x3], $0x80, s25, s15, $0xb8;
	[tilespmem:$0x15000] =	vst v63  }
0x86: {  	_ =	swait.ge [sflag:s13], $0x4000  }
0x87: {  	[sflag:s13] =	ssyncset.done $0x0  }
0x88: {  	s25 =	simm.s32 $0x580;
	[sflag:s13] =	ssyncadd.s32 $0xFFFFC000  }
0x89: {  	[tilespmem:s17], [sflag:$0x2] =	stream.indirect.gather [hbm4b:s4+s15], $0x80, s25, s15, $0xb8;
	[tilespmem:$0x15000] =	vst v63  }
0x8a: {  	_ =	swait.ge [sflag:s18], $0x4000  }
0x8b: {  	[sflag:s18] =	ssyncset.done $0x0  }
0x8c: {  	[sflag:s18] =	ssyncadd.s32 $0xFFFFC000  }
0x8d: {  	[spmem:s1] =	stream.indirect.scatter.add.f32 [tilespmem:s16], [sflag:$0x3], $0x80, s26, s15, $0xb8;
	[tilespmem:$0x15000] =	vst v63  }
0x8e: {  	_ =	swait.ge [sflag:s13], $0x4000  }
0x8f: {  	[sflag:s13] =	ssyncset.done $0x0  }
0x90: {  	[sflag:s13] =	ssyncadd.s32 $0xFFFFC000  }
0x91: {  	[tilespmem:s16], [sflag:$0x1] =	stream.indirect.gather [hbm4b:s4+s15], $0x80, s28, s15, $0xb8;
	[tilespmem:$0x15000] =	vst v63  }
0x92: {  	_ =	swait.ge [sflag:s20], $0x4000  }
0x93: {  	[sflag:s20] =	ssyncset.done $0x0  }
0x94: {  	[sflag:s20] =	ssyncadd.s32 $0xFFFFC000  }
0x95: {  	[spmem:s1] =	stream.indirect.scatter.add.f32 [tilespmem:s17], [sflag:$0x3], $0x80, s29, s15, $0xb8;
	[tilespmem:$0x15000] =	vst v63  }
0x96: {  	_ =	swait.ge [sflag:s13], $0x4000  }
0x97: {  	[sflag:s13] =	ssyncset.done $0x0  }
0x98: {  	[sflag:s13] =	ssyncadd.s32 $0xFFFFC000  }
0x99: {  	[tilespmem:s17], [sflag:$0x2] =	stream.indirect.gather [hbm4b:s4+s15], $0x80, s30, s15, $0xb8;
	[tilespmem:$0x15000] =	vst v63  }
0x9a: {  	_ =	swait.ge [sflag:s18], $0x4000  }
0x9b: {  	[sflag:s18] =	ssyncset.done $0x0  }
0x9c: {  	[sflag:s18] =	ssyncadd.s32 $0xFFFFC000  }
0x9d: {  	[spmem:s1] =	stream.indirect.scatter.add.f32 [tilespmem:s16], [sflag:$0x3], $0x80, s31, s15, $0xb8;
	[tilespmem:$0x15000] =	vst v63  }
0x9e: {  	_ =	swait.ge [sflag:s13], $0x4000  }
0x9f: {  	[sflag:s13] =	ssyncset.done $0x0  }
0xa0: {  	[sflag:s13] =	ssyncadd.s32 $0xFFFFC000  }
0xa1: {  	[tilespmem:s16], [sflag:$0x1] =	stream.indirect.gather [hbm4b:s4+s15], $0x80, s0, s15, $0xb8;
	[tilespmem:$0x15000] =	vst v63  }
0xa2: {  	_ =	swait.ge [sflag:s20], $0x4000  }
0xa3: {  	[sflag:s20] =	ssyncset.done $0x0  }
0xa4: {  	[sflag:s20] =	ssyncadd.s32 $0xFFFFC000  }
0xa5: {  	[spmem:s1] =	stream.indirect.scatter.add.f32 [tilespmem:s17], [sflag:$0x3], $0x80, s2, s15, $0xb8;
	[tilespmem:$0x15000] =	vst v63  }
0xa6: {  	_ =	swait.ge [sflag:s13], $0x4000  }
0xa7: {  	[sflag:s13] =	ssyncset.done $0x0  }
0xa8: {  	[sflag:s13] =	ssyncadd.s32 $0xFFFFC000  }
0xa9: {  	[tilespmem:s17], [sflag:$0x2] =	stream.indirect.gather [hbm4b:s4+s15], $0x80, s19, s15, $0xb8;
	[tilespmem:$0x15000] =	vst v63  }
0xaa: {  	_ =	swait.ge [sflag:s18], $0x4000  }
0xab: {  	[sflag:s18] =	ssyncset.done $0x0  }
0xac: {  	[sflag:s18] =	ssyncadd.s32 $0xFFFFC000  }
0xad: {  	[spmem:s1] =	stream.indirect.scatter.add.f32 [tilespmem:s16], [sflag:$0x3], $0x80, s21, s15, $0xb8;
	[tilespmem:$0x15000] =	vst v63  }
0xae: {  	_ =	swait.ge [sflag:s13], $0x4000  }
0xaf: {  	[sflag:s13] =	ssyncset.done $0x0  }
0xb0: {  	[sflag:s13] =	ssyncadd.s32 $0xFFFFC000  }
0xb1: {  	_ =	swait.ge [sflag:s20], $0x4000  }
0xb2: {  	[sflag:s20] =	ssyncset.done $0x0  }
0xb3: {  	[sflag:s20] =	ssyncadd.s32 $0xFFFFC000  }
0xb4: {  	[spmem:s1] =	stream.indirect.scatter.add.f32 [tilespmem:s17], [sflag:$0x3], $0x80, s22, s15, $0xb8;
	[tilespmem:$0x15000] =	vst v63  }
0xb5: {  	_ =	swait.ge [sflag:s13], $0x4000  }
0xb6: {  	s25 =	stileid.u32;
	[sflag:s13] =	ssyncset.done $0x0  }
0xb7: {  	s24 =	sshll.u32 s25, $0x6;
	[sflag:s13] =	ssyncadd.s32 $0xFFFFC000  }
0xb8: {  	s25 =	sshrl.u32 s5, $0x3;
	s24 =	sor.u32 $0x1C03, s24;
	[bflag:$0x0] =	sbarrier.arrive $0xFFFF  }
0xb9: {  	[hbm:s9], [sflag:s24] =	dma.local [spmem:s25], $0x800  }
0xba: {  	s23 =	sadd.s32 $0x1, s23;
	_ =	swait.ge [sflag:s13], $0x800  }
0xbb: {  	p0 =	sne.s32 s23, s11;
	[sflag:s13] =	ssyncset.done $0x0  }
.Ltmp1:
0xbc: {  	s25 =	sshrl.u32 s6, $0x3;
	[sflag:s13] =	ssyncadd.s32 $0xFFFFF800;
	(pc) =	sbr.rel @p0 .LBB2_1-.Ltmp1, $4  }
0xbd: {  	[hbm:s10], [sflag:s24] =	dma.local [spmem:s25], $0x800  }
0xbe: {  	_ =	swait.ge [sflag:s13], $0x800  }
0xbf: {  	[sflag:s13] =	ssyncset.done $0x0  }
0xc0: {  	[sflag:s13] =	ssyncadd.s32 $0xFFFFF800  }
0xc1: {  	_ =	sfence.sel $0x180000  }
0xc2: {  	[bflag:$0x0] =	sbarrier.arrive $0xFFFF  }
0xc3: {  	_ =	strace $0x9000004D  }
0xc4: {  	s0 =	stileid.u32;
	[bflag:$0x2] =	sbarrier.arrive $0xFFFF  }
0xc5: {  	p0 =	sne.s32 s0, $0x0;
	s0 =	rddreg [dreg:$0x5]  }
0xc6: {  	s0 =	sadd.s32 @!p0 $0x100000, s0  }
0xc7: {  	[sflag:s0] =	ssyncadd.tile.s32 @!p0 $0x1;
	_ =	shalt  }
.Lfunc_end2:
_tile_overlayer_lowered:
.L_overlay_start_2:
0xc8: {  	(tag) =	ssettag $0x2  }
0xc9: {  	s0 =	rddreg [dreg:$0x0];
	s2 =	stileid.u32  }
0xca: {  	s1 =	rddreg [dreg:$0x1];
	p0 =	sne.s32 s2, $0x0  }
0xcb: {  	s3 =	rddreg [dreg:$0x2];
	[bflag:$0x3] =	sbarrier.arrive $0xFFFF;
	s2 =	simm.s32 @!p0 $0x1C03  }
0xcc: {  	[timem:s3], [sflag:s2] =	dma.local @!p0 [hbm:s0], s1  }
0xcd: {  	s0 =	simm.s32 @!p0 $0x3  }
0xce: {  	_ =	swait.ge @!p0 [sflag:s0], s1  }
0xcf: {  	s1 =	ssub.s32 @!p0 $0x0, s1;
	[sflag:s0] =	ssyncset.done @!p0 $0x0  }
0xd0: {  	[sflag:s0] =	ssyncadd.s32 @!p0 s1  }
0xd1: {  	[bflag:$0x3] =	sbarrier.arrive $0xFFFF  }
0xd2: {  	_ =	shalt  }

// kernel: kernel.20.cloned.1.call-start
scs
__scs_entry_jumppad:
0x0: {  	(pc) =	sbr.rel $0x88, $3  }
0x1: {  	(tag) =	ssettag $0x0;
	lr =	simm.s32 $0x1  }
0x2: {  	[smem:$0x3F96] =	sst lr;
	_ =	strace $0xD0000000  }
0x3: {  	_ = 	snop  }
0x4: {  	_ = 	snop  }
0x5: {  	_ = 	snop  }
0x6: {  	_ = 	snop  }
0x7: {  	_ = 	snop  }
__scs_overlays_trampoline_lowered:
0x8: {  	[smem:$0x3FA5] =	sst s0  }
0x9: {  	[smem:$0x3FA6] =	sst s1  }
0xa: {  	[smem:$0x3FA7] =	sst s2  }
0xb: {  	[smem:$0x3FA8] =	sst s3  }
0xc: {  	[smem:$0x3FA9] =	sst s4  }
0xd: {  	[smem:$0x3FAA] =	sst s5  }
0xe: {  	[smem:$0x3FAB] =	sst s6  }
0xf: {  	[smem:$0x3FAC] =	sst s7  }
0x10: {  	[smem:$0x3FAD] =	sst s8  }
0x11: {  	[smem:$0x3FAE] =	sst s9;
	s0 =	simm.s32 @!p0 $0x0  }
0x12: {  	s1 =	sld [smem:$0x3F94];
	s0 =	simm.s32 @p0 $0x1  }
0x13: {  	[smem:$0x3FAF] =	sst s0;
	s0 =	simm.s32 @!p1 $0x0  }
0x14: {  	s2 =	sld [smem:$0x3F93];
	s0 =	simm.s32 @p1 $0x1  }
0x15: {  	[smem:$0x3FB0] =	sst s0;
	s0 =	simm.s32 @!p2 $0x0  }
0x16: {  	s3 =	sld [smem:$0x3FDB];
	s0 =	simm.s32 @p2 $0x1  }
0x17: {  	s4 =	simm.s32 $0x1BF5;
	[smem:$0x3FB2] =	sst s0  }
0x18: {  	s0 =	sld [smem:$0x3F95];
	_ =	swait.ge [sflag:s4], $0x0  }
0x19: {  	s7 =	sld [smem:$0x3F96]  }
0x1a: {  	s8 =	sadd.s32 $0xFFFFE003, lr  }
0x1b: {  	s9 =	sadd.s32 $0xFFFFFEF7, lr;
	s5 =	simm.s32 $0xFFFFFFFF;
	p2 =	slt.u32 s8, $0xFFFFF086  }
0x1c: {  	p1 =	slt.u32 s9, $0xF7A;
	s5 =	simm.s32 @!p2 $0x0  }
0x1d: {  	s5 =	simm.s32 @p1 $0x1;
	p0 =	seq.s32 s7, s2  }
0x1e: {  	s7 =	smul.u32 @!p0 $0xF7A, s2;
	p2 =	seq.s32 @!p0 s5, $0x0  }
0x1f: {  	s9 =	smul.u32 $0xF7A, s1;
	s8 =	simm.s32 @!p0 $0x1BF5;
	p2 =	por !p2, p0  }
0x20: {  	[sflag:s8] =	ssyncset.s32 @!p0 $0xFFFFF086;
	s6 =	sadd.s32 @!p0 s3, s7;
	s7 =	simm.s32 @!p0 $0x108  }
0x21: {  	s3 =	sadd.s32 s3, s9;
	s6 =	sadd.s32 @!p0 $0x88, s6;
	s7 =	simm.s32 @p2 $0x1082  }
0x22: {  	[simem:s7], [sflag:s8] =	dma.local @!p0 [hbm:s6], $0xF7A  }
0x23: {  	s9 =	sor.u32 $0xD0000000, s2;
	s6 =	simm.s32 $0x108;
	_ =	swait.ge @!p0 [sflag:s8], $0x0  }
0x24: {  	s3 =	sadd.s32 $0x88, s3;
	s6 =	simm.s32 @!p1 $0x1082;
	[sflag:s4] =	ssyncset.s32 $0xFFFFF086  }
0x25: {  	[simem:s6], [sflag:s4] =	dma.local [hbm:s3], $0xF7A  }
0x26: {  	[smem:$0x3F96] =	sst s1;
	(tag) =	ssettag s2;
	_ =	strace s9  }
0x27: {  	s1 =	sld [smem:$0x3FA6]  }
0x28: {  	s2 =	sld [smem:$0x3FA7]  }
0x29: {  	s4 =	sld [smem:$0x3FA9]  }
0x2a: {  	p0 =	seq.s32 s5, $0x0;
	s5 =	sld [smem:$0x3FAA]  }
0x2b: {  	s6 =	sld [smem:$0x3FAB]  }
0x2c: {  	s7 =	sld [smem:$0x3FAC]  }
0x2d: {  	s3 =	simm.s32 $0x108;
	s8 =	sld [smem:$0x3FAD]  }
0x2e: {  	s3 =	simm.s32 @!p0 $0x1082;
	s9 =	sld [smem:$0x3FAE]  }
0x2f: {  	lr =	sadd.s32 s0, s3;
	s0 =	sld [smem:$0x3FA5]  }
0x30: {  	s3 =	sld [smem:$0x3FA8]  }
0x31: {  	[smem:$0x3FB1] =	sst s10  }
0x32: {  	s10 =	sld [smem:$0x3FAF];
	_ =	sdelay $0x3  }
0x33: {  	p0 =	seq.s32 s10, $0x1;
	s10 =	sld [smem:$0x3FB1];
	_ =	sdelay $0x3  }
0x34: {  	[smem:$0x3FB1] =	sst s10  }
0x35: {  	s10 =	sld [smem:$0x3FB0];
	_ =	sdelay $0x3  }
0x36: {  	p1 =	seq.s32 s10, $0x1;
	s10 =	sld [smem:$0x3FB1];
	_ =	sdelay $0x3  }
0x37: {  	[smem:$0x3FB1] =	sst s10  }
0x38: {  	s10 =	sld [smem:$0x3FB2]  }
0x39: {  	_ = 	snop;
	(pc) =	sbr.ind lr, $3  }
0x3a: {  	_ = 	snop  }
0x3b: {  	_ = 	snop  }
0x3c: {  	p2 =	seq.s32 s10, $0x1;
	s10 =	sld [smem:$0x3FB1]  }
0x3d: {  	_ =	shalt  }
0x3e: {  	_ =	shalt  }
0x3f: {  	_ =	shalt  }
0x40: {  	_ =	shalt  }
0x41: {  	_ =	shalt  }
0x42: {  	_ =	shalt  }
0x43: {  	_ =	shalt  }
0x44: {  	_ =	shalt  }
0x45: {  	_ =	shalt  }
0x46: {  	_ =	shalt  }
0x47: {  	_ =	shalt  }
0x48: {  	_ =	shalt  }
0x49: {  	_ =	shalt  }
0x4a: {  	_ =	shalt  }
0x4b: {  	_ =	shalt  }
0x4c: {  	_ =	shalt  }
0x4d: {  	_ =	shalt  }
0x4e: {  	_ =	shalt  }
0x4f: {  	_ =	shalt  }
0x50: {  	_ =	shalt  }
0x51: {  	_ =	shalt  }
0x52: {  	_ =	shalt  }
0x53: {  	_ =	shalt  }
0x54: {  	_ =	shalt  }
0x55: {  	_ =	shalt  }
0x56: {  	_ =	shalt  }
0x57: {  	_ =	shalt  }
0x58: {  	_ =	shalt  }
0x59: {  	_ =	shalt  }
0x5a: {  	_ =	shalt  }
0x5b: {  	_ =	shalt  }
0x5c: {  	_ =	shalt  }
0x5d: {  	_ =	shalt  }
0x5e: {  	_ =	shalt  }
0x5f: {  	_ =	shalt  }
0x60: {  	_ =	shalt  }
0x61: {  	_ =	shalt  }
0x62: {  	_ =	shalt  }
0x63: {  	_ =	shalt  }
0x64: {  	_ =	shalt  }
0x65: {  	_ =	shalt  }
0x66: {  	_ =	shalt  }
0x67: {  	_ =	shalt  }
0x68: {  	_ =	shalt  }
0x69: {  	_ =	shalt  }
0x6a: {  	_ =	shalt  }
0x6b: {  	_ =	shalt  }
0x6c: {  	_ =	shalt  }
0x6d: {  	_ =	shalt  }
0x6e: {  	_ =	shalt  }
0x6f: {  	_ =	shalt  }
0x70: {  	_ =	shalt  }
0x71: {  	_ =	shalt  }
0x72: {  	_ =	shalt  }
0x73: {  	_ =	shalt  }
0x74: {  	_ =	shalt  }
0x75: {  	_ =	shalt  }
0x76: {  	_ =	shalt  }
0x77: {  	_ =	shalt  }
0x78: {  	_ =	shalt  }
0x79: {  	_ =	shalt  }
0x7a: {  	_ =	shalt  }
0x7b: {  	_ =	shalt  }
0x7c: {  	_ =	shalt  }
0x7d: {  	_ =	shalt  }
0x7e: {  	_ =	shalt  }
0x7f: {  	_ =	shalt  }
0x80: {  	_ =	shalt  }
0x81: {  	_ =	shalt  }
0x82: {  	_ =	shalt  }
0x83: {  	_ =	shalt  }
0x84: {  	_ =	shalt  }
0x85: {  	_ =	shalt  }
0x86: {  	_ =	shalt  }
0x87: {  	_ =	shalt  }
.Lfunc_end0:
.L_simem_size_0:
called_computation.3_lowered:
.L_overlay_start_0:
0x88: {  	s2 =	sld [smem:$0x3FD9]  }
0x89: {  	s3 =	sld [smem:$0x3FFE];
	_ =	sdelay $0x1  }
0x8a: {  	s1 =	srdreg.scid  }
0x8b: {  	s0 =	sand.u32 $0x1, s1  }
0x8c: {  	s14 =	sshll.u32 s0, $0xA;
	s2 =	sadd.s32 s3, s2  }
0x8d: {  	s2 =	sadd.s32 s2, s14  }
0x8e: {  	[smem:$0x3FBD] =	sst s2  }
0x8f: {  	_ = 	snop  }
0x90: {  	s2 =	sld [smem:$0x3FD0];
	_ =	sdelay $0x2  }
0x91: {  	s15 =	simm.s32 $0xB;
	s4 =	simm.s32 $0x10  }
0x92: {  	[smem:s4], [sflag:s15] =	dma.local [hbm:s2], $0x1  }
0x93: {  	_ =	swait.eq [sflag:s15], $0x1  }
0x94: {  	s16 =	sld [smem:$0x10];
	[sflag:s15] =	ssyncset.done $0x0  }
0x95: {  	s17 =	sld [smem:$0x13];
	[sflag:s15] =	ssyncadd.s32 $0xFFFFFFFF  }
0x96: {  	s18 =	sld [smem:$0x14];
	(tm) =	ssettm $0x1  }
0x97: {  	s5 =	sld [smem:$0x3FFB];
	_ =	sdelay $0x3  }
0x98: {  	_ =	strace s5  }
0x99: {  	s5 =	sld [smem:$0x3FFC];
	_ =	sdelay $0x3  }
0x9a: {  	_ =	strace s5  }
0x9b: {  	s5 =	sld [smem:$0x3FFD];
	_ =	sdelay $0x3  }
0x9c: {  	_ =	strace s5  }
0x9d: {  	_ =	strace $0x8FFFFFFF  }
0x9e: {  	s19 =	sld [smem:$0x3FDB];
	_ =	sdelay $0x1  }
0x9f: {  	s6 =	simm.s32 $_scs_section_size  }
0xa0: {  	s7 =	simm.s32 $_size__tile_overlayer_lowered;
	s8 =	simm.s32 $_tile_overlayer_lowered  }
0xa1: {  	s22 =	simm.s32 $0x1BFF;
	s21 =	sshll.u32 s8, $0x1;
	s5 =	sadd.s32 s6, s19  }
0xa2: {  	s9 =	simm.s32 $0x0;
	s20 =	sshll.u32 s7, $0x1;
	s7 =	sadd.s32 s21, s5  }
0xa3: {  	[timem:s9], [sflag:s22] =	dma.local [hbm:s7], s20  }
0xa4: {  	_ =	swait.ge [sflag:s22], s20  }
0xa5: {  	s6 =	ssub.s32 $0x0, s20;
	[sflag:s22] =	ssyncset.done $0x0  }
0xa6: {  	[sflag:s22] =	ssyncadd.s32 s6;
	_ =	sdelay $0x1  }
0xa7: {  	s23 =	simm.s32 $0x1B8B  }
0xa8: {  	_ =	swait.ge [sflag:s23], $0x1  }
0xa9: {  	[sflag:s23] =	ssyncset.done $0x0  }
0xaa: {  	s25 =	simm.s32 $0x1B8E;
	s24 =	sld [smem:$0x3FFE];
	[sflag:s23] =	ssyncadd.s32 $0xFFFFFFFF  }
0xab: {  	s26 =	simm.s32 $execute0_lowered;
	[smem:$0x3FD2] =	sst s25  }
0xac: {  	s7 =	sshll.u32 s26, $0x1;
	_ =	strace $0x8000004F;
	[dreg:$0x1] =	wrdreg $0xFFFFFFFF  }
0xad: {  	s28 =	simm.s32 $_size_execute0_lowered;
	s5 =	sadd.s32 s5, s7;
	[dreg:$0x0] =	wrdreg $0x0  }
0xae: {  	s7 =	sshll.u32 s28, $0x1;
	[dreg:$0x2] =	wrdreg s5  }
0xaf: {  	[dreg:$0x3] =	wrdreg s7  }
0xb0: {  	[dreg:$0x4] =	wrdreg $0xC0  }
0xb1: {  	_ =	task [dreg:s9], $0x5FFFF  }
0xb2: {  	[dreg:$0x1] =	wrdreg $0xFFFFFFFF  }
0xb3: {  	[dreg:$0x0] =	wrdreg $0x60  }
0xb4: {  	[dreg:$0x2] =	wrdreg s17  }
0xb5: {  	[dreg:$0x3] =	wrdreg s18  }
0xb6: {  	[dreg:$0x4] =	wrdreg s24  }
0xb7: {  	[dreg:$0x5] =	wrdreg s16  }
0xb8: {  	[dreg:$0x6] =	wrdreg $0xD0000  }
0xb9: {  	[dreg:$0x7] =	wrdreg $0x9  }
0xba: {  	_ =	task.clear_ibuf [dreg:s9], $0x8FFFF;
	_ =	strace $0x9000004F  }
0xbb: {  	s29 =	simm.s32 $0x9;
	_ =	strace $0x80000051  }
0xbc: {  	_ =	swait.ge [sflag:s29], $0x1  }
0xbd: {  	[sflag:s29] =	ssyncadd.s32 $0xFFFFFFFF  }
0xbe: {  	_ =	strace $0x90000051  }
0xbf: {  	_ =	sfence  }
0xc0: {  	s30 =	sld [smem:$0x0];
	_ =	sdelay $0x2  }
0xc1: {  	s31 =	sshll.u32 s1, $0xD;
	s1 =	sshrl.u32 s1, $0x2  }
0xc2: {  	s3 =	sand.u32 $0x4000, s31;
	s1 =	sadd.s32 s1, s30  }
0xc3: {  	s0 =	sor.u32 s3, s0;
	s1 =	sshll.u32 s1, $0x11  }
0xc4: {  	s0 =	sor.u32 s1, s0  }
0xc5: {  	s0 =	sadd.s32 $0x8F2B, s0  }
0xc6: {  	[sflag:s0] =	ssyncadd.remote.s32 $0x1  }
0xc7: {  	_ =	sfence.sel $0xFFFF  }
0xc8: {  	[dreg:$0x0] =	wrdreg $0xFFFFFFFF;
	(pc) =	sbr.abs _section_cstart, $3  }
0xc9: {  	[dreg:$0x1] =	wrdreg $0xFFFFFFFF  }
0xca: {  	_ =	task.clear_ibuf [dreg:s9], $0x2FFFF;
	_ =	strace $0x9FFFFFFF  }
0xcb: {  	(tm) =	ssettm $0x7FFFFFFF  }
tec
execute0_lowered:
.L_overlay_start_1:
0x0: {  	(tag) =	ssettag $0x1  }
0x1: {  	s0 =	rddreg [dreg:$0x0]  }
0x2: {  	s2 =	rddreg [dreg:$0x1]  }
0x3: {  	s4 =	rddreg [dreg:$0x2]  }
0x4: {  	s10 =	rddreg [dreg:$0x3]  }
0x5: {  	s1 =	rddreg [dreg:$0x4];
	s3 =	simm.s32 $0x0  }
0x6: {  	s5 =	srdreg.scid;
	s12 =	stileid.u32;
	s14 =	simm.s32 $0x800  }
0x7: {  	s15 =	simm.s32 $0x80;
	s16 =	simm.s32 $0x1000;
	s17 =	simm.s32 $0x5000  }
0x8: {  	s18 =	simm.s32 $0x1;
	s20 =	simm.s32 $0x2;
	s28 =	simm.s32 $0x600  }
0x9: {  	s29 =	simm.s32 $0xD80;
	s30 =	simm.s32 $0x680;
	s31 =	simm.s32 $0xE00  }
0xa: {  	s19 =	simm.s32 $0x780;
	s21 =	simm.s32 $0xF00;
	s22 =	simm.s32 $0xF80  }
0xb: {  	s23 =	simm.s32 $0x0;
	[smem:$0x7FF] =	sst s3;
	s7 =	sand.u32 $0x1, s5  }
0xc: {  	s8 =	sshll.u32 s12, $0xF;
	s4 =	sadd.s32 $0x23E00, s4;
	s12 =	sshll.u32 s12, $0x9  }
0xd: {  	_ =	strace $0x80000050;
	s5 =	ssub.s32 $0x2, s7;
	s9 =	sor.u32 $0x4000, s8  }
0xe: {  	s13 =	sshll.u32 s7, $0x8;
	s7 =	sshll.u32 s7, $0x13;
	s6 =	sshrl.u32 s5, $0x1  }
0xf: {  	s12 =	sor.u32 s13, s12;
	s13 =	simm.s32 $0x3;
	s11 =	ssub.s32 s5, s6  }
0x10: {  	s5 =	sadd.s32 s8, s1;
	s6 =	sadd.s32 s9, s1;
	s8 =	sor.u32 s8, s7  }
0x11: {  	s9 =	sor.u32 s7, s9;
	s7 =	sadd.s32 s0, s12;
	s0 =	simm.s32 $0x700  }
0x12: {  	s25 =	sshrl.u32 s8, $0x3;
	s26 =	sshrl.u32 s9, $0x3;
	s8 =	sadd.s32 s2, s12  }
0x13: {  	s11 =	smax.u32 s11, $0x1;
	s12 =	simm.s32 $0x9000;
	s2 =	simm.s32 $0xE80  }
0x14: {  	v0 =	vimm.f32 $0.0e+00;
	s9 =	sadd.s32 s10, s25;
	s10 =	sadd.s32 s10, s26;
	s26 =	simm.s32 $0xD00  }
.LBB2_1:
0x15: {  	s24 =	simm.s32 $0x0;
	s25 =	simm.s32 $0x200  }
.LBB2_2:
0x16: {  	p0 =	sne.s32 s25, $0xFE00;
	[tilespmem:s24+$0x9070] =	vst v0  }
0x17: {  	[tilespmem:s24+$0x9000] =	vst v0  }
0x18: {  	[tilespmem:s24+$0x9010] =	vst v0  }
.Ltmp0:
0x19: {  	[tilespmem:s24+$0x9020] =	vst v0;
	(pc) =	sbr.rel @p0 .LBB2_2-.Ltmp0, $4  }
0x1a: {  	[tilespmem:s24+$0x9030] =	vst v0  }
0x1b: {  	[tilespmem:s24+$0x9040] =	vst v0  }
0x1c: {  	[tilespmem:s24+$0x9050] =	vst v0  }
0x1d: {  	[tilespmem:s24+$0x9060] =	vst v0;
	s24 =	sshra.s32 s25, $0x2;
	s25 =	sadd.s32 $0x200, s25  }
0x1e: {  	[tilespmem:s24+$0x9070] =	vst v0  }
0x1f: {  	[tilespmem:s24+$0x9000] =	vst v0  }
0x20: {  	[tilespmem:s24+$0x9010] =	vst v0  }
0x21: {  	[tilespmem:s24+$0x9020] =	vst v0  }
0x22: {  	[tilespmem:s24+$0x9030] =	vst v0  }
0x23: {  	[tilespmem:s24+$0x9040] =	vst v0  }
0x24: {  	[tilespmem:s24+$0x9050] =	vst v0  }
0x25: {  	[tilespmem:s24+$0x9060] =	vst v0  }
0x26: {  	[spmem:s5] =	stream.linear.scatter [tilespmem:s12], [sflag:$0x3], $0x4000, $0x38;
	[tilespmem:$0x15000] =	vst v63  }
0x27: {  	_ =	swait.ge [sflag:s13], $0x4000  }
0x28: {  	[sflag:s13] =	ssyncset.done $0x0  }
0x29: {  	[sflag:s13] =	ssyncadd.s32 $0xFFFFC000  }
0x2a: {  	[spmem:s6] =	stream.linear.scatter [tilespmem:s12], [sflag:$0x3], $0x4000, $0x38;
	[tilespmem:$0x15000] =	vst v63  }
0x2b: {  	_ =	swait.ge [sflag:s13], $0x4000  }
0x2c: {  	[sflag:s13] =	ssyncset.done $0x0  }
0x2d: {  	[sflag:s13] =	ssyncadd.s32 $0xFFFFC000  }
0x2e: {  	[tilespmem:s3], [sflag:$0x3] =	stream.linear.gather [hbm4b:s7+s3], $0x800, $0x38;
	[tilespmem:$0x15000] =	vst v63  }
0x2f: {  	_ =	swait.ge [sflag:s13], $0x800  }
0x30: {  	[sflag:s13] =	ssyncset.done $0x0  }
0x31: {  	[sflag:s13] =	ssyncadd.s32 $0xFFFFF800  }
0x32: {  	[tilespmem:s14], [sflag:$0x3] =	stream.linear.gather [hbm4b:s8+s3], $0x800, $0x38;
	[tilespmem:$0x15000] =	vst v63  }
0x33: {  	_ =	swait.ge [sflag:s13], $0x800  }
0x34: {  	[sflag:s13] =	ssyncset.done $0x0  }
0x35: {  	[sflag:s13] =	ssyncadd.s32 $0xFFFFF800  }
0x36: {  	[bflag:$0x0] =	sbarrier.arrive $0xFFFF  }
0x37: {  	[tilespmem:s16], [sflag:$0x1] =	stream.indirect.gather [hbm4b:s4+s15], $0x80, s3, s15, $0xb8;
	[tilespmem:$0x15000] =	vst v63  }
0x38: {  	_ = 	snop  }
0x39: {  	[tilespmem:s17], [sflag:$0x2] =	stream.indirect.gather [hbm4b:s4+s15], $0x80, s15, s15, $0xb8;
	[tilespmem:$0x15000] =	vst v63  }
0x3a: {  	_ =	swait.ge [sflag:s18], $0x4000  }
0x3b: {  	[sflag:s18] =	ssyncset.done $0x0  }
0x3c: {  	[sflag:s18] =	ssyncadd.s32 $0xFFFFC000  }
0x3d: {  	[spmem:s1] =	stream.indirect.scatter.add.f32 [tilespmem:s16], [sflag:$0x3], $0x80, s14, s15, $0xb8;
	[tilespmem:$0x15000] =	vst v63  }
0x3e: {  	_ =	swait.ge [sflag:s13], $0x4000  }
0x3f: {  	[sflag:s13] =	ssyncset.done $0x0  }
0x40: {  	s25 =	simm.s32 $0x100;
	[sflag:s13] =	ssyncadd.s32 $0xFFFFC000  }
0x41: {  	[tilespmem:s16], [sflag:$0x1] =	stream.indirect.gather [hbm4b:s4+s15], $0x80, s25, s15, $0xb8;
	[tilespmem:$0x15000] =	vst v63  }
0x42: {  	_ =	swait.ge [sflag:s20], $0x4000  }
0x43: {  	[sflag:s20] =	ssyncset.done $0x0  }
0x44: {  	s25 =	simm.s32 $0x880;
	[sflag:s20] =	ssyncadd.s32 $0xFFFFC000  }
0x45: {  	[spmem:s1] =	stream.indirect.scatter.add.f32 [tilespmem:s17], [sflag:$0x3], $0x80, s25, s15, $0xb8;
	[tilespmem:$0x15000] =	vst v63  }
0x46: {  	_ =	swait.ge [sflag:s13], $0x4000  }
0x47: {  	[sflag:s13] =	ssyncset.done $0x0  }
0x48: {  	s25 =	simm.s32 $0x180;
	[sflag:s13] =	ssyncadd.s32 $0xFFFFC000  }
0x49: {  	[tilespmem:s17], [sflag:$0x2] =	stream.indirect.gather [hbm4b:s4+s15], $0x80, s25, s15, $0xb8;
	[tilespmem:$0x15000] =	vst v63  }
0x4a: {  	_ =	swait.ge [sflag:s18], $0x4000  }
0x4b: {  	[sflag:s18] =	ssyncset.done $0x0  }
0x4c: {  	s25 =	simm.s32 $0x900;
	[sflag:s18] =	ssyncadd.s32 $0xFFFFC000  }
0x4d: {  	[spmem:s1] =	stream.indirect.scatter.add.f32 [tilespmem:s16], [sflag:$0x3], $0x80, s25, s15, $0xb8;
	[tilespmem:$0x15000] =	vst v63  }
0x4e: {  	_ =	swait.ge [sflag:s13], $0x4000  }
0x4f: {  	[sflag:s13] =	ssyncset.done $0x0  }
0x50: {  	s25 =	simm.s32 $0x200;
	[sflag:s13] =	ssyncadd.s32 $0xFFFFC000  }
0x51: {  	[tilespmem:s16], [sflag:$0x1] =	stream.indirect.gather [hbm4b:s4+s15], $0x80, s25, s15, $0xb8;
	[tilespmem:$0x15000] =	vst v63  }
0x52: {  	_ =	swait.ge [sflag:s20], $0x4000  }
0x53: {  	[sflag:s20] =	ssyncset.done $0x0  }
0x54: {  	s25 =	simm.s32 $0x980;
	[sflag:s20] =	ssyncadd.s32 $0xFFFFC000  }
0x55: {  	[spmem:s1] =	stream.indirect.scatter.add.f32 [tilespmem:s17], [sflag:$0x3], $0x80, s25, s15, $0xb8;
	[tilespmem:$0x15000] =	vst v63  }
0x56: {  	_ =	swait.ge [sflag:s13], $0x4000  }
0x57: {  	[sflag:s13] =	ssyncset.done $0x0  }
0x58: {  	s25 =	simm.s32 $0x280;
	[sflag:s13] =	ssyncadd.s32 $0xFFFFC000  }
0x59: {  	[tilespmem:s17], [sflag:$0x2] =	stream.indirect.gather [hbm4b:s4+s15], $0x80, s25, s15, $0xb8;
	[tilespmem:$0x15000] =	vst v63  }
0x5a: {  	_ =	swait.ge [sflag:s18], $0x4000  }
0x5b: {  	[sflag:s18] =	ssyncset.done $0x0  }
0x5c: {  	s25 =	simm.s32 $0xA00;
	[sflag:s18] =	ssyncadd.s32 $0xFFFFC000  }
0x5d: {  	[spmem:s1] =	stream.indirect.scatter.add.f32 [tilespmem:s16], [sflag:$0x3], $0x80, s25, s15, $0xb8;
	[tilespmem:$0x15000] =	vst v63  }
0x5e: {  	_ =	swait.ge [sflag:s13], $0x4000  }
0x5f: {  	[sflag:s13] =	ssyncset.done $0x0  }
0x60: {  	s25 =	simm.s32 $0x300;
	[sflag:s13] =	ssyncadd.s32 $0xFFFFC000  }
0x61: {  	[tilespmem:s16], [sflag:$0x1] =	stream.indirect.gather [hbm4b:s4+s15], $0x80, s25, s15, $0xb8;
	[tilespmem:$0x15000] =	vst v63  }
0x62: {  	_ =	swait.ge [sflag:s20], $0x4000  }
0x63: {  	[sflag:s20] =	ssyncset.done $0x0  }
0x64: {  	s25 =	simm.s32 $0xA80;
	[sflag:s20] =	ssyncadd.s32 $0xFFFFC000  }
0x65: {  	[spmem:s1] =	stream.indirect.scatter.add.f32 [tilespmem:s17], [sflag:$0x3], $0x80, s25, s15, $0xb8;
	[tilespmem:$0x15000] =	vst v63  }
0x66: {  	_ =	swait.ge [sflag:s13], $0x4000  }
0x67: {  	[sflag:s13] =	ssyncset.done $0x0  }
0x68: {  	s25 =	simm.s32 $0x380;
	[sflag:s13] =	ssyncadd.s32 $0xFFFFC000  }
0x69: {  	[tilespmem:s17], [sflag:$0x2] =	stream.indirect.gather [hbm4b:s4+s15], $0x80, s25, s15, $0xb8;
	[tilespmem:$0x15000] =	vst v63  }
0x6a: {  	_ =	swait.ge [sflag:s18], $0x4000  }
0x6b: {  	[sflag:s18] =	ssyncset.done $0x0  }
0x6c: {  	s25 =	simm.s32 $0xB00;
	[sflag:s18] =	ssyncadd.s32 $0xFFFFC000  }
0x6d: {  	[spmem:s1] =	stream.indirect.scatter.add.f32 [tilespmem:s16], [sflag:$0x3], $0x80, s25, s15, $0xb8;
	[tilespmem:$0x15000] =	vst v63  }
0x6e: {  	_ =	swait.ge [sflag:s13], $0x4000  }
0x6f: {  	[sflag:s13] =	ssyncset.done $0x0  }
0x70: {  	s25 =	simm.s32 $0x400;
	[sflag:s13] =	ssyncadd.s32 $0xFFFFC000  }
0x71: {  	[tilespmem:s16], [sflag:$0x1] =	stream.indirect.gather [hbm4b:s4+s15], $0x80, s25, s15, $0xb8;
	[tilespmem:$0x15000] =	vst v63  }
0x72: {  	_ =	swait.ge [sflag:s20], $0x4000  }
0x73: {  	[sflag:s20] =	ssyncset.done $0x0  }
0x74: {  	s25 =	simm.s32 $0xB80;
	[sflag:s20] =	ssyncadd.s32 $0xFFFFC000  }
0x75: {  	[spmem:s1] =	stream.indirect.scatter.add.f32 [tilespmem:s17], [sflag:$0x3], $0x80, s25, s15, $0xb8;
	[tilespmem:$0x15000] =	vst v63  }
0x76: {  	_ =	swait.ge [sflag:s13], $0x4000  }
0x77: {  	[sflag:s13] =	ssyncset.done $0x0  }
0x78: {  	s25 =	simm.s32 $0x480;
	[sflag:s13] =	ssyncadd.s32 $0xFFFFC000  }
0x79: {  	[tilespmem:s17], [sflag:$0x2] =	stream.indirect.gather [hbm4b:s4+s15], $0x80, s25, s15, $0xb8;
	[tilespmem:$0x15000] =	vst v63  }
0x7a: {  	_ =	swait.ge [sflag:s18], $0x4000  }
0x7b: {  	[sflag:s18] =	ssyncset.done $0x0  }
0x7c: {  	s25 =	simm.s32 $0xC00;
	[sflag:s18] =	ssyncadd.s32 $0xFFFFC000  }
0x7d: {  	[spmem:s1] =	stream.indirect.scatter.add.f32 [tilespmem:s16], [sflag:$0x3], $0x80, s25, s15, $0xb8;
	[tilespmem:$0x15000] =	vst v63  }
0x7e: {  	_ =	swait.ge [sflag:s13], $0x4000  }
0x7f: {  	[sflag:s13] =	ssyncset.done $0x0  }
0x80: {  	s25 =	simm.s32 $0x500;
	[sflag:s13] =	ssyncadd.s32 $0xFFFFC000  }
0x81: {  	[tilespmem:s16], [sflag:$0x1] =	stream.indirect.gather [hbm4b:s4+s15], $0x80, s25, s15, $0xb8;
	[tilespmem:$0x15000] =	vst v63  }
0x82: {  	_ =	swait.ge [sflag:s20], $0x4000  }
0x83: {  	[sflag:s20] =	ssyncset.done $0x0  }
0x84: {  	s25 =	simm.s32 $0xC80;
	[sflag:s20] =	ssyncadd.s32 $0xFFFFC000  }
0x85: {  	[spmem:s1] =	stream.indirect.scatter.add.f32 [tilespmem:s17], [sflag:$0x3], $0x80, s25, s15, $0xb8;
	[tilespmem:$0x15000] =	vst v63  }
0x86: {  	_ =	swait.ge [sflag:s13], $0x4000  }
0x87: {  	[sflag:s13] =	ssyncset.done $0x0  }
0x88: {  	s25 =	simm.s32 $0x580;
	[sflag:s13] =	ssyncadd.s32 $0xFFFFC000  }
0x89: {  	[tilespmem:s17], [sflag:$0x2] =	stream.indirect.gather [hbm4b:s4+s15], $0x80, s25, s15, $0xb8;
	[tilespmem:$0x15000] =	vst v63  }
0x8a: {  	_ =	swait.ge [sflag:s18], $0x4000  }
0x8b: {  	[sflag:s18] =	ssyncset.done $0x0  }
0x8c: {  	[sflag:s18] =	ssyncadd.s32 $0xFFFFC000  }
0x8d: {  	[spmem:s1] =	stream.indirect.scatter.add.f32 [tilespmem:s16], [sflag:$0x3], $0x80, s26, s15, $0xb8;
	[tilespmem:$0x15000] =	vst v63  }
0x8e: {  	_ =	swait.ge [sflag:s13], $0x4000  }
0x8f: {  	[sflag:s13] =	ssyncset.done $0x0  }
0x90: {  	[sflag:s13] =	ssyncadd.s32 $0xFFFFC000  }
0x91: {  	[tilespmem:s16], [sflag:$0x1] =	stream.indirect.gather [hbm4b:s4+s15], $0x80, s28, s15, $0xb8;
	[tilespmem:$0x15000] =	vst v63  }
0x92: {  	_ =	swait.ge [sflag:s20], $0x4000  }
0x93: {  	[sflag:s20] =	ssyncset.done $0x0  }
0x94: {  	[sflag:s20] =	ssyncadd.s32 $0xFFFFC000  }
0x95: {  	[spmem:s1] =	stream.indirect.scatter.add.f32 [tilespmem:s17], [sflag:$0x3], $0x80, s29, s15, $0xb8;
	[tilespmem:$0x15000] =	vst v63  }
0x96: {  	_ =	swait.ge [sflag:s13], $0x4000  }
0x97: {  	[sflag:s13] =	ssyncset.done $0x0  }
0x98: {  	[sflag:s13] =	ssyncadd.s32 $0xFFFFC000  }
0x99: {  	[tilespmem:s17], [sflag:$0x2] =	stream.indirect.gather [hbm4b:s4+s15], $0x80, s30, s15, $0xb8;
	[tilespmem:$0x15000] =	vst v63  }
0x9a: {  	_ =	swait.ge [sflag:s18], $0x4000  }
0x9b: {  	[sflag:s18] =	ssyncset.done $0x0  }
0x9c: {  	[sflag:s18] =	ssyncadd.s32 $0xFFFFC000  }
0x9d: {  	[spmem:s1] =	stream.indirect.scatter.add.f32 [tilespmem:s16], [sflag:$0x3], $0x80, s31, s15, $0xb8;
	[tilespmem:$0x15000] =	vst v63  }
0x9e: {  	_ =	swait.ge [sflag:s13], $0x4000  }
0x9f: {  	[sflag:s13] =	ssyncset.done $0x0  }
0xa0: {  	[sflag:s13] =	ssyncadd.s32 $0xFFFFC000  }
0xa1: {  	[tilespmem:s16], [sflag:$0x1] =	stream.indirect.gather [hbm4b:s4+s15], $0x80, s0, s15, $0xb8;
	[tilespmem:$0x15000] =	vst v63  }
0xa2: {  	_ =	swait.ge [sflag:s20], $0x4000  }
0xa3: {  	[sflag:s20] =	ssyncset.done $0x0  }
0xa4: {  	[sflag:s20] =	ssyncadd.s32 $0xFFFFC000  }
0xa5: {  	[spmem:s1] =	stream.indirect.scatter.add.f32 [tilespmem:s17], [sflag:$0x3], $0x80, s2, s15, $0xb8;
	[tilespmem:$0x15000] =	vst v63  }
0xa6: {  	_ =	swait.ge [sflag:s13], $0x4000  }
0xa7: {  	[sflag:s13] =	ssyncset.done $0x0  }
0xa8: {  	[sflag:s13] =	ssyncadd.s32 $0xFFFFC000  }
0xa9: {  	[tilespmem:s17], [sflag:$0x2] =	stream.indirect.gather [hbm4b:s4+s15], $0x80, s19, s15, $0xb8;
	[tilespmem:$0x15000] =	vst v63  }
0xaa: {  	_ =	swait.ge [sflag:s18], $0x4000  }
0xab: {  	[sflag:s18] =	ssyncset.done $0x0  }
0xac: {  	[sflag:s18] =	ssyncadd.s32 $0xFFFFC000  }
0xad: {  	[spmem:s1] =	stream.indirect.scatter.add.f32 [tilespmem:s16], [sflag:$0x3], $0x80, s21, s15, $0xb8;
	[tilespmem:$0x15000] =	vst v63  }
0xae: {  	_ =	swait.ge [sflag:s13], $0x4000  }
0xaf: {  	[sflag:s13] =	ssyncset.done $0x0  }
0xb0: {  	[sflag:s13] =	ssyncadd.s32 $0xFFFFC000  }
0xb1: {  	_ =	swait.ge [sflag:s20], $0x4000  }
0xb2: {  	[sflag:s20] =	ssyncset.done $0x0  }
0xb3: {  	[sflag:s20] =	ssyncadd.s32 $0xFFFFC000  }
0xb4: {  	[spmem:s1] =	stream.indirect.scatter.add.f32 [tilespmem:s17], [sflag:$0x3], $0x80, s22, s15, $0xb8;
	[tilespmem:$0x15000] =	vst v63  }
0xb5: {  	_ =	swait.ge [sflag:s13], $0x4000  }
0xb6: {  	s25 =	stileid.u32;
	[sflag:s13] =	ssyncset.done $0x0  }
0xb7: {  	s24 =	sshll.u32 s25, $0x6;
	[sflag:s13] =	ssyncadd.s32 $0xFFFFC000  }
0xb8: {  	s25 =	sshrl.u32 s5, $0x3;
	s24 =	sor.u32 $0x1C03, s24;
	[bflag:$0x0] =	sbarrier.arrive $0xFFFF  }
0xb9: {  	[hbm:s9], [sflag:s24] =	dma.local [spmem:s25], $0x800  }
0xba: {  	s23 =	sadd.s32 $0x1, s23;
	_ =	swait.ge [sflag:s13], $0x800  }
0xbb: {  	p0 =	sne.s32 s23, s11;
	[sflag:s13] =	ssyncset.done $0x0  }
.Ltmp1:
0xbc: {  	s25 =	sshrl.u32 s6, $0x3;
	[sflag:s13] =	ssyncadd.s32 $0xFFFFF800;
	(pc) =	sbr.rel @p0 .LBB2_1-.Ltmp1, $4  }
0xbd: {  	[hbm:s10], [sflag:s24] =	dma.local [spmem:s25], $0x800  }
0xbe: {  	_ =	swait.ge [sflag:s13], $0x800  }
0xbf: {  	[sflag:s13] =	ssyncset.done $0x0  }
0xc0: {  	[sflag:s13] =	ssyncadd.s32 $0xFFFFF800  }
0xc1: {  	_ =	sfence.sel $0x180000  }
0xc2: {  	[bflag:$0x0] =	sbarrier.arrive $0xFFFF  }
0xc3: {  	_ =	strace $0x90000050  }
0xc4: {  	s0 =	stileid.u32;
	[bflag:$0x2] =	sbarrier.arrive $0xFFFF  }
0xc5: {  	p0 =	sne.s32 s0, $0x0;
	s0 =	rddreg [dreg:$0x5]  }
0xc6: {  	s0 =	sadd.s32 @!p0 $0x100000, s0  }
0xc7: {  	[sflag:s0] =	ssyncadd.tile.s32 @!p0 $0x1;
	_ =	shalt  }
.Lfunc_end2:
_tile_overlayer_lowered:
.L_overlay_start_2:
0xc8: {  	(tag) =	ssettag $0x2  }
0xc9: {  	s0 =	rddreg [dreg:$0x0];
	s2 =	stileid.u32  }
0xca: {  	s1 =	rddreg [dreg:$0x1];
	p0 =	sne.s32 s2, $0x0  }
0xcb: {  	s3 =	rddreg [dreg:$0x2];
	[bflag:$0x3] =	sbarrier.arrive $0xFFFF;
	s2 =	simm.s32 @!p0 $0x1C03  }
0xcc: {  	[timem:s3], [sflag:s2] =	dma.local @!p0 [hbm:s0], s1  }
0xcd: {  	s0 =	simm.s32 @!p0 $0x3  }
0xce: {  	_ =	swait.ge @!p0 [sflag:s0], s1  }
0xcf: {  	s1 =	ssub.s32 @!p0 $0x0, s1;
	[sflag:s0] =	ssyncset.done @!p0 $0x0  }
0xd0: {  	[sflag:s0] =	ssyncadd.s32 @!p0 s1  }
0xd1: {  	[bflag:$0x3] =	sbarrier.arrive $0xFFFF  }
0xd2: {  	_ =	shalt  }

</sc_bundles>
